<compile_context>
chip_gen: v7x
topology: tpu7x:2x2x1
jax: 0.10.2.dev20260603
libtpu: 0.0.44.dev20260713+nightly
codegen_flags: <defaults>
</compile_context>

<pallas_src>
import jax
import jax.numpy as jnp
from jax import lax
from jax.experimental import pallas as pl
from jax.experimental.pallas import tpu as pltpu
from jax.experimental.pallas import tpu_sc as plsc

_NC = 2
_NS = 16
_NW = _NC * _NS
_CH = 256
_NB = 5
_K = 3


def _gather_body(x_hbm, table_hbm, out_hbm, idx_all, idx_eo, rows_v, sem_g, sem_w):
    n = x_hbm.shape[0]
    per_w = n // _NW
    nchunk = per_w // _CH
    half = _CH // 2
    wid = lax.axis_index("s") * _NC + lax.axis_index("c")
    base = wid * per_w
    iota = lax.iota(jnp.int32, 16)

    def split_idx(i, b):
        for e in range(2):
            for m in range(half // 16):
                src = i * _CH + e + 2 * (iota + 16 * m)
                idx_eo[b, e, pl.ds(16 * m, 16)] = plsc.load_gather(idx_all, [src])

    def out_slice(i, e):
        r0 = pl.multiple_of((base + i * _CH) // 2, half)
        return out_hbm.at[pl.ds(r0, half), pl.ds(e * 64, 64)]

    def start_gather(i, b):
        for e in range(2):
            pltpu.async_copy(
                table_hbm.at[idx_eo.at[b, e]], rows_v.at[b, e], sem_g.at[b]
            )

    def wait_gather(i, b):
        for e in range(2):
            pltpu.make_async_copy(
                table_hbm.at[idx_eo.at[b, e]], rows_v.at[b, e], sem_g.at[b]
            ).wait()

    def start_wb(i, b):
        for e in range(2):
            pltpu.async_copy(rows_v.at[b, e], out_slice(i, e), sem_w.at[b])

    def wait_wb(i, b):
        for e in range(2):
            pltpu.make_async_copy(
                rows_v.at[b, e], out_slice(i, e), sem_w.at[b]
            ).wait()

    pltpu.sync_copy(x_hbm.at[pl.ds(base, per_w)], idx_all)

    split_idx(0, 0)
    start_gather(0, 0)

    def step(g, carry):
        for b in range(_NB):
            t = g * _NB + b

            @pl.when(t >= _NB)
            def _drain_slot():
                wait_wb(t - _NB, b)

            @pl.when(t >= 1)
            def _issue():
                split_idx(t, b)
                start_gather(t, b)

            c = t - _K
            cb = (b + _NB - _K) % _NB

            @pl.when(t >= _K)
            def _consume():
                wait_gather(c, cb)
                start_wb(c, cb)
        return carry

    lax.fori_loop(0, nchunk // _NB, step, 0)

    for j in range(nchunk - _K, nchunk):
        cb = j % _NB
        wait_gather(j, cb)
        start_wb(j, cb)
    for b in range(_NB):
        wait_wb(nchunk - _NB + b, b)


def kernel(x, table):
    b, h = x.shape
    n = b * h
    dim = table.shape[1]
    xf = x.reshape(n)
    mesh = plsc.VectorSubcoreMesh(core_axis_name="c", subcore_axis_name="s")

    out = pl.kernel(
        _gather_body,
        out_type=jax.ShapeDtypeStruct((n // 2, 2 * dim), table.dtype),
        mesh=mesh,
        scratch_types=[
            pltpu.VMEM((n // _NW,), jnp.int32),
            pltpu.VMEM((_NB, 2, _CH // 2), jnp.int32),
            pltpu.VMEM((_NB, 2, _CH // 2, dim), jnp.float32),
            pltpu.SemaphoreType.DMA((_NB,)),
            pltpu.SemaphoreType.DMA((_NB,)),
        ],
        compiler_params=pltpu.CompilerParams(
            use_tc_tiling_on_sc=False, needs_layout_passes=False
        ),
    )(xf, table)
    return out.reshape(b, h, dim)

# --- scband reference (transcript-rebuilt; emitter-appended) ---
"""Pipeline reference for scband-embedding-weight-25847113187551 (READ-ONLY COPY).

The authoritative reference and input builder live on the scoring server;
editing this copy changes nothing except your own understanding.
"""

import jax, jax.numpy as jnp
import numpy as np

VOCAB = 1000000
DIM = 64
BATCH = 16384
HIST = 50

def setup_inputs(seed: int = 0) -> dict:
    key = jax.random.key(seed)
    k_idx, k_tab = jax.random.split(key)
    x = jax.random.randint(k_idx, (BATCH, HIST), 0, VOCAB, dtype=jnp.int64 if jax.config.jax_enable_x64 else jnp.int32)
    table = jax.random.uniform(k_tab, (VOCAB, DIM), dtype=jnp.float32, minval=-0.01, maxval=0.01)
    return {"x": x, "table": table}

def reference(x, table):
    # nn.Embedding forward: gather rows of the table by index
    return jnp.take(table, x, axis=0)

if __name__ == "__main__":
    import jax
    _d = setup_inputs()
    print(jax.jit(kernel)(*tuple(_d.values())))

</pallas_src>

<mosaic_0001>
#map = affine_map<(d0, d1) -> (0)>
#map1 = affine_map<(d0, d1) -> (0, 0)>
module attributes {stable_mosaic.version = 14 : i64} {
  func.func @_gather_body(%arg0: i32, %arg1: i32, %arg2: memref<819200xi32, #tpu.memory_space<hbm>>, %arg3: memref<1000000x64xf32, #tpu.memory_space<hbm>>, %arg4: memref<409600x128xf32, #tpu.memory_space<hbm>>, %arg5: memref<25600xi32, #tpu.memory_space<vmem>>, %arg6: memref<5x2x128xi32, #tpu.memory_space<vmem>>, %arg7: memref<5x2x128x64xf32, #tpu.memory_space<vmem>>, %arg8: memref<5x!tpu.dma_semaphore, #tpu.memory_space<semaphore_mem>>, %arg9: memref<5x!tpu.dma_semaphore, #tpu.memory_space<semaphore_mem>>) attributes {dimension_semantics = [#tpu.dimension_semantics<core_parallel>, #tpu.dimension_semantics<subcore_parallel>], iteration_bounds = array<i64: 2, 16>, scalar_prefetch = 0 : i64, scratch_operands = 5 : i64, tpu.core_type = #tpu.core_type<sc_vector_subcore>, window_params = [{transform_indices = #map}, {transform_indices = #map1}, {transform_indices = #map1}]} {
    %mul3A = arith.constant 2 : i32
    %mul3A_0 = arith.muli %arg1, %mul3A : i32
    %add3A = arith.addi %mul3A_0, %arg0 : i32
    %mul3A_1 = arith.constant 25600 : i32
    %mul3A_2 = arith.muli %add3A, %mul3A_1 : i32
    %iota3A = tpu.iota {dimensions = array<i32: 0>} : vector<16xi32>
    "tpu.region"() ({
      %run_scoped3A = tpu.sem_alloc : memref<!tpu.dma_semaphore, #tpu.memory_space<semaphore_mem>>
      %dma_start3A_1091 = tpu.memref_slice %arg2[%mul3A_2] : memref<819200xi32, #tpu.memory_space<hbm>> -> memref<25600xi32, #tpu.memory_space<hbm>>
      %dma_start3A_1092 = tpu.memref_slice %arg2[%mul3A_2] : memref<819200xi32, #tpu.memory_space<hbm>> -> memref<25600xi32, #tpu.memory_space<hbm>>
      tpu.enqueue_dma source(%dma_start3A_1092 : memref<25600xi32, #tpu.memory_space<hbm>>) target(%arg5 : memref<25600xi32, #tpu.memory_space<vmem>>) target_semaphore(%run_scoped3A : memref<!tpu.dma_semaphore, #tpu.memory_space<semaphore_mem>>)
      %dma_wait3A_1093 = tpu.memref_slice %arg2[%mul3A_2] : memref<819200xi32, #tpu.memory_space<hbm>> -> memref<25600xi32, #tpu.memory_space<hbm>>
      %dma_wait3A_1094 = tpu.memref_slice %arg2[%mul3A_2] : memref<819200xi32, #tpu.memory_space<hbm>> -> memref<25600xi32, #tpu.memory_space<hbm>>
      tpu.wait_dma2 semaphore(%run_scoped3A : memref<!tpu.dma_semaphore, #tpu.memory_space<semaphore_mem>>) src(%dma_wait3A_1094 : memref<25600xi32, #tpu.memory_space<hbm>>) dst(%arg5 : memref<25600xi32, #tpu.memory_space<vmem>>)
      tpu.yield
    }) : () -> ()
    %add3A_3 = arith.constant 0 : i32
    %add3A_4 = vector.broadcast %add3A_3 : i32 to vector<16xi32>
    %add3A_5 = arith.addi %iota3A, %add3A_4 : vector<16xi32>
    %mul3A_6 = arith.constant 2 : i32
    %mul3A_7 = vector.broadcast %mul3A_6 : i32 to vector<16xi32>
    %mul3A_8 = arith.muli %mul3A_7, %add3A_5 : vector<16xi32>
    %add3A_9 = arith.constant 0 : i32
    %add3A_10 = vector.broadcast %add3A_9 : i32 to vector<16xi32>
    %add3A_11 = arith.addi %add3A_10, %mul3A_8 : vector<16xi32>
    %gather3A = tpu.vector_load_idx %arg5[%add3A_11] : memref<25600xi32, #tpu.memory_space<vmem>>[vector<16xi32>], vector<16xi32>,
    %swap3A = arith.constant 0 : i32
    %swap3A_12 = arith.constant 0 : i32
    %swap3A_13 = arith.index_cast %swap3A : i32 to index
    %swap3A_14 = arith.index_cast %swap3A_12 : i32 to index
    %swap3A_15 = arith.constant 0 : index
    %swap3A_16 = tpu.vector_load %arg6[%swap3A_13, %swap3A_14, %swap3A_15] {strides = array<i32>} : memref<5x2x128xi32, #tpu.memory_space<vmem>>, vector<16xi32>,
    tpu.vector_store %arg6[%swap3A_13, %swap3A_14, %swap3A_15], %gather3A {strides = array<i32>} : memref<5x2x128xi32, #tpu.memory_space<vmem>>, vector<16xi32>,
    %add3A_17 = arith.constant 16 : i32
    %add3A_18 = vector.broadcast %add3A_17 : i32 to vector<16xi32>
    %add3A_19 = arith.addi %iota3A, %add3A_18 : vector<16xi32>
    %mul3A_20 = arith.constant 2 : i32
    %mul3A_21 = vector.broadcast %mul3A_20 : i32 to vector<16xi32>
    %mul3A_22 = arith.muli %mul3A_21, %add3A_19 : vector<16xi32>
    %add3A_23 = arith.constant 0 : i32
    %add3A_24 = vector.broadcast %add3A_23 : i32 to vector<16xi32>
    %add3A_25 = arith.addi %add3A_24, %mul3A_22 : vector<16xi32>
    %gather3A_26 = tpu.vector_load_idx %arg5[%add3A_25] : memref<25600xi32, #tpu.memory_space<vmem>>[vector<16xi32>], vector<16xi32>,
    %swap3A_27 = arith.constant 0 : i32
    %swap3A_28 = arith.constant 0 : i32
    %swap3A_29 = arith.index_cast %swap3A_27 : i32 to index
    %swap3A_30 = arith.index_cast %swap3A_28 : i32 to index
    %swap3A_31 = arith.constant 16 : index
    %swap3A_32 = tpu.vector_load %arg6[%swap3A_29, %swap3A_30, %swap3A_31] {strides = array<i32>} : memref<5x2x128xi32, #tpu.memory_space<vmem>>, vector<16xi32>,
    tpu.vector_store %arg6[%swap3A_29, %swap3A_30, %swap3A_31], %gather3A_26 {strides = array<i32>} : memref<5x2x128xi32, #tpu.memory_space<vmem>>, vector<16xi32>,
    %add3A_33 = arith.constant 32 : i32
    %add3A_34 = vector.broadcast %add3A_33 : i32 to vector<16xi32>
    %add3A_35 = arith.addi %iota3A, %add3A_34 : vector<16xi32>
    %mul3A_36 = arith.constant 2 : i32
    %mul3A_37 = vector.broadcast %mul3A_36 : i32 to vector<16xi32>
    %mul3A_38 = arith.muli %mul3A_37, %add3A_35 : vector<16xi32>
    %add3A_39 = arith.constant 0 : i32
    %add3A_40 = vector.broadcast %add3A_39 : i32 to vector<16xi32>
    %add3A_41 = arith.addi %add3A_40, %mul3A_38 : vector<16xi32>
    %gather3A_42 = tpu.vector_load_idx %arg5[%add3A_41] : memref<25600xi32, #tpu.memory_space<vmem>>[vector<16xi32>], vector<16xi32>,
    %swap3A_43 = arith.constant 0 : i32
    %swap3A_44 = arith.constant 0 : i32
    %swap3A_45 = arith.index_cast %swap3A_43 : i32 to index
    %swap3A_46 = arith.index_cast %swap3A_44 : i32 to index
    %swap3A_47 = arith.constant 32 : index
    %swap3A_48 = tpu.vector_load %arg6[%swap3A_45, %swap3A_46, %swap3A_47] {strides = array<i32>} : memref<5x2x128xi32, #tpu.memory_space<vmem>>, vector<16xi32>,
    tpu.vector_store %arg6[%swap3A_45, %swap3A_46, %swap3A_47], %gather3A_42 {strides = array<i32>} : memref<5x2x128xi32, #tpu.memory_space<vmem>>, vector<16xi32>,
    %add3A_49 = arith.constant 48 : i32
    %add3A_50 = vector.broadcast %add3A_49 : i32 to vector<16xi32>
    %add3A_51 = arith.addi %iota3A, %add3A_50 : vector<16xi32>
    %mul3A_52 = arith.constant 2 : i32
    %mul3A_53 = vector.broadcast %mul3A_52 : i32 to vector<16xi32>
    %mul3A_54 = arith.muli %mul3A_53, %add3A_51 : vector<16xi32>
    %add3A_55 = arith.constant 0 : i32
    %add3A_56 = vector.broadcast %add3A_55 : i32 to vector<16xi32>
    %add3A_57 = arith.addi %add3A_56, %mul3A_54 : vector<16xi32>
    %gather3A_58 = tpu.vector_load_idx %arg5[%add3A_57] : memref<25600xi32, #tpu.memory_space<vmem>>[vector<16xi32>], vector<16xi32>,
    %swap3A_59 = arith.constant 0 : i32
    %swap3A_60 = arith.constant 0 : i32
    %swap3A_61 = arith.index_cast %swap3A_59 : i32 to index
    %swap3A_62 = arith.index_cast %swap3A_60 : i32 to index
    %swap3A_63 = arith.constant 48 : index
    %swap3A_64 = tpu.vector_load %arg6[%swap3A_61, %swap3A_62, %swap3A_63] {strides = array<i32>} : memref<5x2x128xi32, #tpu.memory_space<vmem>>, vector<16xi32>,
    tpu.vector_store %arg6[%swap3A_61, %swap3A_62, %swap3A_63], %gather3A_58 {strides = array<i32>} : memref<5x2x128xi32, #tpu.memory_space<vmem>>, vector<16xi32>,
    %add3A_65 = arith.constant 64 : i32
    %add3A_66 = vector.broadcast %add3A_65 : i32 to vector<16xi32>
    %add3A_67 = arith.addi %iota3A, %add3A_66 : vector<16xi32>
    %mul3A_68 = arith.constant 2 : i32
    %mul3A_69 = vector.broadcast %mul3A_68 : i32 to vector<16xi32>
    %mul3A_70 = arith.muli %mul3A_69, %add3A_67 : vector<16xi32>
    %add3A_71 = arith.constant 0 : i32
    %add3A_72 = vector.broadcast %add3A_71 : i32 to vector<16xi32>
    %add3A_73 = arith.addi %add3A_72, %mul3A_70 : vector<16xi32>
    %gather3A_74 = tpu.vector_load_idx %arg5[%add3A_73] : memref<25600xi32, #tpu.memory_space<vmem>>[vector<16xi32>], vector<16xi32>,
    %swap3A_75 = arith.constant 0 : i32
    %swap3A_76 = arith.constant 0 : i32
    %swap3A_77 = arith.index_cast %swap3A_75 : i32 to index
    %swap3A_78 = arith.index_cast %swap3A_76 : i32 to index
    %swap3A_79 = arith.constant 64 : index
    %swap3A_80 = tpu.vector_load %arg6[%swap3A_77, %swap3A_78, %swap3A_79] {strides = array<i32>} : memref<5x2x128xi32, #tpu.memory_space<vmem>>, vector<16xi32>,
    tpu.vector_store %arg6[%swap3A_77, %swap3A_78, %swap3A_79], %gather3A_74 {strides = array<i32>} : memref<5x2x128xi32, #tpu.memory_space<vmem>>, vector<16xi32>,
    %add3A_81 = arith.constant 80 : i32
    %add3A_82 = vector.broadcast %add3A_81 : i32 to vector<16xi32>
    %add3A_83 = arith.addi %iota3A, %add3A_82 : vector<16xi32>
    %mul3A_84 = arith.constant 2 : i32
    %mul3A_85 = vector.broadcast %mul3A_84 : i32 to vector<16xi32>
    %mul3A_86 = arith.muli %mul3A_85, %add3A_83 : vector<16xi32>
    %add3A_87 = arith.constant 0 : i32
    %add3A_88 = vector.broadcast %add3A_87 : i32 to vector<16xi32>
    %add3A_89 = arith.addi %add3A_88, %mul3A_86 : vector<16xi32>
    %gather3A_90 = tpu.vector_load_idx %arg5[%add3A_89] : memref<25600xi32, #tpu.memory_space<vmem>>[vector<16xi32>], vector<16xi32>,
    %swap3A_91 = arith.constant 0 : i32
    %swap3A_92 = arith.constant 0 : i32
    %swap3A_93 = arith.index_cast %swap3A_91 : i32 to index
    %swap3A_94 = arith.index_cast %swap3A_92 : i32 to index
    %swap3A_95 = arith.constant 80 : index
    %swap3A_96 = tpu.vector_load %arg6[%swap3A_93, %swap3A_94, %swap3A_95] {strides = array<i32>} : memref<5x2x128xi32, #tpu.memory_space<vmem>>, vector<16xi32>,
    tpu.vector_store %arg6[%swap3A_93, %swap3A_94, %swap3A_95], %gather3A_90 {strides = array<i32>} : memref<5x2x128xi32, #tpu.memory_space<vmem>>, vector<16xi32>,
    %add3A_97 = arith.constant 96 : i32
    %add3A_98 = vector.broadcast %add3A_97 : i32 to vector<16xi32>
    %add3A_99 = arith.addi %iota3A, %add3A_98 : vector<16xi32>
    %mul3A_100 = arith.constant 2 : i32
    %mul3A_101 = vector.broadcast %mul3A_100 : i32 to vector<16xi32>
    %mul3A_102 = arith.muli %mul3A_101, %add3A_99 : vector<16xi32>
    %add3A_103 = arith.constant 0 : i32
    %add3A_104 = vector.broadcast %add3A_103 : i32 to vector<16xi32>
    %add3A_105 = arith.addi %add3A_104, %mul3A_102 : vector<16xi32>
    %gather3A_106 = tpu.vector_load_idx %arg5[%add3A_105] : memref<25600xi32, #tpu.memory_space<vmem>>[vector<16xi32>], vector<16xi32>,
    %swap3A_107 = arith.constant 0 : i32
    %swap3A_108 = arith.constant 0 : i32
    %swap3A_109 = arith.index_cast %swap3A_107 : i32 to index
    %swap3A_110 = arith.index_cast %swap3A_108 : i32 to index
    %swap3A_111 = arith.constant 96 : index
    %swap3A_112 = tpu.vector_load %arg6[%swap3A_109, %swap3A_110, %swap3A_111] {strides = array<i32>} : memref<5x2x128xi32, #tpu.memory_space<vmem>>, vector<16xi32>,
    tpu.vector_store %arg6[%swap3A_109, %swap3A_110, %swap3A_111], %gather3A_106 {strides = array<i32>} : memref<5x2x128xi32, #tpu.memory_space<vmem>>, vector<16xi32>,
    %add3A_113 = arith.constant 112 : i32
    %add3A_114 = vector.broadcast %add3A_113 : i32 to vector<16xi32>
    %add3A_115 = arith.addi %iota3A, %add3A_114 : vector<16xi32>
    %mul3A_116 = arith.constant 2 : i32
    %mul3A_117 = vector.broadcast %mul3A_116 : i32 to vector<16xi32>
    %mul3A_118 = arith.muli %mul3A_117, %add3A_115 : vector<16xi32>
    %add3A_119 = arith.constant 0 : i32
    %add3A_120 = vector.broadcast %add3A_119 : i32 to vector<16xi32>
    %add3A_121 = arith.addi %add3A_120, %mul3A_118 : vector<16xi32>
    %gather3A_122 = tpu.vector_load_idx %arg5[%add3A_121] : memref<25600xi32, #tpu.memory_space<vmem>>[vector<16xi32>], vector<16xi32>,
    %swap3A_123 = arith.constant 0 : i32
    %swap3A_124 = arith.constant 0 : i32
    %swap3A_125 = arith.index_cast %swap3A_123 : i32 to index
    %swap3A_126 = arith.index_cast %swap3A_124 : i32 to index
    %swap3A_127 = arith.constant 112 : index
    %swap3A_128 = tpu.vector_load %arg6[%swap3A_125, %swap3A_126, %swap3A_127] {strides = array<i32>} : memref<5x2x128xi32, #tpu.memory_space<vmem>>, vector<16xi32>,
    tpu.vector_store %arg6[%swap3A_125, %swap3A_126, %swap3A_127], %gather3A_122 {strides = array<i32>} : memref<5x2x128xi32, #tpu.memory_space<vmem>>, vector<16xi32>,
    %add3A_129 = arith.constant 0 : i32
    %add3A_130 = vector.broadcast %add3A_129 : i32 to vector<16xi32>
    %add3A_131 = arith.addi %iota3A, %add3A_130 : vector<16xi32>
    %mul3A_132 = arith.constant 2 : i32
    %mul3A_133 = vector.broadcast %mul3A_132 : i32 to vector<16xi32>
    %mul3A_134 = arith.muli %mul3A_133, %add3A_131 : vector<16xi32>
    %add3A_135 = arith.constant 1 : i32
    %add3A_136 = vector.broadcast %add3A_135 : i32 to vector<16xi32>
    %add3A_137 = arith.addi %add3A_136, %mul3A_134 : vector<16xi32>
    %gather3A_138 = tpu.vector_load_idx %arg5[%add3A_137] : memref<25600xi32, #tpu.memory_space<vmem>>[vector<16xi32>], vector<16xi32>,
    %swap3A_139 = arith.constant 0 : i32
    %swap3A_140 = arith.constant 1 : i32
    %swap3A_141 = arith.index_cast %swap3A_139 : i32 to index
    %swap3A_142 = arith.index_cast %swap3A_140 : i32 to index
    %swap3A_143 = arith.constant 0 : index
    %swap3A_144 = tpu.vector_load %arg6[%swap3A_141, %swap3A_142, %swap3A_143] {strides = array<i32>} : memref<5x2x128xi32, #tpu.memory_space<vmem>>, vector<16xi32>,
    tpu.vector_store %arg6[%swap3A_141, %swap3A_142, %swap3A_143], %gather3A_138 {strides = array<i32>} : memref<5x2x128xi32, #tpu.memory_space<vmem>>, vector<16xi32>,
    %add3A_145 = arith.constant 16 : i32
    %add3A_146 = vector.broadcast %add3A_145 : i32 to vector<16xi32>
    %add3A_147 = arith.addi %iota3A, %add3A_146 : vector<16xi32>
    %mul3A_148 = arith.constant 2 : i32
    %mul3A_149 = vector.broadcast %mul3A_148 : i32 to vector<16xi32>
    %mul3A_150 = arith.muli %mul3A_149, %add3A_147 : vector<16xi32>
    %add3A_151 = arith.constant 1 : i32
    %add3A_152 = vector.broadcast %add3A_151 : i32 to vector<16xi32>
    %add3A_153 = arith.addi %add3A_152, %mul3A_150 : vector<16xi32>
    %gather3A_154 = tpu.vector_load_idx %arg5[%add3A_153] : memref<25600xi32, #tpu.memory_space<vmem>>[vector<16xi32>], vector<16xi32>,
    %swap3A_155 = arith.constant 0 : i32
    %swap3A_156 = arith.constant 1 : i32
    %swap3A_157 = arith.index_cast %swap3A_155 : i32 to index
    %swap3A_158 = arith.index_cast %swap3A_156 : i32 to index
    %swap3A_159 = arith.constant 16 : index
    %swap3A_160 = tpu.vector_load %arg6[%swap3A_157, %swap3A_158, %swap3A_159] {strides = array<i32>} : memref<5x2x128xi32, #tpu.memory_space<vmem>>, vector<16xi32>,
    tpu.vector_store %arg6[%swap3A_157, %swap3A_158, %swap3A_159], %gather3A_154 {strides = array<i32>} : memref<5x2x128xi32, #tpu.memory_space<vmem>>, vector<16xi32>,
    %add3A_161 = arith.constant 32 : i32
    %add3A_162 = vector.broadcast %add3A_161 : i32 to vector<16xi32>
    %add3A_163 = arith.addi %iota3A, %add3A_162 : vector<16xi32>
    %mul3A_164 = arith.constant 2 : i32
    %mul3A_165 = vector.broadcast %mul3A_164 : i32 to vector<16xi32>
    %mul3A_166 = arith.muli %mul3A_165, %add3A_163 : vector<16xi32>
    %add3A_167 = arith.constant 1 : i32
    %add3A_168 = vector.broadcast %add3A_167 : i32 to vector<16xi32>
    %add3A_169 = arith.addi %add3A_168, %mul3A_166 : vector<16xi32>
    %gather3A_170 = tpu.vector_load_idx %arg5[%add3A_169] : memref<25600xi32, #tpu.memory_space<vmem>>[vector<16xi32>], vector<16xi32>,
    %swap3A_171 = arith.constant 0 : i32
    %swap3A_172 = arith.constant 1 : i32
    %swap3A_173 = arith.index_cast %swap3A_171 : i32 to index
    %swap3A_174 = arith.index_cast %swap3A_172 : i32 to index
    %swap3A_175 = arith.constant 32 : index
    %swap3A_176 = tpu.vector_load %arg6[%swap3A_173, %swap3A_174, %swap3A_175] {strides = array<i32>} : memref<5x2x128xi32, #tpu.memory_space<vmem>>, vector<16xi32>,
    tpu.vector_store %arg6[%swap3A_173, %swap3A_174, %swap3A_175], %gather3A_170 {strides = array<i32>} : memref<5x2x128xi32, #tpu.memory_space<vmem>>, vector<16xi32>,
    %add3A_177 = arith.constant 48 : i32
    %add3A_178 = vector.broadcast %add3A_177 : i32 to vector<16xi32>
    %add3A_179 = arith.addi %iota3A, %add3A_178 : vector<16xi32>
    %mul3A_180 = arith.constant 2 : i32
    %mul3A_181 = vector.broadcast %mul3A_180 : i32 to vector<16xi32>
    %mul3A_182 = arith.muli %mul3A_181, %add3A_179 : vector<16xi32>
    %add3A_183 = arith.constant 1 : i32
    %add3A_184 = vector.broadcast %add3A_183 : i32 to vector<16xi32>
    %add3A_185 = arith.addi %add3A_184, %mul3A_182 : vector<16xi32>
    %gather3A_186 = tpu.vector_load_idx %arg5[%add3A_185] : memref<25600xi32, #tpu.memory_space<vmem>>[vector<16xi32>], vector<16xi32>,
    %swap3A_187 = arith.constant 0 : i32
    %swap3A_188 = arith.constant 1 : i32
    %swap3A_189 = arith.index_cast %swap3A_187 : i32 to index
    %swap3A_190 = arith.index_cast %swap3A_188 : i32 to index
    %swap3A_191 = arith.constant 48 : index
    %swap3A_192 = tpu.vector_load %arg6[%swap3A_189, %swap3A_190, %swap3A_191] {strides = array<i32>} : memref<5x2x128xi32, #tpu.memory_space<vmem>>, vector<16xi32>,
    tpu.vector_store %arg6[%swap3A_189, %swap3A_190, %swap3A_191], %gather3A_186 {strides = array<i32>} : memref<5x2x128xi32, #tpu.memory_space<vmem>>, vector<16xi32>,
    %add3A_193 = arith.constant 64 : i32
    %add3A_194 = vector.broadcast %add3A_193 : i32 to vector<16xi32>
    %add3A_195 = arith.addi %iota3A, %add3A_194 : vector<16xi32>
    %mul3A_196 = arith.constant 2 : i32
    %mul3A_197 = vector.broadcast %mul3A_196 : i32 to vector<16xi32>
    %mul3A_198 = arith.muli %mul3A_197, %add3A_195 : vector<16xi32>
    %add3A_199 = arith.constant 1 : i32
    %add3A_200 = vector.broadcast %add3A_199 : i32 to vector<16xi32>
    %add3A_201 = arith.addi %add3A_200, %mul3A_198 : vector<16xi32>
    %gather3A_202 = tpu.vector_load_idx %arg5[%add3A_201] : memref<25600xi32, #tpu.memory_space<vmem>>[vector<16xi32>], vector<16xi32>,
    %swap3A_203 = arith.constant 0 : i32
    %swap3A_204 = arith.constant 1 : i32
    %swap3A_205 = arith.index_cast %swap3A_203 : i32 to index
    %swap3A_206 = arith.index_cast %swap3A_204 : i32 to index
    %swap3A_207 = arith.constant 64 : index
    %swap3A_208 = tpu.vector_load %arg6[%swap3A_205, %swap3A_206, %swap3A_207] {strides = array<i32>} : memref<5x2x128xi32, #tpu.memory_space<vmem>>, vector<16xi32>,
    tpu.vector_store %arg6[%swap3A_205, %swap3A_206, %swap3A_207], %gather3A_202 {strides = array<i32>} : memref<5x2x128xi32, #tpu.memory_space<vmem>>, vector<16xi32>,
    %add3A_209 = arith.constant 80 : i32
    %add3A_210 = vector.broadcast %add3A_209 : i32 to vector<16xi32>
    %add3A_211 = arith.addi %iota3A, %add3A_210 : vector<16xi32>
    %mul3A_212 = arith.constant 2 : i32
    %mul3A_213 = vector.broadcast %mul3A_212 : i32 to vector<16xi32>
    %mul3A_214 = arith.muli %mul3A_213, %add3A_211 : vector<16xi32>
    %add3A_215 = arith.constant 1 : i32
    %add3A_216 = vector.broadcast %add3A_215 : i32 to vector<16xi32>
    %add3A_217 = arith.addi %add3A_216, %mul3A_214 : vector<16xi32>
    %gather3A_218 = tpu.vector_load_idx %arg5[%add3A_217] : memref<25600xi32, #tpu.memory_space<vmem>>[vector<16xi32>], vector<16xi32>,
    %swap3A_219 = arith.constant 0 : i32
    %swap3A_220 = arith.constant 1 : i32
    %swap3A_221 = arith.index_cast %swap3A_219 : i32 to index
    %swap3A_222 = arith.index_cast %swap3A_220 : i32 to index
    %swap3A_223 = arith.constant 80 : index
    %swap3A_224 = tpu.vector_load %arg6[%swap3A_221, %swap3A_222, %swap3A_223] {strides = array<i32>} : memref<5x2x128xi32, #tpu.memory_space<vmem>>, vector<16xi32>,
    tpu.vector_store %arg6[%swap3A_221, %swap3A_222, %swap3A_223], %gather3A_218 {strides = array<i32>} : memref<5x2x128xi32, #tpu.memory_space<vmem>>, vector<16xi32>,
    %add3A_225 = arith.constant 96 : i32
    %add3A_226 = vector.broadcast %add3A_225 : i32 to vector<16xi32>
    %add3A_227 = arith.addi %iota3A, %add3A_226 : vector<16xi32>
    %mul3A_228 = arith.constant 2 : i32
    %mul3A_229 = vector.broadcast %mul3A_228 : i32 to vector<16xi32>
    %mul3A_230 = arith.muli %mul3A_229, %add3A_227 : vector<16xi32>
    %add3A_231 = arith.constant 1 : i32
    %add3A_232 = vector.broadcast %add3A_231 : i32 to vector<16xi32>
    %add3A_233 = arith.addi %add3A_232, %mul3A_230 : vector<16xi32>
    %gather3A_234 = tpu.vector_load_idx %arg5[%add3A_233] : memref<25600xi32, #tpu.memory_space<vmem>>[vector<16xi32>], vector<16xi32>,
    %swap3A_235 = arith.constant 0 : i32
    %swap3A_236 = arith.constant 1 : i32
    %swap3A_237 = arith.index_cast %swap3A_235 : i32 to index
    %swap3A_238 = arith.index_cast %swap3A_236 : i32 to index
    %swap3A_239 = arith.constant 96 : index
    %swap3A_240 = tpu.vector_load %arg6[%swap3A_237, %swap3A_238, %swap3A_239] {strides = array<i32>} : memref<5x2x128xi32, #tpu.memory_space<vmem>>, vector<16xi32>,
    tpu.vector_store %arg6[%swap3A_237, %swap3A_238, %swap3A_239], %gather3A_234 {strides = array<i32>} : memref<5x2x128xi32, #tpu.memory_space<vmem>>, vector<16xi32>,
    %add3A_241 = arith.constant 112 : i32
    %add3A_242 = vector.broadcast %add3A_241 : i32 to vector<16xi32>
    %add3A_243 = arith.addi %iota3A, %add3A_242 : vector<16xi32>
    %mul3A_244 = arith.constant 2 : i32
    %mul3A_245 = vector.broadcast %mul3A_244 : i32 to vector<16xi32>
    %mul3A_246 = arith.muli %mul3A_245, %add3A_243 : vector<16xi32>
    %add3A_247 = arith.constant 1 : i32
    %add3A_248 = vector.broadcast %add3A_247 : i32 to vector<16xi32>
    %add3A_249 = arith.addi %add3A_248, %mul3A_246 : vector<16xi32>
    %gather3A_250 = tpu.vector_load_idx %arg5[%add3A_249] : memref<25600xi32, #tpu.memory_space<vmem>>[vector<16xi32>], vector<16xi32>,
    %swap3A_251 = arith.constant 0 : i32
    %swap3A_252 = arith.constant 1 : i32
    %swap3A_253 = arith.index_cast %swap3A_251 : i32 to index
    %swap3A_254 = arith.index_cast %swap3A_252 : i32 to index
    %swap3A_255 = arith.constant 112 : index
    %swap3A_256 = tpu.vector_load %arg6[%swap3A_253, %swap3A_254, %swap3A_255] {strides = array<i32>} : memref<5x2x128xi32, #tpu.memory_space<vmem>>, vector<16xi32>,
    tpu.vector_store %arg6[%swap3A_253, %swap3A_254, %swap3A_255], %gather3A_250 {strides = array<i32>} : memref<5x2x128xi32, #tpu.memory_space<vmem>>, vector<16xi32>,
    %dma_start3A = arith.constant 0 : i32
    %dma_start3A_257 = arith.constant 0 : i32
    %dma_start3A_258 = arith.constant 0 : i32
    %dma_start3A_259 = arith.constant 0 : i32
    %dma_start3A_260 = arith.constant 0 : i32
    %dma_start3A_261 = arith.constant 0 : i32
    %dma_start3A_262 = arith.constant 0 : i32
    %dma_start3A_263 = tpu.memref_slice %arg7[%dma_start3A_258, %dma_start3A_259, %dma_start3A_261, %dma_start3A_262] : memref<5x2x128x64xf32, #tpu.memory_space<vmem>> -> memref<1x1x128x64xf32, #tpu.memory_space<vmem>>
    %dma_start3A_264 = tpu.memref_squeeze %dma_start3A_263 : memref<1x1x128x64xf32, #tpu.memory_space<vmem>> -> memref<128x64xf32, #tpu.memory_space<vmem>>
    %dma_start3A_265 = arith.constant 0 : i32
    %dma_start3A_266 = tpu.memref_slice %arg6[%dma_start3A, %dma_start3A_257, %dma_start3A_265] : memref<5x2x128xi32, #tpu.memory_space<vmem>> -> memref<1x1x128xi32, #tpu.memory_space<vmem>>
    %dma_start3A_267 = tpu.memref_squeeze %dma_start3A_266 : memref<1x1x128xi32, #tpu.memory_space<vmem>> -> memref<128xi32, #tpu.memory_space<vmem>>
    %dma_start3A_268 = arith.constant 0 : i32
    %dma_start3A_269 = arith.constant 0 : i32
    %dma_start3A_270 = tpu.memref_slice %arg3[%dma_start3A_268, %dma_start3A_269] : memref<1000000x64xf32, #tpu.memory_space<hbm>> -> memref<1000000x64xf32, #tpu.memory_space<hbm>>
    %dma_start3A_271 = tpu.memref_slice %arg8[%dma_start3A_260] : memref<5x!tpu.dma_semaphore, #tpu.memory_space<semaphore_mem>> -> memref<1x!tpu.dma_semaphore, #tpu.memory_space<semaphore_mem>>
    %dma_start3A_272 = tpu.memref_squeeze %dma_start3A_271 : memref<1x!tpu.dma_semaphore, #tpu.memory_space<semaphore_mem>> -> memref<!tpu.dma_semaphore, #tpu.memory_space<semaphore_mem>>
    tpu.enqueue_indirect_dma source(%dma_start3A_270 : memref<1000000x64xf32, #tpu.memory_space<hbm>>) target(%dma_start3A_264 : memref<128x64xf32, #tpu.memory_space<vmem>>) offsets(%dma_start3A_267 : memref<128xi32, #tpu.memory_space<vmem>>) semaphore(%dma_start3A_272 : memref<!tpu.dma_semaphore, #tpu.memory_space<semaphore_mem>>)
    %dma_start3A_273 = arith.constant 0 : i32
    %dma_start3A_274 = arith.constant 1 : i32
    %dma_start3A_275 = arith.constant 0 : i32
    %dma_start3A_276 = arith.constant 1 : i32
    %dma_start3A_277 = arith.constant 0 : i32
    %dma_start3A_278 = arith.constant 0 : i32
    %dma_start3A_279 = arith.constant 0 : i32
    %dma_start3A_280 = tpu.memref_slice %arg7[%dma_start3A_275, %dma_start3A_276, %dma_start3A_278, %dma_start3A_279] : memref<5x2x128x64xf32, #tpu.memory_space<vmem>> -> memref<1x1x128x64xf32, #tpu.memory_space<vmem>>
    %dma_start3A_281 = tpu.memref_squeeze %dma_start3A_280 : memref<1x1x128x64xf32, #tpu.memory_space<vmem>> -> memref<128x64xf32, #tpu.memory_space<vmem>>
    %dma_start3A_282 = arith.constant 0 : i32
    %dma_start3A_283 = tpu.memref_slice %arg6[%dma_start3A_273, %dma_start3A_274, %dma_start3A_282] : memref<5x2x128xi32, #tpu.memory_space<vmem>> -> memref<1x1x128xi32, #tpu.memory_space<vmem>>
    %dma_start3A_284 = tpu.memref_squeeze %dma_start3A_283 : memref<1x1x128xi32, #tpu.memory_space<vmem>> -> memref<128xi32, #tpu.memory_space<vmem>>
    %dma_start3A_285 = arith.constant 0 : i32
    %dma_start3A_286 = arith.constant 0 : i32
    %dma_start3A_287 = tpu.memref_slice %arg3[%dma_start3A_285, %dma_start3A_286] : memref<1000000x64xf32, #tpu.memory_space<hbm>> -> memref<1000000x64xf32, #tpu.memory_space<hbm>>
    %dma_start3A_288 = tpu.memref_slice %arg8[%dma_start3A_277] : memref<5x!tpu.dma_semaphore, #tpu.memory_space<semaphore_mem>> -> memref<1x!tpu.dma_semaphore, #tpu.memory_space<semaphore_mem>>
    %dma_start3A_289 = tpu.memref_squeeze %dma_start3A_288 : memref<1x!tpu.dma_semaphore, #tpu.memory_space<semaphore_mem>> -> memref<!tpu.dma_semaphore, #tpu.memory_space<semaphore_mem>>
    tpu.enqueue_indirect_dma source(%dma_start3A_287 : memref<1000000x64xf32, #tpu.memory_space<hbm>>) target(%dma_start3A_281 : memref<128x64xf32, #tpu.memory_space<vmem>>) offsets(%dma_start3A_284 : memref<128xi32, #tpu.memory_space<vmem>>) semaphore(%dma_start3A_289 : memref<!tpu.dma_semaphore, #tpu.memory_space<semaphore_mem>>)
    %scan3A = arith.constant 0 : i32
    %scan3A_290 = arith.constant 0 : i32
    %scan3A_291 = arith.constant 20 : i32
    %scan3A_292 = arith.addi %scan3A_290, %scan3A_291 : i32
    %scan3A_293 = arith.constant 1 : i32
    scf.for %scan3A_1091 = %scan3A_290 to %scan3A_292 step %scan3A_293  : i32 {
      %mul3A_1092 = arith.constant 5 : i32
      %mul3A_1093 = arith.muli %scan3A_1091, %mul3A_1092 : i32
      %add3A_1094 = arith.constant 0 : i32
      %add3A_1095 = arith.addi %mul3A_1093, %add3A_1094 : i32
      %ge3A = arith.constant 5 : i32
      %ge3A_1096 = arith.cmpi sge, %add3A_1095, %ge3A : i32
      %convert_element_type3A = arith.extui %ge3A_1096 : i1 to i32
      %cond3A = arith.constant 0 : i32
      %cond3A_1097 = arith.cmpi ne, %convert_element_type3A, %cond3A : i32
      scf.if %cond3A_1097 {
        %sub3A_1194 = arith.constant 5 : i32
        %sub3A_1195 = arith.subi %add3A_1095, %sub3A_1194 : i32
        %mul3A_1196 = arith.constant 256 : i32
        %mul3A_1197 = arith.muli %sub3A_1195, %mul3A_1196 : i32
        %add3A_1198 = arith.addi %mul3A_2, %mul3A_1197 : i32
        %jit3A_1199 = arith.constant 2 : i32
        %div3A_1200 = arith.divsi %add3A_1198, %jit3A_1199 : i32
        %sign3A_1201 = arith.constant 0 : i32
        %sign3A_1202 = arith.cmpi sgt, %add3A_1198, %sign3A_1201 : i32
        %sign3A_1203 = arith.extui %sign3A_1202 : i1 to i32
        %sign3A_1204 = arith.constant 0 : i32
        %sign3A_1205 = arith.cmpi slt, %add3A_1198, %sign3A_1204 : i32
        %sign3A_1206 = arith.extui %sign3A_1205 : i1 to i32
        %sign3A_1207 = arith.subi %sign3A_1203, %sign3A_1206 : i32
        %sign3A_1208 = arith.constant 0 : i32
        %sign3A_1209 = arith.cmpi sgt, %jit3A_1199, %sign3A_1208 : i32
        %sign3A_1210 = arith.extui %sign3A_1209 : i1 to i32
        %sign3A_1211 = arith.constant 0 : i32
        %sign3A_1212 = arith.cmpi slt, %jit3A_1199, %sign3A_1211 : i32
        %sign3A_1213 = arith.extui %sign3A_1212 : i1 to i32
        %sign3A_1214 = arith.subi %sign3A_1210, %sign3A_1213 : i32
        %ne3A_1215 = arith.cmpi ne, %sign3A_1207, %sign3A_1214 : i32
        %rem3A_1216 = arith.remsi %add3A_1198, %jit3A_1199 : i32
        %ne3A_1217 = arith.constant 0 : i32
        %ne3A_1218 = arith.cmpi ne, %rem3A_1216, %ne3A_1217 : i32
        %and3A_1219 = arith.andi %ne3A_1215, %ne3A_1218 : i1
        %sub3A_1220 = arith.constant 1 : i32
        %sub3A_1221 = arith.subi %div3A_1200, %sub3A_1220 : i32
        %select_n3A_1222 = arith.select %and3A_1219, %sub3A_1221, %div3A_1200 : i32
        %multiple_of3A_1223 = tpu.assume_multiple %select_n3A_1222, 128 : i32
        %dma_wait3A_1224 = arith.constant 0 : i32
        %dma_wait3A_1225 = arith.constant 0 : i32
        %dma_wait3A_1226 = arith.constant 0 : i32
        %dma_wait3A_1227 = arith.constant 0 : i32
        %dma_wait3A_1228 = arith.constant 0 : i32
        %dma_wait3A_1229 = tpu.memref_slice %arg7[%dma_wait3A_1224, %dma_wait3A_1225, %dma_wait3A_1227, %dma_wait3A_1228] : memref<5x2x128x64xf32, #tpu.memory_space<vmem>> -> memref<1x1x128x64xf32, #tpu.memory_space<vmem>>
        %dma_wait3A_1230 = tpu.memref_squeeze %dma_wait3A_1229 : memref<1x1x128x64xf32, #tpu.memory_space<vmem>> -> memref<128x64xf32, #tpu.memory_space<vmem>>
        %dma_wait3A_1231 = arith.constant 0 : i32
        %dma_wait3A_1232 = tpu.memref_slice %arg4[%multiple_of3A_1223, %dma_wait3A_1231] : memref<409600x128xf32, #tpu.memory_space<hbm>> -> memref<128x64xf32, #tpu.memory_space<hbm>>
        %dma_wait3A_1233 = tpu.memref_slice %arg9[%dma_wait3A_1226] : memref<5x!tpu.dma_semaphore, #tpu.memory_space<semaphore_mem>> -> memref<1x!tpu.dma_semaphore, #tpu.memory_space<semaphore_mem>>
        %dma_wait3A_1234 = tpu.memref_squeeze %dma_wait3A_1233 : memref<1x!tpu.dma_semaphore, #tpu.memory_space<semaphore_mem>> -> memref<!tpu.dma_semaphore, #tpu.memory_space<semaphore_mem>>
        %dma_wait3A_1235 = arith.constant 0 : i32
        %dma_wait3A_1236 = tpu.memref_slice %arg4[%multiple_of3A_1223, %dma_wait3A_1235] : memref<409600x128xf32, #tpu.memory_space<hbm>> -> memref<128x64xf32, #tpu.memory_space<hbm>>
        %dma_wait3A_1237 = arith.constant 0 : i32
        %dma_wait3A_1238 = arith.constant 0 : i32
        %dma_wait3A_1239 = tpu.memref_slice %arg7[%dma_wait3A_1224, %dma_wait3A_1225, %dma_wait3A_1237, %dma_wait3A_1238] : memref<5x2x128x64xf32, #tpu.memory_space<vmem>> -> memref<1x1x128x64xf32, #tpu.memory_space<vmem>>
        %dma_wait3A_1240 = tpu.memref_squeeze %dma_wait3A_1239 : memref<1x1x128x64xf32, #tpu.memory_space<vmem>> -> memref<128x64xf32, #tpu.memory_space<vmem>>
        tpu.wait_dma2 semaphore(%dma_wait3A_1234 : memref<!tpu.dma_semaphore, #tpu.memory_space<semaphore_mem>>) src(%dma_wait3A_1240 : memref<128x64xf32, #tpu.memory_space<vmem>>) dst(%dma_wait3A_1236 : memref<128x64xf32, #tpu.memory_space<hbm>>)
        %mul3A_1241 = arith.constant 256 : i32
        %mul3A_1242 = arith.muli %sub3A_1195, %mul3A_1241 : i32
        %add3A_1243 = arith.addi %mul3A_2, %mul3A_1242 : i32
        %jit3A_1244 = arith.constant 2 : i32
        %div3A_1245 = arith.divsi %add3A_1243, %jit3A_1244 : i32
        %sign3A_1246 = arith.constant 0 : i32
        %sign3A_1247 = arith.cmpi sgt, %add3A_1243, %sign3A_1246 : i32
        %sign3A_1248 = arith.extui %sign3A_1247 : i1 to i32
        %sign3A_1249 = arith.constant 0 : i32
        %sign3A_1250 = arith.cmpi slt, %add3A_1243, %sign3A_1249 : i32
        %sign3A_1251 = arith.extui %sign3A_1250 : i1 to i32
        %sign3A_1252 = arith.subi %sign3A_1248, %sign3A_1251 : i32
        %sign3A_1253 = arith.constant 0 : i32
        %sign3A_1254 = arith.cmpi sgt, %jit3A_1244, %sign3A_1253 : i32
        %sign3A_1255 = arith.extui %sign3A_1254 : i1 to i32
        %sign3A_1256 = arith.constant 0 : i32
        %sign3A_1257 = arith.cmpi slt, %jit3A_1244, %sign3A_1256 : i32
        %sign3A_1258 = arith.extui %sign3A_1257 : i1 to i32
        %sign3A_1259 = arith.subi %sign3A_1255, %sign3A_1258 : i32
        %ne3A_1260 = arith.cmpi ne, %sign3A_1252, %sign3A_1259 : i32
        %rem3A_1261 = arith.remsi %add3A_1243, %jit3A_1244 : i32
        %ne3A_1262 = arith.constant 0 : i32
        %ne3A_1263 = arith.cmpi ne, %rem3A_1261, %ne3A_1262 : i32
        %and3A_1264 = arith.andi %ne3A_1260, %ne3A_1263 : i1
        %sub3A_1265 = arith.constant 1 : i32
        %sub3A_1266 = arith.subi %div3A_1245, %sub3A_1265 : i32
        %select_n3A_1267 = arith.select %and3A_1264, %sub3A_1266, %div3A_1245 : i32
        %multiple_of3A_1268 = tpu.assume_multiple %select_n3A_1267, 128 : i32
        %dma_wait3A_1269 = arith.constant 0 : i32
        %dma_wait3A_1270 = arith.constant 1 : i32
        %dma_wait3A_1271 = arith.constant 0 : i32
        %dma_wait3A_1272 = arith.constant 0 : i32
        %dma_wait3A_1273 = arith.constant 0 : i32
        %dma_wait3A_1274 = tpu.memref_slice %arg7[%dma_wait3A_1269, %dma_wait3A_1270, %dma_wait3A_1272, %dma_wait3A_1273] : memref<5x2x128x64xf32, #tpu.memory_space<vmem>> -> memref<1x1x128x64xf32, #tpu.memory_space<vmem>>
        %dma_wait3A_1275 = tpu.memref_squeeze %dma_wait3A_1274 : memref<1x1x128x64xf32, #tpu.memory_space<vmem>> -> memref<128x64xf32, #tpu.memory_space<vmem>>
        %dma_wait3A_1276 = arith.constant 64 : i32
        %dma_wait3A_1277 = tpu.memref_slice %arg4[%multiple_of3A_1268, %dma_wait3A_1276] : memref<409600x128xf32, #tpu.memory_space<hbm>> -> memref<128x64xf32, #tpu.memory_space<hbm>>
        %dma_wait3A_1278 = tpu.memref_slice %arg9[%dma_wait3A_1271] : memref<5x!tpu.dma_semaphore, #tpu.memory_space<semaphore_mem>> -> memref<1x!tpu.dma_semaphore, #tpu.memory_space<semaphore_mem>>
        %dma_wait3A_1279 = tpu.memref_squeeze %dma_wait3A_1278 : memref<1x!tpu.dma_semaphore, #tpu.memory_space<semaphore_mem>> -> memref<!tpu.dma_semaphore, #tpu.memory_space<semaphore_mem>>
        %dma_wait3A_1280 = arith.constant 64 : i32
        %dma_wait3A_1281 = tpu.memref_slice %arg4[%multiple_of3A_1268, %dma_wait3A_1280] : memref<409600x128xf32, #tpu.memory_space<hbm>> -> memref<128x64xf32, #tpu.memory_space<hbm>>
        %dma_wait3A_1282 = arith.constant 0 : i32
        %dma_wait3A_1283 = arith.constant 0 : i32
        %dma_wait3A_1284 = tpu.memref_slice %arg7[%dma_wait3A_1269, %dma_wait3A_1270, %dma_wait3A_1282, %dma_wait3A_1283] : memref<5x2x128x64xf32, #tpu.memory_space<vmem>> -> memref<1x1x128x64xf32, #tpu.memory_space<vmem>>
        %dma_wait3A_1285 = tpu.memref_squeeze %dma_wait3A_1284 : memref<1x1x128x64xf32, #tpu.memory_space<vmem>> -> memref<128x64xf32, #tpu.memory_space<vmem>>
        tpu.wait_dma2 semaphore(%dma_wait3A_1279 : memref<!tpu.dma_semaphore, #tpu.memory_space<semaphore_mem>>) src(%dma_wait3A_1285 : memref<128x64xf32, #tpu.memory_space<vmem>>) dst(%dma_wait3A_1281 : memref<128x64xf32, #tpu.memory_space<hbm>>)
      } else {
      }
      %ge3A_1098 = arith.constant 1 : i32
      %ge3A_1099 = arith.cmpi sge, %add3A_1095, %ge3A_1098 : i32
      %convert_element_type3A_1100 = arith.extui %ge3A_1099 : i1 to i32
      %cond3A_1101 = arith.constant 0 : i32
      %cond3A_1102 = arith.cmpi ne, %convert_element_type3A_1100, %cond3A_1101 : i32
      scf.if %cond3A_1102 {
        %mul3A_1194 = arith.constant 256 : i32
        %mul3A_1195 = arith.muli %add3A_1095, %mul3A_1194 : i32
        %add3A_1196 = arith.constant 0 : i32
        %add3A_1197 = arith.addi %mul3A_1195, %add3A_1196 : i32
        %add3A_1198 = arith.constant 0 : i32
        %add3A_1199 = vector.broadcast %add3A_1198 : i32 to vector<16xi32>
        %add3A_1200 = arith.addi %iota3A, %add3A_1199 : vector<16xi32>
        %mul3A_1201 = arith.constant 2 : i32
        %mul3A_1202 = vector.broadcast %mul3A_1201 : i32 to vector<16xi32>
        %mul3A_1203 = arith.muli %mul3A_1202, %add3A_1200 : vector<16xi32>
        %add3A_1204 = vector.broadcast %add3A_1197 : i32 to vector<16xi32>
        %add3A_1205 = arith.addi %add3A_1204, %mul3A_1203 : vector<16xi32>
        %gather3A_1206 = tpu.vector_load_idx %arg5[%add3A_1205] : memref<25600xi32, #tpu.memory_space<vmem>>[vector<16xi32>], vector<16xi32>,
        %swap3A_1207 = arith.constant 0 : i32
        %swap3A_1208 = arith.constant 0 : i32
        %swap3A_1209 = arith.index_cast %swap3A_1207 : i32 to index
        %swap3A_1210 = arith.index_cast %swap3A_1208 : i32 to index
        %swap3A_1211 = arith.constant 0 : index
        %swap3A_1212 = tpu.vector_load %arg6[%swap3A_1209, %swap3A_1210, %swap3A_1211] {strides = array<i32>} : memref<5x2x128xi32, #tpu.memory_space<vmem>>, vector<16xi32>,
        tpu.vector_store %arg6[%swap3A_1209, %swap3A_1210, %swap3A_1211], %gather3A_1206 {strides = array<i32>} : memref<5x2x128xi32, #tpu.memory_space<vmem>>, vector<16xi32>,
        %mul3A_1213 = arith.constant 256 : i32
        %mul3A_1214 = arith.muli %add3A_1095, %mul3A_1213 : i32
        %add3A_1215 = arith.constant 0 : i32
        %add3A_1216 = arith.addi %mul3A_1214, %add3A_1215 : i32
        %add3A_1217 = arith.constant 16 : i32
        %add3A_1218 = vector.broadcast %add3A_1217 : i32 to vector<16xi32>
        %add3A_1219 = arith.addi %iota3A, %add3A_1218 : vector<16xi32>
        %mul3A_1220 = arith.constant 2 : i32
        %mul3A_1221 = vector.broadcast %mul3A_1220 : i32 to vector<16xi32>
        %mul3A_1222 = arith.muli %mul3A_1221, %add3A_1219 : vector<16xi32>
        %add3A_1223 = vector.broadcast %add3A_1216 : i32 to vector<16xi32>
        %add3A_1224 = arith.addi %add3A_1223, %mul3A_1222 : vector<16xi32>
        %gather3A_1225 = tpu.vector_load_idx %arg5[%add3A_1224] : memref<25600xi32, #tpu.memory_space<vmem>>[vector<16xi32>], vector<16xi32>,
        %swap3A_1226 = arith.constant 0 : i32
        %swap3A_1227 = arith.constant 0 : i32
        %swap3A_1228 = arith.index_cast %swap3A_1226 : i32 to index
        %swap3A_1229 = arith.index_cast %swap3A_1227 : i32 to index
        %swap3A_1230 = arith.constant 16 : index
        %swap3A_1231 = tpu.vector_load %arg6[%swap3A_1228, %swap3A_1229, %swap3A_1230] {strides = array<i32>} : memref<5x2x128xi32, #tpu.memory_space<vmem>>, vector<16xi32>,
        tpu.vector_store %arg6[%swap3A_1228, %swap3A_1229, %swap3A_1230], %gather3A_1225 {strides = array<i32>} : memref<5x2x128xi32, #tpu.memory_space<vmem>>, vector<16xi32>,
        %mul3A_1232 = arith.constant 256 : i32
        %mul3A_1233 = arith.muli %add3A_1095, %mul3A_1232 : i32
        %add3A_1234 = arith.constant 0 : i32
        %add3A_1235 = arith.addi %mul3A_1233, %add3A_1234 : i32
        %add3A_1236 = arith.constant 32 : i32
        %add3A_1237 = vector.broadcast %add3A_1236 : i32 to vector<16xi32>
        %add3A_1238 = arith.addi %iota3A, %add3A_1237 : vector<16xi32>
        %mul3A_1239 = arith.constant 2 : i32
        %mul3A_1240 = vector.broadcast %mul3A_1239 : i32 to vector<16xi32>
        %mul3A_1241 = arith.muli %mul3A_1240, %add3A_1238 : vector<16xi32>
        %add3A_1242 = vector.broadcast %add3A_1235 : i32 to vector<16xi32>
        %add3A_1243 = arith.addi %add3A_1242, %mul3A_1241 : vector<16xi32>
        %gather3A_1244 = tpu.vector_load_idx %arg5[%add3A_1243] : memref<25600xi32, #tpu.memory_space<vmem>>[vector<16xi32>], vector<16xi32>,
        %swap3A_1245 = arith.constant 0 : i32
        %swap3A_1246 = arith.constant 0 : i32
        %swap3A_1247 = arith.index_cast %swap3A_1245 : i32 to index
        %swap3A_1248 = arith.index_cast %swap3A_1246 : i32 to index
        %swap3A_1249 = arith.constant 32 : index
        %swap3A_1250 = tpu.vector_load %arg6[%swap3A_1247, %swap3A_1248, %swap3A_1249] {strides = array<i32>} : memref<5x2x128xi32, #tpu.memory_space<vmem>>, vector<16xi32>,
        tpu.vector_store %arg6[%swap3A_1247, %swap3A_1248, %swap3A_1249], %gather3A_1244 {strides = array<i32>} : memref<5x2x128xi32, #tpu.memory_space<vmem>>, vector<16xi32>,
        %mul3A_1251 = arith.constant 256 : i32
        %mul3A_1252 = arith.muli %add3A_1095, %mul3A_1251 : i32
        %add3A_1253 = arith.constant 0 : i32
        %add3A_1254 = arith.addi %mul3A_1252, %add3A_1253 : i32
        %add3A_1255 = arith.constant 48 : i32
        %add3A_1256 = vector.broadcast %add3A_1255 : i32 to vector<16xi32>
        %add3A_1257 = arith.addi %iota3A, %add3A_1256 : vector<16xi32>
        %mul3A_1258 = arith.constant 2 : i32
        %mul3A_1259 = vector.broadcast %mul3A_1258 : i32 to vector<16xi32>
        %mul3A_1260 = arith.muli %mul3A_1259, %add3A_1257 : vector<16xi32>
        %add3A_1261 = vector.broadcast %add3A_1254 : i32 to vector<16xi32>
        %add3A_1262 = arith.addi %add3A_1261, %mul3A_1260 : vector<16xi32>
        %gather3A_1263 = tpu.vector_load_idx %arg5[%add3A_1262] : memref<25600xi32, #tpu.memory_space<vmem>>[vector<16xi32>], vector<16xi32>,
        %swap3A_1264 = arith.constant 0 : i32
        %swap3A_1265 = arith.constant 0 : i32
        %swap3A_1266 = arith.index_cast %swap3A_1264 : i32 to index
        %swap3A_1267 = arith.index_cast %swap3A_1265 : i32 to index
        %swap3A_1268 = arith.constant 48 : index
        %swap3A_1269 = tpu.vector_load %arg6[%swap3A_1266, %swap3A_1267, %swap3A_1268] {strides = array<i32>} : memref<5x2x128xi32, #tpu.memory_space<vmem>>, vector<16xi32>,
        tpu.vector_store %arg6[%swap3A_1266, %swap3A_1267, %swap3A_1268], %gather3A_1263 {strides = array<i32>} : memref<5x2x128xi32, #tpu.memory_space<vmem>>, vector<16xi32>,
        %mul3A_1270 = arith.constant 256 : i32
        %mul3A_1271 = arith.muli %add3A_1095, %mul3A_1270 : i32
        %add3A_1272 = arith.constant 0 : i32
        %add3A_1273 = arith.addi %mul3A_1271, %add3A_1272 : i32
        %add3A_1274 = arith.constant 64 : i32
        %add3A_1275 = vector.broadcast %add3A_1274 : i32 to vector<16xi32>
        %add3A_1276 = arith.addi %iota3A, %add3A_1275 : vector<16xi32>
        %mul3A_1277 = arith.constant 2 : i32
        %mul3A_1278 = vector.broadcast %mul3A_1277 : i32 to vector<16xi32>
        %mul3A_1279 = arith.muli %mul3A_1278, %add3A_1276 : vector<16xi32>
        %add3A_1280 = vector.broadcast %add3A_1273 : i32 to vector<16xi32>
        %add3A_1281 = arith.addi %add3A_1280, %mul3A_1279 : vector<16xi32>
        %gather3A_1282 = tpu.vector_load_idx %arg5[%add3A_1281] : memref<25600xi32, #tpu.memory_space<vmem>>[vector<16xi32>], vector<16xi32>,
        %swap3A_1283 = arith.constant 0 : i32
        %swap3A_1284 = arith.constant 0 : i32
        %swap3A_1285 = arith.index_cast %swap3A_1283 : i32 to index
        %swap3A_1286 = arith.index_cast %swap3A_1284 : i32 to index
        %swap3A_1287 = arith.constant 64 : index
        %swap3A_1288 = tpu.vector_load %arg6[%swap3A_1285, %swap3A_1286, %swap3A_1287] {strides = array<i32>} : memref<5x2x128xi32, #tpu.memory_space<vmem>>, vector<16xi32>,
        tpu.vector_store %arg6[%swap3A_1285, %swap3A_1286, %swap3A_1287], %gather3A_1282 {strides = array<i32>} : memref<5x2x128xi32, #tpu.memory_space<vmem>>, vector<16xi32>,
        %mul3A_1289 = arith.constant 256 : i32
        %mul3A_1290 = arith.muli %add3A_1095, %mul3A_1289 : i32
        %add3A_1291 = arith.constant 0 : i32
        %add3A_1292 = arith.addi %mul3A_1290, %add3A_1291 : i32
        %add3A_1293 = arith.constant 80 : i32
        %add3A_1294 = vector.broadcast %add3A_1293 : i32 to vector<16xi32>
        %add3A_1295 = arith.addi %iota3A, %add3A_1294 : vector<16xi32>
        %mul3A_1296 = arith.constant 2 : i32
        %mul3A_1297 = vector.broadcast %mul3A_1296 : i32 to vector<16xi32>
        %mul3A_1298 = arith.muli %mul3A_1297, %add3A_1295 : vector<16xi32>
        %add3A_1299 = vector.broadcast %add3A_1292 : i32 to vector<16xi32>
        %add3A_1300 = arith.addi %add3A_1299, %mul3A_1298 : vector<16xi32>
        %gather3A_1301 = tpu.vector_load_idx %arg5[%add3A_1300] : memref<25600xi32, #tpu.memory_space<vmem>>[vector<16xi32>], vector<16xi32>,
        %swap3A_1302 = arith.constant 0 : i32
        %swap3A_1303 = arith.constant 0 : i32
        %swap3A_1304 = arith.index_cast %swap3A_1302 : i32 to index
        %swap3A_1305 = arith.index_cast %swap3A_1303 : i32 to index
        %swap3A_1306 = arith.constant 80 : index
        %swap3A_1307 = tpu.vector_load %arg6[%swap3A_1304, %swap3A_1305, %swap3A_1306] {strides = array<i32>} : memref<5x2x128xi32, #tpu.memory_space<vmem>>, vector<16xi32>,
        tpu.vector_store %arg6[%swap3A_1304, %swap3A_1305, %swap3A_1306], %gather3A_1301 {strides = array<i32>} : memref<5x2x128xi32, #tpu.memory_space<vmem>>, vector<16xi32>,
        %mul3A_1308 = arith.constant 256 : i32
        %mul3A_1309 = arith.muli %add3A_1095, %mul3A_1308 : i32
        %add3A_1310 = arith.constant 0 : i32
        %add3A_1311 = arith.addi %mul3A_1309, %add3A_1310 : i32
        %add3A_1312 = arith.constant 96 : i32
        %add3A_1313 = vector.broadcast %add3A_1312 : i32 to vector<16xi32>
        %add3A_1314 = arith.addi %iota3A, %add3A_1313 : vector<16xi32>
        %mul3A_1315 = arith.constant 2 : i32
        %mul3A_1316 = vector.broadcast %mul3A_1315 : i32 to vector<16xi32>
        %mul3A_1317 = arith.muli %mul3A_1316, %add3A_1314 : vector<16xi32>
        %add3A_1318 = vector.broadcast %add3A_1311 : i32 to vector<16xi32>
        %add3A_1319 = arith.addi %add3A_1318, %mul3A_1317 : vector<16xi32>
        %gather3A_1320 = tpu.vector_load_idx %arg5[%add3A_1319] : memref<25600xi32, #tpu.memory_space<vmem>>[vector<16xi32>], vector<16xi32>,
        %swap3A_1321 = arith.constant 0 : i32
        %swap3A_1322 = arith.constant 0 : i32
        %swap3A_1323 = arith.index_cast %swap3A_1321 : i32 to index
        %swap3A_1324 = arith.index_cast %swap3A_1322 : i32 to index
        %swap3A_1325 = arith.constant 96 : index
        %swap3A_1326 = tpu.vector_load %arg6[%swap3A_1323, %swap3A_1324, %swap3A_1325] {strides = array<i32>} : memref<5x2x128xi32, #tpu.memory_space<vmem>>, vector<16xi32>,
        tpu.vector_store %arg6[%swap3A_1323, %swap3A_1324, %swap3A_1325], %gather3A_1320 {strides = array<i32>} : memref<5x2x128xi32, #tpu.memory_space<vmem>>, vector<16xi32>,
        %mul3A_1327 = arith.constant 256 : i32
        %mul3A_1328 = arith.muli %add3A_1095, %mul3A_1327 : i32
        %add3A_1329 = arith.constant 0 : i32
        %add3A_1330 = arith.addi %mul3A_1328, %add3A_1329 : i32
        %add3A_1331 = arith.constant 112 : i32
        %add3A_1332 = vector.broadcast %add3A_1331 : i32 to vector<16xi32>
        %add3A_1333 = arith.addi %iota3A, %add3A_1332 : vector<16xi32>
        %mul3A_1334 = arith.constant 2 : i32
        %mul3A_1335 = vector.broadcast %mul3A_1334 : i32 to vector<16xi32>
        %mul3A_1336 = arith.muli %mul3A_1335, %add3A_1333 : vector<16xi32>
        %add3A_1337 = vector.broadcast %add3A_1330 : i32 to vector<16xi32>
        %add3A_1338 = arith.addi %add3A_1337, %mul3A_1336 : vector<16xi32>
        %gather3A_1339 = tpu.vector_load_idx %arg5[%add3A_1338] : memref<25600xi32, #tpu.memory_space<vmem>>[vector<16xi32>], vector<16xi32>,
        %swap3A_1340 = arith.constant 0 : i32
        %swap3A_1341 = arith.constant 0 : i32
        %swap3A_1342 = arith.index_cast %swap3A_1340 : i32 to index
        %swap3A_1343 = arith.index_cast %swap3A_1341 : i32 to index
        %swap3A_1344 = arith.constant 112 : index
        %swap3A_1345 = tpu.vector_load %arg6[%swap3A_1342, %swap3A_1343, %swap3A_1344] {strides = array<i32>} : memref<5x2x128xi32, #tpu.memory_space<vmem>>, vector<16xi32>,
        tpu.vector_store %arg6[%swap3A_1342, %swap3A_1343, %swap3A_1344], %gather3A_1339 {strides = array<i32>} : memref<5x2x128xi32, #tpu.memory_space<vmem>>, vector<16xi32>,
        %mul3A_1346 = arith.constant 256 : i32
        %mul3A_1347 = arith.muli %add3A_1095, %mul3A_1346 : i32
        %add3A_1348 = arith.constant 1 : i32
        %add3A_1349 = arith.addi %mul3A_1347, %add3A_1348 : i32
        %add3A_1350 = arith.constant 0 : i32
        %add3A_1351 = vector.broadcast %add3A_1350 : i32 to vector<16xi32>
        %add3A_1352 = arith.addi %iota3A, %add3A_1351 : vector<16xi32>
        %mul3A_1353 = arith.constant 2 : i32
        %mul3A_1354 = vector.broadcast %mul3A_1353 : i32 to vector<16xi32>
        %mul3A_1355 = arith.muli %mul3A_1354, %add3A_1352 : vector<16xi32>
        %add3A_1356 = vector.broadcast %add3A_1349 : i32 to vector<16xi32>
        %add3A_1357 = arith.addi %add3A_1356, %mul3A_1355 : vector<16xi32>
        %gather3A_1358 = tpu.vector_load_idx %arg5[%add3A_1357] : memref<25600xi32, #tpu.memory_space<vmem>>[vector<16xi32>], vector<16xi32>,
        %swap3A_1359 = arith.constant 0 : i32
        %swap3A_1360 = arith.constant 1 : i32
        %swap3A_1361 = arith.index_cast %swap3A_1359 : i32 to index
        %swap3A_1362 = arith.index_cast %swap3A_1360 : i32 to index
        %swap3A_1363 = arith.constant 0 : index
        %swap3A_1364 = tpu.vector_load %arg6[%swap3A_1361, %swap3A_1362, %swap3A_1363] {strides = array<i32>} : memref<5x2x128xi32, #tpu.memory_space<vmem>>, vector<16xi32>,
        tpu.vector_store %arg6[%swap3A_1361, %swap3A_1362, %swap3A_1363], %gather3A_1358 {strides = array<i32>} : memref<5x2x128xi32, #tpu.memory_space<vmem>>, vector<16xi32>,
        %mul3A_1365 = arith.constant 256 : i32
        %mul3A_1366 = arith.muli %add3A_1095, %mul3A_1365 : i32
        %add3A_1367 = arith.constant 1 : i32
        %add3A_1368 = arith.addi %mul3A_1366, %add3A_1367 : i32
        %add3A_1369 = arith.constant 16 : i32
        %add3A_1370 = vector.broadcast %add3A_1369 : i32 to vector<16xi32>
        %add3A_1371 = arith.addi %iota3A, %add3A_1370 : vector<16xi32>
        %mul3A_1372 = arith.constant 2 : i32
        %mul3A_1373 = vector.broadcast %mul3A_1372 : i32 to vector<16xi32>
        %mul3A_1374 = arith.muli %mul3A_1373, %add3A_1371 : vector<16xi32>
        %add3A_1375 = vector.broadcast %add3A_1368 : i32 to vector<16xi32>
        %add3A_1376 = arith.addi %add3A_1375, %mul3A_1374 : vector<16xi32>
        %gather3A_1377 = tpu.vector_load_idx %arg5[%add3A_1376] : memref<25600xi32, #tpu.memory_space<vmem>>[vector<16xi32>], vector<16xi32>,
        %swap3A_1378 = arith.constant 0 : i32
        %swap3A_1379 = arith.constant 1 : i32
        %swap3A_1380 = arith.index_cast %swap3A_1378 : i32 to index
        %swap3A_1381 = arith.index_cast %swap3A_1379 : i32 to index
        %swap3A_1382 = arith.constant 16 : index
        %swap3A_1383 = tpu.vector_load %arg6[%swap3A_1380, %swap3A_1381, %swap3A_1382] {strides = array<i32>} : memref<5x2x128xi32, #tpu.memory_space<vmem>>, vector<16xi32>,
        tpu.vector_store %arg6[%swap3A_1380, %swap3A_1381, %swap3A_1382], %gather3A_1377 {strides = array<i32>} : memref<5x2x128xi32, #tpu.memory_space<vmem>>, vector<16xi32>,
        %mul3A_1384 = arith.constant 256 : i32
        %mul3A_1385 = arith.muli %add3A_1095, %mul3A_1384 : i32
        %add3A_1386 = arith.constant 1 : i32
        %add3A_1387 = arith.addi %mul3A_1385, %add3A_1386 : i32
        %add3A_1388 = arith.constant 32 : i32
        %add3A_1389 = vector.broadcast %add3A_1388 : i32 to vector<16xi32>
        %add3A_1390 = arith.addi %iota3A, %add3A_1389 : vector<16xi32>
        %mul3A_1391 = arith.constant 2 : i32
        %mul3A_1392 = vector.broadcast %mul3A_1391 : i32 to vector<16xi32>
        %mul3A_1393 = arith.muli %mul3A_1392, %add3A_1390 : vector<16xi32>
        %add3A_1394 = vector.broadcast %add3A_1387 : i32 to vector<16xi32>
        %add3A_1395 = arith.addi %add3A_1394, %mul3A_1393 : vector<16xi32>
        %gather3A_1396 = tpu.vector_load_idx %arg5[%add3A_1395] : memref<25600xi32, #tpu.memory_space<vmem>>[vector<16xi32>], vector<16xi32>,
        %swap3A_1397 = arith.constant 0 : i32
        %swap3A_1398 = arith.constant 1 : i32
        %swap3A_1399 = arith.index_cast %swap3A_1397 : i32 to index
        %swap3A_1400 = arith.index_cast %swap3A_1398 : i32 to index
        %swap3A_1401 = arith.constant 32 : index
        %swap3A_1402 = tpu.vector_load %arg6[%swap3A_1399, %swap3A_1400, %swap3A_1401] {strides = array<i32>} : memref<5x2x128xi32, #tpu.memory_space<vmem>>, vector<16xi32>,
        tpu.vector_store %arg6[%swap3A_1399, %swap3A_1400, %swap3A_1401], %gather3A_1396 {strides = array<i32>} : memref<5x2x128xi32, #tpu.memory_space<vmem>>, vector<16xi32>,
        %mul3A_1403 = arith.constant 256 : i32
        %mul3A_1404 = arith.muli %add3A_1095, %mul3A_1403 : i32
        %add3A_1405 = arith.constant 1 : i32
        %add3A_1406 = arith.addi %mul3A_1404, %add3A_1405 : i32
        %add3A_1407 = arith.constant 48 : i32
        %add3A_1408 = vector.broadcast %add3A_1407 : i32 to vector<16xi32>
        %add3A_1409 = arith.addi %iota3A, %add3A_1408 : vector<16xi32>
        %mul3A_1410 = arith.constant 2 : i32
        %mul3A_1411 = vector.broadcast %mul3A_1410 : i32 to vector<16xi32>
        %mul3A_1412 = arith.muli %mul3A_1411, %add3A_1409 : vector<16xi32>
        %add3A_1413 = vector.broadcast %add3A_1406 : i32 to vector<16xi32>
        %add3A_1414 = arith.addi %add3A_1413, %mul3A_1412 : vector<16xi32>
        %gather3A_1415 = tpu.vector_load_idx %arg5[%add3A_1414] : memref<25600xi32, #tpu.memory_space<vmem>>[vector<16xi32>], vector<16xi32>,
        %swap3A_1416 = arith.constant 0 : i32
        %swap3A_1417 = arith.constant 1 : i32
        %swap3A_1418 = arith.index_cast %swap3A_1416 : i32 to index
        %swap3A_1419 = arith.index_cast %swap3A_1417 : i32 to index
        %swap3A_1420 = arith.constant 48 : index
        %swap3A_1421 = tpu.vector_load %arg6[%swap3A_1418, %swap3A_1419, %swap3A_1420] {strides = array<i32>} : memref<5x2x128xi32, #tpu.memory_space<vmem>>, vector<16xi32>,
        tpu.vector_store %arg6[%swap3A_1418, %swap3A_1419, %swap3A_1420], %gather3A_1415 {strides = array<i32>} : memref<5x2x128xi32, #tpu.memory_space<vmem>>, vector<16xi32>,
        %mul3A_1422 = arith.constant 256 : i32
        %mul3A_1423 = arith.muli %add3A_1095, %mul3A_1422 : i32
        %add3A_1424 = arith.constant 1 : i32
        %add3A_1425 = arith.addi %mul3A_1423, %add3A_1424 : i32
        %add3A_1426 = arith.constant 64 : i32
        %add3A_1427 = vector.broadcast %add3A_1426 : i32 to vector<16xi32>
        %add3A_1428 = arith.addi %iota3A, %add3A_1427 : vector<16xi32>
        %mul3A_1429 = arith.constant 2 : i32
        %mul3A_1430 = vector.broadcast %mul3A_1429 : i32 to vector<16xi32>
        %mul3A_1431 = arith.muli %mul3A_1430, %add3A_1428 : vector<16xi32>
        %add3A_1432 = vector.broadcast %add3A_1425 : i32 to vector<16xi32>
        %add3A_1433 = arith.addi %add3A_1432, %mul3A_1431 : vector<16xi32>
        %gather3A_1434 = tpu.vector_load_idx %arg5[%add3A_1433] : memref<25600xi32, #tpu.memory_space<vmem>>[vector<16xi32>], vector<16xi32>,
        %swap3A_1435 = arith.constant 0 : i32
        %swap3A_1436 = arith.constant 1 : i32
        %swap3A_1437 = arith.index_cast %swap3A_1435 : i32 to index
        %swap3A_1438 = arith.index_cast %swap3A_1436 : i32 to index
        %swap3A_1439 = arith.constant 64 : index
        %swap3A_1440 = tpu.vector_load %arg6[%swap3A_1437, %swap3A_1438, %swap3A_1439] {strides = array<i32>} : memref<5x2x128xi32, #tpu.memory_space<vmem>>, vector<16xi32>,
        tpu.vector_store %arg6[%swap3A_1437, %swap3A_1438, %swap3A_1439], %gather3A_1434 {strides = array<i32>} : memref<5x2x128xi32, #tpu.memory_space<vmem>>, vector<16xi32>,
        %mul3A_1441 = arith.constant 256 : i32
        %mul3A_1442 = arith.muli %add3A_1095, %mul3A_1441 : i32
        %add3A_1443 = arith.constant 1 : i32
        %add3A_1444 = arith.addi %mul3A_1442, %add3A_1443 : i32
        %add3A_1445 = arith.constant 80 : i32
        %add3A_1446 = vector.broadcast %add3A_1445 : i32 to vector<16xi32>
        %add3A_1447 = arith.addi %iota3A, %add3A_1446 : vector<16xi32>
        %mul3A_1448 = arith.constant 2 : i32
        %mul3A_1449 = vector.broadcast %mul3A_1448 : i32 to vector<16xi32>
        %mul3A_1450 = arith.muli %mul3A_1449, %add3A_1447 : vector<16xi32>
        %add3A_1451 = vector.broadcast %add3A_1444 : i32 to vector<16xi32>
        %add3A_1452 = arith.addi %add3A_1451, %mul3A_1450 : vector<16xi32>
        %gather3A_1453 = tpu.vector_load_idx %arg5[%add3A_1452] : memref<25600xi32, #tpu.memory_space<vmem>>[vector<16xi32>], vector<16xi32>,
        %swap3A_1454 = arith.constant 0 : i32
        %swap3A_1455 = arith.constant 1 : i32
        %swap3A_1456 = arith.index_cast %swap3A_1454 : i32 to index
        %swap3A_1457 = arith.index_cast %swap3A_1455 : i32 to index
        %swap3A_1458 = arith.constant 80 : index
        %swap3A_1459 = tpu.vector_load %arg6[%swap3A_1456, %swap3A_1457, %swap3A_1458] {strides = array<i32>} : memref<5x2x128xi32, #tpu.memory_space<vmem>>, vector<16xi32>,
        tpu.vector_store %arg6[%swap3A_1456, %swap3A_1457, %swap3A_1458], %gather3A_1453 {strides = array<i32>} : memref<5x2x128xi32, #tpu.memory_space<vmem>>, vector<16xi32>,
        %mul3A_1460 = arith.constant 256 : i32
        %mul3A_1461 = arith.muli %add3A_1095, %mul3A_1460 : i32
        %add3A_1462 = arith.constant 1 : i32
        %add3A_1463 = arith.addi %mul3A_1461, %add3A_1462 : i32
        %add3A_1464 = arith.constant 96 : i32
        %add3A_1465 = vector.broadcast %add3A_1464 : i32 to vector<16xi32>
        %add3A_1466 = arith.addi %iota3A, %add3A_1465 : vector<16xi32>
        %mul3A_1467 = arith.constant 2 : i32
        %mul3A_1468 = vector.broadcast %mul3A_1467 : i32 to vector<16xi32>
        %mul3A_1469 = arith.muli %mul3A_1468, %add3A_1466 : vector<16xi32>
        %add3A_1470 = vector.broadcast %add3A_1463 : i32 to vector<16xi32>
        %add3A_1471 = arith.addi %add3A_1470, %mul3A_1469 : vector<16xi32>
        %gather3A_1472 = tpu.vector_load_idx %arg5[%add3A_1471] : memref<25600xi32, #tpu.memory_space<vmem>>[vector<16xi32>], vector<16xi32>,
        %swap3A_1473 = arith.constant 0 : i32
        %swap3A_1474 = arith.constant 1 : i32
        %swap3A_1475 = arith.index_cast %swap3A_1473 : i32 to index
        %swap3A_1476 = arith.index_cast %swap3A_1474 : i32 to index
        %swap3A_1477 = arith.constant 96 : index
        %swap3A_1478 = tpu.vector_load %arg6[%swap3A_1475, %swap3A_1476, %swap3A_1477] {strides = array<i32>} : memref<5x2x128xi32, #tpu.memory_space<vmem>>, vector<16xi32>,
        tpu.vector_store %arg6[%swap3A_1475, %swap3A_1476, %swap3A_1477], %gather3A_1472 {strides = array<i32>} : memref<5x2x128xi32, #tpu.memory_space<vmem>>, vector<16xi32>,
        %mul3A_1479 = arith.constant 256 : i32
        %mul3A_1480 = arith.muli %add3A_1095, %mul3A_1479 : i32
        %add3A_1481 = arith.constant 1 : i32
        %add3A_1482 = arith.addi %mul3A_1480, %add3A_1481 : i32
        %add3A_1483 = arith.constant 112 : i32
        %add3A_1484 = vector.broadcast %add3A_1483 : i32 to vector<16xi32>
        %add3A_1485 = arith.addi %iota3A, %add3A_1484 : vector<16xi32>
        %mul3A_1486 = arith.constant 2 : i32
        %mul3A_1487 = vector.broadcast %mul3A_1486 : i32 to vector<16xi32>
        %mul3A_1488 = arith.muli %mul3A_1487, %add3A_1485 : vector<16xi32>
        %add3A_1489 = vector.broadcast %add3A_1482 : i32 to vector<16xi32>
        %add3A_1490 = arith.addi %add3A_1489, %mul3A_1488 : vector<16xi32>
        %gather3A_1491 = tpu.vector_load_idx %arg5[%add3A_1490] : memref<25600xi32, #tpu.memory_space<vmem>>[vector<16xi32>], vector<16xi32>,
        %swap3A_1492 = arith.constant 0 : i32
        %swap3A_1493 = arith.constant 1 : i32
        %swap3A_1494 = arith.index_cast %swap3A_1492 : i32 to index
        %swap3A_1495 = arith.index_cast %swap3A_1493 : i32 to index
        %swap3A_1496 = arith.constant 112 : index
        %swap3A_1497 = tpu.vector_load %arg6[%swap3A_1494, %swap3A_1495, %swap3A_1496] {strides = array<i32>} : memref<5x2x128xi32, #tpu.memory_space<vmem>>, vector<16xi32>,
        tpu.vector_store %arg6[%swap3A_1494, %swap3A_1495, %swap3A_1496], %gather3A_1491 {strides = array<i32>} : memref<5x2x128xi32, #tpu.memory_space<vmem>>, vector<16xi32>,
        %dma_start3A_1498 = arith.constant 0 : i32
        %dma_start3A_1499 = arith.constant 0 : i32
        %dma_start3A_1500 = arith.constant 0 : i32
        %dma_start3A_1501 = arith.constant 0 : i32
        %dma_start3A_1502 = arith.constant 0 : i32
        %dma_start3A_1503 = arith.constant 0 : i32
        %dma_start3A_1504 = arith.constant 0 : i32
        %dma_start3A_1505 = tpu.memref_slice %arg7[%dma_start3A_1500, %dma_start3A_1501, %dma_start3A_1503, %dma_start3A_1504] : memref<5x2x128x64xf32, #tpu.memory_space<vmem>> -> memref<1x1x128x64xf32, #tpu.memory_space<vmem>>
        %dma_start3A_1506 = tpu.memref_squeeze %dma_start3A_1505 : memref<1x1x128x64xf32, #tpu.memory_space<vmem>> -> memref<128x64xf32, #tpu.memory_space<vmem>>
        %dma_start3A_1507 = arith.constant 0 : i32
        %dma_start3A_1508 = tpu.memref_slice %arg6[%dma_start3A_1498, %dma_start3A_1499, %dma_start3A_1507] : memref<5x2x128xi32, #tpu.memory_space<vmem>> -> memref<1x1x128xi32, #tpu.memory_space<vmem>>
        %dma_start3A_1509 = tpu.memref_squeeze %dma_start3A_1508 : memref<1x1x128xi32, #tpu.memory_space<vmem>> -> memref<128xi32, #tpu.memory_space<vmem>>
        %dma_start3A_1510 = arith.constant 0 : i32
        %dma_start3A_1511 = arith.constant 0 : i32
        %dma_start3A_1512 = tpu.memref_slice %arg3[%dma_start3A_1510, %dma_start3A_1511] : memref<1000000x64xf32, #tpu.memory_space<hbm>> -> memref<1000000x64xf32, #tpu.memory_space<hbm>>
        %dma_start3A_1513 = tpu.memref_slice %arg8[%dma_start3A_1502] : memref<5x!tpu.dma_semaphore, #tpu.memory_space<semaphore_mem>> -> memref<1x!tpu.dma_semaphore, #tpu.memory_space<semaphore_mem>>
        %dma_start3A_1514 = tpu.memref_squeeze %dma_start3A_1513 : memref<1x!tpu.dma_semaphore, #tpu.memory_space<semaphore_mem>> -> memref<!tpu.dma_semaphore, #tpu.memory_space<semaphore_mem>>
        tpu.enqueue_indirect_dma source(%dma_start3A_1512 : memref<1000000x64xf32, #tpu.memory_space<hbm>>) target(%dma_start3A_1506 : memref<128x64xf32, #tpu.memory_space<vmem>>) offsets(%dma_start3A_1509 : memref<128xi32, #tpu.memory_space<vmem>>) semaphore(%dma_start3A_1514 : memref<!tpu.dma_semaphore, #tpu.memory_space<semaphore_mem>>)
        %dma_start3A_1515 = arith.constant 0 : i32
        %dma_start3A_1516 = arith.constant 1 : i32
        %dma_start3A_1517 = arith.constant 0 : i32
        %dma_start3A_1518 = arith.constant 1 : i32
        %dma_start3A_1519 = arith.constant 0 : i32
        %dma_start3A_1520 = arith.constant 0 : i32
        %dma_start3A_1521 = arith.constant 0 : i32
        %dma_start3A_1522 = tpu.memref_slice %arg7[%dma_start3A_1517, %dma_start3A_1518, %dma_start3A_1520, %dma_start3A_1521] : memref<5x2x128x64xf32, #tpu.memory_space<vmem>> -> memref<1x1x128x64xf32, #tpu.memory_space<vmem>>
        %dma_start3A_1523 = tpu.memref_squeeze %dma_start3A_1522 : memref<1x1x128x64xf32, #tpu.memory_space<vmem>> -> memref<128x64xf32, #tpu.memory_space<vmem>>
        %dma_start3A_1524 = arith.constant 0 : i32
        %dma_start3A_1525 = tpu.memref_slice %arg6[%dma_start3A_1515, %dma_start3A_1516, %dma_start3A_1524] : memref<5x2x128xi32, #tpu.memory_space<vmem>> -> memref<1x1x128xi32, #tpu.memory_space<vmem>>
        %dma_start3A_1526 = tpu.memref_squeeze %dma_start3A_1525 : memref<1x1x128xi32, #tpu.memory_space<vmem>> -> memref<128xi32, #tpu.memory_space<vmem>>
        %dma_start3A_1527 = arith.constant 0 : i32
        %dma_start3A_1528 = arith.constant 0 : i32
        %dma_start3A_1529 = tpu.memref_slice %arg3[%dma_start3A_1527, %dma_start3A_1528] : memref<1000000x64xf32, #tpu.memory_space<hbm>> -> memref<1000000x64xf32, #tpu.memory_space<hbm>>
        %dma_start3A_1530 = tpu.memref_slice %arg8[%dma_start3A_1519] : memref<5x!tpu.dma_semaphore, #tpu.memory_space<semaphore_mem>> -> memref<1x!tpu.dma_semaphore, #tpu.memory_space<semaphore_mem>>
        %dma_start3A_1531 = tpu.memref_squeeze %dma_start3A_1530 : memref<1x!tpu.dma_semaphore, #tpu.memory_space<semaphore_mem>> -> memref<!tpu.dma_semaphore, #tpu.memory_space<semaphore_mem>>
        tpu.enqueue_indirect_dma source(%dma_start3A_1529 : memref<1000000x64xf32, #tpu.memory_space<hbm>>) target(%dma_start3A_1523 : memref<128x64xf32, #tpu.memory_space<vmem>>) offsets(%dma_start3A_1526 : memref<128xi32, #tpu.memory_space<vmem>>) semaphore(%dma_start3A_1531 : memref<!tpu.dma_semaphore, #tpu.memory_space<semaphore_mem>>)
      } else {
      }
      %sub3A_1103 = arith.constant 3 : i32
      %sub3A_1104 = arith.subi %add3A_1095, %sub3A_1103 : i32
      %ge3A_1105 = arith.constant 3 : i32
      %ge3A_1106 = arith.cmpi sge, %add3A_1095, %ge3A_1105 : i32
      %convert_element_type3A_1107 = arith.extui %ge3A_1106 : i1 to i32
      %cond3A_1108 = arith.constant 0 : i32
      %cond3A_1109 = arith.cmpi ne, %convert_element_type3A_1107, %cond3A_1108 : i32
      scf.if %cond3A_1109 {
        %dma_wait3A_1194 = arith.constant 2 : i32
        %dma_wait3A_1195 = arith.constant 0 : i32
        %dma_wait3A_1196 = arith.constant 2 : i32
        %dma_wait3A_1197 = arith.constant 0 : i32
        %dma_wait3A_1198 = arith.constant 2 : i32
        %dma_wait3A_1199 = arith.constant 0 : i32
        %dma_wait3A_1200 = arith.constant 0 : i32
        %dma_wait3A_1201 = tpu.memref_slice %arg7[%dma_wait3A_1196, %dma_wait3A_1197, %dma_wait3A_1199, %dma_wait3A_1200] : memref<5x2x128x64xf32, #tpu.memory_space<vmem>> -> memref<1x1x128x64xf32, #tpu.memory_space<vmem>>
        %dma_wait3A_1202 = tpu.memref_squeeze %dma_wait3A_1201 : memref<1x1x128x64xf32, #tpu.memory_space<vmem>> -> memref<128x64xf32, #tpu.memory_space<vmem>>
        %dma_wait3A_1203 = arith.constant 0 : i32
        %dma_wait3A_1204 = tpu.memref_slice %arg6[%dma_wait3A_1194, %dma_wait3A_1195, %dma_wait3A_1203] : memref<5x2x128xi32, #tpu.memory_space<vmem>> -> memref<1x1x128xi32, #tpu.memory_space<vmem>>
        %dma_wait3A_1205 = tpu.memref_squeeze %dma_wait3A_1204 : memref<1x1x128xi32, #tpu.memory_space<vmem>> -> memref<128xi32, #tpu.memory_space<vmem>>
        %dma_wait3A_1206 = arith.constant 0 : i32
        %dma_wait3A_1207 = arith.constant 0 : i32
        %dma_wait3A_1208 = tpu.memref_slice %arg3[%dma_wait3A_1206, %dma_wait3A_1207] : memref<1000000x64xf32, #tpu.memory_space<hbm>> -> memref<1000000x64xf32, #tpu.memory_space<hbm>>
        %dma_wait3A_1209 = tpu.memref_slice %arg8[%dma_wait3A_1198] : memref<5x!tpu.dma_semaphore, #tpu.memory_space<semaphore_mem>> -> memref<1x!tpu.dma_semaphore, #tpu.memory_space<semaphore_mem>>
        %dma_wait3A_1210 = tpu.memref_squeeze %dma_wait3A_1209 : memref<1x!tpu.dma_semaphore, #tpu.memory_space<semaphore_mem>> -> memref<!tpu.dma_semaphore, #tpu.memory_space<semaphore_mem>>
        tpu.wait_indirect_dma semaphore(%dma_wait3A_1210 : memref<!tpu.dma_semaphore, #tpu.memory_space<semaphore_mem>>) src(%dma_wait3A_1208 : memref<1000000x64xf32, #tpu.memory_space<hbm>>) dst(%dma_wait3A_1202 : memref<128x64xf32, #tpu.memory_space<vmem>>)
        %dma_wait3A_1211 = arith.constant 2 : i32
        %dma_wait3A_1212 = arith.constant 1 : i32
        %dma_wait3A_1213 = arith.constant 2 : i32
        %dma_wait3A_1214 = arith.constant 1 : i32
        %dma_wait3A_1215 = arith.constant 2 : i32
        %dma_wait3A_1216 = arith.constant 0 : i32
        %dma_wait3A_1217 = arith.constant 0 : i32
        %dma_wait3A_1218 = tpu.memref_slice %arg7[%dma_wait3A_1213, %dma_wait3A_1214, %dma_wait3A_1216, %dma_wait3A_1217] : memref<5x2x128x64xf32, #tpu.memory_space<vmem>> -> memref<1x1x128x64xf32, #tpu.memory_space<vmem>>
        %dma_wait3A_1219 = tpu.memref_squeeze %dma_wait3A_1218 : memref<1x1x128x64xf32, #tpu.memory_space<vmem>> -> memref<128x64xf32, #tpu.memory_space<vmem>>
        %dma_wait3A_1220 = arith.constant 0 : i32
        %dma_wait3A_1221 = tpu.memref_slice %arg6[%dma_wait3A_1211, %dma_wait3A_1212, %dma_wait3A_1220] : memref<5x2x128xi32, #tpu.memory_space<vmem>> -> memref<1x1x128xi32, #tpu.memory_space<vmem>>
        %dma_wait3A_1222 = tpu.memref_squeeze %dma_wait3A_1221 : memref<1x1x128xi32, #tpu.memory_space<vmem>> -> memref<128xi32, #tpu.memory_space<vmem>>
        %dma_wait3A_1223 = arith.constant 0 : i32
        %dma_wait3A_1224 = arith.constant 0 : i32
        %dma_wait3A_1225 = tpu.memref_slice %arg3[%dma_wait3A_1223, %dma_wait3A_1224] : memref<1000000x64xf32, #tpu.memory_space<hbm>> -> memref<1000000x64xf32, #tpu.memory_space<hbm>>
        %dma_wait3A_1226 = tpu.memref_slice %arg8[%dma_wait3A_1215] : memref<5x!tpu.dma_semaphore, #tpu.memory_space<semaphore_mem>> -> memref<1x!tpu.dma_semaphore, #tpu.memory_space<semaphore_mem>>
        %dma_wait3A_1227 = tpu.memref_squeeze %dma_wait3A_1226 : memref<1x!tpu.dma_semaphore, #tpu.memory_space<semaphore_mem>> -> memref<!tpu.dma_semaphore, #tpu.memory_space<semaphore_mem>>
        tpu.wait_indirect_dma semaphore(%dma_wait3A_1227 : memref<!tpu.dma_semaphore, #tpu.memory_space<semaphore_mem>>) src(%dma_wait3A_1225 : memref<1000000x64xf32, #tpu.memory_space<hbm>>) dst(%dma_wait3A_1219 : memref<128x64xf32, #tpu.memory_space<vmem>>)
        %mul3A_1228 = arith.constant 256 : i32
        %mul3A_1229 = arith.muli %sub3A_1104, %mul3A_1228 : i32
        %add3A_1230 = arith.addi %mul3A_2, %mul3A_1229 : i32
        %jit3A_1231 = arith.constant 2 : i32
        %div3A_1232 = arith.divsi %add3A_1230, %jit3A_1231 : i32
        %sign3A_1233 = arith.constant 0 : i32
        %sign3A_1234 = arith.cmpi sgt, %add3A_1230, %sign3A_1233 : i32
        %sign3A_1235 = arith.extui %sign3A_1234 : i1 to i32
        %sign3A_1236 = arith.constant 0 : i32
        %sign3A_1237 = arith.cmpi slt, %add3A_1230, %sign3A_1236 : i32
        %sign3A_1238 = arith.extui %sign3A_1237 : i1 to i32
        %sign3A_1239 = arith.subi %sign3A_1235, %sign3A_1238 : i32
        %sign3A_1240 = arith.constant 0 : i32
        %sign3A_1241 = arith.cmpi sgt, %jit3A_1231, %sign3A_1240 : i32
        %sign3A_1242 = arith.extui %sign3A_1241 : i1 to i32
        %sign3A_1243 = arith.constant 0 : i32
        %sign3A_1244 = arith.cmpi slt, %jit3A_1231, %sign3A_1243 : i32
        %sign3A_1245 = arith.extui %sign3A_1244 : i1 to i32
        %sign3A_1246 = arith.subi %sign3A_1242, %sign3A_1245 : i32
        %ne3A_1247 = arith.cmpi ne, %sign3A_1239, %sign3A_1246 : i32
        %rem3A_1248 = arith.remsi %add3A_1230, %jit3A_1231 : i32
        %ne3A_1249 = arith.constant 0 : i32
        %ne3A_1250 = arith.cmpi ne, %rem3A_1248, %ne3A_1249 : i32
        %and3A_1251 = arith.andi %ne3A_1247, %ne3A_1250 : i1
        %sub3A_1252 = arith.constant 1 : i32
        %sub3A_1253 = arith.subi %div3A_1232, %sub3A_1252 : i32
        %select_n3A_1254 = arith.select %and3A_1251, %sub3A_1253, %div3A_1232 : i32
        %multiple_of3A_1255 = tpu.assume_multiple %select_n3A_1254, 128 : i32
        %dma_start3A_1256 = arith.constant 2 : i32
        %dma_start3A_1257 = arith.constant 0 : i32
        %dma_start3A_1258 = arith.constant 2 : i32
        %dma_start3A_1259 = arith.constant 0 : i32
        %dma_start3A_1260 = arith.constant 0 : i32
        %dma_start3A_1261 = tpu.memref_slice %arg7[%dma_start3A_1256, %dma_start3A_1257, %dma_start3A_1259, %dma_start3A_1260] : memref<5x2x128x64xf32, #tpu.memory_space<vmem>> -> memref<1x1x128x64xf32, #tpu.memory_space<vmem>>
        %dma_start3A_1262 = tpu.memref_squeeze %dma_start3A_1261 : memref<1x1x128x64xf32, #tpu.memory_space<vmem>> -> memref<128x64xf32, #tpu.memory_space<vmem>>
        %dma_start3A_1263 = arith.constant 0 : i32
        %dma_start3A_1264 = tpu.memref_slice %arg4[%multiple_of3A_1255, %dma_start3A_1263] : memref<409600x128xf32, #tpu.memory_space<hbm>> -> memref<128x64xf32, #tpu.memory_space<hbm>>
        %dma_start3A_1265 = tpu.memref_slice %arg9[%dma_start3A_1258] : memref<5x!tpu.dma_semaphore, #tpu.memory_space<semaphore_mem>> -> memref<1x!tpu.dma_semaphore, #tpu.memory_space<semaphore_mem>>
        %dma_start3A_1266 = tpu.memref_squeeze %dma_start3A_1265 : memref<1x!tpu.dma_semaphore, #tpu.memory_space<semaphore_mem>> -> memref<!tpu.dma_semaphore, #tpu.memory_space<semaphore_mem>>
        %dma_start3A_1267 = arith.constant 0 : i32
        %dma_start3A_1268 = tpu.memref_slice %arg4[%multiple_of3A_1255, %dma_start3A_1267] : memref<409600x128xf32, #tpu.memory_space<hbm>> -> memref<128x64xf32, #tpu.memory_space<hbm>>
        %dma_start3A_1269 = arith.constant 0 : i32
        %dma_start3A_1270 = arith.constant 0 : i32
        %dma_start3A_1271 = tpu.memref_slice %arg7[%dma_start3A_1256, %dma_start3A_1257, %dma_start3A_1269, %dma_start3A_1270] : memref<5x2x128x64xf32, #tpu.memory_space<vmem>> -> memref<1x1x128x64xf32, #tpu.memory_space<vmem>>
        %dma_start3A_1272 = tpu.memref_squeeze %dma_start3A_1271 : memref<1x1x128x64xf32, #tpu.memory_space<vmem>> -> memref<128x64xf32, #tpu.memory_space<vmem>>
        tpu.enqueue_dma source(%dma_start3A_1272 : memref<128x64xf32, #tpu.memory_space<vmem>>) target(%dma_start3A_1268 : memref<128x64xf32, #tpu.memory_space<hbm>>) target_semaphore(%dma_start3A_1266 : memref<!tpu.dma_semaphore, #tpu.memory_space<semaphore_mem>>)
        %mul3A_1273 = arith.constant 256 : i32
        %mul3A_1274 = arith.muli %sub3A_1104, %mul3A_1273 : i32
        %add3A_1275 = arith.addi %mul3A_2, %mul3A_1274 : i32
        %jit3A_1276 = arith.constant 2 : i32
        %div3A_1277 = arith.divsi %add3A_1275, %jit3A_1276 : i32
        %sign3A_1278 = arith.constant 0 : i32
        %sign3A_1279 = arith.cmpi sgt, %add3A_1275, %sign3A_1278 : i32
        %sign3A_1280 = arith.extui %sign3A_1279 : i1 to i32
        %sign3A_1281 = arith.constant 0 : i32
        %sign3A_1282 = arith.cmpi slt, %add3A_1275, %sign3A_1281 : i32
        %sign3A_1283 = arith.extui %sign3A_1282 : i1 to i32
        %sign3A_1284 = arith.subi %sign3A_1280, %sign3A_1283 : i32
        %sign3A_1285 = arith.constant 0 : i32
        %sign3A_1286 = arith.cmpi sgt, %jit3A_1276, %sign3A_1285 : i32
        %sign3A_1287 = arith.extui %sign3A_1286 : i1 to i32
        %sign3A_1288 = arith.constant 0 : i32
        %sign3A_1289 = arith.cmpi slt, %jit3A_1276, %sign3A_1288 : i32
        %sign3A_1290 = arith.extui %sign3A_1289 : i1 to i32
        %sign3A_1291 = arith.subi %sign3A_1287, %sign3A_1290 : i32
        %ne3A_1292 = arith.cmpi ne, %sign3A_1284, %sign3A_1291 : i32
        %rem3A_1293 = arith.remsi %add3A_1275, %jit3A_1276 : i32
        %ne3A_1294 = arith.constant 0 : i32
        %ne3A_1295 = arith.cmpi ne, %rem3A_1293, %ne3A_1294 : i32
        %and3A_1296 = arith.andi %ne3A_1292, %ne3A_1295 : i1
        %sub3A_1297 = arith.constant 1 : i32
        %sub3A_1298 = arith.subi %div3A_1277, %sub3A_1297 : i32
        %select_n3A_1299 = arith.select %and3A_1296, %sub3A_1298, %div3A_1277 : i32
        %multiple_of3A_1300 = tpu.assume_multiple %select_n3A_1299, 128 : i32
        %dma_start3A_1301 = arith.constant 2 : i32
        %dma_start3A_1302 = arith.constant 1 : i32
        %dma_start3A_1303 = arith.constant 2 : i32
        %dma_start3A_1304 = arith.constant 0 : i32
        %dma_start3A_1305 = arith.constant 0 : i32
        %dma_start3A_1306 = tpu.memref_slice %arg7[%dma_start3A_1301, %dma_start3A_1302, %dma_start3A_1304, %dma_start3A_1305] : memref<5x2x128x64xf32, #tpu.memory_space<vmem>> -> memref<1x1x128x64xf32, #tpu.memory_space<vmem>>
        %dma_start3A_1307 = tpu.memref_squeeze %dma_start3A_1306 : memref<1x1x128x64xf32, #tpu.memory_space<vmem>> -> memref<128x64xf32, #tpu.memory_space<vmem>>
        %dma_start3A_1308 = arith.constant 64 : i32
        %dma_start3A_1309 = tpu.memref_slice %arg4[%multiple_of3A_1300, %dma_start3A_1308] : memref<409600x128xf32, #tpu.memory_space<hbm>> -> memref<128x64xf32, #tpu.memory_space<hbm>>
        %dma_start3A_1310 = tpu.memref_slice %arg9[%dma_start3A_1303] : memref<5x!tpu.dma_semaphore, #tpu.memory_space<semaphore_mem>> -> memref<1x!tpu.dma_semaphore, #tpu.memory_space<semaphore_mem>>
        %dma_start3A_1311 = tpu.memref_squeeze %dma_start3A_1310 : memref<1x!tpu.dma_semaphore, #tpu.memory_space<semaphore_mem>> -> memref<!tpu.dma_semaphore, #tpu.memory_space<semaphore_mem>>
        %dma_start3A_1312 = arith.constant 64 : i32
        %dma_start3A_1313 = tpu.memref_slice %arg4[%multiple_of3A_1300, %dma_start3A_1312] : memref<409600x128xf32, #tpu.memory_space<hbm>> -> memref<128x64xf32, #tpu.memory_space<hbm>>
        %dma_start3A_1314 = arith.constant 0 : i32
        %dma_start3A_1315 = arith.constant 0 : i32
        %dma_start3A_1316 = tpu.memref_slice %arg7[%dma_start3A_1301, %dma_start3A_1302, %dma_start3A_1314, %dma_start3A_1315] : memref<5x2x128x64xf32, #tpu.memory_space<vmem>> -> memref<1x1x128x64xf32, #tpu.memory_space<vmem>>
        %dma_start3A_1317 = tpu.memref_squeeze %dma_start3A_1316 : memref<1x1x128x64xf32, #tpu.memory_space<vmem>> -> memref<128x64xf32, #tpu.memory_space<vmem>>
        tpu.enqueue_dma source(%dma_start3A_1317 : memref<128x64xf32, #tpu.memory_space<vmem>>) target(%dma_start3A_1313 : memref<128x64xf32, #tpu.memory_space<hbm>>) target_semaphore(%dma_start3A_1311 : memref<!tpu.dma_semaphore, #tpu.memory_space<semaphore_mem>>)
      } else {
      }
      %mul3A_1110 = arith.constant 5 : i32
      %mul3A_1111 = arith.muli %scan3A_1091, %mul3A_1110 : i32
      %add3A_1112 = arith.constant 1 : i32
      %add3A_1113 = arith.addi %mul3A_1111, %add3A_1112 : i32
      %ge3A_1114 = arith.constant 5 : i32
      %ge3A_1115 = arith.cmpi sge, %add3A_1113, %ge3A_1114 : i32
      %convert_element_type3A_1116 = arith.extui %ge3A_1115 : i1 to i32
      %cond3A_1117 = arith.constant 0 : i32
      %cond3A_1118 = arith.cmpi ne, %convert_element_type3A_1116, %cond3A_1117 : i32
      scf.if %cond3A_1118 {
        %sub3A_1194 = arith.constant 5 : i32
        %sub3A_1195 = arith.subi %add3A_1113, %sub3A_1194 : i32
        %mul3A_1196 = arith.constant 256 : i32
        %mul3A_1197 = arith.muli %sub3A_1195, %mul3A_1196 : i32
        %add3A_1198 = arith.addi %mul3A_2, %mul3A_1197 : i32
        %jit3A_1199 = arith.constant 2 : i32
        %div3A_1200 = arith.divsi %add3A_1198, %jit3A_1199 : i32
        %sign3A_1201 = arith.constant 0 : i32
        %sign3A_1202 = arith.cmpi sgt, %add3A_1198, %sign3A_1201 : i32
        %sign3A_1203 = arith.extui %sign3A_1202 : i1 to i32
        %sign3A_1204 = arith.constant 0 : i32
        %sign3A_1205 = arith.cmpi slt, %add3A_1198, %sign3A_1204 : i32
        %sign3A_1206 = arith.extui %sign3A_1205 : i1 to i32
        %sign3A_1207 = arith.subi %sign3A_1203, %sign3A_1206 : i32
        %sign3A_1208 = arith.constant 0 : i32
        %sign3A_1209 = arith.cmpi sgt, %jit3A_1199, %sign3A_1208 : i32
        %sign3A_1210 = arith.extui %sign3A_1209 : i1 to i32
        %sign3A_1211 = arith.constant 0 : i32
        %sign3A_1212 = arith.cmpi slt, %jit3A_1199, %sign3A_1211 : i32
        %sign3A_1213 = arith.extui %sign3A_1212 : i1 to i32
        %sign3A_1214 = arith.subi %sign3A_1210, %sign3A_1213 : i32
        %ne3A_1215 = arith.cmpi ne, %sign3A_1207, %sign3A_1214 : i32
        %rem3A_1216 = arith.remsi %add3A_1198, %jit3A_1199 : i32
        %ne3A_1217 = arith.constant 0 : i32
        %ne3A_1218 = arith.cmpi ne, %rem3A_1216, %ne3A_1217 : i32
        %and3A_1219 = arith.andi %ne3A_1215, %ne3A_1218 : i1
        %sub3A_1220 = arith.constant 1 : i32
        %sub3A_1221 = arith.subi %div3A_1200, %sub3A_1220 : i32
        %select_n3A_1222 = arith.select %and3A_1219, %sub3A_1221, %div3A_1200 : i32
        %multiple_of3A_1223 = tpu.assume_multiple %select_n3A_1222, 128 : i32
        %dma_wait3A_1224 = arith.constant 1 : i32
        %dma_wait3A_1225 = arith.constant 0 : i32
        %dma_wait3A_1226 = arith.constant 1 : i32
        %dma_wait3A_1227 = arith.constant 0 : i32
        %dma_wait3A_1228 = arith.constant 0 : i32
        %dma_wait3A_1229 = tpu.memref_slice %arg7[%dma_wait3A_1224, %dma_wait3A_1225, %dma_wait3A_1227, %dma_wait3A_1228] : memref<5x2x128x64xf32, #tpu.memory_space<vmem>> -> memref<1x1x128x64xf32, #tpu.memory_space<vmem>>
        %dma_wait3A_1230 = tpu.memref_squeeze %dma_wait3A_1229 : memref<1x1x128x64xf32, #tpu.memory_space<vmem>> -> memref<128x64xf32, #tpu.memory_space<vmem>>
        %dma_wait3A_1231 = arith.constant 0 : i32
        %dma_wait3A_1232 = tpu.memref_slice %arg4[%multiple_of3A_1223, %dma_wait3A_1231] : memref<409600x128xf32, #tpu.memory_space<hbm>> -> memref<128x64xf32, #tpu.memory_space<hbm>>
        %dma_wait3A_1233 = tpu.memref_slice %arg9[%dma_wait3A_1226] : memref<5x!tpu.dma_semaphore, #tpu.memory_space<semaphore_mem>> -> memref<1x!tpu.dma_semaphore, #tpu.memory_space<semaphore_mem>>
        %dma_wait3A_1234 = tpu.memref_squeeze %dma_wait3A_1233 : memref<1x!tpu.dma_semaphore, #tpu.memory_space<semaphore_mem>> -> memref<!tpu.dma_semaphore, #tpu.memory_space<semaphore_mem>>
        %dma_wait3A_1235 = arith.constant 0 : i32
        %dma_wait3A_1236 = tpu.memref_slice %arg4[%multiple_of3A_1223, %dma_wait3A_1235] : memref<409600x128xf32, #tpu.memory_space<hbm>> -> memref<128x64xf32, #tpu.memory_space<hbm>>
        %dma_wait3A_1237 = arith.constant 0 : i32
        %dma_wait3A_1238 = arith.constant 0 : i32
        %dma_wait3A_1239 = tpu.memref_slice %arg7[%dma_wait3A_1224, %dma_wait3A_1225, %dma_wait3A_1237, %dma_wait3A_1238] : memref<5x2x128x64xf32, #tpu.memory_space<vmem>> -> memref<1x1x128x64xf32, #tpu.memory_space<vmem>>
        %dma_wait3A_1240 = tpu.memref_squeeze %dma_wait3A_1239 : memref<1x1x128x64xf32, #tpu.memory_space<vmem>> -> memref<128x64xf32, #tpu.memory_space<vmem>>
        tpu.wait_dma2 semaphore(%dma_wait3A_1234 : memref<!tpu.dma_semaphore, #tpu.memory_space<semaphore_mem>>) src(%dma_wait3A_1240 : memref<128x64xf32, #tpu.memory_space<vmem>>) dst(%dma_wait3A_1236 : memref<128x64xf32, #tpu.memory_space<hbm>>)
        %mul3A_1241 = arith.constant 256 : i32
        %mul3A_1242 = arith.muli %sub3A_1195, %mul3A_1241 : i32
        %add3A_1243 = arith.addi %mul3A_2, %mul3A_1242 : i32
        %jit3A_1244 = arith.constant 2 : i32
        %div3A_1245 = arith.divsi %add3A_1243, %jit3A_1244 : i32
        %sign3A_1246 = arith.constant 0 : i32
        %sign3A_1247 = arith.cmpi sgt, %add3A_1243, %sign3A_1246 : i32
        %sign3A_1248 = arith.extui %sign3A_1247 : i1 to i32
        %sign3A_1249 = arith.constant 0 : i32
        %sign3A_1250 = arith.cmpi slt, %add3A_1243, %sign3A_1249 : i32
        %sign3A_1251 = arith.extui %sign3A_1250 : i1 to i32
        %sign3A_1252 = arith.subi %sign3A_1248, %sign3A_1251 : i32
        %sign3A_1253 = arith.constant 0 : i32
        %sign3A_1254 = arith.cmpi sgt, %jit3A_1244, %sign3A_1253 : i32
        %sign3A_1255 = arith.extui %sign3A_1254 : i1 to i32
        %sign3A_1256 = arith.constant 0 : i32
        %sign3A_1257 = arith.cmpi slt, %jit3A_1244, %sign3A_1256 : i32
        %sign3A_1258 = arith.extui %sign3A_1257 : i1 to i32
        %sign3A_1259 = arith.subi %sign3A_1255, %sign3A_1258 : i32
        %ne3A_1260 = arith.cmpi ne, %sign3A_1252, %sign3A_1259 : i32
        %rem3A_1261 = arith.remsi %add3A_1243, %jit3A_1244 : i32
        %ne3A_1262 = arith.constant 0 : i32
        %ne3A_1263 = arith.cmpi ne, %rem3A_1261, %ne3A_1262 : i32
        %and3A_1264 = arith.andi %ne3A_1260, %ne3A_1263 : i1
        %sub3A_1265 = arith.constant 1 : i32
        %sub3A_1266 = arith.subi %div3A_1245, %sub3A_1265 : i32
        %select_n3A_1267 = arith.select %and3A_1264, %sub3A_1266, %div3A_1245 : i32
        %multiple_of3A_1268 = tpu.assume_multiple %select_n3A_1267, 128 : i32
        %dma_wait3A_1269 = arith.constant 1 : i32
        %dma_wait3A_1270 = arith.constant 1 : i32
        %dma_wait3A_1271 = arith.constant 1 : i32
        %dma_wait3A_1272 = arith.constant 0 : i32
        %dma_wait3A_1273 = arith.constant 0 : i32
        %dma_wait3A_1274 = tpu.memref_slice %arg7[%dma_wait3A_1269, %dma_wait3A_1270, %dma_wait3A_1272, %dma_wait3A_1273] : memref<5x2x128x64xf32, #tpu.memory_space<vmem>> -> memref<1x1x128x64xf32, #tpu.memory_space<vmem>>
        %dma_wait3A_1275 = tpu.memref_squeeze %dma_wait3A_1274 : memref<1x1x128x64xf32, #tpu.memory_space<vmem>> -> memref<128x64xf32, #tpu.memory_space<vmem>>
        %dma_wait3A_1276 = arith.constant 64 : i32
        %dma_wait3A_1277 = tpu.memref_slice %arg4[%multiple_of3A_1268, %dma_wait3A_1276] : memref<409600x128xf32, #tpu.memory_space<hbm>> -> memref<128x64xf32, #tpu.memory_space<hbm>>
        %dma_wait3A_1278 = tpu.memref_slice %arg9[%dma_wait3A_1271] : memref<5x!tpu.dma_semaphore, #tpu.memory_space<semaphore_mem>> -> memref<1x!tpu.dma_semaphore, #tpu.memory_space<semaphore_mem>>
        %dma_wait3A_1279 = tpu.memref_squeeze %dma_wait3A_1278 : memref<1x!tpu.dma_semaphore, #tpu.memory_space<semaphore_mem>> -> memref<!tpu.dma_semaphore, #tpu.memory_space<semaphore_mem>>
        %dma_wait3A_1280 = arith.constant 64 : i32
        %dma_wait3A_1281 = tpu.memref_slice %arg4[%multiple_of3A_1268, %dma_wait3A_1280] : memref<409600x128xf32, #tpu.memory_space<hbm>> -> memref<128x64xf32, #tpu.memory_space<hbm>>
        %dma_wait3A_1282 = arith.constant 0 : i32
        %dma_wait3A_1283 = arith.constant 0 : i32
        %dma_wait3A_1284 = tpu.memref_slice %arg7[%dma_wait3A_1269, %dma_wait3A_1270, %dma_wait3A_1282, %dma_wait3A_1283] : memref<5x2x128x64xf32, #tpu.memory_space<vmem>> -> memref<1x1x128x64xf32, #tpu.memory_space<vmem>>
        %dma_wait3A_1285 = tpu.memref_squeeze %dma_wait3A_1284 : memref<1x1x128x64xf32, #tpu.memory_space<vmem>> -> memref<128x64xf32, #tpu.memory_space<vmem>>
        tpu.wait_dma2 semaphore(%dma_wait3A_1279 : memref<!tpu.dma_semaphore, #tpu.memory_space<semaphore_mem>>) src(%dma_wait3A_1285 : memref<128x64xf32, #tpu.memory_space<vmem>>) dst(%dma_wait3A_1281 : memref<128x64xf32, #tpu.memory_space<hbm>>)
      } else {
      }
      %ge3A_1119 = arith.constant 1 : i32
      %ge3A_1120 = arith.cmpi sge, %add3A_1113, %ge3A_1119 : i32
      %convert_element_type3A_1121 = arith.extui %ge3A_1120 : i1 to i32
      %cond3A_1122 = arith.constant 0 : i32
      %cond3A_1123 = arith.cmpi ne, %convert_element_type3A_1121, %cond3A_1122 : i32
      scf.if %cond3A_1123 {
        %mul3A_1194 = arith.constant 256 : i32
        %mul3A_1195 = arith.muli %add3A_1113, %mul3A_1194 : i32
        %add3A_1196 = arith.constant 0 : i32
        %add3A_1197 = arith.addi %mul3A_1195, %add3A_1196 : i32
        %add3A_1198 = arith.constant 0 : i32
        %add3A_1199 = vector.broadcast %add3A_1198 : i32 to vector<16xi32>
        %add3A_1200 = arith.addi %iota3A, %add3A_1199 : vector<16xi32>
        %mul3A_1201 = arith.constant 2 : i32
        %mul3A_1202 = vector.broadcast %mul3A_1201 : i32 to vector<16xi32>
        %mul3A_1203 = arith.muli %mul3A_1202, %add3A_1200 : vector<16xi32>
        %add3A_1204 = vector.broadcast %add3A_1197 : i32 to vector<16xi32>
        %add3A_1205 = arith.addi %add3A_1204, %mul3A_1203 : vector<16xi32>
        %gather3A_1206 = tpu.vector_load_idx %arg5[%add3A_1205] : memref<25600xi32, #tpu.memory_space<vmem>>[vector<16xi32>], vector<16xi32>,
        %swap3A_1207 = arith.constant 1 : i32
        %swap3A_1208 = arith.constant 0 : i32
        %swap3A_1209 = arith.index_cast %swap3A_1207 : i32 to index
        %swap3A_1210 = arith.index_cast %swap3A_1208 : i32 to index
        %swap3A_1211 = arith.constant 0 : index
        %swap3A_1212 = tpu.vector_load %arg6[%swap3A_1209, %swap3A_1210, %swap3A_1211] {strides = array<i32>} : memref<5x2x128xi32, #tpu.memory_space<vmem>>, vector<16xi32>,
        tpu.vector_store %arg6[%swap3A_1209, %swap3A_1210, %swap3A_1211], %gather3A_1206 {strides = array<i32>} : memref<5x2x128xi32, #tpu.memory_space<vmem>>, vector<16xi32>,
        %mul3A_1213 = arith.constant 256 : i32
        %mul3A_1214 = arith.muli %add3A_1113, %mul3A_1213 : i32
        %add3A_1215 = arith.constant 0 : i32
        %add3A_1216 = arith.addi %mul3A_1214, %add3A_1215 : i32
        %add3A_1217 = arith.constant 16 : i32
        %add3A_1218 = vector.broadcast %add3A_1217 : i32 to vector<16xi32>
        %add3A_1219 = arith.addi %iota3A, %add3A_1218 : vector<16xi32>
        %mul3A_1220 = arith.constant 2 : i32
        %mul3A_1221 = vector.broadcast %mul3A_1220 : i32 to vector<16xi32>
        %mul3A_1222 = arith.muli %mul3A_1221, %add3A_1219 : vector<16xi32>
        %add3A_1223 = vector.broadcast %add3A_1216 : i32 to vector<16xi32>
        %add3A_1224 = arith.addi %add3A_1223, %mul3A_1222 : vector<16xi32>
        %gather3A_1225 = tpu.vector_load_idx %arg5[%add3A_1224] : memref<25600xi32, #tpu.memory_space<vmem>>[vector<16xi32>], vector<16xi32>,
        %swap3A_1226 = arith.constant 1 : i32
        %swap3A_1227 = arith.constant 0 : i32
        %swap3A_1228 = arith.index_cast %swap3A_1226 : i32 to index
        %swap3A_1229 = arith.index_cast %swap3A_1227 : i32 to index
        %swap3A_1230 = arith.constant 16 : index
        %swap3A_1231 = tpu.vector_load %arg6[%swap3A_1228, %swap3A_1229, %swap3A_1230] {strides = array<i32>} : memref<5x2x128xi32, #tpu.memory_space<vmem>>, vector<16xi32>,
        tpu.vector_store %arg6[%swap3A_1228, %swap3A_1229, %swap3A_1230], %gather3A_1225 {strides = array<i32>} : memref<5x2x128xi32, #tpu.memory_space<vmem>>, vector<16xi32>,
        %mul3A_1232 = arith.constant 256 : i32
        %mul3A_1233 = arith.muli %add3A_1113, %mul3A_1232 : i32
        %add3A_1234 = arith.constant 0 : i32
        %add3A_1235 = arith.addi %mul3A_1233, %add3A_1234 : i32
        %add3A_1236 = arith.constant 32 : i32
        %add3A_1237 = vector.broadcast %add3A_1236 : i32 to vector<16xi32>
        %add3A_1238 = arith.addi %iota3A, %add3A_1237 : vector<16xi32>
        %mul3A_1239 = arith.constant 2 : i32
        %mul3A_1240 = vector.broadcast %mul3A_1239 : i32 to vector<16xi32>
        %mul3A_1241 = arith.muli %mul3A_1240, %add3A_1238 : vector<16xi32>
        %add3A_1242 = vector.broadcast %add3A_1235 : i32 to vector<16xi32>
        %add3A_1243 = arith.addi %add3A_1242, %mul3A_1241 : vector<16xi32>
        %gather3A_1244 = tpu.vector_load_idx %arg5[%add3A_1243] : memref<25600xi32, #tpu.memory_space<vmem>>[vector<16xi32>], vector<16xi32>,
        %swap3A_1245 = arith.constant 1 : i32
        %swap3A_1246 = arith.constant 0 : i32
        %swap3A_1247 = arith.index_cast %swap3A_1245 : i32 to index
        %swap3A_1248 = arith.index_cast %swap3A_1246 : i32 to index
        %swap3A_1249 = arith.constant 32 : index
        %swap3A_1250 = tpu.vector_load %arg6[%swap3A_1247, %swap3A_1248, %swap3A_1249] {strides = array<i32>} : memref<5x2x128xi32, #tpu.memory_space<vmem>>, vector<16xi32>,
        tpu.vector_store %arg6[%swap3A_1247, %swap3A_1248, %swap3A_1249], %gather3A_1244 {strides = array<i32>} : memref<5x2x128xi32, #tpu.memory_space<vmem>>, vector<16xi32>,
        %mul3A_1251 = arith.constant 256 : i32
        %mul3A_1252 = arith.muli %add3A_1113, %mul3A_1251 : i32
        %add3A_1253 = arith.constant 0 : i32
        %add3A_1254 = arith.addi %mul3A_1252, %add3A_1253 : i32
        %add3A_1255 = arith.constant 48 : i32
        %add3A_1256 = vector.broadcast %add3A_1255 : i32 to vector<16xi32>
        %add3A_1257 = arith.addi %iota3A, %add3A_1256 : vector<16xi32>
        %mul3A_1258 = arith.constant 2 : i32
        %mul3A_1259 = vector.broadcast %mul3A_1258 : i32 to vector<16xi32>
        %mul3A_1260 = arith.muli %mul3A_1259, %add3A_1257 : vector<16xi32>
        %add3A_1261 = vector.broadcast %add3A_1254 : i32 to vector<16xi32>
        %add3A_1262 = arith.addi %add3A_1261, %mul3A_1260 : vector<16xi32>
        %gather3A_1263 = tpu.vector_load_idx %arg5[%add3A_1262] : memref<25600xi32, #tpu.memory_space<vmem>>[vector<16xi32>], vector<16xi32>,
        %swap3A_1264 = arith.constant 1 : i32
        %swap3A_1265 = arith.constant 0 : i32
        %swap3A_1266 = arith.index_cast %swap3A_1264 : i32 to index
        %swap3A_1267 = arith.index_cast %swap3A_1265 : i32 to index
        %swap3A_1268 = arith.constant 48 : index
        %swap3A_1269 = tpu.vector_load %arg6[%swap3A_1266, %swap3A_1267, %swap3A_1268] {strides = array<i32>} : memref<5x2x128xi32, #tpu.memory_space<vmem>>, vector<16xi32>,
        tpu.vector_store %arg6[%swap3A_1266, %swap3A_1267, %swap3A_1268], %gather3A_1263 {strides = array<i32>} : memref<5x2x128xi32, #tpu.memory_space<vmem>>, vector<16xi32>,
        %mul3A_1270 = arith.constant 256 : i32
        %mul3A_1271 = arith.muli %add3A_1113, %mul3A_1270 : i32
        %add3A_1272 = arith.constant 0 : i32
        %add3A_1273 = arith.addi %mul3A_1271, %add3A_1272 : i32
        %add3A_1274 = arith.constant 64 : i32
        %add3A_1275 = vector.broadcast %add3A_1274 : i32 to vector<16xi32>
        %add3A_1276 = arith.addi %iota3A, %add3A_1275 : vector<16xi32>
        %mul3A_1277 = arith.constant 2 : i32
        %mul3A_1278 = vector.broadcast %mul3A_1277 : i32 to vector<16xi32>
        %mul3A_1279 = arith.muli %mul3A_1278, %add3A_1276 : vector<16xi32>
        %add3A_1280 = vector.broadcast %add3A_1273 : i32 to vector<16xi32>
        %add3A_1281 = arith.addi %add3A_1280, %mul3A_1279 : vector<16xi32>
        %gather3A_1282 = tpu.vector_load_idx %arg5[%add3A_1281] : memref<25600xi32, #tpu.memory_space<vmem>>[vector<16xi32>], vector<16xi32>,
        %swap3A_1283 = arith.constant 1 : i32
        %swap3A_1284 = arith.constant 0 : i32
        %swap3A_1285 = arith.index_cast %swap3A_1283 : i32 to index
        %swap3A_1286 = arith.index_cast %swap3A_1284 : i32 to index
        %swap3A_1287 = arith.constant 64 : index
        %swap3A_1288 = tpu.vector_load %arg6[%swap3A_1285, %swap3A_1286, %swap3A_1287] {strides = array<i32>} : memref<5x2x128xi32, #tpu.memory_space<vmem>>, vector<16xi32>,
        tpu.vector_store %arg6[%swap3A_1285, %swap3A_1286, %swap3A_1287], %gather3A_1282 {strides = array<i32>} : memref<5x2x128xi32, #tpu.memory_space<vmem>>, vector<16xi32>,
        %mul3A_1289 = arith.constant 256 : i32
        %mul3A_1290 = arith.muli %add3A_1113, %mul3A_1289 : i32
        %add3A_1291 = arith.constant 0 : i32
        %add3A_1292 = arith.addi %mul3A_1290, %add3A_1291 : i32
        %add3A_1293 = arith.constant 80 : i32
        %add3A_1294 = vector.broadcast %add3A_1293 : i32 to vector<16xi32>
        %add3A_1295 = arith.addi %iota3A, %add3A_1294 : vector<16xi32>
        %mul3A_1296 = arith.constant 2 : i32
        %mul3A_1297 = vector.broadcast %mul3A_1296 : i32 to vector<16xi32>
        %mul3A_1298 = arith.muli %mul3A_1297, %add3A_1295 : vector<16xi32>
        %add3A_1299 = vector.broadcast %add3A_1292 : i32 to vector<16xi32>
        %add3A_1300 = arith.addi %add3A_1299, %mul3A_1298 : vector<16xi32>
        %gather3A_1301 = tpu.vector_load_idx %arg5[%add3A_1300] : memref<25600xi32, #tpu.memory_space<vmem>>[vector<16xi32>], vector<16xi32>,
        %swap3A_1302 = arith.constant 1 : i32
        %swap3A_1303 = arith.constant 0 : i32
        %swap3A_1304 = arith.index_cast %swap3A_1302 : i32 to index
        %swap3A_1305 = arith.index_cast %swap3A_1303 : i32 to index
        %swap3A_1306 = arith.constant 80 : index
        %swap3A_1307 = tpu.vector_load %arg6[%swap3A_1304, %swap3A_1305, %swap3A_1306] {strides = array<i32>} : memref<5x2x128xi32, #tpu.memory_space<vmem>>, vector<16xi32>,
        tpu.vector_store %arg6[%swap3A_1304, %swap3A_1305, %swap3A_1306], %gather3A_1301 {strides = array<i32>} : memref<5x2x128xi32, #tpu.memory_space<vmem>>, vector<16xi32>,
        %mul3A_1308 = arith.constant 256 : i32
        %mul3A_1309 = arith.muli %add3A_1113, %mul3A_1308 : i32
        %add3A_1310 = arith.constant 0 : i32
        %add3A_1311 = arith.addi %mul3A_1309, %add3A_1310 : i32
        %add3A_1312 = arith.constant 96 : i32
        %add3A_1313 = vector.broadcast %add3A_1312 : i32 to vector<16xi32>
        %add3A_1314 = arith.addi %iota3A, %add3A_1313 : vector<16xi32>
        %mul3A_1315 = arith.constant 2 : i32
        %mul3A_1316 = vector.broadcast %mul3A_1315 : i32 to vector<16xi32>
        %mul3A_1317 = arith.muli %mul3A_1316, %add3A_1314 : vector<16xi32>
        %add3A_1318 = vector.broadcast %add3A_1311 : i32 to vector<16xi32>
        %add3A_1319 = arith.addi %add3A_1318, %mul3A_1317 : vector<16xi32>
        %gather3A_1320 = tpu.vector_load_idx %arg5[%add3A_1319] : memref<25600xi32, #tpu.memory_space<vmem>>[vector<16xi32>], vector<16xi32>,
        %swap3A_1321 = arith.constant 1 : i32
        %swap3A_1322 = arith.constant 0 : i32
        %swap3A_1323 = arith.index_cast %swap3A_1321 : i32 to index
        %swap3A_1324 = arith.index_cast %swap3A_1322 : i32 to index
        %swap3A_1325 = arith.constant 96 : index
        %swap3A_1326 = tpu.vector_load %arg6[%swap3A_1323, %swap3A_1324, %swap3A_1325] {strides = array<i32>} : memref<5x2x128xi32, #tpu.memory_space<vmem>>, vector<16xi32>,
        tpu.vector_store %arg6[%swap3A_1323, %swap3A_1324, %swap3A_1325], %gather3A_1320 {strides = array<i32>} : memref<5x2x128xi32, #tpu.memory_space<vmem>>, vector<16xi32>,
        %mul3A_1327 = arith.constant 256 : i32
        %mul3A_1328 = arith.muli %add3A_1113, %mul3A_1327 : i32
        %add3A_1329 = arith.constant 0 : i32
        %add3A_1330 = arith.addi %mul3A_1328, %add3A_1329 : i32
        %add3A_1331 = arith.constant 112 : i32
        %add3A_1332 = vector.broadcast %add3A_1331 : i32 to vector<16xi32>
        %add3A_1333 = arith.addi %iota3A, %add3A_1332 : vector<16xi32>
        %mul3A_1334 = arith.constant 2 : i32
        %mul3A_1335 = vector.broadcast %mul3A_1334 : i32 to vector<16xi32>
        %mul3A_1336 = arith.muli %mul3A_1335, %add3A_1333 : vector<16xi32>
        %add3A_1337 = vector.broadcast %add3A_1330 : i32 to vector<16xi32>
        %add3A_1338 = arith.addi %add3A_1337, %mul3A_1336 : vector<16xi32>
        %gather3A_1339 = tpu.vector_load_idx %arg5[%add3A_1338] : memref<25600xi32, #tpu.memory_space<vmem>>[vector<16xi32>], vector<16xi32>,
        %swap3A_1340 = arith.constant 1 : i32
        %swap3A_1341 = arith.constant 0 : i32
        %swap3A_1342 = arith.index_cast %swap3A_1340 : i32 to index
        %swap3A_1343 = arith.index_cast %swap3A_1341 : i32 to index
        %swap3A_1344 = arith.constant 112 : index
        %swap3A_1345 = tpu.vector_load %arg6[%swap3A_1342, %swap3A_1343, %swap3A_1344] {strides = array<i32>} : memref<5x2x128xi32, #tpu.memory_space<vmem>>, vector<16xi32>,
        tpu.vector_store %arg6[%swap3A_1342, %swap3A_1343, %swap3A_1344], %gather3A_1339 {strides = array<i32>} : memref<5x2x128xi32, #tpu.memory_space<vmem>>, vector<16xi32>,
        %mul3A_1346 = arith.constant 256 : i32
        %mul3A_1347 = arith.muli %add3A_1113, %mul3A_1346 : i32
        %add3A_1348 = arith.constant 1 : i32
        %add3A_1349 = arith.addi %mul3A_1347, %add3A_1348 : i32
        %add3A_1350 = arith.constant 0 : i32
        %add3A_1351 = vector.broadcast %add3A_1350 : i32 to vector<16xi32>
        %add3A_1352 = arith.addi %iota3A, %add3A_1351 : vector<16xi32>
        %mul3A_1353 = arith.constant 2 : i32
        %mul3A_1354 = vector.broadcast %mul3A_1353 : i32 to vector<16xi32>
        %mul3A_1355 = arith.muli %mul3A_1354, %add3A_1352 : vector<16xi32>
        %add3A_1356 = vector.broadcast %add3A_1349 : i32 to vector<16xi32>
        %add3A_1357 = arith.addi %add3A_1356, %mul3A_1355 : vector<16xi32>
        %gather3A_1358 = tpu.vector_load_idx %arg5[%add3A_1357] : memref<25600xi32, #tpu.memory_space<vmem>>[vector<16xi32>], vector<16xi32>,
        %swap3A_1359 = arith.constant 1 : i32
        %swap3A_1360 = arith.constant 1 : i32
        %swap3A_1361 = arith.index_cast %swap3A_1359 : i32 to index
        %swap3A_1362 = arith.index_cast %swap3A_1360 : i32 to index
        %swap3A_1363 = arith.constant 0 : index
        %swap3A_1364 = tpu.vector_load %arg6[%swap3A_1361, %swap3A_1362, %swap3A_1363] {strides = array<i32>} : memref<5x2x128xi32, #tpu.memory_space<vmem>>, vector<16xi32>,
        tpu.vector_store %arg6[%swap3A_1361, %swap3A_1362, %swap3A_1363], %gather3A_1358 {strides = array<i32>} : memref<5x2x128xi32, #tpu.memory_space<vmem>>, vector<16xi32>,
        %mul3A_1365 = arith.constant 256 : i32
        %mul3A_1366 = arith.muli %add3A_1113, %mul3A_1365 : i32
        %add3A_1367 = arith.constant 1 : i32
        %add3A_1368 = arith.addi %mul3A_1366, %add3A_1367 : i32
        %add3A_1369 = arith.constant 16 : i32
        %add3A_1370 = vector.broadcast %add3A_1369 : i32 to vector<16xi32>
        %add3A_1371 = arith.addi %iota3A, %add3A_1370 : vector<16xi32>
        %mul3A_1372 = arith.constant 2 : i32
        %mul3A_1373 = vector.broadcast %mul3A_1372 : i32 to vector<16xi32>
        %mul3A_1374 = arith.muli %mul3A_1373, %add3A_1371 : vector<16xi32>
        %add3A_1375 = vector.broadcast %add3A_1368 : i32 to vector<16xi32>
        %add3A_1376 = arith.addi %add3A_1375, %mul3A_1374 : vector<16xi32>
        %gather3A_1377 = tpu.vector_load_idx %arg5[%add3A_1376] : memref<25600xi32, #tpu.memory_space<vmem>>[vector<16xi32>], vector<16xi32>,
        %swap3A_1378 = arith.constant 1 : i32
        %swap3A_1379 = arith.constant 1 : i32
        %swap3A_1380 = arith.index_cast %swap3A_1378 : i32 to index
        %swap3A_1381 = arith.index_cast %swap3A_1379 : i32 to index
        %swap3A_1382 = arith.constant 16 : index
        %swap3A_1383 = tpu.vector_load %arg6[%swap3A_1380, %swap3A_1381, %swap3A_1382] {strides = array<i32>} : memref<5x2x128xi32, #tpu.memory_space<vmem>>, vector<16xi32>,
        tpu.vector_store %arg6[%swap3A_1380, %swap3A_1381, %swap3A_1382], %gather3A_1377 {strides = array<i32>} : memref<5x2x128xi32, #tpu.memory_space<vmem>>, vector<16xi32>,
        %mul3A_1384 = arith.constant 256 : i32
        %mul3A_1385 = arith.muli %add3A_1113, %mul3A_1384 : i32
        %add3A_1386 = arith.constant 1 : i32
        %add3A_1387 = arith.addi %mul3A_1385, %add3A_1386 : i32
        %add3A_1388 = arith.constant 32 : i32
        %add3A_1389 = vector.broadcast %add3A_1388 : i32 to vector<16xi32>
        %add3A_1390 = arith.addi %iota3A, %add3A_1389 : vector<16xi32>
        %mul3A_1391 = arith.constant 2 : i32
        %mul3A_1392 = vector.broadcast %mul3A_1391 : i32 to vector<16xi32>
        %mul3A_1393 = arith.muli %mul3A_1392, %add3A_1390 : vector<16xi32>
        %add3A_1394 = vector.broadcast %add3A_1387 : i32 to vector<16xi32>
        %add3A_1395 = arith.addi %add3A_1394, %mul3A_1393 : vector<16xi32>
        %gather3A_1396 = tpu.vector_load_idx %arg5[%add3A_1395] : memref<25600xi32, #tpu.memory_space<vmem>>[vector<16xi32>], vector<16xi32>,
        %swap3A_1397 = arith.constant 1 : i32
        %swap3A_1398 = arith.constant 1 : i32
        %swap3A_1399 = arith.index_cast %swap3A_1397 : i32 to index
        %swap3A_1400 = arith.index_cast %swap3A_1398 : i32 to index
        %swap3A_1401 = arith.constant 32 : index
        %swap3A_1402 = tpu.vector_load %arg6[%swap3A_1399, %swap3A_1400, %swap3A_1401] {strides = array<i32>} : memref<5x2x128xi32, #tpu.memory_space<vmem>>, vector<16xi32>,
        tpu.vector_store %arg6[%swap3A_1399, %swap3A_1400, %swap3A_1401], %gather3A_1396 {strides = array<i32>} : memref<5x2x128xi32, #tpu.memory_space<vmem>>, vector<16xi32>,
        %mul3A_1403 = arith.constant 256 : i32
        %mul3A_1404 = arith.muli %add3A_1113, %mul3A_1403 : i32
        %add3A_1405 = arith.constant 1 : i32
        %add3A_1406 = arith.addi %mul3A_1404, %add3A_1405 : i32
        %add3A_1407 = arith.constant 48 : i32
        %add3A_1408 = vector.broadcast %add3A_1407 : i32 to vector<16xi32>
        %add3A_1409 = arith.addi %iota3A, %add3A_1408 : vector<16xi32>
        %mul3A_1410 = arith.constant 2 : i32
        %mul3A_1411 = vector.broadcast %mul3A_1410 : i32 to vector<16xi32>
        %mul3A_1412 = arith.muli %mul3A_1411, %add3A_1409 : vector<16xi32>
        %add3A_1413 = vector.broadcast %add3A_1406 : i32 to vector<16xi32>
        %add3A_1414 = arith.addi %add3A_1413, %mul3A_1412 : vector<16xi32>
        %gather3A_1415 = tpu.vector_load_idx %arg5[%add3A_1414] : memref<25600xi32, #tpu.memory_space<vmem>>[vector<16xi32>], vector<16xi32>,
        %swap3A_1416 = arith.constant 1 : i32
        %swap3A_1417 = arith.constant 1 : i32
        %swap3A_1418 = arith.index_cast %swap3A_1416 : i32 to index
        %swap3A_1419 = arith.index_cast %swap3A_1417 : i32 to index
        %swap3A_1420 = arith.constant 48 : index
        %swap3A_1421 = tpu.vector_load %arg6[%swap3A_1418, %swap3A_1419, %swap3A_1420] {strides = array<i32>} : memref<5x2x128xi32, #tpu.memory_space<vmem>>, vector<16xi32>,
        tpu.vector_store %arg6[%swap3A_1418, %swap3A_1419, %swap3A_1420], %gather3A_1415 {strides = array<i32>} : memref<5x2x128xi32, #tpu.memory_space<vmem>>, vector<16xi32>,
        %mul3A_1422 = arith.constant 256 : i32
        %mul3A_1423 = arith.muli %add3A_1113, %mul3A_1422 : i32
        %add3A_1424 = arith.constant 1 : i32
        %add3A_1425 = arith.addi %mul3A_1423, %add3A_1424 : i32
        %add3A_1426 = arith.constant 64 : i32
        %add3A_1427 = vector.broadcast %add3A_1426 : i32 to vector<16xi32>
        %add3A_1428 = arith.addi %iota3A, %add3A_1427 : vector<16xi32>
        %mul3A_1429 = arith.constant 2 : i32
        %mul3A_1430 = vector.broadcast %mul3A_1429 : i32 to vector<16xi32>
        %mul3A_1431 = arith.muli %mul3A_1430, %add3A_1428 : vector<16xi32>
        %add3A_1432 = vector.broadcast %add3A_1425 : i32 to vector<16xi32>
        %add3A_1433 = arith.addi %add3A_1432, %mul3A_1431 : vector<16xi32>
        %gather3A_1434 = tpu.vector_load_idx %arg5[%add3A_1433] : memref<25600xi32, #tpu.memory_space<vmem>>[vector<16xi32>], vector<16xi32>,
        %swap3A_1435 = arith.constant 1 : i32
        %swap3A_1436 = arith.constant 1 : i32
        %swap3A_1437 = arith.index_cast %swap3A_1435 : i32 to index
        %swap3A_1438 = arith.index_cast %swap3A_1436 : i32 to index
        %swap3A_1439 = arith.constant 64 : index
        %swap3A_1440 = tpu.vector_load %arg6[%swap3A_1437, %swap3A_1438, %swap3A_1439] {strides = array<i32>} : memref<5x2x128xi32, #tpu.memory_space<vmem>>, vector<16xi32>,
        tpu.vector_store %arg6[%swap3A_1437, %swap3A_1438, %swap3A_1439], %gather3A_1434 {strides = array<i32>} : memref<5x2x128xi32, #tpu.memory_space<vmem>>, vector<16xi32>,
        %mul3A_1441 = arith.constant 256 : i32
        %mul3A_1442 = arith.muli %add3A_1113, %mul3A_1441 : i32
        %add3A_1443 = arith.constant 1 : i32
        %add3A_1444 = arith.addi %mul3A_1442, %add3A_1443 : i32
        %add3A_1445 = arith.constant 80 : i32
        %add3A_1446 = vector.broadcast %add3A_1445 : i32 to vector<16xi32>
        %add3A_1447 = arith.addi %iota3A, %add3A_1446 : vector<16xi32>
        %mul3A_1448 = arith.constant 2 : i32
        %mul3A_1449 = vector.broadcast %mul3A_1448 : i32 to vector<16xi32>
        %mul3A_1450 = arith.muli %mul3A_1449, %add3A_1447 : vector<16xi32>
        %add3A_1451 = vector.broadcast %add3A_1444 : i32 to vector<16xi32>
        %add3A_1452 = arith.addi %add3A_1451, %mul3A_1450 : vector<16xi32>
        %gather3A_1453 = tpu.vector_load_idx %arg5[%add3A_1452] : memref<25600xi32, #tpu.memory_space<vmem>>[vector<16xi32>], vector<16xi32>,
        %swap3A_1454 = arith.constant 1 : i32
        %swap3A_1455 = arith.constant 1 : i32
        %swap3A_1456 = arith.index_cast %swap3A_1454 : i32 to index
        %swap3A_1457 = arith.index_cast %swap3A_1455 : i32 to index
        %swap3A_1458 = arith.constant 80 : index
        %swap3A_1459 = tpu.vector_load %arg6[%swap3A_1456, %swap3A_1457, %swap3A_1458] {strides = array<i32>} : memref<5x2x128xi32, #tpu.memory_space<vmem>>, vector<16xi32>,
        tpu.vector_store %arg6[%swap3A_1456, %swap3A_1457, %swap3A_1458], %gather3A_1453 {strides = array<i32>} : memref<5x2x128xi32, #tpu.memory_space<vmem>>, vector<16xi32>,
        %mul3A_1460 = arith.constant 256 : i32
        %mul3A_1461 = arith.muli %add3A_1113, %mul3A_1460 : i32
        %add3A_1462 = arith.constant 1 : i32
        %add3A_1463 = arith.addi %mul3A_1461, %add3A_1462 : i32
        %add3A_1464 = arith.constant 96 : i32
        %add3A_1465 = vector.broadcast %add3A_1464 : i32 to vector<16xi32>
        %add3A_1466 = arith.addi %iota3A, %add3A_1465 : vector<16xi32>
        %mul3A_1467 = arith.constant 2 : i32
        %mul3A_1468 = vector.broadcast %mul3A_1467 : i32 to vector<16xi32>
        %mul3A_1469 = arith.muli %mul3A_1468, %add3A_1466 : vector<16xi32>
        %add3A_1470 = vector.broadcast %add3A_1463 : i32 to vector<16xi32>
        %add3A_1471 = arith.addi %add3A_1470, %mul3A_1469 : vector<16xi32>
        %gather3A_1472 = tpu.vector_load_idx %arg5[%add3A_1471] : memref<25600xi32, #tpu.memory_space<vmem>>[vector<16xi32>], vector<16xi32>,
        %swap3A_1473 = arith.constant 1 : i32
        %swap3A_1474 = arith.constant 1 : i32
        %swap3A_1475 = arith.index_cast %swap3A_1473 : i32 to index
        %swap3A_1476 = arith.index_cast %swap3A_1474 : i32 to index
        %swap3A_1477 = arith.constant 96 : index
        %swap3A_1478 = tpu.vector_load %arg6[%swap3A_1475, %swap3A_1476, %swap3A_1477] {strides = array<i32>} : memref<5x2x128xi32, #tpu.memory_space<vmem>>, vector<16xi32>,
        tpu.vector_store %arg6[%swap3A_1475, %swap3A_1476, %swap3A_1477], %gather3A_1472 {strides = array<i32>} : memref<5x2x128xi32, #tpu.memory_space<vmem>>, vector<16xi32>,
        %mul3A_1479 = arith.constant 256 : i32
        %mul3A_1480 = arith.muli %add3A_1113, %mul3A_1479 : i32
        %add3A_1481 = arith.constant 1 : i32
        %add3A_1482 = arith.addi %mul3A_1480, %add3A_1481 : i32
        %add3A_1483 = arith.constant 112 : i32
        %add3A_1484 = vector.broadcast %add3A_1483 : i32 to vector<16xi32>
        %add3A_1485 = arith.addi %iota3A, %add3A_1484 : vector<16xi32>
        %mul3A_1486 = arith.constant 2 : i32
        %mul3A_1487 = vector.broadcast %mul3A_1486 : i32 to vector<16xi32>
        %mul3A_1488 = arith.muli %mul3A_1487, %add3A_1485 : vector<16xi32>
        %add3A_1489 = vector.broadcast %add3A_1482 : i32 to vector<16xi32>
        %add3A_1490 = arith.addi %add3A_1489, %mul3A_1488 : vector<16xi32>
        %gather3A_1491 = tpu.vector_load_idx %arg5[%add3A_1490] : memref<25600xi32, #tpu.memory_space<vmem>>[vector<16xi32>], vector<16xi32>,
        %swap3A_1492 = arith.constant 1 : i32
        %swap3A_1493 = arith.constant 1 : i32
        %swap3A_1494 = arith.index_cast %swap3A_1492 : i32 to index
        %swap3A_1495 = arith.index_cast %swap3A_1493 : i32 to index
        %swap3A_1496 = arith.constant 112 : index
        %swap3A_1497 = tpu.vector_load %arg6[%swap3A_1494, %swap3A_1495, %swap3A_1496] {strides = array<i32>} : memref<5x2x128xi32, #tpu.memory_space<vmem>>, vector<16xi32>,
        tpu.vector_store %arg6[%swap3A_1494, %swap3A_1495, %swap3A_1496], %gather3A_1491 {strides = array<i32>} : memref<5x2x128xi32, #tpu.memory_space<vmem>>, vector<16xi32>,
        %dma_start3A_1498 = arith.constant 1 : i32
        %dma_start3A_1499 = arith.constant 0 : i32
        %dma_start3A_1500 = arith.constant 1 : i32
        %dma_start3A_1501 = arith.constant 0 : i32
        %dma_start3A_1502 = arith.constant 1 : i32
        %dma_start3A_1503 = arith.constant 0 : i32
        %dma_start3A_1504 = arith.constant 0 : i32
        %dma_start3A_1505 = tpu.memref_slice %arg7[%dma_start3A_1500, %dma_start3A_1501, %dma_start3A_1503, %dma_start3A_1504] : memref<5x2x128x64xf32, #tpu.memory_space<vmem>> -> memref<1x1x128x64xf32, #tpu.memory_space<vmem>>
        %dma_start3A_1506 = tpu.memref_squeeze %dma_start3A_1505 : memref<1x1x128x64xf32, #tpu.memory_space<vmem>> -> memref<128x64xf32, #tpu.memory_space<vmem>>
        %dma_start3A_1507 = arith.constant 0 : i32
        %dma_start3A_1508 = tpu.memref_slice %arg6[%dma_start3A_1498, %dma_start3A_1499, %dma_start3A_1507] : memref<5x2x128xi32, #tpu.memory_space<vmem>> -> memref<1x1x128xi32, #tpu.memory_space<vmem>>
        %dma_start3A_1509 = tpu.memref_squeeze %dma_start3A_1508 : memref<1x1x128xi32, #tpu.memory_space<vmem>> -> memref<128xi32, #tpu.memory_space<vmem>>
        %dma_start3A_1510 = arith.constant 0 : i32
        %dma_start3A_1511 = arith.constant 0 : i32
        %dma_start3A_1512 = tpu.memref_slice %arg3[%dma_start3A_1510, %dma_start3A_1511] : memref<1000000x64xf32, #tpu.memory_space<hbm>> -> memref<1000000x64xf32, #tpu.memory_space<hbm>>
        %dma_start3A_1513 = tpu.memref_slice %arg8[%dma_start3A_1502] : memref<5x!tpu.dma_semaphore, #tpu.memory_space<semaphore_mem>> -> memref<1x!tpu.dma_semaphore, #tpu.memory_space<semaphore_mem>>
        %dma_start3A_1514 = tpu.memref_squeeze %dma_start3A_1513 : memref<1x!tpu.dma_semaphore, #tpu.memory_space<semaphore_mem>> -> memref<!tpu.dma_semaphore, #tpu.memory_space<semaphore_mem>>
        tpu.enqueue_indirect_dma source(%dma_start3A_1512 : memref<1000000x64xf32, #tpu.memory_space<hbm>>) target(%dma_start3A_1506 : memref<128x64xf32, #tpu.memory_space<vmem>>) offsets(%dma_start3A_1509 : memref<128xi32, #tpu.memory_space<vmem>>) semaphore(%dma_start3A_1514 : memref<!tpu.dma_semaphore, #tpu.memory_space<semaphore_mem>>)
        %dma_start3A_1515 = arith.constant 1 : i32
        %dma_start3A_1516 = arith.constant 1 : i32
        %dma_start3A_1517 = arith.constant 1 : i32
        %dma_start3A_1518 = arith.constant 1 : i32
        %dma_start3A_1519 = arith.constant 1 : i32
        %dma_start3A_1520 = arith.constant 0 : i32
        %dma_start3A_1521 = arith.constant 0 : i32
        %dma_start3A_1522 = tpu.memref_slice %arg7[%dma_start3A_1517, %dma_start3A_1518, %dma_start3A_1520, %dma_start3A_1521] : memref<5x2x128x64xf32, #tpu.memory_space<vmem>> -> memref<1x1x128x64xf32, #tpu.memory_space<vmem>>
        %dma_start3A_1523 = tpu.memref_squeeze %dma_start3A_1522 : memref<1x1x128x64xf32, #tpu.memory_space<vmem>> -> memref<128x64xf32, #tpu.memory_space<vmem>>
        %dma_start3A_1524 = arith.constant 0 : i32
        %dma_start3A_1525 = tpu.memref_slice %arg6[%dma_start3A_1515, %dma_start3A_1516, %dma_start3A_1524] : memref<5x2x128xi32, #tpu.memory_space<vmem>> -> memref<1x1x128xi32, #tpu.memory_space<vmem>>
        %dma_start3A_1526 = tpu.memref_squeeze %dma_start3A_1525 : memref<1x1x128xi32, #tpu.memory_space<vmem>> -> memref<128xi32, #tpu.memory_space<vmem>>
        %dma_start3A_1527 = arith.constant 0 : i32
        %dma_start3A_1528 = arith.constant 0 : i32
        %dma_start3A_1529 = tpu.memref_slice %arg3[%dma_start3A_1527, %dma_start3A_1528] : memref<1000000x64xf32, #tpu.memory_space<hbm>> -> memref<1000000x64xf32, #tpu.memory_space<hbm>>
        %dma_start3A_1530 = tpu.memref_slice %arg8[%dma_start3A_1519] : memref<5x!tpu.dma_semaphore, #tpu.memory_space<semaphore_mem>> -> memref<1x!tpu.dma_semaphore, #tpu.memory_space<semaphore_mem>>
        %dma_start3A_1531 = tpu.memref_squeeze %dma_start3A_1530 : memref<1x!tpu.dma_semaphore, #tpu.memory_space<semaphore_mem>> -> memref<!tpu.dma_semaphore, #tpu.memory_space<semaphore_mem>>
        tpu.enqueue_indirect_dma source(%dma_start3A_1529 : memref<1000000x64xf32, #tpu.memory_space<hbm>>) target(%dma_start3A_1523 : memref<128x64xf32, #tpu.memory_space<vmem>>) offsets(%dma_start3A_1526 : memref<128xi32, #tpu.memory_space<vmem>>) semaphore(%dma_start3A_1531 : memref<!tpu.dma_semaphore, #tpu.memory_space<semaphore_mem>>)
      } else {
      }
      %sub3A_1124 = arith.constant 3 : i32
      %sub3A_1125 = arith.subi %add3A_1113, %sub3A_1124 : i32
      %ge3A_1126 = arith.constant 3 : i32
      %ge3A_1127 = arith.cmpi sge, %add3A_1113, %ge3A_1126 : i32
      %convert_element_type3A_1128 = arith.extui %ge3A_1127 : i1 to i32
      %cond3A_1129 = arith.constant 0 : i32
      %cond3A_1130 = arith.cmpi ne, %convert_element_type3A_1128, %cond3A_1129 : i32
      scf.if %cond3A_1130 {
        %dma_wait3A_1194 = arith.constant 3 : i32
        %dma_wait3A_1195 = arith.constant 0 : i32
        %dma_wait3A_1196 = arith.constant 3 : i32
        %dma_wait3A_1197 = arith.constant 0 : i32
        %dma_wait3A_1198 = arith.constant 3 : i32
        %dma_wait3A_1199 = arith.constant 0 : i32
        %dma_wait3A_1200 = arith.constant 0 : i32
        %dma_wait3A_1201 = tpu.memref_slice %arg7[%dma_wait3A_1196, %dma_wait3A_1197, %dma_wait3A_1199, %dma_wait3A_1200] : memref<5x2x128x64xf32, #tpu.memory_space<vmem>> -> memref<1x1x128x64xf32, #tpu.memory_space<vmem>>
        %dma_wait3A_1202 = tpu.memref_squeeze %dma_wait3A_1201 : memref<1x1x128x64xf32, #tpu.memory_space<vmem>> -> memref<128x64xf32, #tpu.memory_space<vmem>>
        %dma_wait3A_1203 = arith.constant 0 : i32
        %dma_wait3A_1204 = tpu.memref_slice %arg6[%dma_wait3A_1194, %dma_wait3A_1195, %dma_wait3A_1203] : memref<5x2x128xi32, #tpu.memory_space<vmem>> -> memref<1x1x128xi32, #tpu.memory_space<vmem>>
        %dma_wait3A_1205 = tpu.memref_squeeze %dma_wait3A_1204 : memref<1x1x128xi32, #tpu.memory_space<vmem>> -> memref<128xi32, #tpu.memory_space<vmem>>
        %dma_wait3A_1206 = arith.constant 0 : i32
        %dma_wait3A_1207 = arith.constant 0 : i32
        %dma_wait3A_1208 = tpu.memref_slice %arg3[%dma_wait3A_1206, %dma_wait3A_1207] : memref<1000000x64xf32, #tpu.memory_space<hbm>> -> memref<1000000x64xf32, #tpu.memory_space<hbm>>
        %dma_wait3A_1209 = tpu.memref_slice %arg8[%dma_wait3A_1198] : memref<5x!tpu.dma_semaphore, #tpu.memory_space<semaphore_mem>> -> memref<1x!tpu.dma_semaphore, #tpu.memory_space<semaphore_mem>>
        %dma_wait3A_1210 = tpu.memref_squeeze %dma_wait3A_1209 : memref<1x!tpu.dma_semaphore, #tpu.memory_space<semaphore_mem>> -> memref<!tpu.dma_semaphore, #tpu.memory_space<semaphore_mem>>
        tpu.wait_indirect_dma semaphore(%dma_wait3A_1210 : memref<!tpu.dma_semaphore, #tpu.memory_space<semaphore_mem>>) src(%dma_wait3A_1208 : memref<1000000x64xf32, #tpu.memory_space<hbm>>) dst(%dma_wait3A_1202 : memref<128x64xf32, #tpu.memory_space<vmem>>)
        %dma_wait3A_1211 = arith.constant 3 : i32
        %dma_wait3A_1212 = arith.constant 1 : i32
        %dma_wait3A_1213 = arith.constant 3 : i32
        %dma_wait3A_1214 = arith.constant 1 : i32
        %dma_wait3A_1215 = arith.constant 3 : i32
        %dma_wait3A_1216 = arith.constant 0 : i32
        %dma_wait3A_1217 = arith.constant 0 : i32
        %dma_wait3A_1218 = tpu.memref_slice %arg7[%dma_wait3A_1213, %dma_wait3A_1214, %dma_wait3A_1216, %dma_wait3A_1217] : memref<5x2x128x64xf32, #tpu.memory_space<vmem>> -> memref<1x1x128x64xf32, #tpu.memory_space<vmem>>
        %dma_wait3A_1219 = tpu.memref_squeeze %dma_wait3A_1218 : memref<1x1x128x64xf32, #tpu.memory_space<vmem>> -> memref<128x64xf32, #tpu.memory_space<vmem>>
        %dma_wait3A_1220 = arith.constant 0 : i32
        %dma_wait3A_1221 = tpu.memref_slice %arg6[%dma_wait3A_1211, %dma_wait3A_1212, %dma_wait3A_1220] : memref<5x2x128xi32, #tpu.memory_space<vmem>> -> memref<1x1x128xi32, #tpu.memory_space<vmem>>
        %dma_wait3A_1222 = tpu.memref_squeeze %dma_wait3A_1221 : memref<1x1x128xi32, #tpu.memory_space<vmem>> -> memref<128xi32, #tpu.memory_space<vmem>>
        %dma_wait3A_1223 = arith.constant 0 : i32
        %dma_wait3A_1224 = arith.constant 0 : i32
        %dma_wait3A_1225 = tpu.memref_slice %arg3[%dma_wait3A_1223, %dma_wait3A_1224] : memref<1000000x64xf32, #tpu.memory_space<hbm>> -> memref<1000000x64xf32, #tpu.memory_space<hbm>>
        %dma_wait3A_1226 = tpu.memref_slice %arg8[%dma_wait3A_1215] : memref<5x!tpu.dma_semaphore, #tpu.memory_space<semaphore_mem>> -> memref<1x!tpu.dma_semaphore, #tpu.memory_space<semaphore_mem>>
        %dma_wait3A_1227 = tpu.memref_squeeze %dma_wait3A_1226 : memref<1x!tpu.dma_semaphore, #tpu.memory_space<semaphore_mem>> -> memref<!tpu.dma_semaphore, #tpu.memory_space<semaphore_mem>>
        tpu.wait_indirect_dma semaphore(%dma_wait3A_1227 : memref<!tpu.dma_semaphore, #tpu.memory_space<semaphore_mem>>) src(%dma_wait3A_1225 : memref<1000000x64xf32, #tpu.memory_space<hbm>>) dst(%dma_wait3A_1219 : memref<128x64xf32, #tpu.memory_space<vmem>>)
        %mul3A_1228 = arith.constant 256 : i32
        %mul3A_1229 = arith.muli %sub3A_1125, %mul3A_1228 : i32
        %add3A_1230 = arith.addi %mul3A_2, %mul3A_1229 : i32
        %jit3A_1231 = arith.constant 2 : i32
        %div3A_1232 = arith.divsi %add3A_1230, %jit3A_1231 : i32
        %sign3A_1233 = arith.constant 0 : i32
        %sign3A_1234 = arith.cmpi sgt, %add3A_1230, %sign3A_1233 : i32
        %sign3A_1235 = arith.extui %sign3A_1234 : i1 to i32
        %sign3A_1236 = arith.constant 0 : i32
        %sign3A_1237 = arith.cmpi slt, %add3A_1230, %sign3A_1236 : i32
        %sign3A_1238 = arith.extui %sign3A_1237 : i1 to i32
        %sign3A_1239 = arith.subi %sign3A_1235, %sign3A_1238 : i32
        %sign3A_1240 = arith.constant 0 : i32
        %sign3A_1241 = arith.cmpi sgt, %jit3A_1231, %sign3A_1240 : i32
        %sign3A_1242 = arith.extui %sign3A_1241 : i1 to i32
        %sign3A_1243 = arith.constant 0 : i32
        %sign3A_1244 = arith.cmpi slt, %jit3A_1231, %sign3A_1243 : i32
        %sign3A_1245 = arith.extui %sign3A_1244 : i1 to i32
        %sign3A_1246 = arith.subi %sign3A_1242, %sign3A_1245 : i32
        %ne3A_1247 = arith.cmpi ne, %sign3A_1239, %sign3A_1246 : i32
        %rem3A_1248 = arith.remsi %add3A_1230, %jit3A_1231 : i32
        %ne3A_1249 = arith.constant 0 : i32
        %ne3A_1250 = arith.cmpi ne, %rem3A_1248, %ne3A_1249 : i32
        %and3A_1251 = arith.andi %ne3A_1247, %ne3A_1250 : i1
        %sub3A_1252 = arith.constant 1 : i32
        %sub3A_1253 = arith.subi %div3A_1232, %sub3A_1252 : i32
        %select_n3A_1254 = arith.select %and3A_1251, %sub3A_1253, %div3A_1232 : i32
        %multiple_of3A_1255 = tpu.assume_multiple %select_n3A_1254, 128 : i32
        %dma_start3A_1256 = arith.constant 3 : i32
        %dma_start3A_1257 = arith.constant 0 : i32
        %dma_start3A_1258 = arith.constant 3 : i32
        %dma_start3A_1259 = arith.constant 0 : i32
        %dma_start3A_1260 = arith.constant 0 : i32
        %dma_start3A_1261 = tpu.memref_slice %arg7[%dma_start3A_1256, %dma_start3A_1257, %dma_start3A_1259, %dma_start3A_1260] : memref<5x2x128x64xf32, #tpu.memory_space<vmem>> -> memref<1x1x128x64xf32, #tpu.memory_space<vmem>>
        %dma_start3A_1262 = tpu.memref_squeeze %dma_start3A_1261 : memref<1x1x128x64xf32, #tpu.memory_space<vmem>> -> memref<128x64xf32, #tpu.memory_space<vmem>>
        %dma_start3A_1263 = arith.constant 0 : i32
        %dma_start3A_1264 = tpu.memref_slice %arg4[%multiple_of3A_1255, %dma_start3A_1263] : memref<409600x128xf32, #tpu.memory_space<hbm>> -> memref<128x64xf32, #tpu.memory_space<hbm>>
        %dma_start3A_1265 = tpu.memref_slice %arg9[%dma_start3A_1258] : memref<5x!tpu.dma_semaphore, #tpu.memory_space<semaphore_mem>> -> memref<1x!tpu.dma_semaphore, #tpu.memory_space<semaphore_mem>>
        %dma_start3A_1266 = tpu.memref_squeeze %dma_start3A_1265 : memref<1x!tpu.dma_semaphore, #tpu.memory_space<semaphore_mem>> -> memref<!tpu.dma_semaphore, #tpu.memory_space<semaphore_mem>>
        %dma_start3A_1267 = arith.constant 0 : i32
        %dma_start3A_1268 = tpu.memref_slice %arg4[%multiple_of3A_1255, %dma_start3A_1267] : memref<409600x128xf32, #tpu.memory_space<hbm>> -> memref<128x64xf32, #tpu.memory_space<hbm>>
        %dma_start3A_1269 = arith.constant 0 : i32
        %dma_start3A_1270 = arith.constant 0 : i32
        %dma_start3A_1271 = tpu.memref_slice %arg7[%dma_start3A_1256, %dma_start3A_1257, %dma_start3A_1269, %dma_start3A_1270] : memref<5x2x128x64xf32, #tpu.memory_space<vmem>> -> memref<1x1x128x64xf32, #tpu.memory_space<vmem>>
        %dma_start3A_1272 = tpu.memref_squeeze %dma_start3A_1271 : memref<1x1x128x64xf32, #tpu.memory_space<vmem>> -> memref<128x64xf32, #tpu.memory_space<vmem>>
        tpu.enqueue_dma source(%dma_start3A_1272 : memref<128x64xf32, #tpu.memory_space<vmem>>) target(%dma_start3A_1268 : memref<128x64xf32, #tpu.memory_space<hbm>>) target_semaphore(%dma_start3A_1266 : memref<!tpu.dma_semaphore, #tpu.memory_space<semaphore_mem>>)
        %mul3A_1273 = arith.constant 256 : i32
        %mul3A_1274 = arith.muli %sub3A_1125, %mul3A_1273 : i32
        %add3A_1275 = arith.addi %mul3A_2, %mul3A_1274 : i32
        %jit3A_1276 = arith.constant 2 : i32
        %div3A_1277 = arith.divsi %add3A_1275, %jit3A_1276 : i32
        %sign3A_1278 = arith.constant 0 : i32
        %sign3A_1279 = arith.cmpi sgt, %add3A_1275, %sign3A_1278 : i32
        %sign3A_1280 = arith.extui %sign3A_1279 : i1 to i32
        %sign3A_1281 = arith.constant 0 : i32
        %sign3A_1282 = arith.cmpi slt, %add3A_1275, %sign3A_1281 : i32
        %sign3A_1283 = arith.extui %sign3A_1282 : i1 to i32
        %sign3A_1284 = arith.subi %sign3A_1280, %sign3A_1283 : i32
        %sign3A_1285 = arith.constant 0 : i32
        %sign3A_1286 = arith.cmpi sgt, %jit3A_1276, %sign3A_1285 : i32
        %sign3A_1287 = arith.extui %sign3A_1286 : i1 to i32
        %sign3A_1288 = arith.constant 0 : i32
        %sign3A_1289 = arith.cmpi slt, %jit3A_1276, %sign3A_1288 : i32
        %sign3A_1290 = arith.extui %sign3A_1289 : i1 to i32
        %sign3A_1291 = arith.subi %sign3A_1287, %sign3A_1290 : i32
        %ne3A_1292 = arith.cmpi ne, %sign3A_1284, %sign3A_1291 : i32
        %rem3A_1293 = arith.remsi %add3A_1275, %jit3A_1276 : i32
        %ne3A_1294 = arith.constant 0 : i32
        %ne3A_1295 = arith.cmpi ne, %rem3A_1293, %ne3A_1294 : i32
        %and3A_1296 = arith.andi %ne3A_1292, %ne3A_1295 : i1
        %sub3A_1297 = arith.constant 1 : i32
        %sub3A_1298 = arith.subi %div3A_1277, %sub3A_1297 : i32
        %select_n3A_1299 = arith.select %and3A_1296, %sub3A_1298, %div3A_1277 : i32
        %multiple_of3A_1300 = tpu.assume_multiple %select_n3A_1299, 128 : i32
        %dma_start3A_1301 = arith.constant 3 : i32
        %dma_start3A_1302 = arith.constant 1 : i32
        %dma_start3A_1303 = arith.constant 3 : i32
        %dma_start3A_1304 = arith.constant 0 : i32
        %dma_start3A_1305 = arith.constant 0 : i32
        %dma_start3A_1306 = tpu.memref_slice %arg7[%dma_start3A_1301, %dma_start3A_1302, %dma_start3A_1304, %dma_start3A_1305] : memref<5x2x128x64xf32, #tpu.memory_space<vmem>> -> memref<1x1x128x64xf32, #tpu.memory_space<vmem>>
        %dma_start3A_1307 = tpu.memref_squeeze %dma_start3A_1306 : memref<1x1x128x64xf32, #tpu.memory_space<vmem>> -> memref<128x64xf32, #tpu.memory_space<vmem>>
        %dma_start3A_1308 = arith.constant 64 : i32
        %dma_start3A_1309 = tpu.memref_slice %arg4[%multiple_of3A_1300, %dma_start3A_1308] : memref<409600x128xf32, #tpu.memory_space<hbm>> -> memref<128x64xf32, #tpu.memory_space<hbm>>
        %dma_start3A_1310 = tpu.memref_slice %arg9[%dma_start3A_1303] : memref<5x!tpu.dma_semaphore, #tpu.memory_space<semaphore_mem>> -> memref<1x!tpu.dma_semaphore, #tpu.memory_space<semaphore_mem>>
        %dma_start3A_1311 = tpu.memref_squeeze %dma_start3A_1310 : memref<1x!tpu.dma_semaphore, #tpu.memory_space<semaphore_mem>> -> memref<!tpu.dma_semaphore, #tpu.memory_space<semaphore_mem>>
        %dma_start3A_1312 = arith.constant 64 : i32
        %dma_start3A_1313 = tpu.memref_slice %arg4[%multiple_of3A_1300, %dma_start3A_1312] : memref<409600x128xf32, #tpu.memory_space<hbm>> -> memref<128x64xf32, #tpu.memory_space<hbm>>
        %dma_start3A_1314 = arith.constant 0 : i32
        %dma_start3A_1315 = arith.constant 0 : i32
        %dma_start3A_1316 = tpu.memref_slice %arg7[%dma_start3A_1301, %dma_start3A_1302, %dma_start3A_1314, %dma_start3A_1315] : memref<5x2x128x64xf32, #tpu.memory_space<vmem>> -> memref<1x1x128x64xf32, #tpu.memory_space<vmem>>
        %dma_start3A_1317 = tpu.memref_squeeze %dma_start3A_1316 : memref<1x1x128x64xf32, #tpu.memory_space<vmem>> -> memref<128x64xf32, #tpu.memory_space<vmem>>
        tpu.enqueue_dma source(%dma_start3A_1317 : memref<128x64xf32, #tpu.memory_space<vmem>>) target(%dma_start3A_1313 : memref<128x64xf32, #tpu.memory_space<hbm>>) target_semaphore(%dma_start3A_1311 : memref<!tpu.dma_semaphore, #tpu.memory_space<semaphore_mem>>)
      } else {
      }
      %mul3A_1131 = arith.constant 5 : i32
      %mul3A_1132 = arith.muli %scan3A_1091, %mul3A_1131 : i32
      %add3A_1133 = arith.constant 2 : i32
      %add3A_1134 = arith.addi %mul3A_1132, %add3A_1133 : i32
      %ge3A_1135 = arith.constant 5 : i32
      %ge3A_1136 = arith.cmpi sge, %add3A_1134, %ge3A_1135 : i32
      %convert_element_type3A_1137 = arith.extui %ge3A_1136 : i1 to i32
      %cond3A_1138 = arith.constant 0 : i32
      %cond3A_1139 = arith.cmpi ne, %convert_element_type3A_1137, %cond3A_1138 : i32
      scf.if %cond3A_1139 {
        %sub3A_1194 = arith.constant 5 : i32
        %sub3A_1195 = arith.subi %add3A_1134, %sub3A_1194 : i32
        %mul3A_1196 = arith.constant 256 : i32
        %mul3A_1197 = arith.muli %sub3A_1195, %mul3A_1196 : i32
        %add3A_1198 = arith.addi %mul3A_2, %mul3A_1197 : i32
        %jit3A_1199 = arith.constant 2 : i32
        %div3A_1200 = arith.divsi %add3A_1198, %jit3A_1199 : i32
        %sign3A_1201 = arith.constant 0 : i32
        %sign3A_1202 = arith.cmpi sgt, %add3A_1198, %sign3A_1201 : i32
        %sign3A_1203 = arith.extui %sign3A_1202 : i1 to i32
        %sign3A_1204 = arith.constant 0 : i32
        %sign3A_1205 = arith.cmpi slt, %add3A_1198, %sign3A_1204 : i32
        %sign3A_1206 = arith.extui %sign3A_1205 : i1 to i32
        %sign3A_1207 = arith.subi %sign3A_1203, %sign3A_1206 : i32
        %sign3A_1208 = arith.constant 0 : i32
        %sign3A_1209 = arith.cmpi sgt, %jit3A_1199, %sign3A_1208 : i32
        %sign3A_1210 = arith.extui %sign3A_1209 : i1 to i32
        %sign3A_1211 = arith.constant 0 : i32
        %sign3A_1212 = arith.cmpi slt, %jit3A_1199, %sign3A_1211 : i32
        %sign3A_1213 = arith.extui %sign3A_1212 : i1 to i32
        %sign3A_1214 = arith.subi %sign3A_1210, %sign3A_1213 : i32
        %ne3A_1215 = arith.cmpi ne, %sign3A_1207, %sign3A_1214 : i32
        %rem3A_1216 = arith.remsi %add3A_1198, %jit3A_1199 : i32
        %ne3A_1217 = arith.constant 0 : i32
        %ne3A_1218 = arith.cmpi ne, %rem3A_1216, %ne3A_1217 : i32
        %and3A_1219 = arith.andi %ne3A_1215, %ne3A_1218 : i1
        %sub3A_1220 = arith.constant 1 : i32
        %sub3A_1221 = arith.subi %div3A_1200, %sub3A_1220 : i32
        %select_n3A_1222 = arith.select %and3A_1219, %sub3A_1221, %div3A_1200 : i32
        %multiple_of3A_1223 = tpu.assume_multiple %select_n3A_1222, 128 : i32
        %dma_wait3A_1224 = arith.constant 2 : i32
        %dma_wait3A_1225 = arith.constant 0 : i32
        %dma_wait3A_1226 = arith.constant 2 : i32
        %dma_wait3A_1227 = arith.constant 0 : i32
        %dma_wait3A_1228 = arith.constant 0 : i32
        %dma_wait3A_1229 = tpu.memref_slice %arg7[%dma_wait3A_1224, %dma_wait3A_1225, %dma_wait3A_1227, %dma_wait3A_1228] : memref<5x2x128x64xf32, #tpu.memory_space<vmem>> -> memref<1x1x128x64xf32, #tpu.memory_space<vmem>>
        %dma_wait3A_1230 = tpu.memref_squeeze %dma_wait3A_1229 : memref<1x1x128x64xf32, #tpu.memory_space<vmem>> -> memref<128x64xf32, #tpu.memory_space<vmem>>
        %dma_wait3A_1231 = arith.constant 0 : i32
        %dma_wait3A_1232 = tpu.memref_slice %arg4[%multiple_of3A_1223, %dma_wait3A_1231] : memref<409600x128xf32, #tpu.memory_space<hbm>> -> memref<128x64xf32, #tpu.memory_space<hbm>>
        %dma_wait3A_1233 = tpu.memref_slice %arg9[%dma_wait3A_1226] : memref<5x!tpu.dma_semaphore, #tpu.memory_space<semaphore_mem>> -> memref<1x!tpu.dma_semaphore, #tpu.memory_space<semaphore_mem>>
        %dma_wait3A_1234 = tpu.memref_squeeze %dma_wait3A_1233 : memref<1x!tpu.dma_semaphore, #tpu.memory_space<semaphore_mem>> -> memref<!tpu.dma_semaphore, #tpu.memory_space<semaphore_mem>>
        %dma_wait3A_1235 = arith.constant 0 : i32
        %dma_wait3A_1236 = tpu.memref_slice %arg4[%multiple_of3A_1223, %dma_wait3A_1235] : memref<409600x128xf32, #tpu.memory_space<hbm>> -> memref<128x64xf32, #tpu.memory_space<hbm>>
        %dma_wait3A_1237 = arith.constant 0 : i32
        %dma_wait3A_1238 = arith.constant 0 : i32
        %dma_wait3A_1239 = tpu.memref_slice %arg7[%dma_wait3A_1224, %dma_wait3A_1225, %dma_wait3A_1237, %dma_wait3A_1238] : memref<5x2x128x64xf32, #tpu.memory_space<vmem>> -> memref<1x1x128x64xf32, #tpu.memory_space<vmem>>
        %dma_wait3A_1240 = tpu.memref_squeeze %dma_wait3A_1239 : memref<1x1x128x64xf32, #tpu.memory_space<vmem>> -> memref<128x64xf32, #tpu.memory_space<vmem>>
        tpu.wait_dma2 semaphore(%dma_wait3A_1234 : memref<!tpu.dma_semaphore, #tpu.memory_space<semaphore_mem>>) src(%dma_wait3A_1240 : memref<128x64xf32, #tpu.memory_space<vmem>>) dst(%dma_wait3A_1236 : memref<128x64xf32, #tpu.memory_space<hbm>>)
        %mul3A_1241 = arith.constant 256 : i32
        %mul3A_1242 = arith.muli %sub3A_1195, %mul3A_1241 : i32
        %add3A_1243 = arith.addi %mul3A_2, %mul3A_1242 : i32
        %jit3A_1244 = arith.constant 2 : i32
        %div3A_1245 = arith.divsi %add3A_1243, %jit3A_1244 : i32
        %sign3A_1246 = arith.constant 0 : i32
        %sign3A_1247 = arith.cmpi sgt, %add3A_1243, %sign3A_1246 : i32
        %sign3A_1248 = arith.extui %sign3A_1247 : i1 to i32
        %sign3A_1249 = arith.constant 0 : i32
        %sign3A_1250 = arith.cmpi slt, %add3A_1243, %sign3A_1249 : i32
        %sign3A_1251 = arith.extui %sign3A_1250 : i1 to i32
        %sign3A_1252 = arith.subi %sign3A_1248, %sign3A_1251 : i32
        %sign3A_1253 = arith.constant 0 : i32
        %sign3A_1254 = arith.cmpi sgt, %jit3A_1244, %sign3A_1253 : i32
        %sign3A_1255 = arith.extui %sign3A_1254 : i1 to i32
        %sign3A_1256 = arith.constant 0 : i32
        %sign3A_1257 = arith.cmpi slt, %jit3A_1244, %sign3A_1256 : i32
        %sign3A_1258 = arith.extui %sign3A_1257 : i1 to i32
        %sign3A_1259 = arith.subi %sign3A_1255, %sign3A_1258 : i32
        %ne3A_1260 = arith.cmpi ne, %sign3A_1252, %sign3A_1259 : i32
        %rem3A_1261 = arith.remsi %add3A_1243, %jit3A_1244 : i32
        %ne3A_1262 = arith.constant 0 : i32
        %ne3A_1263 = arith.cmpi ne, %rem3A_1261, %ne3A_1262 : i32
        %and3A_1264 = arith.andi %ne3A_1260, %ne3A_1263 : i1
        %sub3A_1265 = arith.constant 1 : i32
        %sub3A_1266 = arith.subi %div3A_1245, %sub3A_1265 : i32
        %select_n3A_1267 = arith.select %and3A_1264, %sub3A_1266, %div3A_1245 : i32
        %multiple_of3A_1268 = tpu.assume_multiple %select_n3A_1267, 128 : i32
        %dma_wait3A_1269 = arith.constant 2 : i32
        %dma_wait3A_1270 = arith.constant 1 : i32
        %dma_wait3A_1271 = arith.constant 2 : i32
        %dma_wait3A_1272 = arith.constant 0 : i32
        %dma_wait3A_1273 = arith.constant 0 : i32
        %dma_wait3A_1274 = tpu.memref_slice %arg7[%dma_wait3A_1269, %dma_wait3A_1270, %dma_wait3A_1272, %dma_wait3A_1273] : memref<5x2x128x64xf32, #tpu.memory_space<vmem>> -> memref<1x1x128x64xf32, #tpu.memory_space<vmem>>
        %dma_wait3A_1275 = tpu.memref_squeeze %dma_wait3A_1274 : memref<1x1x128x64xf32, #tpu.memory_space<vmem>> -> memref<128x64xf32, #tpu.memory_space<vmem>>
        %dma_wait3A_1276 = arith.constant 64 : i32
        %dma_wait3A_1277 = tpu.memref_slice %arg4[%multiple_of3A_1268, %dma_wait3A_1276] : memref<409600x128xf32, #tpu.memory_space<hbm>> -> memref<128x64xf32, #tpu.memory_space<hbm>>
        %dma_wait3A_1278 = tpu.memref_slice %arg9[%dma_wait3A_1271] : memref<5x!tpu.dma_semaphore, #tpu.memory_space<semaphore_mem>> -> memref<1x!tpu.dma_semaphore, #tpu.memory_space<semaphore_mem>>
        %dma_wait3A_1279 = tpu.memref_squeeze %dma_wait3A_1278 : memref<1x!tpu.dma_semaphore, #tpu.memory_space<semaphore_mem>> -> memref<!tpu.dma_semaphore, #tpu.memory_space<semaphore_mem>>
        %dma_wait3A_1280 = arith.constant 64 : i32
        %dma_wait3A_1281 = tpu.memref_slice %arg4[%multiple_of3A_1268, %dma_wait3A_1280] : memref<409600x128xf32, #tpu.memory_space<hbm>> -> memref<128x64xf32, #tpu.memory_space<hbm>>
        %dma_wait3A_1282 = arith.constant 0 : i32
        %dma_wait3A_1283 = arith.constant 0 : i32
        %dma_wait3A_1284 = tpu.memref_slice %arg7[%dma_wait3A_1269, %dma_wait3A_1270, %dma_wait3A_1282, %dma_wait3A_1283] : memref<5x2x128x64xf32, #tpu.memory_space<vmem>> -> memref<1x1x128x64xf32, #tpu.memory_space<vmem>>
        %dma_wait3A_1285 = tpu.memref_squeeze %dma_wait3A_1284 : memref<1x1x128x64xf32, #tpu.memory_space<vmem>> -> memref<128x64xf32, #tpu.memory_space<vmem>>
        tpu.wait_dma2 semaphore(%dma_wait3A_1279 : memref<!tpu.dma_semaphore, #tpu.memory_space<semaphore_mem>>) src(%dma_wait3A_1285 : memref<128x64xf32, #tpu.memory_space<vmem>>) dst(%dma_wait3A_1281 : memref<128x64xf32, #tpu.memory_space<hbm>>)
      } else {
      }
      %ge3A_1140 = arith.constant 1 : i32
      %ge3A_1141 = arith.cmpi sge, %add3A_1134, %ge3A_1140 : i32
      %convert_element_type3A_1142 = arith.extui %ge3A_1141 : i1 to i32
      %cond3A_1143 = arith.constant 0 : i32
      %cond3A_1144 = arith.cmpi ne, %convert_element_type3A_1142, %cond3A_1143 : i32
      scf.if %cond3A_1144 {
        %mul3A_1194 = arith.constant 256 : i32
        %mul3A_1195 = arith.muli %add3A_1134, %mul3A_1194 : i32
        %add3A_1196 = arith.constant 0 : i32
        %add3A_1197 = arith.addi %mul3A_1195, %add3A_1196 : i32
        %add3A_1198 = arith.constant 0 : i32
        %add3A_1199 = vector.broadcast %add3A_1198 : i32 to vector<16xi32>
        %add3A_1200 = arith.addi %iota3A, %add3A_1199 : vector<16xi32>
        %mul3A_1201 = arith.constant 2 : i32
        %mul3A_1202 = vector.broadcast %mul3A_1201 : i32 to vector<16xi32>
        %mul3A_1203 = arith.muli %mul3A_1202, %add3A_1200 : vector<16xi32>
        %add3A_1204 = vector.broadcast %add3A_1197 : i32 to vector<16xi32>
        %add3A_1205 = arith.addi %add3A_1204, %mul3A_1203 : vector<16xi32>
        %gather3A_1206 = tpu.vector_load_idx %arg5[%add3A_1205] : memref<25600xi32, #tpu.memory_space<vmem>>[vector<16xi32>], vector<16xi32>,
        %swap3A_1207 = arith.constant 2 : i32
        %swap3A_1208 = arith.constant 0 : i32
        %swap3A_1209 = arith.index_cast %swap3A_1207 : i32 to index
        %swap3A_1210 = arith.index_cast %swap3A_1208 : i32 to index
        %swap3A_1211 = arith.constant 0 : index
        %swap3A_1212 = tpu.vector_load %arg6[%swap3A_1209, %swap3A_1210, %swap3A_1211] {strides = array<i32>} : memref<5x2x128xi32, #tpu.memory_space<vmem>>, vector<16xi32>,
        tpu.vector_store %arg6[%swap3A_1209, %swap3A_1210, %swap3A_1211], %gather3A_1206 {strides = array<i32>} : memref<5x2x128xi32, #tpu.memory_space<vmem>>, vector<16xi32>,
        %mul3A_1213 = arith.constant 256 : i32
        %mul3A_1214 = arith.muli %add3A_1134, %mul3A_1213 : i32
        %add3A_1215 = arith.constant 0 : i32
        %add3A_1216 = arith.addi %mul3A_1214, %add3A_1215 : i32
        %add3A_1217 = arith.constant 16 : i32
        %add3A_1218 = vector.broadcast %add3A_1217 : i32 to vector<16xi32>
        %add3A_1219 = arith.addi %iota3A, %add3A_1218 : vector<16xi32>
        %mul3A_1220 = arith.constant 2 : i32
        %mul3A_1221 = vector.broadcast %mul3A_1220 : i32 to vector<16xi32>
        %mul3A_1222 = arith.muli %mul3A_1221, %add3A_1219 : vector<16xi32>
        %add3A_1223 = vector.broadcast %add3A_1216 : i32 to vector<16xi32>
        %add3A_1224 = arith.addi %add3A_1223, %mul3A_1222 : vector<16xi32>
        %gather3A_1225 = tpu.vector_load_idx %arg5[%add3A_1224] : memref<25600xi32, #tpu.memory_space<vmem>>[vector<16xi32>], vector<16xi32>,
        %swap3A_1226 = arith.constant 2 : i32
        %swap3A_1227 = arith.constant 0 : i32
        %swap3A_1228 = arith.index_cast %swap3A_1226 : i32 to index
        %swap3A_1229 = arith.index_cast %swap3A_1227 : i32 to index
        %swap3A_1230 = arith.constant 16 : index
        %swap3A_1231 = tpu.vector_load %arg6[%swap3A_1228, %swap3A_1229, %swap3A_1230] {strides = array<i32>} : memref<5x2x128xi32, #tpu.memory_space<vmem>>, vector<16xi32>,
        tpu.vector_store %arg6[%swap3A_1228, %swap3A_1229, %swap3A_1230], %gather3A_1225 {strides = array<i32>} : memref<5x2x128xi32, #tpu.memory_space<vmem>>, vector<16xi32>,
        %mul3A_1232 = arith.constant 256 : i32
        %mul3A_1233 = arith.muli %add3A_1134, %mul3A_1232 : i32
        %add3A_1234 = arith.constant 0 : i32
        %add3A_1235 = arith.addi %mul3A_1233, %add3A_1234 : i32
        %add3A_1236 = arith.constant 32 : i32
        %add3A_1237 = vector.broadcast %add3A_1236 : i32 to vector<16xi32>
        %add3A_1238 = arith.addi %iota3A, %add3A_1237 : vector<16xi32>
        %mul3A_1239 = arith.constant 2 : i32
        %mul3A_1240 = vector.broadcast %mul3A_1239 : i32 to vector<16xi32>
        %mul3A_1241 = arith.muli %mul3A_1240, %add3A_1238 : vector<16xi32>
        %add3A_1242 = vector.broadcast %add3A_1235 : i32 to vector<16xi32>
        %add3A_1243 = arith.addi %add3A_1242, %mul3A_1241 : vector<16xi32>
        %gather3A_1244 = tpu.vector_load_idx %arg5[%add3A_1243] : memref<25600xi32, #tpu.memory_space<vmem>>[vector<16xi32>], vector<16xi32>,
        %swap3A_1245 = arith.constant 2 : i32
        %swap3A_1246 = arith.constant 0 : i32
        %swap3A_1247 = arith.index_cast %swap3A_1245 : i32 to index
        %swap3A_1248 = arith.index_cast %swap3A_1246 : i32 to index
        %swap3A_1249 = arith.constant 32 : index
        %swap3A_1250 = tpu.vector_load %arg6[%swap3A_1247, %swap3A_1248, %swap3A_1249] {strides = array<i32>} : memref<5x2x128xi32, #tpu.memory_space<vmem>>, vector<16xi32>,
        tpu.vector_store %arg6[%swap3A_1247, %swap3A_1248, %swap3A_1249], %gather3A_1244 {strides = array<i32>} : memref<5x2x128xi32, #tpu.memory_space<vmem>>, vector<16xi32>,
        %mul3A_1251 = arith.constant 256 : i32
        %mul3A_1252 = arith.muli %add3A_1134, %mul3A_1251 : i32
        %add3A_1253 = arith.constant 0 : i32
        %add3A_1254 = arith.addi %mul3A_1252, %add3A_1253 : i32
        %add3A_1255 = arith.constant 48 : i32
        %add3A_1256 = vector.broadcast %add3A_1255 : i32 to vector<16xi32>
        %add3A_1257 = arith.addi %iota3A, %add3A_1256 : vector<16xi32>
        %mul3A_1258 = arith.constant 2 : i32
        %mul3A_1259 = vector.broadcast %mul3A_1258 : i32 to vector<16xi32>
        %mul3A_1260 = arith.muli %mul3A_1259, %add3A_1257 : vector<16xi32>
        %add3A_1261 = vector.broadcast %add3A_1254 : i32 to vector<16xi32>
        %add3A_1262 = arith.addi %add3A_1261, %mul3A_1260 : vector<16xi32>
        %gather3A_1263 = tpu.vector_load_idx %arg5[%add3A_1262] : memref<25600xi32, #tpu.memory_space<vmem>>[vector<16xi32>], vector<16xi32>,
        %swap3A_1264 = arith.constant 2 : i32
        %swap3A_1265 = arith.constant 0 : i32
        %swap3A_1266 = arith.index_cast %swap3A_1264 : i32 to index
        %swap3A_1267 = arith.index_cast %swap3A_1265 : i32 to index
        %swap3A_1268 = arith.constant 48 : index
        %swap3A_1269 = tpu.vector_load %arg6[%swap3A_1266, %swap3A_1267, %swap3A_1268] {strides = array<i32>} : memref<5x2x128xi32, #tpu.memory_space<vmem>>, vector<16xi32>,
        tpu.vector_store %arg6[%swap3A_1266, %swap3A_1267, %swap3A_1268], %gather3A_1263 {strides = array<i32>} : memref<5x2x128xi32, #tpu.memory_space<vmem>>, vector<16xi32>,
        %mul3A_1270 = arith.constant 256 : i32
        %mul3A_1271 = arith.muli %add3A_1134, %mul3A_1270 : i32
        %add3A_1272 = arith.constant 0 : i32
        %add3A_1273 = arith.addi %mul3A_1271, %add3A_1272 : i32
        %add3A_1274 = arith.constant 64 : i32
        %add3A_1275 = vector.broadcast %add3A_1274 : i32 to vector<16xi32>
        %add3A_1276 = arith.addi %iota3A, %add3A_1275 : vector<16xi32>
        %mul3A_1277 = arith.constant 2 : i32
        %mul3A_1278 = vector.broadcast %mul3A_1277 : i32 to vector<16xi32>
        %mul3A_1279 = arith.muli %mul3A_1278, %add3A_1276 : vector<16xi32>
        %add3A_1280 = vector.broadcast %add3A_1273 : i32 to vector<16xi32>
        %add3A_1281 = arith.addi %add3A_1280, %mul3A_1279 : vector<16xi32>
        %gather3A_1282 = tpu.vector_load_idx %arg5[%add3A_1281] : memref<25600xi32, #tpu.memory_space<vmem>>[vector<16xi32>], vector<16xi32>,
        %swap3A_1283 = arith.constant 2 : i32
        %swap3A_1284 = arith.constant 0 : i32
        %swap3A_1285 = arith.index_cast %swap3A_1283 : i32 to index
        %swap3A_1286 = arith.index_cast %swap3A_1284 : i32 to index
        %swap3A_1287 = arith.constant 64 : index
        %swap3A_1288 = tpu.vector_load %arg6[%swap3A_1285, %swap3A_1286, %swap3A_1287] {strides = array<i32>} : memref<5x2x128xi32, #tpu.memory_space<vmem>>, vector<16xi32>,
        tpu.vector_store %arg6[%swap3A_1285, %swap3A_1286, %swap3A_1287], %gather3A_1282 {strides = array<i32>} : memref<5x2x128xi32, #tpu.memory_space<vmem>>, vector<16xi32>,
        %mul3A_1289 = arith.constant 256 : i32
        %mul3A_1290 = arith.muli %add3A_1134, %mul3A_1289 : i32
        %add3A_1291 = arith.constant 0 : i32
        %add3A_1292 = arith.addi %mul3A_1290, %add3A_1291 : i32
        %add3A_1293 = arith.constant 80 : i32
        %add3A_1294 = vector.broadcast %add3A_1293 : i32 to vector<16xi32>
        %add3A_1295 = arith.addi %iota3A, %add3A_1294 : vector<16xi32>
        %mul3A_1296 = arith.constant 2 : i32
        %mul3A_1297 = vector.broadcast %mul3A_1296 : i32 to vector<16xi32>
        %mul3A_1298 = arith.muli %mul3A_1297, %add3A_1295 : vector<16xi32>
        %add3A_1299 = vector.broadcast %add3A_1292 : i32 to vector<16xi32>
        %add3A_1300 = arith.addi %add3A_1299, %mul3A_1298 : vector<16xi32>
        %gather3A_1301 = tpu.vector_load_idx %arg5[%add3A_1300] : memref<25600xi32, #tpu.memory_space<vmem>>[vector<16xi32>], vector<16xi32>,
        %swap3A_1302 = arith.constant 2 : i32
        %swap3A_1303 = arith.constant 0 : i32
        %swap3A_1304 = arith.index_cast %swap3A_1302 : i32 to index
        %swap3A_1305 = arith.index_cast %swap3A_1303 : i32 to index
        %swap3A_1306 = arith.constant 80 : index
        %swap3A_1307 = tpu.vector_load %arg6[%swap3A_1304, %swap3A_1305, %swap3A_1306] {strides = array<i32>} : memref<5x2x128xi32, #tpu.memory_space<vmem>>, vector<16xi32>,
        tpu.vector_store %arg6[%swap3A_1304, %swap3A_1305, %swap3A_1306], %gather3A_1301 {strides = array<i32>} : memref<5x2x128xi32, #tpu.memory_space<vmem>>, vector<16xi32>,
        %mul3A_1308 = arith.constant 256 : i32
        %mul3A_1309 = arith.muli %add3A_1134, %mul3A_1308 : i32
        %add3A_1310 = arith.constant 0 : i32
        %add3A_1311 = arith.addi %mul3A_1309, %add3A_1310 : i32
        %add3A_1312 = arith.constant 96 : i32
        %add3A_1313 = vector.broadcast %add3A_1312 : i32 to vector<16xi32>
        %add3A_1314 = arith.addi %iota3A, %add3A_1313 : vector<16xi32>
        %mul3A_1315 = arith.constant 2 : i32
        %mul3A_1316 = vector.broadcast %mul3A_1315 : i32 to vector<16xi32>
        %mul3A_1317 = arith.muli %mul3A_1316, %add3A_1314 : vector<16xi32>
        %add3A_1318 = vector.broadcast %add3A_1311 : i32 to vector<16xi32>
        %add3A_1319 = arith.addi %add3A_1318, %mul3A_1317 : vector<16xi32>
        %gather3A_1320 = tpu.vector_load_idx %arg5[%add3A_1319] : memref<25600xi32, #tpu.memory_space<vmem>>[vector<16xi32>], vector<16xi32>,
        %swap3A_1321 = arith.constant 2 : i32
        %swap3A_1322 = arith.constant 0 : i32
        %swap3A_1323 = arith.index_cast %swap3A_1321 : i32 to index
        %swap3A_1324 = arith.index_cast %swap3A_1322 : i32 to index
        %swap3A_1325 = arith.constant 96 : index
        %swap3A_1326 = tpu.vector_load %arg6[%swap3A_1323, %swap3A_1324, %swap3A_1325] {strides = array<i32>} : memref<5x2x128xi32, #tpu.memory_space<vmem>>, vector<16xi32>,
        tpu.vector_store %arg6[%swap3A_1323, %swap3A_1324, %swap3A_1325], %gather3A_1320 {strides = array<i32>} : memref<5x2x128xi32, #tpu.memory_space<vmem>>, vector<16xi32>,
        %mul3A_1327 = arith.constant 256 : i32
        %mul3A_1328 = arith.muli %add3A_1134, %mul3A_1327 : i32
        %add3A_1329 = arith.constant 0 : i32
        %add3A_1330 = arith.addi %mul3A_1328, %add3A_1329 : i32
        %add3A_1331 = arith.constant 112 : i32
        %add3A_1332 = vector.broadcast %add3A_1331 : i32 to vector<16xi32>
        %add3A_1333 = arith.addi %iota3A, %add3A_1332 : vector<16xi32>
        %mul3A_1334 = arith.constant 2 : i32
        %mul3A_1335 = vector.broadcast %mul3A_1334 : i32 to vector<16xi32>
        %mul3A_1336 = arith.muli %mul3A_1335, %add3A_1333 : vector<16xi32>
        %add3A_1337 = vector.broadcast %add3A_1330 : i32 to vector<16xi32>
        %add3A_1338 = arith.addi %add3A_1337, %mul3A_1336 : vector<16xi32>
        %gather3A_1339 = tpu.vector_load_idx %arg5[%add3A_1338] : memref<25600xi32, #tpu.memory_space<vmem>>[vector<16xi32>], vector<16xi32>,
        %swap3A_1340 = arith.constant 2 : i32
        %swap3A_1341 = arith.constant 0 : i32
        %swap3A_1342 = arith.index_cast %swap3A_1340 : i32 to index
        %swap3A_1343 = arith.index_cast %swap3A_1341 : i32 to index
        %swap3A_1344 = arith.constant 112 : index
        %swap3A_1345 = tpu.vector_load %arg6[%swap3A_1342, %swap3A_1343, %swap3A_1344] {strides = array<i32>} : memref<5x2x128xi32, #tpu.memory_space<vmem>>, vector<16xi32>,
        tpu.vector_store %arg6[%swap3A_1342, %swap3A_1343, %swap3A_1344], %gather3A_1339 {strides = array<i32>} : memref<5x2x128xi32, #tpu.memory_space<vmem>>, vector<16xi32>,
        %mul3A_1346 = arith.constant 256 : i32
        %mul3A_1347 = arith.muli %add3A_1134, %mul3A_1346 : i32
        %add3A_1348 = arith.constant 1 : i32
        %add3A_1349 = arith.addi %mul3A_1347, %add3A_1348 : i32
        %add3A_1350 = arith.constant 0 : i32
        %add3A_1351 = vector.broadcast %add3A_1350 : i32 to vector<16xi32>
        %add3A_1352 = arith.addi %iota3A, %add3A_1351 : vector<16xi32>
        %mul3A_1353 = arith.constant 2 : i32
        %mul3A_1354 = vector.broadcast %mul3A_1353 : i32 to vector<16xi32>
        %mul3A_1355 = arith.muli %mul3A_1354, %add3A_1352 : vector<16xi32>
        %add3A_1356 = vector.broadcast %add3A_1349 : i32 to vector<16xi32>
        %add3A_1357 = arith.addi %add3A_1356, %mul3A_1355 : vector<16xi32>
        %gather3A_1358 = tpu.vector_load_idx %arg5[%add3A_1357] : memref<25600xi32, #tpu.memory_space<vmem>>[vector<16xi32>], vector<16xi32>,
        %swap3A_1359 = arith.constant 2 : i32
        %swap3A_1360 = arith.constant 1 : i32
        %swap3A_1361 = arith.index_cast %swap3A_1359 : i32 to index
        %swap3A_1362 = arith.index_cast %swap3A_1360 : i32 to index
        %swap3A_1363 = arith.constant 0 : index
        %swap3A_1364 = tpu.vector_load %arg6[%swap3A_1361, %swap3A_1362, %swap3A_1363] {strides = array<i32>} : memref<5x2x128xi32, #tpu.memory_space<vmem>>, vector<16xi32>,
        tpu.vector_store %arg6[%swap3A_1361, %swap3A_1362, %swap3A_1363], %gather3A_1358 {strides = array<i32>} : memref<5x2x128xi32, #tpu.memory_space<vmem>>, vector<16xi32>,
        %mul3A_1365 = arith.constant 256 : i32
        %mul3A_1366 = arith.muli %add3A_1134, %mul3A_1365 : i32
        %add3A_1367 = arith.constant 1 : i32
        %add3A_1368 = arith.addi %mul3A_1366, %add3A_1367 : i32
        %add3A_1369 = arith.constant 16 : i32
        %add3A_1370 = vector.broadcast %add3A_1369 : i32 to vector<16xi32>
        %add3A_1371 = arith.addi %iota3A, %add3A_1370 : vector<16xi32>
        %mul3A_1372 = arith.constant 2 : i32
        %mul3A_1373 = vector.broadcast %mul3A_1372 : i32 to vector<16xi32>
        %mul3A_1374 = arith.muli %mul3A_1373, %add3A_1371 : vector<16xi32>
        %add3A_1375 = vector.broadcast %add3A_1368 : i32 to vector<16xi32>
        %add3A_1376 = arith.addi %add3A_1375, %mul3A_1374 : vector<16xi32>
        %gather3A_1377 = tpu.vector_load_idx %arg5[%add3A_1376] : memref<25600xi32, #tpu.memory_space<vmem>>[vector<16xi32>], vector<16xi32>,
        %swap3A_1378 = arith.constant 2 : i32
        %swap3A_1379 = arith.constant 1 : i32
        %swap3A_1380 = arith.index_cast %swap3A_1378 : i32 to index
        %swap3A_1381 = arith.index_cast %swap3A_1379 : i32 to index
        %swap3A_1382 = arith.constant 16 : index
        %swap3A_1383 = tpu.vector_load %arg6[%swap3A_1380, %swap3A_1381, %swap3A_1382] {strides = array<i32>} : memref<5x2x128xi32, #tpu.memory_space<vmem>>, vector<16xi32>,
        tpu.vector_store %arg6[%swap3A_1380, %swap3A_1381, %swap3A_1382], %gather3A_1377 {strides = array<i32>} : memref<5x2x128xi32, #tpu.memory_space<vmem>>, vector<16xi32>,
        %mul3A_1384 = arith.constant 256 : i32
        %mul3A_1385 = arith.muli %add3A_1134, %mul3A_1384 : i32
        %add3A_1386 = arith.constant 1 : i32
        %add3A_1387 = arith.addi %mul3A_1385, %add3A_1386 : i32
        %add3A_1388 = arith.constant 32 : i32
        %add3A_1389 = vector.broadcast %add3A_1388 : i32 to vector<16xi32>
        %add3A_1390 = arith.addi %iota3A, %add3A_1389 : vector<16xi32>
        %mul3A_1391 = arith.constant 2 : i32
        %mul3A_1392 = vector.broadcast %mul3A_1391 : i32 to vector<16xi32>
        %mul3A_1393 = arith.muli %mul3A_1392, %add3A_1390 : vector<16xi32>
        %add3A_1394 = vector.broadcast %add3A_1387 : i32 to vector<16xi32>
        %add3A_1395 = arith.addi %add3A_1394, %mul3A_1393 : vector<16xi32>
        %gather3A_1396 = tpu.vector_load_idx %arg5[%add3A_1395] : memref<25600xi32, #tpu.memory_space<vmem>>[vector<16xi32>], vector<16xi32>,
        %swap3A_1397 = arith.constant 2 : i32
        %swap3A_1398 = arith.constant 1 : i32
        %swap3A_1399 = arith.index_cast %swap3A_1397 : i32 to index
        %swap3A_1400 = arith.index_cast %swap3A_1398 : i32 to index
        %swap3A_1401 = arith.constant 32 : index
        %swap3A_1402 = tpu.vector_load %arg6[%swap3A_1399, %swap3A_1400, %swap3A_1401] {strides = array<i32>} : memref<5x2x128xi32, #tpu.memory_space<vmem>>, vector<16xi32>,
        tpu.vector_store %arg6[%swap3A_1399, %swap3A_1400, %swap3A_1401], %gather3A_1396 {strides = array<i32>} : memref<5x2x128xi32, #tpu.memory_space<vmem>>, vector<16xi32>,
        %mul3A_1403 = arith.constant 256 : i32
        %mul3A_1404 = arith.muli %add3A_1134, %mul3A_1403 : i32
        %add3A_1405 = arith.constant 1 : i32
        %add3A_1406 = arith.addi %mul3A_1404, %add3A_1405 : i32
        %add3A_1407 = arith.constant 48 : i32
        %add3A_1408 = vector.broadcast %add3A_1407 : i32 to vector<16xi32>
        %add3A_1409 = arith.addi %iota3A, %add3A_1408 : vector<16xi32>
        %mul3A_1410 = arith.constant 2 : i32
        %mul3A_1411 = vector.broadcast %mul3A_1410 : i32 to vector<16xi32>
        %mul3A_1412 = arith.muli %mul3A_1411, %add3A_1409 : vector<16xi32>
        %add3A_1413 = vector.broadcast %add3A_1406 : i32 to vector<16xi32>
        %add3A_1414 = arith.addi %add3A_1413, %mul3A_1412 : vector<16xi32>
        %gather3A_1415 = tpu.vector_load_idx %arg5[%add3A_1414] : memref<25600xi32, #tpu.memory_space<vmem>>[vector<16xi32>], vector<16xi32>,
        %swap3A_1416 = arith.constant 2 : i32
        %swap3A_1417 = arith.constant 1 : i32
        %swap3A_1418 = arith.index_cast %swap3A_1416 : i32 to index
        %swap3A_1419 = arith.index_cast %swap3A_1417 : i32 to index
        %swap3A_1420 = arith.constant 48 : index
        %swap3A_1421 = tpu.vector_load %arg6[%swap3A_1418, %swap3A_1419, %swap3A_1420] {strides = array<i32>} : memref<5x2x128xi32, #tpu.memory_space<vmem>>, vector<16xi32>,
        tpu.vector_store %arg6[%swap3A_1418, %swap3A_1419, %swap3A_1420], %gather3A_1415 {strides = array<i32>} : memref<5x2x128xi32, #tpu.memory_space<vmem>>, vector<16xi32>,
        %mul3A_1422 = arith.constant 256 : i32
        %mul3A_1423 = arith.muli %add3A_1134, %mul3A_1422 : i32
        %add3A_1424 = arith.constant 1 : i32
        %add3A_1425 = arith.addi %mul3A_1423, %add3A_1424 : i32
        %add3A_1426 = arith.constant 64 : i32
        %add3A_1427 = vector.broadcast %add3A_1426 : i32 to vector<16xi32>
        %add3A_1428 = arith.addi %iota3A, %add3A_1427 : vector<16xi32>
        %mul3A_1429 = arith.constant 2 : i32
        %mul3A_1430 = vector.broadcast %mul3A_1429 : i32 to vector<16xi32>
        %mul3A_1431 = arith.muli %mul3A_1430, %add3A_1428 : vector<16xi32>
        %add3A_1432 = vector.broadcast %add3A_1425 : i32 to vector<16xi32>
        %add3A_1433 = arith.addi %add3A_1432, %mul3A_1431 : vector<16xi32>
        %gather3A_1434 = tpu.vector_load_idx %arg5[%add3A_1433] : memref<25600xi32, #tpu.memory_space<vmem>>[vector<16xi32>], vector<16xi32>,
        %swap3A_1435 = arith.constant 2 : i32
        %swap3A_1436 = arith.constant 1 : i32
        %swap3A_1437 = arith.index_cast %swap3A_1435 : i32 to index
        %swap3A_1438 = arith.index_cast %swap3A_1436 : i32 to index
        %swap3A_1439 = arith.constant 64 : index
        %swap3A_1440 = tpu.vector_load %arg6[%swap3A_1437, %swap3A_1438, %swap3A_1439] {strides = array<i32>} : memref<5x2x128xi32, #tpu.memory_space<vmem>>, vector<16xi32>,
        tpu.vector_store %arg6[%swap3A_1437, %swap3A_1438, %swap3A_1439], %gather3A_1434 {strides = array<i32>} : memref<5x2x128xi32, #tpu.memory_space<vmem>>, vector<16xi32>,
        %mul3A_1441 = arith.constant 256 : i32
        %mul3A_1442 = arith.muli %add3A_1134, %mul3A_1441 : i32
        %add3A_1443 = arith.constant 1 : i32
        %add3A_1444 = arith.addi %mul3A_1442, %add3A_1443 : i32
        %add3A_1445 = arith.constant 80 : i32
        %add3A_1446 = vector.broadcast %add3A_1445 : i32 to vector<16xi32>
        %add3A_1447 = arith.addi %iota3A, %add3A_1446 : vector<16xi32>
        %mul3A_1448 = arith.constant 2 : i32
        %mul3A_1449 = vector.broadcast %mul3A_1448 : i32 to vector<16xi32>
        %mul3A_1450 = arith.muli %mul3A_1449, %add3A_1447 : vector<16xi32>
        %add3A_1451 = vector.broadcast %add3A_1444 : i32 to vector<16xi32>
        %add3A_1452 = arith.addi %add3A_1451, %mul3A_1450 : vector<16xi32>
        %gather3A_1453 = tpu.vector_load_idx %arg5[%add3A_1452] : memref<25600xi32, #tpu.memory_space<vmem>>[vector<16xi32>], vector<16xi32>,
        %swap3A_1454 = arith.constant 2 : i32
        %swap3A_1455 = arith.constant 1 : i32
        %swap3A_1456 = arith.index_cast %swap3A_1454 : i32 to index
        %swap3A_1457 = arith.index_cast %swap3A_1455 : i32 to index
        %swap3A_1458 = arith.constant 80 : index
        %swap3A_1459 = tpu.vector_load %arg6[%swap3A_1456, %swap3A_1457, %swap3A_1458] {strides = array<i32>} : memref<5x2x128xi32, #tpu.memory_space<vmem>>, vector<16xi32>,
        tpu.vector_store %arg6[%swap3A_1456, %swap3A_1457, %swap3A_1458], %gather3A_1453 {strides = array<i32>} : memref<5x2x128xi32, #tpu.memory_space<vmem>>, vector<16xi32>,
        %mul3A_1460 = arith.constant 256 : i32
        %mul3A_1461 = arith.muli %add3A_1134, %mul3A_1460 : i32
        %add3A_1462 = arith.constant 1 : i32
        %add3A_1463 = arith.addi %mul3A_1461, %add3A_1462 : i32
        %add3A_1464 = arith.constant 96 : i32
        %add3A_1465 = vector.broadcast %add3A_1464 : i32 to vector<16xi32>
        %add3A_1466 = arith.addi %iota3A, %add3A_1465 : vector<16xi32>
        %mul3A_1467 = arith.constant 2 : i32
        %mul3A_1468 = vector.broadcast %mul3A_1467 : i32 to vector<16xi32>
        %mul3A_1469 = arith.muli %mul3A_1468, %add3A_1466 : vector<16xi32>
        %add3A_1470 = vector.broadcast %add3A_1463 : i32 to vector<16xi32>
        %add3A_1471 = arith.addi %add3A_1470, %mul3A_1469 : vector<16xi32>
        %gather3A_1472 = tpu.vector_load_idx %arg5[%add3A_1471] : memref<25600xi32, #tpu.memory_space<vmem>>[vector<16xi32>], vector<16xi32>,
        %swap3A_1473 = arith.constant 2 : i32
        %swap3A_1474 = arith.constant 1 : i32
        %swap3A_1475 = arith.index_cast %swap3A_1473 : i32 to index
        %swap3A_1476 = arith.index_cast %swap3A_1474 : i32 to index
        %swap3A_1477 = arith.constant 96 : index
        %swap3A_1478 = tpu.vector_load %arg6[%swap3A_1475, %swap3A_1476, %swap3A_1477] {strides = array<i32>} : memref<5x2x128xi32, #tpu.memory_space<vmem>>, vector<16xi32>,
        tpu.vector_store %arg6[%swap3A_1475, %swap3A_1476, %swap3A_1477], %gather3A_1472 {strides = array<i32>} : memref<5x2x128xi32, #tpu.memory_space<vmem>>, vector<16xi32>,
        %mul3A_1479 = arith.constant 256 : i32
        %mul3A_1480 = arith.muli %add3A_1134, %mul3A_1479 : i32
        %add3A_1481 = arith.constant 1 : i32
        %add3A_1482 = arith.addi %mul3A_1480, %add3A_1481 : i32
        %add3A_1483 = arith.constant 112 : i32
        %add3A_1484 = vector.broadcast %add3A_1483 : i32 to vector<16xi32>
        %add3A_1485 = arith.addi %iota3A, %add3A_1484 : vector<16xi32>
        %mul3A_1486 = arith.constant 2 : i32
        %mul3A_1487 = vector.broadcast %mul3A_1486 : i32 to vector<16xi32>
        %mul3A_1488 = arith.muli %mul3A_1487, %add3A_1485 : vector<16xi32>
        %add3A_1489 = vector.broadcast %add3A_1482 : i32 to vector<16xi32>
        %add3A_1490 = arith.addi %add3A_1489, %mul3A_1488 : vector<16xi32>
        %gather3A_1491 = tpu.vector_load_idx %arg5[%add3A_1490] : memref<25600xi32, #tpu.memory_space<vmem>>[vector<16xi32>], vector<16xi32>,
        %swap3A_1492 = arith.constant 2 : i32
        %swap3A_1493 = arith.constant 1 : i32
        %swap3A_1494 = arith.index_cast %swap3A_1492 : i32 to index
        %swap3A_1495 = arith.index_cast %swap3A_1493 : i32 to index
        %swap3A_1496 = arith.constant 112 : index
        %swap3A_1497 = tpu.vector_load %arg6[%swap3A_1494, %swap3A_1495, %swap3A_1496] {strides = array<i32>} : memref<5x2x128xi32, #tpu.memory_space<vmem>>, vector<16xi32>,
        tpu.vector_store %arg6[%swap3A_1494, %swap3A_1495, %swap3A_1496], %gather3A_1491 {strides = array<i32>} : memref<5x2x128xi32, #tpu.memory_space<vmem>>, vector<16xi32>,
        %dma_start3A_1498 = arith.constant 2 : i32
        %dma_start3A_1499 = arith.constant 0 : i32
        %dma_start3A_1500 = arith.constant 2 : i32
        %dma_start3A_1501 = arith.constant 0 : i32
        %dma_start3A_1502 = arith.constant 2 : i32
        %dma_start3A_1503 = arith.constant 0 : i32
        %dma_start3A_1504 = arith.constant 0 : i32
        %dma_start3A_1505 = tpu.memref_slice %arg7[%dma_start3A_1500, %dma_start3A_1501, %dma_start3A_1503, %dma_start3A_1504] : memref<5x2x128x64xf32, #tpu.memory_space<vmem>> -> memref<1x1x128x64xf32, #tpu.memory_space<vmem>>
        %dma_start3A_1506 = tpu.memref_squeeze %dma_start3A_1505 : memref<1x1x128x64xf32, #tpu.memory_space<vmem>> -> memref<128x64xf32, #tpu.memory_space<vmem>>
        %dma_start3A_1507 = arith.constant 0 : i32
        %dma_start3A_1508 = tpu.memref_slice %arg6[%dma_start3A_1498, %dma_start3A_1499, %dma_start3A_1507] : memref<5x2x128xi32, #tpu.memory_space<vmem>> -> memref<1x1x128xi32, #tpu.memory_space<vmem>>
        %dma_start3A_1509 = tpu.memref_squeeze %dma_start3A_1508 : memref<1x1x128xi32, #tpu.memory_space<vmem>> -> memref<128xi32, #tpu.memory_space<vmem>>
        %dma_start3A_1510 = arith.constant 0 : i32
        %dma_start3A_1511 = arith.constant 0 : i32
        %dma_start3A_1512 = tpu.memref_slice %arg3[%dma_start3A_1510, %dma_start3A_1511] : memref<1000000x64xf32, #tpu.memory_space<hbm>> -> memref<1000000x64xf32, #tpu.memory_space<hbm>>
        %dma_start3A_1513 = tpu.memref_slice %arg8[%dma_start3A_1502] : memref<5x!tpu.dma_semaphore, #tpu.memory_space<semaphore_mem>> -> memref<1x!tpu.dma_semaphore, #tpu.memory_space<semaphore_mem>>
        %dma_start3A_1514 = tpu.memref_squeeze %dma_start3A_1513 : memref<1x!tpu.dma_semaphore, #tpu.memory_space<semaphore_mem>> -> memref<!tpu.dma_semaphore, #tpu.memory_space<semaphore_mem>>
        tpu.enqueue_indirect_dma source(%dma_start3A_1512 : memref<1000000x64xf32, #tpu.memory_space<hbm>>) target(%dma_start3A_1506 : memref<128x64xf32, #tpu.memory_space<vmem>>) offsets(%dma_start3A_1509 : memref<128xi32, #tpu.memory_space<vmem>>) semaphore(%dma_start3A_1514 : memref<!tpu.dma_semaphore, #tpu.memory_space<semaphore_mem>>)
        %dma_start3A_1515 = arith.constant 2 : i32
        %dma_start3A_1516 = arith.constant 1 : i32
        %dma_start3A_1517 = arith.constant 2 : i32
        %dma_start3A_1518 = arith.constant 1 : i32
        %dma_start3A_1519 = arith.constant 2 : i32
        %dma_start3A_1520 = arith.constant 0 : i32
        %dma_start3A_1521 = arith.constant 0 : i32
        %dma_start3A_1522 = tpu.memref_slice %arg7[%dma_start3A_1517, %dma_start3A_1518, %dma_start3A_1520, %dma_start3A_1521] : memref<5x2x128x64xf32, #tpu.memory_space<vmem>> -> memref<1x1x128x64xf32, #tpu.memory_space<vmem>>
        %dma_start3A_1523 = tpu.memref_squeeze %dma_start3A_1522 : memref<1x1x128x64xf32, #tpu.memory_space<vmem>> -> memref<128x64xf32, #tpu.memory_space<vmem>>
        %dma_start3A_1524 = arith.constant 0 : i32
        %dma_start3A_1525 = tpu.memref_slice %arg6[%dma_start3A_1515, %dma_start3A_1516, %dma_start3A_1524] : memref<5x2x128xi32, #tpu.memory_space<vmem>> -> memref<1x1x128xi32, #tpu.memory_space<vmem>>
        %dma_start3A_1526 = tpu.memref_squeeze %dma_start3A_1525 : memref<1x1x128xi32, #tpu.memory_space<vmem>> -> memref<128xi32, #tpu.memory_space<vmem>>
        %dma_start3A_1527 = arith.constant 0 : i32
        %dma_start3A_1528 = arith.constant 0 : i32
        %dma_start3A_1529 = tpu.memref_slice %arg3[%dma_start3A_1527, %dma_start3A_1528] : memref<1000000x64xf32, #tpu.memory_space<hbm>> -> memref<1000000x64xf32, #tpu.memory_space<hbm>>
        %dma_start3A_1530 = tpu.memref_slice %arg8[%dma_start3A_1519] : memref<5x!tpu.dma_semaphore, #tpu.memory_space<semaphore_mem>> -> memref<1x!tpu.dma_semaphore, #tpu.memory_space<semaphore_mem>>
        %dma_start3A_1531 = tpu.memref_squeeze %dma_start3A_1530 : memref<1x!tpu.dma_semaphore, #tpu.memory_space<semaphore_mem>> -> memref<!tpu.dma_semaphore, #tpu.memory_space<semaphore_mem>>
        tpu.enqueue_indirect_dma source(%dma_start3A_1529 : memref<1000000x64xf32, #tpu.memory_space<hbm>>) target(%dma_start3A_1523 : memref<128x64xf32, #tpu.memory_space<vmem>>) offsets(%dma_start3A_1526 : memref<128xi32, #tpu.memory_space<vmem>>) semaphore(%dma_start3A_1531 : memref<!tpu.dma_semaphore, #tpu.memory_space<semaphore_mem>>)
      } else {
      }
      %sub3A_1145 = arith.constant 3 : i32
      %sub3A_1146 = arith.subi %add3A_1134, %sub3A_1145 : i32
      %ge3A_1147 = arith.constant 3 : i32
      %ge3A_1148 = arith.cmpi sge, %add3A_1134, %ge3A_1147 : i32
      %convert_element_type3A_1149 = arith.extui %ge3A_1148 : i1 to i32
      %cond3A_1150 = arith.constant 0 : i32
      %cond3A_1151 = arith.cmpi ne, %convert_element_type3A_1149, %cond3A_1150 : i32
      scf.if %cond3A_1151 {
        %dma_wait3A_1194 = arith.constant 4 : i32
        %dma_wait3A_1195 = arith.constant 0 : i32
        %dma_wait3A_1196 = arith.constant 4 : i32
        %dma_wait3A_1197 = arith.constant 0 : i32
        %dma_wait3A_1198 = arith.constant 4 : i32
        %dma_wait3A_1199 = arith.constant 0 : i32
        %dma_wait3A_1200 = arith.constant 0 : i32
        %dma_wait3A_1201 = tpu.memref_slice %arg7[%dma_wait3A_1196, %dma_wait3A_1197, %dma_wait3A_1199, %dma_wait3A_1200] : memref<5x2x128x64xf32, #tpu.memory_space<vmem>> -> memref<1x1x128x64xf32, #tpu.memory_space<vmem>>
        %dma_wait3A_1202 = tpu.memref_squeeze %dma_wait3A_1201 : memref<1x1x128x64xf32, #tpu.memory_space<vmem>> -> memref<128x64xf32, #tpu.memory_space<vmem>>
        %dma_wait3A_1203 = arith.constant 0 : i32
        %dma_wait3A_1204 = tpu.memref_slice %arg6[%dma_wait3A_1194, %dma_wait3A_1195, %dma_wait3A_1203] : memref<5x2x128xi32, #tpu.memory_space<vmem>> -> memref<1x1x128xi32, #tpu.memory_space<vmem>>
        %dma_wait3A_1205 = tpu.memref_squeeze %dma_wait3A_1204 : memref<1x1x128xi32, #tpu.memory_space<vmem>> -> memref<128xi32, #tpu.memory_space<vmem>>
        %dma_wait3A_1206 = arith.constant 0 : i32
        %dma_wait3A_1207 = arith.constant 0 : i32
        %dma_wait3A_1208 = tpu.memref_slice %arg3[%dma_wait3A_1206, %dma_wait3A_1207] : memref<1000000x64xf32, #tpu.memory_space<hbm>> -> memref<1000000x64xf32, #tpu.memory_space<hbm>>
        %dma_wait3A_1209 = tpu.memref_slice %arg8[%dma_wait3A_1198] : memref<5x!tpu.dma_semaphore, #tpu.memory_space<semaphore_mem>> -> memref<1x!tpu.dma_semaphore, #tpu.memory_space<semaphore_mem>>
        %dma_wait3A_1210 = tpu.memref_squeeze %dma_wait3A_1209 : memref<1x!tpu.dma_semaphore, #tpu.memory_space<semaphore_mem>> -> memref<!tpu.dma_semaphore, #tpu.memory_space<semaphore_mem>>
        tpu.wait_indirect_dma semaphore(%dma_wait3A_1210 : memref<!tpu.dma_semaphore, #tpu.memory_space<semaphore_mem>>) src(%dma_wait3A_1208 : memref<1000000x64xf32, #tpu.memory_space<hbm>>) dst(%dma_wait3A_1202 : memref<128x64xf32, #tpu.memory_space<vmem>>)
        %dma_wait3A_1211 = arith.constant 4 : i32
        %dma_wait3A_1212 = arith.constant 1 : i32
        %dma_wait3A_1213 = arith.constant 4 : i32
        %dma_wait3A_1214 = arith.constant 1 : i32
        %dma_wait3A_1215 = arith.constant 4 : i32
        %dma_wait3A_1216 = arith.constant 0 : i32
        %dma_wait3A_1217 = arith.constant 0 : i32
        %dma_wait3A_1218 = tpu.memref_slice %arg7[%dma_wait3A_1213, %dma_wait3A_1214, %dma_wait3A_1216, %dma_wait3A_1217] : memref<5x2x128x64xf32, #tpu.memory_space<vmem>> -> memref<1x1x128x64xf32, #tpu.memory_space<vmem>>
        %dma_wait3A_1219 = tpu.memref_squeeze %dma_wait3A_1218 : memref<1x1x128x64xf32, #tpu.memory_space<vmem>> -> memref<128x64xf32, #tpu.memory_space<vmem>>
        %dma_wait3A_1220 = arith.constant 0 : i32
        %dma_wait3A_1221 = tpu.memref_slice %arg6[%dma_wait3A_1211, %dma_wait3A_1212, %dma_wait3A_1220] : memref<5x2x128xi32, #tpu.memory_space<vmem>> -> memref<1x1x128xi32, #tpu.memory_space<vmem>>
        %dma_wait3A_1222 = tpu.memref_squeeze %dma_wait3A_1221 : memref<1x1x128xi32, #tpu.memory_space<vmem>> -> memref<128xi32, #tpu.memory_space<vmem>>
        %dma_wait3A_1223 = arith.constant 0 : i32
        %dma_wait3A_1224 = arith.constant 0 : i32
        %dma_wait3A_1225 = tpu.memref_slice %arg3[%dma_wait3A_1223, %dma_wait3A_1224] : memref<1000000x64xf32, #tpu.memory_space<hbm>> -> memref<1000000x64xf32, #tpu.memory_space<hbm>>
        %dma_wait3A_1226 = tpu.memref_slice %arg8[%dma_wait3A_1215] : memref<5x!tpu.dma_semaphore, #tpu.memory_space<semaphore_mem>> -> memref<1x!tpu.dma_semaphore, #tpu.memory_space<semaphore_mem>>
        %dma_wait3A_1227 = tpu.memref_squeeze %dma_wait3A_1226 : memref<1x!tpu.dma_semaphore, #tpu.memory_space<semaphore_mem>> -> memref<!tpu.dma_semaphore, #tpu.memory_space<semaphore_mem>>
        tpu.wait_indirect_dma semaphore(%dma_wait3A_1227 : memref<!tpu.dma_semaphore, #tpu.memory_space<semaphore_mem>>) src(%dma_wait3A_1225 : memref<1000000x64xf32, #tpu.memory_space<hbm>>) dst(%dma_wait3A_1219 : memref<128x64xf32, #tpu.memory_space<vmem>>)
        %mul3A_1228 = arith.constant 256 : i32
        %mul3A_1229 = arith.muli %sub3A_1146, %mul3A_1228 : i32
        %add3A_1230 = arith.addi %mul3A_2, %mul3A_1229 : i32
        %jit3A_1231 = arith.constant 2 : i32
        %div3A_1232 = arith.divsi %add3A_1230, %jit3A_1231 : i32
        %sign3A_1233 = arith.constant 0 : i32
        %sign3A_1234 = arith.cmpi sgt, %add3A_1230, %sign3A_1233 : i32
        %sign3A_1235 = arith.extui %sign3A_1234 : i1 to i32
        %sign3A_1236 = arith.constant 0 : i32
        %sign3A_1237 = arith.cmpi slt, %add3A_1230, %sign3A_1236 : i32
        %sign3A_1238 = arith.extui %sign3A_1237 : i1 to i32
        %sign3A_1239 = arith.subi %sign3A_1235, %sign3A_1238 : i32
        %sign3A_1240 = arith.constant 0 : i32
        %sign3A_1241 = arith.cmpi sgt, %jit3A_1231, %sign3A_1240 : i32
        %sign3A_1242 = arith.extui %sign3A_1241 : i1 to i32
        %sign3A_1243 = arith.constant 0 : i32
        %sign3A_1244 = arith.cmpi slt, %jit3A_1231, %sign3A_1243 : i32
        %sign3A_1245 = arith.extui %sign3A_1244 : i1 to i32
        %sign3A_1246 = arith.subi %sign3A_1242, %sign3A_1245 : i32
        %ne3A_1247 = arith.cmpi ne, %sign3A_1239, %sign3A_1246 : i32
        %rem3A_1248 = arith.remsi %add3A_1230, %jit3A_1231 : i32
        %ne3A_1249 = arith.constant 0 : i32
        %ne3A_1250 = arith.cmpi ne, %rem3A_1248, %ne3A_1249 : i32
        %and3A_1251 = arith.andi %ne3A_1247, %ne3A_1250 : i1
        %sub3A_1252 = arith.constant 1 : i32
        %sub3A_1253 = arith.subi %div3A_1232, %sub3A_1252 : i32
        %select_n3A_1254 = arith.select %and3A_1251, %sub3A_1253, %div3A_1232 : i32
        %multiple_of3A_1255 = tpu.assume_multiple %select_n3A_1254, 128 : i32
        %dma_start3A_1256 = arith.constant 4 : i32
        %dma_start3A_1257 = arith.constant 0 : i32
        %dma_start3A_1258 = arith.constant 4 : i32
        %dma_start3A_1259 = arith.constant 0 : i32
        %dma_start3A_1260 = arith.constant 0 : i32
        %dma_start3A_1261 = tpu.memref_slice %arg7[%dma_start3A_1256, %dma_start3A_1257, %dma_start3A_1259, %dma_start3A_1260] : memref<5x2x128x64xf32, #tpu.memory_space<vmem>> -> memref<1x1x128x64xf32, #tpu.memory_space<vmem>>
        %dma_start3A_1262 = tpu.memref_squeeze %dma_start3A_1261 : memref<1x1x128x64xf32, #tpu.memory_space<vmem>> -> memref<128x64xf32, #tpu.memory_space<vmem>>
        %dma_start3A_1263 = arith.constant 0 : i32
        %dma_start3A_1264 = tpu.memref_slice %arg4[%multiple_of3A_1255, %dma_start3A_1263] : memref<409600x128xf32, #tpu.memory_space<hbm>> -> memref<128x64xf32, #tpu.memory_space<hbm>>
        %dma_start3A_1265 = tpu.memref_slice %arg9[%dma_start3A_1258] : memref<5x!tpu.dma_semaphore, #tpu.memory_space<semaphore_mem>> -> memref<1x!tpu.dma_semaphore, #tpu.memory_space<semaphore_mem>>
        %dma_start3A_1266 = tpu.memref_squeeze %dma_start3A_1265 : memref<1x!tpu.dma_semaphore, #tpu.memory_space<semaphore_mem>> -> memref<!tpu.dma_semaphore, #tpu.memory_space<semaphore_mem>>
        %dma_start3A_1267 = arith.constant 0 : i32
        %dma_start3A_1268 = tpu.memref_slice %arg4[%multiple_of3A_1255, %dma_start3A_1267] : memref<409600x128xf32, #tpu.memory_space<hbm>> -> memref<128x64xf32, #tpu.memory_space<hbm>>
        %dma_start3A_1269 = arith.constant 0 : i32
        %dma_start3A_1270 = arith.constant 0 : i32
        %dma_start3A_1271 = tpu.memref_slice %arg7[%dma_start3A_1256, %dma_start3A_1257, %dma_start3A_1269, %dma_start3A_1270] : memref<5x2x128x64xf32, #tpu.memory_space<vmem>> -> memref<1x1x128x64xf32, #tpu.memory_space<vmem>>
        %dma_start3A_1272 = tpu.memref_squeeze %dma_start3A_1271 : memref<1x1x128x64xf32, #tpu.memory_space<vmem>> -> memref<128x64xf32, #tpu.memory_space<vmem>>
        tpu.enqueue_dma source(%dma_start3A_1272 : memref<128x64xf32, #tpu.memory_space<vmem>>) target(%dma_start3A_1268 : memref<128x64xf32, #tpu.memory_space<hbm>>) target_semaphore(%dma_start3A_1266 : memref<!tpu.dma_semaphore, #tpu.memory_space<semaphore_mem>>)
        %mul3A_1273 = arith.constant 256 : i32
        %mul3A_1274 = arith.muli %sub3A_1146, %mul3A_1273 : i32
        %add3A_1275 = arith.addi %mul3A_2, %mul3A_1274 : i32
        %jit3A_1276 = arith.constant 2 : i32
        %div3A_1277 = arith.divsi %add3A_1275, %jit3A_1276 : i32
        %sign3A_1278 = arith.constant 0 : i32
        %sign3A_1279 = arith.cmpi sgt, %add3A_1275, %sign3A_1278 : i32
        %sign3A_1280 = arith.extui %sign3A_1279 : i1 to i32
        %sign3A_1281 = arith.constant 0 : i32
        %sign3A_1282 = arith.cmpi slt, %add3A_1275, %sign3A_1281 : i32
        %sign3A_1283 = arith.extui %sign3A_1282 : i1 to i32
        %sign3A_1284 = arith.subi %sign3A_1280, %sign3A_1283 : i32
        %sign3A_1285 = arith.constant 0 : i32
        %sign3A_1286 = arith.cmpi sgt, %jit3A_1276, %sign3A_1285 : i32
        %sign3A_1287 = arith.extui %sign3A_1286 : i1 to i32
        %sign3A_1288 = arith.constant 0 : i32
        %sign3A_1289 = arith.cmpi slt, %jit3A_1276, %sign3A_1288 : i32
        %sign3A_1290 = arith.extui %sign3A_1289 : i1 to i32
        %sign3A_1291 = arith.subi %sign3A_1287, %sign3A_1290 : i32
        %ne3A_1292 = arith.cmpi ne, %sign3A_1284, %sign3A_1291 : i32
        %rem3A_1293 = arith.remsi %add3A_1275, %jit3A_1276 : i32
        %ne3A_1294 = arith.constant 0 : i32
        %ne3A_1295 = arith.cmpi ne, %rem3A_1293, %ne3A_1294 : i32
        %and3A_1296 = arith.andi %ne3A_1292, %ne3A_1295 : i1
        %sub3A_1297 = arith.constant 1 : i32
        %sub3A_1298 = arith.subi %div3A_1277, %sub3A_1297 : i32
        %select_n3A_1299 = arith.select %and3A_1296, %sub3A_1298, %div3A_1277 : i32
        %multiple_of3A_1300 = tpu.assume_multiple %select_n3A_1299, 128 : i32
        %dma_start3A_1301 = arith.constant 4 : i32
        %dma_start3A_1302 = arith.constant 1 : i32
        %dma_start3A_1303 = arith.constant 4 : i32
        %dma_start3A_1304 = arith.constant 0 : i32
        %dma_start3A_1305 = arith.constant 0 : i32
        %dma_start3A_1306 = tpu.memref_slice %arg7[%dma_start3A_1301, %dma_start3A_1302, %dma_start3A_1304, %dma_start3A_1305] : memref<5x2x128x64xf32, #tpu.memory_space<vmem>> -> memref<1x1x128x64xf32, #tpu.memory_space<vmem>>
        %dma_start3A_1307 = tpu.memref_squeeze %dma_start3A_1306 : memref<1x1x128x64xf32, #tpu.memory_space<vmem>> -> memref<128x64xf32, #tpu.memory_space<vmem>>
        %dma_start3A_1308 = arith.constant 64 : i32
        %dma_start3A_1309 = tpu.memref_slice %arg4[%multiple_of3A_1300, %dma_start3A_1308] : memref<409600x128xf32, #tpu.memory_space<hbm>> -> memref<128x64xf32, #tpu.memory_space<hbm>>
        %dma_start3A_1310 = tpu.memref_slice %arg9[%dma_start3A_1303] : memref<5x!tpu.dma_semaphore, #tpu.memory_space<semaphore_mem>> -> memref<1x!tpu.dma_semaphore, #tpu.memory_space<semaphore_mem>>
        %dma_start3A_1311 = tpu.memref_squeeze %dma_start3A_1310 : memref<1x!tpu.dma_semaphore, #tpu.memory_space<semaphore_mem>> -> memref<!tpu.dma_semaphore, #tpu.memory_space<semaphore_mem>>
        %dma_start3A_1312 = arith.constant 64 : i32
        %dma_start3A_1313 = tpu.memref_slice %arg4[%multiple_of3A_1300, %dma_start3A_1312] : memref<409600x128xf32, #tpu.memory_space<hbm>> -> memref<128x64xf32, #tpu.memory_space<hbm>>
        %dma_start3A_1314 = arith.constant 0 : i32
        %dma_start3A_1315 = arith.constant 0 : i32
        %dma_start3A_1316 = tpu.memref_slice %arg7[%dma_start3A_1301, %dma_start3A_1302, %dma_start3A_1314, %dma_start3A_1315] : memref<5x2x128x64xf32, #tpu.memory_space<vmem>> -> memref<1x1x128x64xf32, #tpu.memory_space<vmem>>
        %dma_start3A_1317 = tpu.memref_squeeze %dma_start3A_1316 : memref<1x1x128x64xf32, #tpu.memory_space<vmem>> -> memref<128x64xf32, #tpu.memory_space<vmem>>
        tpu.enqueue_dma source(%dma_start3A_1317 : memref<128x64xf32, #tpu.memory_space<vmem>>) target(%dma_start3A_1313 : memref<128x64xf32, #tpu.memory_space<hbm>>) target_semaphore(%dma_start3A_1311 : memref<!tpu.dma_semaphore, #tpu.memory_space<semaphore_mem>>)
      } else {
      }
      %mul3A_1152 = arith.constant 5 : i32
      %mul3A_1153 = arith.muli %scan3A_1091, %mul3A_1152 : i32
      %add3A_1154 = arith.constant 3 : i32
      %add3A_1155 = arith.addi %mul3A_1153, %add3A_1154 : i32
      %ge3A_1156 = arith.constant 5 : i32
      %ge3A_1157 = arith.cmpi sge, %add3A_1155, %ge3A_1156 : i32
      %convert_element_type3A_1158 = arith.extui %ge3A_1157 : i1 to i32
      %cond3A_1159 = arith.constant 0 : i32
      %cond3A_1160 = arith.cmpi ne, %convert_element_type3A_1158, %cond3A_1159 : i32
      scf.if %cond3A_1160 {
        %sub3A_1194 = arith.constant 5 : i32
        %sub3A_1195 = arith.subi %add3A_1155, %sub3A_1194 : i32
        %mul3A_1196 = arith.constant 256 : i32
        %mul3A_1197 = arith.muli %sub3A_1195, %mul3A_1196 : i32
        %add3A_1198 = arith.addi %mul3A_2, %mul3A_1197 : i32
        %jit3A_1199 = arith.constant 2 : i32
        %div3A_1200 = arith.divsi %add3A_1198, %jit3A_1199 : i32
        %sign3A_1201 = arith.constant 0 : i32
        %sign3A_1202 = arith.cmpi sgt, %add3A_1198, %sign3A_1201 : i32
        %sign3A_1203 = arith.extui %sign3A_1202 : i1 to i32
        %sign3A_1204 = arith.constant 0 : i32
        %sign3A_1205 = arith.cmpi slt, %add3A_1198, %sign3A_1204 : i32
        %sign3A_1206 = arith.extui %sign3A_1205 : i1 to i32
        %sign3A_1207 = arith.subi %sign3A_1203, %sign3A_1206 : i32
        %sign3A_1208 = arith.constant 0 : i32
        %sign3A_1209 = arith.cmpi sgt, %jit3A_1199, %sign3A_1208 : i32
        %sign3A_1210 = arith.extui %sign3A_1209 : i1 to i32
        %sign3A_1211 = arith.constant 0 : i32
        %sign3A_1212 = arith.cmpi slt, %jit3A_1199, %sign3A_1211 : i32
        %sign3A_1213 = arith.extui %sign3A_1212 : i1 to i32
        %sign3A_1214 = arith.subi %sign3A_1210, %sign3A_1213 : i32
        %ne3A_1215 = arith.cmpi ne, %sign3A_1207, %sign3A_1214 : i32
        %rem3A_1216 = arith.remsi %add3A_1198, %jit3A_1199 : i32
        %ne3A_1217 = arith.constant 0 : i32
        %ne3A_1218 = arith.cmpi ne, %rem3A_1216, %ne3A_1217 : i32
        %and3A_1219 = arith.andi %ne3A_1215, %ne3A_1218 : i1
        %sub3A_1220 = arith.constant 1 : i32
        %sub3A_1221 = arith.subi %div3A_1200, %sub3A_1220 : i32
        %select_n3A_1222 = arith.select %and3A_1219, %sub3A_1221, %div3A_1200 : i32
        %multiple_of3A_1223 = tpu.assume_multiple %select_n3A_1222, 128 : i32
        %dma_wait3A_1224 = arith.constant 3 : i32
        %dma_wait3A_1225 = arith.constant 0 : i32
        %dma_wait3A_1226 = arith.constant 3 : i32
        %dma_wait3A_1227 = arith.constant 0 : i32
        %dma_wait3A_1228 = arith.constant 0 : i32
        %dma_wait3A_1229 = tpu.memref_slice %arg7[%dma_wait3A_1224, %dma_wait3A_1225, %dma_wait3A_1227, %dma_wait3A_1228] : memref<5x2x128x64xf32, #tpu.memory_space<vmem>> -> memref<1x1x128x64xf32, #tpu.memory_space<vmem>>
        %dma_wait3A_1230 = tpu.memref_squeeze %dma_wait3A_1229 : memref<1x1x128x64xf32, #tpu.memory_space<vmem>> -> memref<128x64xf32, #tpu.memory_space<vmem>>
        %dma_wait3A_1231 = arith.constant 0 : i32
        %dma_wait3A_1232 = tpu.memref_slice %arg4[%multiple_of3A_1223, %dma_wait3A_1231] : memref<409600x128xf32, #tpu.memory_space<hbm>> -> memref<128x64xf32, #tpu.memory_space<hbm>>
        %dma_wait3A_1233 = tpu.memref_slice %arg9[%dma_wait3A_1226] : memref<5x!tpu.dma_semaphore, #tpu.memory_space<semaphore_mem>> -> memref<1x!tpu.dma_semaphore, #tpu.memory_space<semaphore_mem>>
        %dma_wait3A_1234 = tpu.memref_squeeze %dma_wait3A_1233 : memref<1x!tpu.dma_semaphore, #tpu.memory_space<semaphore_mem>> -> memref<!tpu.dma_semaphore, #tpu.memory_space<semaphore_mem>>
        %dma_wait3A_1235 = arith.constant 0 : i32
        %dma_wait3A_1236 = tpu.memref_slice %arg4[%multiple_of3A_1223, %dma_wait3A_1235] : memref<409600x128xf32, #tpu.memory_space<hbm>> -> memref<128x64xf32, #tpu.memory_space<hbm>>
        %dma_wait3A_1237 = arith.constant 0 : i32
        %dma_wait3A_1238 = arith.constant 0 : i32
        %dma_wait3A_1239 = tpu.memref_slice %arg7[%dma_wait3A_1224, %dma_wait3A_1225, %dma_wait3A_1237, %dma_wait3A_1238] : memref<5x2x128x64xf32, #tpu.memory_space<vmem>> -> memref<1x1x128x64xf32, #tpu.memory_space<vmem>>
        %dma_wait3A_1240 = tpu.memref_squeeze %dma_wait3A_1239 : memref<1x1x128x64xf32, #tpu.memory_space<vmem>> -> memref<128x64xf32, #tpu.memory_space<vmem>>
        tpu.wait_dma2 semaphore(%dma_wait3A_1234 : memref<!tpu.dma_semaphore, #tpu.memory_space<semaphore_mem>>) src(%dma_wait3A_1240 : memref<128x64xf32, #tpu.memory_space<vmem>>) dst(%dma_wait3A_1236 : memref<128x64xf32, #tpu.memory_space<hbm>>)
        %mul3A_1241 = arith.constant 256 : i32
        %mul3A_1242 = arith.muli %sub3A_1195, %mul3A_1241 : i32
        %add3A_1243 = arith.addi %mul3A_2, %mul3A_1242 : i32
        %jit3A_1244 = arith.constant 2 : i32
        %div3A_1245 = arith.divsi %add3A_1243, %jit3A_1244 : i32
        %sign3A_1246 = arith.constant 0 : i32
        %sign3A_1247 = arith.cmpi sgt, %add3A_1243, %sign3A_1246 : i32
        %sign3A_1248 = arith.extui %sign3A_1247 : i1 to i32
        %sign3A_1249 = arith.constant 0 : i32
        %sign3A_1250 = arith.cmpi slt, %add3A_1243, %sign3A_1249 : i32
        %sign3A_1251 = arith.extui %sign3A_1250 : i1 to i32
        %sign3A_1252 = arith.subi %sign3A_1248, %sign3A_1251 : i32
        %sign3A_1253 = arith.constant 0 : i32
        %sign3A_1254 = arith.cmpi sgt, %jit3A_1244, %sign3A_1253 : i32
        %sign3A_1255 = arith.extui %sign3A_1254 : i1 to i32
        %sign3A_1256 = arith.constant 0 : i32
        %sign3A_1257 = arith.cmpi slt, %jit3A_1244, %sign3A_1256 : i32
        %sign3A_1258 = arith.extui %sign3A_1257 : i1 to i32
        %sign3A_1259 = arith.subi %sign3A_1255, %sign3A_1258 : i32
        %ne3A_1260 = arith.cmpi ne, %sign3A_1252, %sign3A_1259 : i32
        %rem3A_1261 = arith.remsi %add3A_1243, %jit3A_1244 : i32
        %ne3A_1262 = arith.constant 0 : i32
        %ne3A_1263 = arith.cmpi ne, %rem3A_1261, %ne3A_1262 : i32
        %and3A_1264 = arith.andi %ne3A_1260, %ne3A_1263 : i1
        %sub3A_1265 = arith.constant 1 : i32
        %sub3A_1266 = arith.subi %div3A_1245, %sub3A_1265 : i32
        %select_n3A_1267 = arith.select %and3A_1264, %sub3A_1266, %div3A_1245 : i32
        %multiple_of3A_1268 = tpu.assume_multiple %select_n3A_1267, 128 : i32
        %dma_wait3A_1269 = arith.constant 3 : i32
        %dma_wait3A_1270 = arith.constant 1 : i32
        %dma_wait3A_1271 = arith.constant 3 : i32
        %dma_wait3A_1272 = arith.constant 0 : i32
        %dma_wait3A_1273 = arith.constant 0 : i32
        %dma_wait3A_1274 = tpu.memref_slice %arg7[%dma_wait3A_1269, %dma_wait3A_1270, %dma_wait3A_1272, %dma_wait3A_1273] : memref<5x2x128x64xf32, #tpu.memory_space<vmem>> -> memref<1x1x128x64xf32, #tpu.memory_space<vmem>>
        %dma_wait3A_1275 = tpu.memref_squeeze %dma_wait3A_1274 : memref<1x1x128x64xf32, #tpu.memory_space<vmem>> -> memref<128x64xf32, #tpu.memory_space<vmem>>
        %dma_wait3A_1276 = arith.constant 64 : i32
        %dma_wait3A_1277 = tpu.memref_slice %arg4[%multiple_of3A_1268, %dma_wait3A_1276] : memref<409600x128xf32, #tpu.memory_space<hbm>> -> memref<128x64xf32, #tpu.memory_space<hbm>>
        %dma_wait3A_1278 = tpu.memref_slice %arg9[%dma_wait3A_1271] : memref<5x!tpu.dma_semaphore, #tpu.memory_space<semaphore_mem>> -> memref<1x!tpu.dma_semaphore, #tpu.memory_space<semaphore_mem>>
        %dma_wait3A_1279 = tpu.memref_squeeze %dma_wait3A_1278 : memref<1x!tpu.dma_semaphore, #tpu.memory_space<semaphore_mem>> -> memref<!tpu.dma_semaphore, #tpu.memory_space<semaphore_mem>>
        %dma_wait3A_1280 = arith.constant 64 : i32
        %dma_wait3A_1281 = tpu.memref_slice %arg4[%multiple_of3A_1268, %dma_wait3A_1280] : memref<409600x128xf32, #tpu.memory_space<hbm>> -> memref<128x64xf32, #tpu.memory_space<hbm>>
        %dma_wait3A_1282 = arith.constant 0 : i32
        %dma_wait3A_1283 = arith.constant 0 : i32
        %dma_wait3A_1284 = tpu.memref_slice %arg7[%dma_wait3A_1269, %dma_wait3A_1270, %dma_wait3A_1282, %dma_wait3A_1283] : memref<5x2x128x64xf32, #tpu.memory_space<vmem>> -> memref<1x1x128x64xf32, #tpu.memory_space<vmem>>
        %dma_wait3A_1285 = tpu.memref_squeeze %dma_wait3A_1284 : memref<1x1x128x64xf32, #tpu.memory_space<vmem>> -> memref<128x64xf32, #tpu.memory_space<vmem>>
        tpu.wait_dma2 semaphore(%dma_wait3A_1279 : memref<!tpu.dma_semaphore, #tpu.memory_space<semaphore_mem>>) src(%dma_wait3A_1285 : memref<128x64xf32, #tpu.memory_space<vmem>>) dst(%dma_wait3A_1281 : memref<128x64xf32, #tpu.memory_space<hbm>>)
      } else {
      }
      %ge3A_1161 = arith.constant 1 : i32
      %ge3A_1162 = arith.cmpi sge, %add3A_1155, %ge3A_1161 : i32
      %convert_element_type3A_1163 = arith.extui %ge3A_1162 : i1 to i32
      %cond3A_1164 = arith.constant 0 : i32
      %cond3A_1165 = arith.cmpi ne, %convert_element_type3A_1163, %cond3A_1164 : i32
      scf.if %cond3A_1165 {
        %mul3A_1194 = arith.constant 256 : i32
        %mul3A_1195 = arith.muli %add3A_1155, %mul3A_1194 : i32
        %add3A_1196 = arith.constant 0 : i32
        %add3A_1197 = arith.addi %mul3A_1195, %add3A_1196 : i32
        %add3A_1198 = arith.constant 0 : i32
        %add3A_1199 = vector.broadcast %add3A_1198 : i32 to vector<16xi32>
        %add3A_1200 = arith.addi %iota3A, %add3A_1199 : vector<16xi32>
        %mul3A_1201 = arith.constant 2 : i32
        %mul3A_1202 = vector.broadcast %mul3A_1201 : i32 to vector<16xi32>
        %mul3A_1203 = arith.muli %mul3A_1202, %add3A_1200 : vector<16xi32>
        %add3A_1204 = vector.broadcast %add3A_1197 : i32 to vector<16xi32>
        %add3A_1205 = arith.addi %add3A_1204, %mul3A_1203 : vector<16xi32>
        %gather3A_1206 = tpu.vector_load_idx %arg5[%add3A_1205] : memref<25600xi32, #tpu.memory_space<vmem>>[vector<16xi32>], vector<16xi32>,
        %swap3A_1207 = arith.constant 3 : i32
        %swap3A_1208 = arith.constant 0 : i32
        %swap3A_1209 = arith.index_cast %swap3A_1207 : i32 to index
        %swap3A_1210 = arith.index_cast %swap3A_1208 : i32 to index
        %swap3A_1211 = arith.constant 0 : index
        %swap3A_1212 = tpu.vector_load %arg6[%swap3A_1209, %swap3A_1210, %swap3A_1211] {strides = array<i32>} : memref<5x2x128xi32, #tpu.memory_space<vmem>>, vector<16xi32>,
        tpu.vector_store %arg6[%swap3A_1209, %swap3A_1210, %swap3A_1211], %gather3A_1206 {strides = array<i32>} : memref<5x2x128xi32, #tpu.memory_space<vmem>>, vector<16xi32>,
        %mul3A_1213 = arith.constant 256 : i32
        %mul3A_1214 = arith.muli %add3A_1155, %mul3A_1213 : i32
        %add3A_1215 = arith.constant 0 : i32
        %add3A_1216 = arith.addi %mul3A_1214, %add3A_1215 : i32
        %add3A_1217 = arith.constant 16 : i32
        %add3A_1218 = vector.broadcast %add3A_1217 : i32 to vector<16xi32>
        %add3A_1219 = arith.addi %iota3A, %add3A_1218 : vector<16xi32>
        %mul3A_1220 = arith.constant 2 : i32
        %mul3A_1221 = vector.broadcast %mul3A_1220 : i32 to vector<16xi32>
        %mul3A_1222 = arith.muli %mul3A_1221, %add3A_1219 : vector<16xi32>
        %add3A_1223 = vector.broadcast %add3A_1216 : i32 to vector<16xi32>
        %add3A_1224 = arith.addi %add3A_1223, %mul3A_1222 : vector<16xi32>
        %gather3A_1225 = tpu.vector_load_idx %arg5[%add3A_1224] : memref<25600xi32, #tpu.memory_space<vmem>>[vector<16xi32>], vector<16xi32>,
        %swap3A_1226 = arith.constant 3 : i32
        %swap3A_1227 = arith.constant 0 : i32
        %swap3A_1228 = arith.index_cast %swap3A_1226 : i32 to index
        %swap3A_1229 = arith.index_cast %swap3A_1227 : i32 to index
        %swap3A_1230 = arith.constant 16 : index
        %swap3A_1231 = tpu.vector_load %arg6[%swap3A_1228, %swap3A_1229, %swap3A_1230] {strides = array<i32>} : memref<5x2x128xi32, #tpu.memory_space<vmem>>, vector<16xi32>,
        tpu.vector_store %arg6[%swap3A_1228, %swap3A_1229, %swap3A_1230], %gather3A_1225 {strides = array<i32>} : memref<5x2x128xi32, #tpu.memory_space<vmem>>, vector<16xi32>,
        %mul3A_1232 = arith.constant 256 : i32
        %mul3A_1233 = arith.muli %add3A_1155, %mul3A_1232 : i32
        %add3A_1234 = arith.constant 0 : i32
        %add3A_1235 = arith.addi %mul3A_1233, %add3A_1234 : i32
        %add3A_1236 = arith.constant 32 : i32
        %add3A_1237 = vector.broadcast %add3A_1236 : i32 to vector<16xi32>
        %add3A_1238 = arith.addi %iota3A, %add3A_1237 : vector<16xi32>
        %mul3A_1239 = arith.constant 2 : i32
        %mul3A_1240 = vector.broadcast %mul3A_1239 : i32 to vector<16xi32>
        %mul3A_1241 = arith.muli %mul3A_1240, %add3A_1238 : vector<16xi32>
        %add3A_1242 = vector.broadcast %add3A_1235 : i32 to vector<16xi32>
        %add3A_1243 = arith.addi %add3A_1242, %mul3A_1241 : vector<16xi32>
        %gather3A_1244 = tpu.vector_load_idx %arg5[%add3A_1243] : memref<25600xi32, #tpu.memory_space<vmem>>[vector<16xi32>], vector<16xi32>,
        %swap3A_1245 = arith.constant 3 : i32
        %swap3A_1246 = arith.constant 0 : i32
        %swap3A_1247 = arith.index_cast %swap3A_1245 : i32 to index
        %swap3A_1248 = arith.index_cast %swap3A_1246 : i32 to index
        %swap3A_1249 = arith.constant 32 : index
        %swap3A_1250 = tpu.vector_load %arg6[%swap3A_1247, %swap3A_1248, %swap3A_1249] {strides = array<i32>} : memref<5x2x128xi32, #tpu.memory_space<vmem>>, vector<16xi32>,
        tpu.vector_store %arg6[%swap3A_1247, %swap3A_1248, %swap3A_1249], %gather3A_1244 {strides = array<i32>} : memref<5x2x128xi32, #tpu.memory_space<vmem>>, vector<16xi32>,
        %mul3A_1251 = arith.constant 256 : i32
        %mul3A_1252 = arith.muli %add3A_1155, %mul3A_1251 : i32
        %add3A_1253 = arith.constant 0 : i32
        %add3A_1254 = arith.addi %mul3A_1252, %add3A_1253 : i32
        %add3A_1255 = arith.constant 48 : i32
        %add3A_1256 = vector.broadcast %add3A_1255 : i32 to vector<16xi32>
        %add3A_1257 = arith.addi %iota3A, %add3A_1256 : vector<16xi32>
        %mul3A_1258 = arith.constant 2 : i32
        %mul3A_1259 = vector.broadcast %mul3A_1258 : i32 to vector<16xi32>
        %mul3A_1260 = arith.muli %mul3A_1259, %add3A_1257 : vector<16xi32>
        %add3A_1261 = vector.broadcast %add3A_1254 : i32 to vector<16xi32>
        %add3A_1262 = arith.addi %add3A_1261, %mul3A_1260 : vector<16xi32>
        %gather3A_1263 = tpu.vector_load_idx %arg5[%add3A_1262] : memref<25600xi32, #tpu.memory_space<vmem>>[vector<16xi32>], vector<16xi32>,
        %swap3A_1264 = arith.constant 3 : i32
        %swap3A_1265 = arith.constant 0 : i32
        %swap3A_1266 = arith.index_cast %swap3A_1264 : i32 to index
        %swap3A_1267 = arith.index_cast %swap3A_1265 : i32 to index
        %swap3A_1268 = arith.constant 48 : index
        %swap3A_1269 = tpu.vector_load %arg6[%swap3A_1266, %swap3A_1267, %swap3A_1268] {strides = array<i32>} : memref<5x2x128xi32, #tpu.memory_space<vmem>>, vector<16xi32>,
        tpu.vector_store %arg6[%swap3A_1266, %swap3A_1267, %swap3A_1268], %gather3A_1263 {strides = array<i32>} : memref<5x2x128xi32, #tpu.memory_space<vmem>>, vector<16xi32>,
        %mul3A_1270 = arith.constant 256 : i32
        %mul3A_1271 = arith.muli %add3A_1155, %mul3A_1270 : i32
        %add3A_1272 = arith.constant 0 : i32
        %add3A_1273 = arith.addi %mul3A_1271, %add3A_1272 : i32
        %add3A_1274 = arith.constant 64 : i32
        %add3A_1275 = vector.broadcast %add3A_1274 : i32 to vector<16xi32>
        %add3A_1276 = arith.addi %iota3A, %add3A_1275 : vector<16xi32>
        %mul3A_1277 = arith.constant 2 : i32
        %mul3A_1278 = vector.broadcast %mul3A_1277 : i32 to vector<16xi32>
        %mul3A_1279 = arith.muli %mul3A_1278, %add3A_1276 : vector<16xi32>
        %add3A_1280 = vector.broadcast %add3A_1273 : i32 to vector<16xi32>
        %add3A_1281 = arith.addi %add3A_1280, %mul3A_1279 : vector<16xi32>
        %gather3A_1282 = tpu.vector_load_idx %arg5[%add3A_1281] : memref<25600xi32, #tpu.memory_space<vmem>>[vector<16xi32>], vector<16xi32>,
        %swap3A_1283 = arith.constant 3 : i32
        %swap3A_1284 = arith.constant 0 : i32
        %swap3A_1285 = arith.index_cast %swap3A_1283 : i32 to index
        %swap3A_1286 = arith.index_cast %swap3A_1284 : i32 to index
        %swap3A_1287 = arith.constant 64 : index
        %swap3A_1288 = tpu.vector_load %arg6[%swap3A_1285, %swap3A_1286, %swap3A_1287] {strides = array<i32>} : memref<5x2x128xi32, #tpu.memory_space<vmem>>, vector<16xi32>,
        tpu.vector_store %arg6[%swap3A_1285, %swap3A_1286, %swap3A_1287], %gather3A_1282 {strides = array<i32>} : memref<5x2x128xi32, #tpu.memory_space<vmem>>, vector<16xi32>,
        %mul3A_1289 = arith.constant 256 : i32
        %mul3A_1290 = arith.muli %add3A_1155, %mul3A_1289 : i32
        %add3A_1291 = arith.constant 0 : i32
        %add3A_1292 = arith.addi %mul3A_1290, %add3A_1291 : i32
        %add3A_1293 = arith.constant 80 : i32
        %add3A_1294 = vector.broadcast %add3A_1293 : i32 to vector<16xi32>
        %add3A_1295 = arith.addi %iota3A, %add3A_1294 : vector<16xi32>
        %mul3A_1296 = arith.constant 2 : i32
        %mul3A_1297 = vector.broadcast %mul3A_1296 : i32 to vector<16xi32>
        %mul3A_1298 = arith.muli %mul3A_1297, %add3A_1295 : vector<16xi32>
        %add3A_1299 = vector.broadcast %add3A_1292 : i32 to vector<16xi32>
        %add3A_1300 = arith.addi %add3A_1299, %mul3A_1298 : vector<16xi32>
        %gather3A_1301 = tpu.vector_load_idx %arg5[%add3A_1300] : memref<25600xi32, #tpu.memory_space<vmem>>[vector<16xi32>], vector<16xi32>,
        %swap3A_1302 = arith.constant 3 : i32
        %swap3A_1303 = arith.constant 0 : i32
        %swap3A_1304 = arith.index_cast %swap3A_1302 : i32 to index
        %swap3A_1305 = arith.index_cast %swap3A_1303 : i32 to index
        %swap3A_1306 = arith.constant 80 : index
        %swap3A_1307 = tpu.vector_load %arg6[%swap3A_1304, %swap3A_1305, %swap3A_1306] {strides = array<i32>} : memref<5x2x128xi32, #tpu.memory_space<vmem>>, vector<16xi32>,
        tpu.vector_store %arg6[%swap3A_1304, %swap3A_1305, %swap3A_1306], %gather3A_1301 {strides = array<i32>} : memref<5x2x128xi32, #tpu.memory_space<vmem>>, vector<16xi32>,
        %mul3A_1308 = arith.constant 256 : i32
        %mul3A_1309 = arith.muli %add3A_1155, %mul3A_1308 : i32
        %add3A_1310 = arith.constant 0 : i32
        %add3A_1311 = arith.addi %mul3A_1309, %add3A_1310 : i32
        %add3A_1312 = arith.constant 96 : i32
        %add3A_1313 = vector.broadcast %add3A_1312 : i32 to vector<16xi32>
        %add3A_1314 = arith.addi %iota3A, %add3A_1313 : vector<16xi32>
        %mul3A_1315 = arith.constant 2 : i32
        %mul3A_1316 = vector.broadcast %mul3A_1315 : i32 to vector<16xi32>
        %mul3A_1317 = arith.muli %mul3A_1316, %add3A_1314 : vector<16xi32>
        %add3A_1318 = vector.broadcast %add3A_1311 : i32 to vector<16xi32>
        %add3A_1319 = arith.addi %add3A_1318, %mul3A_1317 : vector<16xi32>
        %gather3A_1320 = tpu.vector_load_idx %arg5[%add3A_1319] : memref<25600xi32, #tpu.memory_space<vmem>>[vector<16xi32>], vector<16xi32>,
        %swap3A_1321 = arith.constant 3 : i32
        %swap3A_1322 = arith.constant 0 : i32
        %swap3A_1323 = arith.index_cast %swap3A_1321 : i32 to index
        %swap3A_1324 = arith.index_cast %swap3A_1322 : i32 to index
        %swap3A_1325 = arith.constant 96 : index
        %swap3A_1326 = tpu.vector_load %arg6[%swap3A_1323, %swap3A_1324, %swap3A_1325] {strides = array<i32>} : memref<5x2x128xi32, #tpu.memory_space<vmem>>, vector<16xi32>,
        tpu.vector_store %arg6[%swap3A_1323, %swap3A_1324, %swap3A_1325], %gather3A_1320 {strides = array<i32>} : memref<5x2x128xi32, #tpu.memory_space<vmem>>, vector<16xi32>,
        %mul3A_1327 = arith.constant 256 : i32
        %mul3A_1328 = arith.muli %add3A_1155, %mul3A_1327 : i32
        %add3A_1329 = arith.constant 0 : i32
        %add3A_1330 = arith.addi %mul3A_1328, %add3A_1329 : i32
        %add3A_1331 = arith.constant 112 : i32
        %add3A_1332 = vector.broadcast %add3A_1331 : i32 to vector<16xi32>
        %add3A_1333 = arith.addi %iota3A, %add3A_1332 : vector<16xi32>
        %mul3A_1334 = arith.constant 2 : i32
        %mul3A_1335 = vector.broadcast %mul3A_1334 : i32 to vector<16xi32>
        %mul3A_1336 = arith.muli %mul3A_1335, %add3A_1333 : vector<16xi32>
        %add3A_1337 = vector.broadcast %add3A_1330 : i32 to vector<16xi32>
        %add3A_1338 = arith.addi %add3A_1337, %mul3A_1336 : vector<16xi32>
        %gather3A_1339 = tpu.vector_load_idx %arg5[%add3A_1338] : memref<25600xi32, #tpu.memory_space<vmem>>[vector<16xi32>], vector<16xi32>,
        %swap3A_1340 = arith.constant 3 : i32
        %swap3A_1341 = arith.constant 0 : i32
        %swap3A_1342 = arith.index_cast %swap3A_1340 : i32 to index
        %swap3A_1343 = arith.index_cast %swap3A_1341 : i32 to index
        %swap3A_1344 = arith.constant 112 : index
        %swap3A_1345 = tpu.vector_load %arg6[%swap3A_1342, %swap3A_1343, %swap3A_1344] {strides = array<i32>} : memref<5x2x128xi32, #tpu.memory_space<vmem>>, vector<16xi32>,
        tpu.vector_store %arg6[%swap3A_1342, %swap3A_1343, %swap3A_1344], %gather3A_1339 {strides = array<i32>} : memref<5x2x128xi32, #tpu.memory_space<vmem>>, vector<16xi32>,
        %mul3A_1346 = arith.constant 256 : i32
        %mul3A_1347 = arith.muli %add3A_1155, %mul3A_1346 : i32
        %add3A_1348 = arith.constant 1 : i32
        %add3A_1349 = arith.addi %mul3A_1347, %add3A_1348 : i32
        %add3A_1350 = arith.constant 0 : i32
        %add3A_1351 = vector.broadcast %add3A_1350 : i32 to vector<16xi32>
        %add3A_1352 = arith.addi %iota3A, %add3A_1351 : vector<16xi32>
        %mul3A_1353 = arith.constant 2 : i32
        %mul3A_1354 = vector.broadcast %mul3A_1353 : i32 to vector<16xi32>
        %mul3A_1355 = arith.muli %mul3A_1354, %add3A_1352 : vector<16xi32>
        %add3A_1356 = vector.broadcast %add3A_1349 : i32 to vector<16xi32>
        %add3A_1357 = arith.addi %add3A_1356, %mul3A_1355 : vector<16xi32>
        %gather3A_1358 = tpu.vector_load_idx %arg5[%add3A_1357] : memref<25600xi32, #tpu.memory_space<vmem>>[vector<16xi32>], vector<16xi32>,
        %swap3A_1359 = arith.constant 3 : i32
        %swap3A_1360 = arith.constant 1 : i32
        %swap3A_1361 = arith.index_cast %swap3A_1359 : i32 to index
        %swap3A_1362 = arith.index_cast %swap3A_1360 : i32 to index
        %swap3A_1363 = arith.constant 0 : index
        %swap3A_1364 = tpu.vector_load %arg6[%swap3A_1361, %swap3A_1362, %swap3A_1363] {strides = array<i32>} : memref<5x2x128xi32, #tpu.memory_space<vmem>>, vector<16xi32>,
        tpu.vector_store %arg6[%swap3A_1361, %swap3A_1362, %swap3A_1363], %gather3A_1358 {strides = array<i32>} : memref<5x2x128xi32, #tpu.memory_space<vmem>>, vector<16xi32>,
        %mul3A_1365 = arith.constant 256 : i32
        %mul3A_1366 = arith.muli %add3A_1155, %mul3A_1365 : i32
        %add3A_1367 = arith.constant 1 : i32
        %add3A_1368 = arith.addi %mul3A_1366, %add3A_1367 : i32
        %add3A_1369 = arith.constant 16 : i32
        %add3A_1370 = vector.broadcast %add3A_1369 : i32 to vector<16xi32>
        %add3A_1371 = arith.addi %iota3A, %add3A_1370 : vector<16xi32>
        %mul3A_1372 = arith.constant 2 : i32
        %mul3A_1373 = vector.broadcast %mul3A_1372 : i32 to vector<16xi32>
        %mul3A_1374 = arith.muli %mul3A_1373, %add3A_1371 : vector<16xi32>
        %add3A_1375 = vector.broadcast %add3A_1368 : i32 to vector<16xi32>
        %add3A_1376 = arith.addi %add3A_1375, %mul3A_1374 : vector<16xi32>
        %gather3A_1377 = tpu.vector_load_idx %arg5[%add3A_1376] : memref<25600xi32, #tpu.memory_space<vmem>>[vector<16xi32>], vector<16xi32>,
        %swap3A_1378 = arith.constant 3 : i32
        %swap3A_1379 = arith.constant 1 : i32
        %swap3A_1380 = arith.index_cast %swap3A_1378 : i32 to index
        %swap3A_1381 = arith.index_cast %swap3A_1379 : i32 to index
        %swap3A_1382 = arith.constant 16 : index
        %swap3A_1383 = tpu.vector_load %arg6[%swap3A_1380, %swap3A_1381, %swap3A_1382] {strides = array<i32>} : memref<5x2x128xi32, #tpu.memory_space<vmem>>, vector<16xi32>,
        tpu.vector_store %arg6[%swap3A_1380, %swap3A_1381, %swap3A_1382], %gather3A_1377 {strides = array<i32>} : memref<5x2x128xi32, #tpu.memory_space<vmem>>, vector<16xi32>,
        %mul3A_1384 = arith.constant 256 : i32
        %mul3A_1385 = arith.muli %add3A_1155, %mul3A_1384 : i32
        %add3A_1386 = arith.constant 1 : i32
        %add3A_1387 = arith.addi %mul3A_1385, %add3A_1386 : i32
        %add3A_1388 = arith.constant 32 : i32
        %add3A_1389 = vector.broadcast %add3A_1388 : i32 to vector<16xi32>
        %add3A_1390 = arith.addi %iota3A, %add3A_1389 : vector<16xi32>
        %mul3A_1391 = arith.constant 2 : i32
        %mul3A_1392 = vector.broadcast %mul3A_1391 : i32 to vector<16xi32>
        %mul3A_1393 = arith.muli %mul3A_1392, %add3A_1390 : vector<16xi32>
        %add3A_1394 = vector.broadcast %add3A_1387 : i32 to vector<16xi32>
        %add3A_1395 = arith.addi %add3A_1394, %mul3A_1393 : vector<16xi32>
        %gather3A_1396 = tpu.vector_load_idx %arg5[%add3A_1395] : memref<25600xi32, #tpu.memory_space<vmem>>[vector<16xi32>], vector<16xi32>,
        %swap3A_1397 = arith.constant 3 : i32
        %swap3A_1398 = arith.constant 1 : i32
        %swap3A_1399 = arith.index_cast %swap3A_1397 : i32 to index
        %swap3A_1400 = arith.index_cast %swap3A_1398 : i32 to index
        %swap3A_1401 = arith.constant 32 : index
        %swap3A_1402 = tpu.vector_load %arg6[%swap3A_1399, %swap3A_1400, %swap3A_1401] {strides = array<i32>} : memref<5x2x128xi32, #tpu.memory_space<vmem>>, vector<16xi32>,
        tpu.vector_store %arg6[%swap3A_1399, %swap3A_1400, %swap3A_1401], %gather3A_1396 {strides = array<i32>} : memref<5x2x128xi32, #tpu.memory_space<vmem>>, vector<16xi32>,
        %mul3A_1403 = arith.constant 256 : i32
        %mul3A_1404 = arith.muli %add3A_1155, %mul3A_1403 : i32
        %add3A_1405 = arith.constant 1 : i32
        %add3A_1406 = arith.addi %mul3A_1404, %add3A_1405 : i32
        %add3A_1407 = arith.constant 48 : i32
        %add3A_1408 = vector.broadcast %add3A_1407 : i32 to vector<16xi32>
        %add3A_1409 = arith.addi %iota3A, %add3A_1408 : vector<16xi32>
        %mul3A_1410 = arith.constant 2 : i32
        %mul3A_1411 = vector.broadcast %mul3A_1410 : i32 to vector<16xi32>
        %mul3A_1412 = arith.muli %mul3A_1411, %add3A_1409 : vector<16xi32>
        %add3A_1413 = vector.broadcast %add3A_1406 : i32 to vector<16xi32>
        %add3A_1414 = arith.addi %add3A_1413, %mul3A_1412 : vector<16xi32>
        %gather3A_1415 = tpu.vector_load_idx %arg5[%add3A_1414] : memref<25600xi32, #tpu.memory_space<vmem>>[vector<16xi32>], vector<16xi32>,
        %swap3A_1416 = arith.constant 3 : i32
        %swap3A_1417 = arith.constant 1 : i32
        %swap3A_1418 = arith.index_cast %swap3A_1416 : i32 to index
        %swap3A_1419 = arith.index_cast %swap3A_1417 : i32 to index
        %swap3A_1420 = arith.constant 48 : index
        %swap3A_1421 = tpu.vector_load %arg6[%swap3A_1418, %swap3A_1419, %swap3A_1420] {strides = array<i32>} : memref<5x2x128xi32, #tpu.memory_space<vmem>>, vector<16xi32>,
        tpu.vector_store %arg6[%swap3A_1418, %swap3A_1419, %swap3A_1420], %gather3A_1415 {strides = array<i32>} : memref<5x2x128xi32, #tpu.memory_space<vmem>>, vector<16xi32>,
        %mul3A_1422 = arith.constant 256 : i32
        %mul3A_1423 = arith.muli %add3A_1155, %mul3A_1422 : i32
        %add3A_1424 = arith.constant 1 : i32
        %add3A_1425 = arith.addi %mul3A_1423, %add3A_1424 : i32
        %add3A_1426 = arith.constant 64 : i32
        %add3A_1427 = vector.broadcast %add3A_1426 : i32 to vector<16xi32>
        %add3A_1428 = arith.addi %iota3A, %add3A_1427 : vector<16xi32>
        %mul3A_1429 = arith.constant 2 : i32
        %mul3A_1430 = vector.broadcast %mul3A_1429 : i32 to vector<16xi32>
        %mul3A_1431 = arith.muli %mul3A_1430, %add3A_1428 : vector<16xi32>
        %add3A_1432 = vector.broadcast %add3A_1425 : i32 to vector<16xi32>
        %add3A_1433 = arith.addi %add3A_1432, %mul3A_1431 : vector<16xi32>
        %gather3A_1434 = tpu.vector_load_idx %arg5[%add3A_1433] : memref<25600xi32, #tpu.memory_space<vmem>>[vector<16xi32>], vector<16xi32>,
        %swap3A_1435 = arith.constant 3 : i32
        %swap3A_1436 = arith.constant 1 : i32
        %swap3A_1437 = arith.index_cast %swap3A_1435 : i32 to index
        %swap3A_1438 = arith.index_cast %swap3A_1436 : i32 to index
        %swap3A_1439 = arith.constant 64 : index
        %swap3A_1440 = tpu.vector_load %arg6[%swap3A_1437, %swap3A_1438, %swap3A_1439] {strides = array<i32>} : memref<5x2x128xi32, #tpu.memory_space<vmem>>, vector<16xi32>,
        tpu.vector_store %arg6[%swap3A_1437, %swap3A_1438, %swap3A_1439], %gather3A_1434 {strides = array<i32>} : memref<5x2x128xi32, #tpu.memory_space<vmem>>, vector<16xi32>,
        %mul3A_1441 = arith.constant 256 : i32
        %mul3A_1442 = arith.muli %add3A_1155, %mul3A_1441 : i32
        %add3A_1443 = arith.constant 1 : i32
        %add3A_1444 = arith.addi %mul3A_1442, %add3A_1443 : i32
        %add3A_1445 = arith.constant 80 : i32
        %add3A_1446 = vector.broadcast %add3A_1445 : i32 to vector<16xi32>
        %add3A_1447 = arith.addi %iota3A, %add3A_1446 : vector<16xi32>
        %mul3A_1448 = arith.constant 2 : i32
        %mul3A_1449 = vector.broadcast %mul3A_1448 : i32 to vector<16xi32>
        %mul3A_1450 = arith.muli %mul3A_1449, %add3A_1447 : vector<16xi32>
        %add3A_1451 = vector.broadcast %add3A_1444 : i32 to vector<16xi32>
        %add3A_1452 = arith.addi %add3A_1451, %mul3A_1450 : vector<16xi32>
        %gather3A_1453 = tpu.vector_load_idx %arg5[%add3A_1452] : memref<25600xi32, #tpu.memory_space<vmem>>[vector<16xi32>], vector<16xi32>,
        %swap3A_1454 = arith.constant 3 : i32
        %swap3A_1455 = arith.constant 1 : i32
        %swap3A_1456 = arith.index_cast %swap3A_1454 : i32 to index
        %swap3A_1457 = arith.index_cast %swap3A_1455 : i32 to index
        %swap3A_1458 = arith.constant 80 : index
        %swap3A_1459 = tpu.vector_load %arg6[%swap3A_1456, %swap3A_1457, %swap3A_1458] {strides = array<i32>} : memref<5x2x128xi32, #tpu.memory_space<vmem>>, vector<16xi32>,
        tpu.vector_store %arg6[%swap3A_1456, %swap3A_1457, %swap3A_1458], %gather3A_1453 {strides = array<i32>} : memref<5x2x128xi32, #tpu.memory_space<vmem>>, vector<16xi32>,
        %mul3A_1460 = arith.constant 256 : i32
        %mul3A_1461 = arith.muli %add3A_1155, %mul3A_1460 : i32
        %add3A_1462 = arith.constant 1 : i32
        %add3A_1463 = arith.addi %mul3A_1461, %add3A_1462 : i32
        %add3A_1464 = arith.constant 96 : i32
        %add3A_1465 = vector.broadcast %add3A_1464 : i32 to vector<16xi32>
        %add3A_1466 = arith.addi %iota3A, %add3A_1465 : vector<16xi32>
        %mul3A_1467 = arith.constant 2 : i32
        %mul3A_1468 = vector.broadcast %mul3A_1467 : i32 to vector<16xi32>
        %mul3A_1469 = arith.muli %mul3A_1468, %add3A_1466 : vector<16xi32>
        %add3A_1470 = vector.broadcast %add3A_1463 : i32 to vector<16xi32>
        %add3A_1471 = arith.addi %add3A_1470, %mul3A_1469 : vector<16xi32>
        %gather3A_1472 = tpu.vector_load_idx %arg5[%add3A_1471] : memref<25600xi32, #tpu.memory_space<vmem>>[vector<16xi32>], vector<16xi32>,
        %swap3A_1473 = arith.constant 3 : i32
        %swap3A_1474 = arith.constant 1 : i32
        %swap3A_1475 = arith.index_cast %swap3A_1473 : i32 to index
        %swap3A_1476 = arith.index_cast %swap3A_1474 : i32 to index
        %swap3A_1477 = arith.constant 96 : index
        %swap3A_1478 = tpu.vector_load %arg6[%swap3A_1475, %swap3A_1476, %swap3A_1477] {strides = array<i32>} : memref<5x2x128xi32, #tpu.memory_space<vmem>>, vector<16xi32>,
        tpu.vector_store %arg6[%swap3A_1475, %swap3A_1476, %swap3A_1477], %gather3A_1472 {strides = array<i32>} : memref<5x2x128xi32, #tpu.memory_space<vmem>>, vector<16xi32>,
        %mul3A_1479 = arith.constant 256 : i32
        %mul3A_1480 = arith.muli %add3A_1155, %mul3A_1479 : i32
        %add3A_1481 = arith.constant 1 : i32
        %add3A_1482 = arith.addi %mul3A_1480, %add3A_1481 : i32
        %add3A_1483 = arith.constant 112 : i32
        %add3A_1484 = vector.broadcast %add3A_1483 : i32 to vector<16xi32>
        %add3A_1485 = arith.addi %iota3A, %add3A_1484 : vector<16xi32>
        %mul3A_1486 = arith.constant 2 : i32
        %mul3A_1487 = vector.broadcast %mul3A_1486 : i32 to vector<16xi32>
        %mul3A_1488 = arith.muli %mul3A_1487, %add3A_1485 : vector<16xi32>
        %add3A_1489 = vector.broadcast %add3A_1482 : i32 to vector<16xi32>
        %add3A_1490 = arith.addi %add3A_1489, %mul3A_1488 : vector<16xi32>
        %gather3A_1491 = tpu.vector_load_idx %arg5[%add3A_1490] : memref<25600xi32, #tpu.memory_space<vmem>>[vector<16xi32>], vector<16xi32>,
        %swap3A_1492 = arith.constant 3 : i32
        %swap3A_1493 = arith.constant 1 : i32
        %swap3A_1494 = arith.index_cast %swap3A_1492 : i32 to index
        %swap3A_1495 = arith.index_cast %swap3A_1493 : i32 to index
        %swap3A_1496 = arith.constant 112 : index
        %swap3A_1497 = tpu.vector_load %arg6[%swap3A_1494, %swap3A_1495, %swap3A_1496] {strides = array<i32>} : memref<5x2x128xi32, #tpu.memory_space<vmem>>, vector<16xi32>,
        tpu.vector_store %arg6[%swap3A_1494, %swap3A_1495, %swap3A_1496], %gather3A_1491 {strides = array<i32>} : memref<5x2x128xi32, #tpu.memory_space<vmem>>, vector<16xi32>,
        %dma_start3A_1498 = arith.constant 3 : i32
        %dma_start3A_1499 = arith.constant 0 : i32
        %dma_start3A_1500 = arith.constant 3 : i32
        %dma_start3A_1501 = arith.constant 0 : i32
        %dma_start3A_1502 = arith.constant 3 : i32
        %dma_start3A_1503 = arith.constant 0 : i32
        %dma_start3A_1504 = arith.constant 0 : i32
        %dma_start3A_1505 = tpu.memref_slice %arg7[%dma_start3A_1500, %dma_start3A_1501, %dma_start3A_1503, %dma_start3A_1504] : memref<5x2x128x64xf32, #tpu.memory_space<vmem>> -> memref<1x1x128x64xf32, #tpu.memory_space<vmem>>
        %dma_start3A_1506 = tpu.memref_squeeze %dma_start3A_1505 : memref<1x1x128x64xf32, #tpu.memory_space<vmem>> -> memref<128x64xf32, #tpu.memory_space<vmem>>
        %dma_start3A_1507 = arith.constant 0 : i32
        %dma_start3A_1508 = tpu.memref_slice %arg6[%dma_start3A_1498, %dma_start3A_1499, %dma_start3A_1507] : memref<5x2x128xi32, #tpu.memory_space<vmem>> -> memref<1x1x128xi32, #tpu.memory_space<vmem>>
        %dma_start3A_1509 = tpu.memref_squeeze %dma_start3A_1508 : memref<1x1x128xi32, #tpu.memory_space<vmem>> -> memref<128xi32, #tpu.memory_space<vmem>>
        %dma_start3A_1510 = arith.constant 0 : i32
        %dma_start3A_1511 = arith.constant 0 : i32
        %dma_start3A_1512 = tpu.memref_slice %arg3[%dma_start3A_1510, %dma_start3A_1511] : memref<1000000x64xf32, #tpu.memory_space<hbm>> -> memref<1000000x64xf32, #tpu.memory_space<hbm>>
        %dma_start3A_1513 = tpu.memref_slice %arg8[%dma_start3A_1502] : memref<5x!tpu.dma_semaphore, #tpu.memory_space<semaphore_mem>> -> memref<1x!tpu.dma_semaphore, #tpu.memory_space<semaphore_mem>>
        %dma_start3A_1514 = tpu.memref_squeeze %dma_start3A_1513 : memref<1x!tpu.dma_semaphore, #tpu.memory_space<semaphore_mem>> -> memref<!tpu.dma_semaphore, #tpu.memory_space<semaphore_mem>>
        tpu.enqueue_indirect_dma source(%dma_start3A_1512 : memref<1000000x64xf32, #tpu.memory_space<hbm>>) target(%dma_start3A_1506 : memref<128x64xf32, #tpu.memory_space<vmem>>) offsets(%dma_start3A_1509 : memref<128xi32, #tpu.memory_space<vmem>>) semaphore(%dma_start3A_1514 : memref<!tpu.dma_semaphore, #tpu.memory_space<semaphore_mem>>)
        %dma_start3A_1515 = arith.constant 3 : i32
        %dma_start3A_1516 = arith.constant 1 : i32
        %dma_start3A_1517 = arith.constant 3 : i32
        %dma_start3A_1518 = arith.constant 1 : i32
        %dma_start3A_1519 = arith.constant 3 : i32
        %dma_start3A_1520 = arith.constant 0 : i32
        %dma_start3A_1521 = arith.constant 0 : i32
        %dma_start3A_1522 = tpu.memref_slice %arg7[%dma_start3A_1517, %dma_start3A_1518, %dma_start3A_1520, %dma_start3A_1521] : memref<5x2x128x64xf32, #tpu.memory_space<vmem>> -> memref<1x1x128x64xf32, #tpu.memory_space<vmem>>
        %dma_start3A_1523 = tpu.memref_squeeze %dma_start3A_1522 : memref<1x1x128x64xf32, #tpu.memory_space<vmem>> -> memref<128x64xf32, #tpu.memory_space<vmem>>
        %dma_start3A_1524 = arith.constant 0 : i32
        %dma_start3A_1525 = tpu.memref_slice %arg6[%dma_start3A_1515, %dma_start3A_1516, %dma_start3A_1524] : memref<5x2x128xi32, #tpu.memory_space<vmem>> -> memref<1x1x128xi32, #tpu.memory_space<vmem>>
        %dma_start3A_1526 = tpu.memref_squeeze %dma_start3A_1525 : memref<1x1x128xi32, #tpu.memory_space<vmem>> -> memref<128xi32, #tpu.memory_space<vmem>>
        %dma_start3A_1527 = arith.constant 0 : i32
        %dma_start3A_1528 = arith.constant 0 : i32
        %dma_start3A_1529 = tpu.memref_slice %arg3[%dma_start3A_1527, %dma_start3A_1528] : memref<1000000x64xf32, #tpu.memory_space<hbm>> -> memref<1000000x64xf32, #tpu.memory_space<hbm>>
        %dma_start3A_1530 = tpu.memref_slice %arg8[%dma_start3A_1519] : memref<5x!tpu.dma_semaphore, #tpu.memory_space<semaphore_mem>> -> memref<1x!tpu.dma_semaphore, #tpu.memory_space<semaphore_mem>>
        %dma_start3A_1531 = tpu.memref_squeeze %dma_start3A_1530 : memref<1x!tpu.dma_semaphore, #tpu.memory_space<semaphore_mem>> -> memref<!tpu.dma_semaphore, #tpu.memory_space<semaphore_mem>>
        tpu.enqueue_indirect_dma source(%dma_start3A_1529 : memref<1000000x64xf32, #tpu.memory_space<hbm>>) target(%dma_start3A_1523 : memref<128x64xf32, #tpu.memory_space<vmem>>) offsets(%dma_start3A_1526 : memref<128xi32, #tpu.memory_space<vmem>>) semaphore(%dma_start3A_1531 : memref<!tpu.dma_semaphore, #tpu.memory_space<semaphore_mem>>)
      } else {
      }
      %sub3A_1166 = arith.constant 3 : i32
      %sub3A_1167 = arith.subi %add3A_1155, %sub3A_1166 : i32
      %ge3A_1168 = arith.constant 3 : i32
      %ge3A_1169 = arith.cmpi sge, %add3A_1155, %ge3A_1168 : i32
      %convert_element_type3A_1170 = arith.extui %ge3A_1169 : i1 to i32
      %cond3A_1171 = arith.constant 0 : i32
      %cond3A_1172 = arith.cmpi ne, %convert_element_type3A_1170, %cond3A_1171 : i32
      scf.if %cond3A_1172 {
        %dma_wait3A_1194 = arith.constant 0 : i32
        %dma_wait3A_1195 = arith.constant 0 : i32
        %dma_wait3A_1196 = arith.constant 0 : i32
        %dma_wait3A_1197 = arith.constant 0 : i32
        %dma_wait3A_1198 = arith.constant 0 : i32
        %dma_wait3A_1199 = arith.constant 0 : i32
        %dma_wait3A_1200 = arith.constant 0 : i32
        %dma_wait3A_1201 = tpu.memref_slice %arg7[%dma_wait3A_1196, %dma_wait3A_1197, %dma_wait3A_1199, %dma_wait3A_1200] : memref<5x2x128x64xf32, #tpu.memory_space<vmem>> -> memref<1x1x128x64xf32, #tpu.memory_space<vmem>>
        %dma_wait3A_1202 = tpu.memref_squeeze %dma_wait3A_1201 : memref<1x1x128x64xf32, #tpu.memory_space<vmem>> -> memref<128x64xf32, #tpu.memory_space<vmem>>
        %dma_wait3A_1203 = arith.constant 0 : i32
        %dma_wait3A_1204 = tpu.memref_slice %arg6[%dma_wait3A_1194, %dma_wait3A_1195, %dma_wait3A_1203] : memref<5x2x128xi32, #tpu.memory_space<vmem>> -> memref<1x1x128xi32, #tpu.memory_space<vmem>>
        %dma_wait3A_1205 = tpu.memref_squeeze %dma_wait3A_1204 : memref<1x1x128xi32, #tpu.memory_space<vmem>> -> memref<128xi32, #tpu.memory_space<vmem>>
        %dma_wait3A_1206 = arith.constant 0 : i32
        %dma_wait3A_1207 = arith.constant 0 : i32
        %dma_wait3A_1208 = tpu.memref_slice %arg3[%dma_wait3A_1206, %dma_wait3A_1207] : memref<1000000x64xf32, #tpu.memory_space<hbm>> -> memref<1000000x64xf32, #tpu.memory_space<hbm>>
        %dma_wait3A_1209 = tpu.memref_slice %arg8[%dma_wait3A_1198] : memref<5x!tpu.dma_semaphore, #tpu.memory_space<semaphore_mem>> -> memref<1x!tpu.dma_semaphore, #tpu.memory_space<semaphore_mem>>
        %dma_wait3A_1210 = tpu.memref_squeeze %dma_wait3A_1209 : memref<1x!tpu.dma_semaphore, #tpu.memory_space<semaphore_mem>> -> memref<!tpu.dma_semaphore, #tpu.memory_space<semaphore_mem>>
        tpu.wait_indirect_dma semaphore(%dma_wait3A_1210 : memref<!tpu.dma_semaphore, #tpu.memory_space<semaphore_mem>>) src(%dma_wait3A_1208 : memref<1000000x64xf32, #tpu.memory_space<hbm>>) dst(%dma_wait3A_1202 : memref<128x64xf32, #tpu.memory_space<vmem>>)
        %dma_wait3A_1211 = arith.constant 0 : i32
        %dma_wait3A_1212 = arith.constant 1 : i32
        %dma_wait3A_1213 = arith.constant 0 : i32
        %dma_wait3A_1214 = arith.constant 1 : i32
        %dma_wait3A_1215 = arith.constant 0 : i32
        %dma_wait3A_1216 = arith.constant 0 : i32
        %dma_wait3A_1217 = arith.constant 0 : i32
        %dma_wait3A_1218 = tpu.memref_slice %arg7[%dma_wait3A_1213, %dma_wait3A_1214, %dma_wait3A_1216, %dma_wait3A_1217] : memref<5x2x128x64xf32, #tpu.memory_space<vmem>> -> memref<1x1x128x64xf32, #tpu.memory_space<vmem>>
        %dma_wait3A_1219 = tpu.memref_squeeze %dma_wait3A_1218 : memref<1x1x128x64xf32, #tpu.memory_space<vmem>> -> memref<128x64xf32, #tpu.memory_space<vmem>>
        %dma_wait3A_1220 = arith.constant 0 : i32
        %dma_wait3A_1221 = tpu.memref_slice %arg6[%dma_wait3A_1211, %dma_wait3A_1212, %dma_wait3A_1220] : memref<5x2x128xi32, #tpu.memory_space<vmem>> -> memref<1x1x128xi32, #tpu.memory_space<vmem>>
        %dma_wait3A_1222 = tpu.memref_squeeze %dma_wait3A_1221 : memref<1x1x128xi32, #tpu.memory_space<vmem>> -> memref<128xi32, #tpu.memory_space<vmem>>
        %dma_wait3A_1223 = arith.constant 0 : i32
        %dma_wait3A_1224 = arith.constant 0 : i32
        %dma_wait3A_1225 = tpu.memref_slice %arg3[%dma_wait3A_1223, %dma_wait3A_1224] : memref<1000000x64xf32, #tpu.memory_space<hbm>> -> memref<1000000x64xf32, #tpu.memory_space<hbm>>
        %dma_wait3A_1226 = tpu.memref_slice %arg8[%dma_wait3A_1215] : memref<5x!tpu.dma_semaphore, #tpu.memory_space<semaphore_mem>> -> memref<1x!tpu.dma_semaphore, #tpu.memory_space<semaphore_mem>>
        %dma_wait3A_1227 = tpu.memref_squeeze %dma_wait3A_1226 : memref<1x!tpu.dma_semaphore, #tpu.memory_space<semaphore_mem>> -> memref<!tpu.dma_semaphore, #tpu.memory_space<semaphore_mem>>
        tpu.wait_indirect_dma semaphore(%dma_wait3A_1227 : memref<!tpu.dma_semaphore, #tpu.memory_space<semaphore_mem>>) src(%dma_wait3A_1225 : memref<1000000x64xf32, #tpu.memory_space<hbm>>) dst(%dma_wait3A_1219 : memref<128x64xf32, #tpu.memory_space<vmem>>)
        %mul3A_1228 = arith.constant 256 : i32
        %mul3A_1229 = arith.muli %sub3A_1167, %mul3A_1228 : i32
        %add3A_1230 = arith.addi %mul3A_2, %mul3A_1229 : i32
        %jit3A_1231 = arith.constant 2 : i32
        %div3A_1232 = arith.divsi %add3A_1230, %jit3A_1231 : i32
        %sign3A_1233 = arith.constant 0 : i32
        %sign3A_1234 = arith.cmpi sgt, %add3A_1230, %sign3A_1233 : i32
        %sign3A_1235 = arith.extui %sign3A_1234 : i1 to i32
        %sign3A_1236 = arith.constant 0 : i32
        %sign3A_1237 = arith.cmpi slt, %add3A_1230, %sign3A_1236 : i32
        %sign3A_1238 = arith.extui %sign3A_1237 : i1 to i32
        %sign3A_1239 = arith.subi %sign3A_1235, %sign3A_1238 : i32
        %sign3A_1240 = arith.constant 0 : i32
        %sign3A_1241 = arith.cmpi sgt, %jit3A_1231, %sign3A_1240 : i32
        %sign3A_1242 = arith.extui %sign3A_1241 : i1 to i32
        %sign3A_1243 = arith.constant 0 : i32
        %sign3A_1244 = arith.cmpi slt, %jit3A_1231, %sign3A_1243 : i32
        %sign3A_1245 = arith.extui %sign3A_1244 : i1 to i32
        %sign3A_1246 = arith.subi %sign3A_1242, %sign3A_1245 : i32
        %ne3A_1247 = arith.cmpi ne, %sign3A_1239, %sign3A_1246 : i32
        %rem3A_1248 = arith.remsi %add3A_1230, %jit3A_1231 : i32
        %ne3A_1249 = arith.constant 0 : i32
        %ne3A_1250 = arith.cmpi ne, %rem3A_1248, %ne3A_1249 : i32
        %and3A_1251 = arith.andi %ne3A_1247, %ne3A_1250 : i1
        %sub3A_1252 = arith.constant 1 : i32
        %sub3A_1253 = arith.subi %div3A_1232, %sub3A_1252 : i32
        %select_n3A_1254 = arith.select %and3A_1251, %sub3A_1253, %div3A_1232 : i32
        %multiple_of3A_1255 = tpu.assume_multiple %select_n3A_1254, 128 : i32
        %dma_start3A_1256 = arith.constant 0 : i32
        %dma_start3A_1257 = arith.constant 0 : i32
        %dma_start3A_1258 = arith.constant 0 : i32
        %dma_start3A_1259 = arith.constant 0 : i32
        %dma_start3A_1260 = arith.constant 0 : i32
        %dma_start3A_1261 = tpu.memref_slice %arg7[%dma_start3A_1256, %dma_start3A_1257, %dma_start3A_1259, %dma_start3A_1260] : memref<5x2x128x64xf32, #tpu.memory_space<vmem>> -> memref<1x1x128x64xf32, #tpu.memory_space<vmem>>
        %dma_start3A_1262 = tpu.memref_squeeze %dma_start3A_1261 : memref<1x1x128x64xf32, #tpu.memory_space<vmem>> -> memref<128x64xf32, #tpu.memory_space<vmem>>
        %dma_start3A_1263 = arith.constant 0 : i32
        %dma_start3A_1264 = tpu.memref_slice %arg4[%multiple_of3A_1255, %dma_start3A_1263] : memref<409600x128xf32, #tpu.memory_space<hbm>> -> memref<128x64xf32, #tpu.memory_space<hbm>>
        %dma_start3A_1265 = tpu.memref_slice %arg9[%dma_start3A_1258] : memref<5x!tpu.dma_semaphore, #tpu.memory_space<semaphore_mem>> -> memref<1x!tpu.dma_semaphore, #tpu.memory_space<semaphore_mem>>
        %dma_start3A_1266 = tpu.memref_squeeze %dma_start3A_1265 : memref<1x!tpu.dma_semaphore, #tpu.memory_space<semaphore_mem>> -> memref<!tpu.dma_semaphore, #tpu.memory_space<semaphore_mem>>
        %dma_start3A_1267 = arith.constant 0 : i32
        %dma_start3A_1268 = tpu.memref_slice %arg4[%multiple_of3A_1255, %dma_start3A_1267] : memref<409600x128xf32, #tpu.memory_space<hbm>> -> memref<128x64xf32, #tpu.memory_space<hbm>>
        %dma_start3A_1269 = arith.constant 0 : i32
        %dma_start3A_1270 = arith.constant 0 : i32
        %dma_start3A_1271 = tpu.memref_slice %arg7[%dma_start3A_1256, %dma_start3A_1257, %dma_start3A_1269, %dma_start3A_1270] : memref<5x2x128x64xf32, #tpu.memory_space<vmem>> -> memref<1x1x128x64xf32, #tpu.memory_space<vmem>>
        %dma_start3A_1272 = tpu.memref_squeeze %dma_start3A_1271 : memref<1x1x128x64xf32, #tpu.memory_space<vmem>> -> memref<128x64xf32, #tpu.memory_space<vmem>>
        tpu.enqueue_dma source(%dma_start3A_1272 : memref<128x64xf32, #tpu.memory_space<vmem>>) target(%dma_start3A_1268 : memref<128x64xf32, #tpu.memory_space<hbm>>) target_semaphore(%dma_start3A_1266 : memref<!tpu.dma_semaphore, #tpu.memory_space<semaphore_mem>>)
        %mul3A_1273 = arith.constant 256 : i32
        %mul3A_1274 = arith.muli %sub3A_1167, %mul3A_1273 : i32
        %add3A_1275 = arith.addi %mul3A_2, %mul3A_1274 : i32
        %jit3A_1276 = arith.constant 2 : i32
        %div3A_1277 = arith.divsi %add3A_1275, %jit3A_1276 : i32
        %sign3A_1278 = arith.constant 0 : i32
        %sign3A_1279 = arith.cmpi sgt, %add3A_1275, %sign3A_1278 : i32
        %sign3A_1280 = arith.extui %sign3A_1279 : i1 to i32
        %sign3A_1281 = arith.constant 0 : i32
        %sign3A_1282 = arith.cmpi slt, %add3A_1275, %sign3A_1281 : i32
        %sign3A_1283 = arith.extui %sign3A_1282 : i1 to i32
        %sign3A_1284 = arith.subi %sign3A_1280, %sign3A_1283 : i32
        %sign3A_1285 = arith.constant 0 : i32
        %sign3A_1286 = arith.cmpi sgt, %jit3A_1276, %sign3A_1285 : i32
        %sign3A_1287 = arith.extui %sign3A_1286 : i1 to i32
        %sign3A_1288 = arith.constant 0 : i32
        %sign3A_1289 = arith.cmpi slt, %jit3A_1276, %sign3A_1288 : i32
        %sign3A_1290 = arith.extui %sign3A_1289 : i1 to i32
        %sign3A_1291 = arith.subi %sign3A_1287, %sign3A_1290 : i32
        %ne3A_1292 = arith.cmpi ne, %sign3A_1284, %sign3A_1291 : i32
        %rem3A_1293 = arith.remsi %add3A_1275, %jit3A_1276 : i32
        %ne3A_1294 = arith.constant 0 : i32
        %ne3A_1295 = arith.cmpi ne, %rem3A_1293, %ne3A_1294 : i32
        %and3A_1296 = arith.andi %ne3A_1292, %ne3A_1295 : i1
        %sub3A_1297 = arith.constant 1 : i32
        %sub3A_1298 = arith.subi %div3A_1277, %sub3A_1297 : i32
        %select_n3A_1299 = arith.select %and3A_1296, %sub3A_1298, %div3A_1277 : i32
        %multiple_of3A_1300 = tpu.assume_multiple %select_n3A_1299, 128 : i32
        %dma_start3A_1301 = arith.constant 0 : i32
        %dma_start3A_1302 = arith.constant 1 : i32
        %dma_start3A_1303 = arith.constant 0 : i32
        %dma_start3A_1304 = arith.constant 0 : i32
        %dma_start3A_1305 = arith.constant 0 : i32
        %dma_start3A_1306 = tpu.memref_slice %arg7[%dma_start3A_1301, %dma_start3A_1302, %dma_start3A_1304, %dma_start3A_1305] : memref<5x2x128x64xf32, #tpu.memory_space<vmem>> -> memref<1x1x128x64xf32, #tpu.memory_space<vmem>>
        %dma_start3A_1307 = tpu.memref_squeeze %dma_start3A_1306 : memref<1x1x128x64xf32, #tpu.memory_space<vmem>> -> memref<128x64xf32, #tpu.memory_space<vmem>>
        %dma_start3A_1308 = arith.constant 64 : i32
        %dma_start3A_1309 = tpu.memref_slice %arg4[%multiple_of3A_1300, %dma_start3A_1308] : memref<409600x128xf32, #tpu.memory_space<hbm>> -> memref<128x64xf32, #tpu.memory_space<hbm>>
        %dma_start3A_1310 = tpu.memref_slice %arg9[%dma_start3A_1303] : memref<5x!tpu.dma_semaphore, #tpu.memory_space<semaphore_mem>> -> memref<1x!tpu.dma_semaphore, #tpu.memory_space<semaphore_mem>>
        %dma_start3A_1311 = tpu.memref_squeeze %dma_start3A_1310 : memref<1x!tpu.dma_semaphore, #tpu.memory_space<semaphore_mem>> -> memref<!tpu.dma_semaphore, #tpu.memory_space<semaphore_mem>>
        %dma_start3A_1312 = arith.constant 64 : i32
        %dma_start3A_1313 = tpu.memref_slice %arg4[%multiple_of3A_1300, %dma_start3A_1312] : memref<409600x128xf32, #tpu.memory_space<hbm>> -> memref<128x64xf32, #tpu.memory_space<hbm>>
        %dma_start3A_1314 = arith.constant 0 : i32
        %dma_start3A_1315 = arith.constant 0 : i32
        %dma_start3A_1316 = tpu.memref_slice %arg7[%dma_start3A_1301, %dma_start3A_1302, %dma_start3A_1314, %dma_start3A_1315] : memref<5x2x128x64xf32, #tpu.memory_space<vmem>> -> memref<1x1x128x64xf32, #tpu.memory_space<vmem>>
        %dma_start3A_1317 = tpu.memref_squeeze %dma_start3A_1316 : memref<1x1x128x64xf32, #tpu.memory_space<vmem>> -> memref<128x64xf32, #tpu.memory_space<vmem>>
        tpu.enqueue_dma source(%dma_start3A_1317 : memref<128x64xf32, #tpu.memory_space<vmem>>) target(%dma_start3A_1313 : memref<128x64xf32, #tpu.memory_space<hbm>>) target_semaphore(%dma_start3A_1311 : memref<!tpu.dma_semaphore, #tpu.memory_space<semaphore_mem>>)
      } else {
      }
      %mul3A_1173 = arith.constant 5 : i32
      %mul3A_1174 = arith.muli %scan3A_1091, %mul3A_1173 : i32
      %add3A_1175 = arith.constant 4 : i32
      %add3A_1176 = arith.addi %mul3A_1174, %add3A_1175 : i32
      %ge3A_1177 = arith.constant 5 : i32
      %ge3A_1178 = arith.cmpi sge, %add3A_1176, %ge3A_1177 : i32
      %convert_element_type3A_1179 = arith.extui %ge3A_1178 : i1 to i32
      %cond3A_1180 = arith.constant 0 : i32
      %cond3A_1181 = arith.cmpi ne, %convert_element_type3A_1179, %cond3A_1180 : i32
      scf.if %cond3A_1181 {
        %sub3A_1194 = arith.constant 5 : i32
        %sub3A_1195 = arith.subi %add3A_1176, %sub3A_1194 : i32
        %mul3A_1196 = arith.constant 256 : i32
        %mul3A_1197 = arith.muli %sub3A_1195, %mul3A_1196 : i32
        %add3A_1198 = arith.addi %mul3A_2, %mul3A_1197 : i32
        %jit3A_1199 = arith.constant 2 : i32
        %div3A_1200 = arith.divsi %add3A_1198, %jit3A_1199 : i32
        %sign3A_1201 = arith.constant 0 : i32
        %sign3A_1202 = arith.cmpi sgt, %add3A_1198, %sign3A_1201 : i32
        %sign3A_1203 = arith.extui %sign3A_1202 : i1 to i32
        %sign3A_1204 = arith.constant 0 : i32
        %sign3A_1205 = arith.cmpi slt, %add3A_1198, %sign3A_1204 : i32
        %sign3A_1206 = arith.extui %sign3A_1205 : i1 to i32
        %sign3A_1207 = arith.subi %sign3A_1203, %sign3A_1206 : i32
        %sign3A_1208 = arith.constant 0 : i32
        %sign3A_1209 = arith.cmpi sgt, %jit3A_1199, %sign3A_1208 : i32
        %sign3A_1210 = arith.extui %sign3A_1209 : i1 to i32
        %sign3A_1211 = arith.constant 0 : i32
        %sign3A_1212 = arith.cmpi slt, %jit3A_1199, %sign3A_1211 : i32
        %sign3A_1213 = arith.extui %sign3A_1212 : i1 to i32
        %sign3A_1214 = arith.subi %sign3A_1210, %sign3A_1213 : i32
        %ne3A_1215 = arith.cmpi ne, %sign3A_1207, %sign3A_1214 : i32
        %rem3A_1216 = arith.remsi %add3A_1198, %jit3A_1199 : i32
        %ne3A_1217 = arith.constant 0 : i32
        %ne3A_1218 = arith.cmpi ne, %rem3A_1216, %ne3A_1217 : i32
        %and3A_1219 = arith.andi %ne3A_1215, %ne3A_1218 : i1
        %sub3A_1220 = arith.constant 1 : i32
        %sub3A_1221 = arith.subi %div3A_1200, %sub3A_1220 : i32
        %select_n3A_1222 = arith.select %and3A_1219, %sub3A_1221, %div3A_1200 : i32
        %multiple_of3A_1223 = tpu.assume_multiple %select_n3A_1222, 128 : i32
        %dma_wait3A_1224 = arith.constant 4 : i32
        %dma_wait3A_1225 = arith.constant 0 : i32
        %dma_wait3A_1226 = arith.constant 4 : i32
        %dma_wait3A_1227 = arith.constant 0 : i32
        %dma_wait3A_1228 = arith.constant 0 : i32
        %dma_wait3A_1229 = tpu.memref_slice %arg7[%dma_wait3A_1224, %dma_wait3A_1225, %dma_wait3A_1227, %dma_wait3A_1228] : memref<5x2x128x64xf32, #tpu.memory_space<vmem>> -> memref<1x1x128x64xf32, #tpu.memory_space<vmem>>
        %dma_wait3A_1230 = tpu.memref_squeeze %dma_wait3A_1229 : memref<1x1x128x64xf32, #tpu.memory_space<vmem>> -> memref<128x64xf32, #tpu.memory_space<vmem>>
        %dma_wait3A_1231 = arith.constant 0 : i32
        %dma_wait3A_1232 = tpu.memref_slice %arg4[%multiple_of3A_1223, %dma_wait3A_1231] : memref<409600x128xf32, #tpu.memory_space<hbm>> -> memref<128x64xf32, #tpu.memory_space<hbm>>
        %dma_wait3A_1233 = tpu.memref_slice %arg9[%dma_wait3A_1226] : memref<5x!tpu.dma_semaphore, #tpu.memory_space<semaphore_mem>> -> memref<1x!tpu.dma_semaphore, #tpu.memory_space<semaphore_mem>>
        %dma_wait3A_1234 = tpu.memref_squeeze %dma_wait3A_1233 : memref<1x!tpu.dma_semaphore, #tpu.memory_space<semaphore_mem>> -> memref<!tpu.dma_semaphore, #tpu.memory_space<semaphore_mem>>
        %dma_wait3A_1235 = arith.constant 0 : i32
        %dma_wait3A_1236 = tpu.memref_slice %arg4[%multiple_of3A_1223, %dma_wait3A_1235] : memref<409600x128xf32, #tpu.memory_space<hbm>> -> memref<128x64xf32, #tpu.memory_space<hbm>>
        %dma_wait3A_1237 = arith.constant 0 : i32
        %dma_wait3A_1238 = arith.constant 0 : i32
        %dma_wait3A_1239 = tpu.memref_slice %arg7[%dma_wait3A_1224, %dma_wait3A_1225, %dma_wait3A_1237, %dma_wait3A_1238] : memref<5x2x128x64xf32, #tpu.memory_space<vmem>> -> memref<1x1x128x64xf32, #tpu.memory_space<vmem>>
        %dma_wait3A_1240 = tpu.memref_squeeze %dma_wait3A_1239 : memref<1x1x128x64xf32, #tpu.memory_space<vmem>> -> memref<128x64xf32, #tpu.memory_space<vmem>>
        tpu.wait_dma2 semaphore(%dma_wait3A_1234 : memref<!tpu.dma_semaphore, #tpu.memory_space<semaphore_mem>>) src(%dma_wait3A_1240 : memref<128x64xf32, #tpu.memory_space<vmem>>) dst(%dma_wait3A_1236 : memref<128x64xf32, #tpu.memory_space<hbm>>)
        %mul3A_1241 = arith.constant 256 : i32
        %mul3A_1242 = arith.muli %sub3A_1195, %mul3A_1241 : i32
        %add3A_1243 = arith.addi %mul3A_2, %mul3A_1242 : i32
        %jit3A_1244 = arith.constant 2 : i32
        %div3A_1245 = arith.divsi %add3A_1243, %jit3A_1244 : i32
        %sign3A_1246 = arith.constant 0 : i32
        %sign3A_1247 = arith.cmpi sgt, %add3A_1243, %sign3A_1246 : i32
        %sign3A_1248 = arith.extui %sign3A_1247 : i1 to i32
        %sign3A_1249 = arith.constant 0 : i32
        %sign3A_1250 = arith.cmpi slt, %add3A_1243, %sign3A_1249 : i32
        %sign3A_1251 = arith.extui %sign3A_1250 : i1 to i32
        %sign3A_1252 = arith.subi %sign3A_1248, %sign3A_1251 : i32
        %sign3A_1253 = arith.constant 0 : i32
        %sign3A_1254 = arith.cmpi sgt, %jit3A_1244, %sign3A_1253 : i32
        %sign3A_1255 = arith.extui %sign3A_1254 : i1 to i32
        %sign3A_1256 = arith.constant 0 : i32
        %sign3A_1257 = arith.cmpi slt, %jit3A_1244, %sign3A_1256 : i32
        %sign3A_1258 = arith.extui %sign3A_1257 : i1 to i32
        %sign3A_1259 = arith.subi %sign3A_1255, %sign3A_1258 : i32
        %ne3A_1260 = arith.cmpi ne, %sign3A_1252, %sign3A_1259 : i32
        %rem3A_1261 = arith.remsi %add3A_1243, %jit3A_1244 : i32
        %ne3A_1262 = arith.constant 0 : i32
        %ne3A_1263 = arith.cmpi ne, %rem3A_1261, %ne3A_1262 : i32
        %and3A_1264 = arith.andi %ne3A_1260, %ne3A_1263 : i1
        %sub3A_1265 = arith.constant 1 : i32
        %sub3A_1266 = arith.subi %div3A_1245, %sub3A_1265 : i32
        %select_n3A_1267 = arith.select %and3A_1264, %sub3A_1266, %div3A_1245 : i32
        %multiple_of3A_1268 = tpu.assume_multiple %select_n3A_1267, 128 : i32
        %dma_wait3A_1269 = arith.constant 4 : i32
        %dma_wait3A_1270 = arith.constant 1 : i32
        %dma_wait3A_1271 = arith.constant 4 : i32
        %dma_wait3A_1272 = arith.constant 0 : i32
        %dma_wait3A_1273 = arith.constant 0 : i32
        %dma_wait3A_1274 = tpu.memref_slice %arg7[%dma_wait3A_1269, %dma_wait3A_1270, %dma_wait3A_1272, %dma_wait3A_1273] : memref<5x2x128x64xf32, #tpu.memory_space<vmem>> -> memref<1x1x128x64xf32, #tpu.memory_space<vmem>>
        %dma_wait3A_1275 = tpu.memref_squeeze %dma_wait3A_1274 : memref<1x1x128x64xf32, #tpu.memory_space<vmem>> -> memref<128x64xf32, #tpu.memory_space<vmem>>
        %dma_wait3A_1276 = arith.constant 64 : i32
        %dma_wait3A_1277 = tpu.memref_slice %arg4[%multiple_of3A_1268, %dma_wait3A_1276] : memref<409600x128xf32, #tpu.memory_space<hbm>> -> memref<128x64xf32, #tpu.memory_space<hbm>>
        %dma_wait3A_1278 = tpu.memref_slice %arg9[%dma_wait3A_1271] : memref<5x!tpu.dma_semaphore, #tpu.memory_space<semaphore_mem>> -> memref<1x!tpu.dma_semaphore, #tpu.memory_space<semaphore_mem>>
        %dma_wait3A_1279 = tpu.memref_squeeze %dma_wait3A_1278 : memref<1x!tpu.dma_semaphore, #tpu.memory_space<semaphore_mem>> -> memref<!tpu.dma_semaphore, #tpu.memory_space<semaphore_mem>>
        %dma_wait3A_1280 = arith.constant 64 : i32
        %dma_wait3A_1281 = tpu.memref_slice %arg4[%multiple_of3A_1268, %dma_wait3A_1280] : memref<409600x128xf32, #tpu.memory_space<hbm>> -> memref<128x64xf32, #tpu.memory_space<hbm>>
        %dma_wait3A_1282 = arith.constant 0 : i32
        %dma_wait3A_1283 = arith.constant 0 : i32
        %dma_wait3A_1284 = tpu.memref_slice %arg7[%dma_wait3A_1269, %dma_wait3A_1270, %dma_wait3A_1282, %dma_wait3A_1283] : memref<5x2x128x64xf32, #tpu.memory_space<vmem>> -> memref<1x1x128x64xf32, #tpu.memory_space<vmem>>
        %dma_wait3A_1285 = tpu.memref_squeeze %dma_wait3A_1284 : memref<1x1x128x64xf32, #tpu.memory_space<vmem>> -> memref<128x64xf32, #tpu.memory_space<vmem>>
        tpu.wait_dma2 semaphore(%dma_wait3A_1279 : memref<!tpu.dma_semaphore, #tpu.memory_space<semaphore_mem>>) src(%dma_wait3A_1285 : memref<128x64xf32, #tpu.memory_space<vmem>>) dst(%dma_wait3A_1281 : memref<128x64xf32, #tpu.memory_space<hbm>>)
      } else {
      }
      %ge3A_1182 = arith.constant 1 : i32
      %ge3A_1183 = arith.cmpi sge, %add3A_1176, %ge3A_1182 : i32
      %convert_element_type3A_1184 = arith.extui %ge3A_1183 : i1 to i32
      %cond3A_1185 = arith.constant 0 : i32
      %cond3A_1186 = arith.cmpi ne, %convert_element_type3A_1184, %cond3A_1185 : i32
      scf.if %cond3A_1186 {
        %mul3A_1194 = arith.constant 256 : i32
        %mul3A_1195 = arith.muli %add3A_1176, %mul3A_1194 : i32
        %add3A_1196 = arith.constant 0 : i32
        %add3A_1197 = arith.addi %mul3A_1195, %add3A_1196 : i32
        %add3A_1198 = arith.constant 0 : i32
        %add3A_1199 = vector.broadcast %add3A_1198 : i32 to vector<16xi32>
        %add3A_1200 = arith.addi %iota3A, %add3A_1199 : vector<16xi32>
        %mul3A_1201 = arith.constant 2 : i32
        %mul3A_1202 = vector.broadcast %mul3A_1201 : i32 to vector<16xi32>
        %mul3A_1203 = arith.muli %mul3A_1202, %add3A_1200 : vector<16xi32>
        %add3A_1204 = vector.broadcast %add3A_1197 : i32 to vector<16xi32>
        %add3A_1205 = arith.addi %add3A_1204, %mul3A_1203 : vector<16xi32>
        %gather3A_1206 = tpu.vector_load_idx %arg5[%add3A_1205] : memref<25600xi32, #tpu.memory_space<vmem>>[vector<16xi32>], vector<16xi32>,
        %swap3A_1207 = arith.constant 4 : i32
        %swap3A_1208 = arith.constant 0 : i32
        %swap3A_1209 = arith.index_cast %swap3A_1207 : i32 to index
        %swap3A_1210 = arith.index_cast %swap3A_1208 : i32 to index
        %swap3A_1211 = arith.constant 0 : index
        %swap3A_1212 = tpu.vector_load %arg6[%swap3A_1209, %swap3A_1210, %swap3A_1211] {strides = array<i32>} : memref<5x2x128xi32, #tpu.memory_space<vmem>>, vector<16xi32>,
        tpu.vector_store %arg6[%swap3A_1209, %swap3A_1210, %swap3A_1211], %gather3A_1206 {strides = array<i32>} : memref<5x2x128xi32, #tpu.memory_space<vmem>>, vector<16xi32>,
        %mul3A_1213 = arith.constant 256 : i32
        %mul3A_1214 = arith.muli %add3A_1176, %mul3A_1213 : i32
        %add3A_1215 = arith.constant 0 : i32
        %add3A_1216 = arith.addi %mul3A_1214, %add3A_1215 : i32
        %add3A_1217 = arith.constant 16 : i32
        %add3A_1218 = vector.broadcast %add3A_1217 : i32 to vector<16xi32>
        %add3A_1219 = arith.addi %iota3A, %add3A_1218 : vector<16xi32>
        %mul3A_1220 = arith.constant 2 : i32
        %mul3A_1221 = vector.broadcast %mul3A_1220 : i32 to vector<16xi32>
        %mul3A_1222 = arith.muli %mul3A_1221, %add3A_1219 : vector<16xi32>
        %add3A_1223 = vector.broadcast %add3A_1216 : i32 to vector<16xi32>
        %add3A_1224 = arith.addi %add3A_1223, %mul3A_1222 : vector<16xi32>
        %gather3A_1225 = tpu.vector_load_idx %arg5[%add3A_1224] : memref<25600xi32, #tpu.memory_space<vmem>>[vector<16xi32>], vector<16xi32>,
        %swap3A_1226 = arith.constant 4 : i32
        %swap3A_1227 = arith.constant 0 : i32
        %swap3A_1228 = arith.index_cast %swap3A_1226 : i32 to index
        %swap3A_1229 = arith.index_cast %swap3A_1227 : i32 to index
        %swap3A_1230 = arith.constant 16 : index
        %swap3A_1231 = tpu.vector_load %arg6[%swap3A_1228, %swap3A_1229, %swap3A_1230] {strides = array<i32>} : memref<5x2x128xi32, #tpu.memory_space<vmem>>, vector<16xi32>,
        tpu.vector_store %arg6[%swap3A_1228, %swap3A_1229, %swap3A_1230], %gather3A_1225 {strides = array<i32>} : memref<5x2x128xi32, #tpu.memory_space<vmem>>, vector<16xi32>,
        %mul3A_1232 = arith.constant 256 : i32
        %mul3A_1233 = arith.muli %add3A_1176, %mul3A_1232 : i32
        %add3A_1234 = arith.constant 0 : i32
        %add3A_1235 = arith.addi %mul3A_1233, %add3A_1234 : i32
        %add3A_1236 = arith.constant 32 : i32
        %add3A_1237 = vector.broadcast %add3A_1236 : i32 to vector<16xi32>
        %add3A_1238 = arith.addi %iota3A, %add3A_1237 : vector<16xi32>
        %mul3A_1239 = arith.constant 2 : i32
        %mul3A_1240 = vector.broadcast %mul3A_1239 : i32 to vector<16xi32>
        %mul3A_1241 = arith.muli %mul3A_1240, %add3A_1238 : vector<16xi32>
        %add3A_1242 = vector.broadcast %add3A_1235 : i32 to vector<16xi32>
        %add3A_1243 = arith.addi %add3A_1242, %mul3A_1241 : vector<16xi32>
        %gather3A_1244 = tpu.vector_load_idx %arg5[%add3A_1243] : memref<25600xi32, #tpu.memory_space<vmem>>[vector<16xi32>], vector<16xi32>,
        %swap3A_1245 = arith.constant 4 : i32
        %swap3A_1246 = arith.constant 0 : i32
        %swap3A_1247 = arith.index_cast %swap3A_1245 : i32 to index
        %swap3A_1248 = arith.index_cast %swap3A_1246 : i32 to index
        %swap3A_1249 = arith.constant 32 : index
        %swap3A_1250 = tpu.vector_load %arg6[%swap3A_1247, %swap3A_1248, %swap3A_1249] {strides = array<i32>} : memref<5x2x128xi32, #tpu.memory_space<vmem>>, vector<16xi32>,
        tpu.vector_store %arg6[%swap3A_1247, %swap3A_1248, %swap3A_1249], %gather3A_1244 {strides = array<i32>} : memref<5x2x128xi32, #tpu.memory_space<vmem>>, vector<16xi32>,
        %mul3A_1251 = arith.constant 256 : i32
        %mul3A_1252 = arith.muli %add3A_1176, %mul3A_1251 : i32
        %add3A_1253 = arith.constant 0 : i32
        %add3A_1254 = arith.addi %mul3A_1252, %add3A_1253 : i32
        %add3A_1255 = arith.constant 48 : i32
        %add3A_1256 = vector.broadcast %add3A_1255 : i32 to vector<16xi32>
        %add3A_1257 = arith.addi %iota3A, %add3A_1256 : vector<16xi32>
        %mul3A_1258 = arith.constant 2 : i32
        %mul3A_1259 = vector.broadcast %mul3A_1258 : i32 to vector<16xi32>
        %mul3A_1260 = arith.muli %mul3A_1259, %add3A_1257 : vector<16xi32>
        %add3A_1261 = vector.broadcast %add3A_1254 : i32 to vector<16xi32>
        %add3A_1262 = arith.addi %add3A_1261, %mul3A_1260 : vector<16xi32>
        %gather3A_1263 = tpu.vector_load_idx %arg5[%add3A_1262] : memref<25600xi32, #tpu.memory_space<vmem>>[vector<16xi32>], vector<16xi32>,
        %swap3A_1264 = arith.constant 4 : i32
        %swap3A_1265 = arith.constant 0 : i32
        %swap3A_1266 = arith.index_cast %swap3A_1264 : i32 to index
        %swap3A_1267 = arith.index_cast %swap3A_1265 : i32 to index
        %swap3A_1268 = arith.constant 48 : index
        %swap3A_1269 = tpu.vector_load %arg6[%swap3A_1266, %swap3A_1267, %swap3A_1268] {strides = array<i32>} : memref<5x2x128xi32, #tpu.memory_space<vmem>>, vector<16xi32>,
        tpu.vector_store %arg6[%swap3A_1266, %swap3A_1267, %swap3A_1268], %gather3A_1263 {strides = array<i32>} : memref<5x2x128xi32, #tpu.memory_space<vmem>>, vector<16xi32>,
        %mul3A_1270 = arith.constant 256 : i32
        %mul3A_1271 = arith.muli %add3A_1176, %mul3A_1270 : i32
        %add3A_1272 = arith.constant 0 : i32
        %add3A_1273 = arith.addi %mul3A_1271, %add3A_1272 : i32
        %add3A_1274 = arith.constant 64 : i32
        %add3A_1275 = vector.broadcast %add3A_1274 : i32 to vector<16xi32>
        %add3A_1276 = arith.addi %iota3A, %add3A_1275 : vector<16xi32>
        %mul3A_1277 = arith.constant 2 : i32
        %mul3A_1278 = vector.broadcast %mul3A_1277 : i32 to vector<16xi32>
        %mul3A_1279 = arith.muli %mul3A_1278, %add3A_1276 : vector<16xi32>
        %add3A_1280 = vector.broadcast %add3A_1273 : i32 to vector<16xi32>
        %add3A_1281 = arith.addi %add3A_1280, %mul3A_1279 : vector<16xi32>
        %gather3A_1282 = tpu.vector_load_idx %arg5[%add3A_1281] : memref<25600xi32, #tpu.memory_space<vmem>>[vector<16xi32>], vector<16xi32>,
        %swap3A_1283 = arith.constant 4 : i32
        %swap3A_1284 = arith.constant 0 : i32
        %swap3A_1285 = arith.index_cast %swap3A_1283 : i32 to index
        %swap3A_1286 = arith.index_cast %swap3A_1284 : i32 to index
        %swap3A_1287 = arith.constant 64 : index
        %swap3A_1288 = tpu.vector_load %arg6[%swap3A_1285, %swap3A_1286, %swap3A_1287] {strides = array<i32>} : memref<5x2x128xi32, #tpu.memory_space<vmem>>, vector<16xi32>,
        tpu.vector_store %arg6[%swap3A_1285, %swap3A_1286, %swap3A_1287], %gather3A_1282 {strides = array<i32>} : memref<5x2x128xi32, #tpu.memory_space<vmem>>, vector<16xi32>,
        %mul3A_1289 = arith.constant 256 : i32
        %mul3A_1290 = arith.muli %add3A_1176, %mul3A_1289 : i32
        %add3A_1291 = arith.constant 0 : i32
        %add3A_1292 = arith.addi %mul3A_1290, %add3A_1291 : i32
        %add3A_1293 = arith.constant 80 : i32
        %add3A_1294 = vector.broadcast %add3A_1293 : i32 to vector<16xi32>
        %add3A_1295 = arith.addi %iota3A, %add3A_1294 : vector<16xi32>
        %mul3A_1296 = arith.constant 2 : i32
        %mul3A_1297 = vector.broadcast %mul3A_1296 : i32 to vector<16xi32>
        %mul3A_1298 = arith.muli %mul3A_1297, %add3A_1295 : vector<16xi32>
        %add3A_1299 = vector.broadcast %add3A_1292 : i32 to vector<16xi32>
        %add3A_1300 = arith.addi %add3A_1299, %mul3A_1298 : vector<16xi32>
        %gather3A_1301 = tpu.vector_load_idx %arg5[%add3A_1300] : memref<25600xi32, #tpu.memory_space<vmem>>[vector<16xi32>], vector<16xi32>,
        %swap3A_1302 = arith.constant 4 : i32
        %swap3A_1303 = arith.constant 0 : i32
        %swap3A_1304 = arith.index_cast %swap3A_1302 : i32 to index
        %swap3A_1305 = arith.index_cast %swap3A_1303 : i32 to index
        %swap3A_1306 = arith.constant 80 : index
        %swap3A_1307 = tpu.vector_load %arg6[%swap3A_1304, %swap3A_1305, %swap3A_1306] {strides = array<i32>} : memref<5x2x128xi32, #tpu.memory_space<vmem>>, vector<16xi32>,
        tpu.vector_store %arg6[%swap3A_1304, %swap3A_1305, %swap3A_1306], %gather3A_1301 {strides = array<i32>} : memref<5x2x128xi32, #tpu.memory_space<vmem>>, vector<16xi32>,
        %mul3A_1308 = arith.constant 256 : i32
        %mul3A_1309 = arith.muli %add3A_1176, %mul3A_1308 : i32
        %add3A_1310 = arith.constant 0 : i32
        %add3A_1311 = arith.addi %mul3A_1309, %add3A_1310 : i32
        %add3A_1312 = arith.constant 96 : i32
        %add3A_1313 = vector.broadcast %add3A_1312 : i32 to vector<16xi32>
        %add3A_1314 = arith.addi %iota3A, %add3A_1313 : vector<16xi32>
        %mul3A_1315 = arith.constant 2 : i32
        %mul3A_1316 = vector.broadcast %mul3A_1315 : i32 to vector<16xi32>
        %mul3A_1317 = arith.muli %mul3A_1316, %add3A_1314 : vector<16xi32>
        %add3A_1318 = vector.broadcast %add3A_1311 : i32 to vector<16xi32>
        %add3A_1319 = arith.addi %add3A_1318, %mul3A_1317 : vector<16xi32>
        %gather3A_1320 = tpu.vector_load_idx %arg5[%add3A_1319] : memref<25600xi32, #tpu.memory_space<vmem>>[vector<16xi32>], vector<16xi32>,
        %swap3A_1321 = arith.constant 4 : i32
        %swap3A_1322 = arith.constant 0 : i32
        %swap3A_1323 = arith.index_cast %swap3A_1321 : i32 to index
        %swap3A_1324 = arith.index_cast %swap3A_1322 : i32 to index
        %swap3A_1325 = arith.constant 96 : index
        %swap3A_1326 = tpu.vector_load %arg6[%swap3A_1323, %swap3A_1324, %swap3A_1325] {strides = array<i32>} : memref<5x2x128xi32, #tpu.memory_space<vmem>>, vector<16xi32>,
        tpu.vector_store %arg6[%swap3A_1323, %swap3A_1324, %swap3A_1325], %gather3A_1320 {strides = array<i32>} : memref<5x2x128xi32, #tpu.memory_space<vmem>>, vector<16xi32>,
        %mul3A_1327 = arith.constant 256 : i32
        %mul3A_1328 = arith.muli %add3A_1176, %mul3A_1327 : i32
        %add3A_1329 = arith.constant 0 : i32
        %add3A_1330 = arith.addi %mul3A_1328, %add3A_1329 : i32
        %add3A_1331 = arith.constant 112 : i32
        %add3A_1332 = vector.broadcast %add3A_1331 : i32 to vector<16xi32>
        %add3A_1333 = arith.addi %iota3A, %add3A_1332 : vector<16xi32>
        %mul3A_1334 = arith.constant 2 : i32
        %mul3A_1335 = vector.broadcast %mul3A_1334 : i32 to vector<16xi32>
        %mul3A_1336 = arith.muli %mul3A_1335, %add3A_1333 : vector<16xi32>
        %add3A_1337 = vector.broadcast %add3A_1330 : i32 to vector<16xi32>
        %add3A_1338 = arith.addi %add3A_1337, %mul3A_1336 : vector<16xi32>
        %gather3A_1339 = tpu.vector_load_idx %arg5[%add3A_1338] : memref<25600xi32, #tpu.memory_space<vmem>>[vector<16xi32>], vector<16xi32>,
        %swap3A_1340 = arith.constant 4 : i32
        %swap3A_1341 = arith.constant 0 : i32
        %swap3A_1342 = arith.index_cast %swap3A_1340 : i32 to index
        %swap3A_1343 = arith.index_cast %swap3A_1341 : i32 to index
        %swap3A_1344 = arith.constant 112 : index
        %swap3A_1345 = tpu.vector_load %arg6[%swap3A_1342, %swap3A_1343, %swap3A_1344] {strides = array<i32>} : memref<5x2x128xi32, #tpu.memory_space<vmem>>, vector<16xi32>,
        tpu.vector_store %arg6[%swap3A_1342, %swap3A_1343, %swap3A_1344], %gather3A_1339 {strides = array<i32>} : memref<5x2x128xi32, #tpu.memory_space<vmem>>, vector<16xi32>,
        %mul3A_1346 = arith.constant 256 : i32
        %mul3A_1347 = arith.muli %add3A_1176, %mul3A_1346 : i32
        %add3A_1348 = arith.constant 1 : i32
        %add3A_1349 = arith.addi %mul3A_1347, %add3A_1348 : i32
        %add3A_1350 = arith.constant 0 : i32
        %add3A_1351 = vector.broadcast %add3A_1350 : i32 to vector<16xi32>
        %add3A_1352 = arith.addi %iota3A, %add3A_1351 : vector<16xi32>
        %mul3A_1353 = arith.constant 2 : i32
        %mul3A_1354 = vector.broadcast %mul3A_1353 : i32 to vector<16xi32>
        %mul3A_1355 = arith.muli %mul3A_1354, %add3A_1352 : vector<16xi32>
        %add3A_1356 = vector.broadcast %add3A_1349 : i32 to vector<16xi32>
        %add3A_1357 = arith.addi %add3A_1356, %mul3A_1355 : vector<16xi32>
        %gather3A_1358 = tpu.vector_load_idx %arg5[%add3A_1357] : memref<25600xi32, #tpu.memory_space<vmem>>[vector<16xi32>], vector<16xi32>,
        %swap3A_1359 = arith.constant 4 : i32
        %swap3A_1360 = arith.constant 1 : i32
        %swap3A_1361 = arith.index_cast %swap3A_1359 : i32 to index
        %swap3A_1362 = arith.index_cast %swap3A_1360 : i32 to index
        %swap3A_1363 = arith.constant 0 : index
        %swap3A_1364 = tpu.vector_load %arg6[%swap3A_1361, %swap3A_1362, %swap3A_1363] {strides = array<i32>} : memref<5x2x128xi32, #tpu.memory_space<vmem>>, vector<16xi32>,
        tpu.vector_store %arg6[%swap3A_1361, %swap3A_1362, %swap3A_1363], %gather3A_1358 {strides = array<i32>} : memref<5x2x128xi32, #tpu.memory_space<vmem>>, vector<16xi32>,
        %mul3A_1365 = arith.constant 256 : i32
        %mul3A_1366 = arith.muli %add3A_1176, %mul3A_1365 : i32
        %add3A_1367 = arith.constant 1 : i32
        %add3A_1368 = arith.addi %mul3A_1366, %add3A_1367 : i32
        %add3A_1369 = arith.constant 16 : i32
        %add3A_1370 = vector.broadcast %add3A_1369 : i32 to vector<16xi32>
        %add3A_1371 = arith.addi %iota3A, %add3A_1370 : vector<16xi32>
        %mul3A_1372 = arith.constant 2 : i32
        %mul3A_1373 = vector.broadcast %mul3A_1372 : i32 to vector<16xi32>
        %mul3A_1374 = arith.muli %mul3A_1373, %add3A_1371 : vector<16xi32>
        %add3A_1375 = vector.broadcast %add3A_1368 : i32 to vector<16xi32>
        %add3A_1376 = arith.addi %add3A_1375, %mul3A_1374 : vector<16xi32>
        %gather3A_1377 = tpu.vector_load_idx %arg5[%add3A_1376] : memref<25600xi32, #tpu.memory_space<vmem>>[vector<16xi32>], vector<16xi32>,
        %swap3A_1378 = arith.constant 4 : i32
        %swap3A_1379 = arith.constant 1 : i32
        %swap3A_1380 = arith.index_cast %swap3A_1378 : i32 to index
        %swap3A_1381 = arith.index_cast %swap3A_1379 : i32 to index
        %swap3A_1382 = arith.constant 16 : index
        %swap3A_1383 = tpu.vector_load %arg6[%swap3A_1380, %swap3A_1381, %swap3A_1382] {strides = array<i32>} : memref<5x2x128xi32, #tpu.memory_space<vmem>>, vector<16xi32>,
        tpu.vector_store %arg6[%swap3A_1380, %swap3A_1381, %swap3A_1382], %gather3A_1377 {strides = array<i32>} : memref<5x2x128xi32, #tpu.memory_space<vmem>>, vector<16xi32>,
        %mul3A_1384 = arith.constant 256 : i32
        %mul3A_1385 = arith.muli %add3A_1176, %mul3A_1384 : i32
        %add3A_1386 = arith.constant 1 : i32
        %add3A_1387 = arith.addi %mul3A_1385, %add3A_1386 : i32
        %add3A_1388 = arith.constant 32 : i32
        %add3A_1389 = vector.broadcast %add3A_1388 : i32 to vector<16xi32>
        %add3A_1390 = arith.addi %iota3A, %add3A_1389 : vector<16xi32>
        %mul3A_1391 = arith.constant 2 : i32
        %mul3A_1392 = vector.broadcast %mul3A_1391 : i32 to vector<16xi32>
        %mul3A_1393 = arith.muli %mul3A_1392, %add3A_1390 : vector<16xi32>
        %add3A_1394 = vector.broadcast %add3A_1387 : i32 to vector<16xi32>
        %add3A_1395 = arith.addi %add3A_1394, %mul3A_1393 : vector<16xi32>
        %gather3A_1396 = tpu.vector_load_idx %arg5[%add3A_1395] : memref<25600xi32, #tpu.memory_space<vmem>>[vector<16xi32>], vector<16xi32>,
        %swap3A_1397 = arith.constant 4 : i32
        %swap3A_1398 = arith.constant 1 : i32
        %swap3A_1399 = arith.index_cast %swap3A_1397 : i32 to index
        %swap3A_1400 = arith.index_cast %swap3A_1398 : i32 to index
        %swap3A_1401 = arith.constant 32 : index
        %swap3A_1402 = tpu.vector_load %arg6[%swap3A_1399, %swap3A_1400, %swap3A_1401] {strides = array<i32>} : memref<5x2x128xi32, #tpu.memory_space<vmem>>, vector<16xi32>,
        tpu.vector_store %arg6[%swap3A_1399, %swap3A_1400, %swap3A_1401], %gather3A_1396 {strides = array<i32>} : memref<5x2x128xi32, #tpu.memory_space<vmem>>, vector<16xi32>,
        %mul3A_1403 = arith.constant 256 : i32
        %mul3A_1404 = arith.muli %add3A_1176, %mul3A_1403 : i32
        %add3A_1405 = arith.constant 1 : i32
        %add3A_1406 = arith.addi %mul3A_1404, %add3A_1405 : i32
        %add3A_1407 = arith.constant 48 : i32
        %add3A_1408 = vector.broadcast %add3A_1407 : i32 to vector<16xi32>
        %add3A_1409 = arith.addi %iota3A, %add3A_1408 : vector<16xi32>
        %mul3A_1410 = arith.constant 2 : i32
        %mul3A_1411 = vector.broadcast %mul3A_1410 : i32 to vector<16xi32>
        %mul3A_1412 = arith.muli %mul3A_1411, %add3A_1409 : vector<16xi32>
        %add3A_1413 = vector.broadcast %add3A_1406 : i32 to vector<16xi32>
        %add3A_1414 = arith.addi %add3A_1413, %mul3A_1412 : vector<16xi32>
        %gather3A_1415 = tpu.vector_load_idx %arg5[%add3A_1414] : memref<25600xi32, #tpu.memory_space<vmem>>[vector<16xi32>], vector<16xi32>,
        %swap3A_1416 = arith.constant 4 : i32
        %swap3A_1417 = arith.constant 1 : i32
        %swap3A_1418 = arith.index_cast %swap3A_1416 : i32 to index
        %swap3A_1419 = arith.index_cast %swap3A_1417 : i32 to index
        %swap3A_1420 = arith.constant 48 : index
        %swap3A_1421 = tpu.vector_load %arg6[%swap3A_1418, %swap3A_1419, %swap3A_1420] {strides = array<i32>} : memref<5x2x128xi32, #tpu.memory_space<vmem>>, vector<16xi32>,
        tpu.vector_store %arg6[%swap3A_1418, %swap3A_1419, %swap3A_1420], %gather3A_1415 {strides = array<i32>} : memref<5x2x128xi32, #tpu.memory_space<vmem>>, vector<16xi32>,
        %mul3A_1422 = arith.constant 256 : i32
        %mul3A_1423 = arith.muli %add3A_1176, %mul3A_1422 : i32
        %add3A_1424 = arith.constant 1 : i32
        %add3A_1425 = arith.addi %mul3A_1423, %add3A_1424 : i32
        %add3A_1426 = arith.constant 64 : i32
        %add3A_1427 = vector.broadcast %add3A_1426 : i32 to vector<16xi32>
        %add3A_1428 = arith.addi %iota3A, %add3A_1427 : vector<16xi32>
        %mul3A_1429 = arith.constant 2 : i32
        %mul3A_1430 = vector.broadcast %mul3A_1429 : i32 to vector<16xi32>
        %mul3A_1431 = arith.muli %mul3A_1430, %add3A_1428 : vector<16xi32>
        %add3A_1432 = vector.broadcast %add3A_1425 : i32 to vector<16xi32>
        %add3A_1433 = arith.addi %add3A_1432, %mul3A_1431 : vector<16xi32>
        %gather3A_1434 = tpu.vector_load_idx %arg5[%add3A_1433] : memref<25600xi32, #tpu.memory_space<vmem>>[vector<16xi32>], vector<16xi32>,
        %swap3A_1435 = arith.constant 4 : i32
        %swap3A_1436 = arith.constant 1 : i32
        %swap3A_1437 = arith.index_cast %swap3A_1435 : i32 to index
        %swap3A_1438 = arith.index_cast %swap3A_1436 : i32 to index
        %swap3A_1439 = arith.constant 64 : index
        %swap3A_1440 = tpu.vector_load %arg6[%swap3A_1437, %swap3A_1438, %swap3A_1439] {strides = array<i32>} : memref<5x2x128xi32, #tpu.memory_space<vmem>>, vector<16xi32>,
        tpu.vector_store %arg6[%swap3A_1437, %swap3A_1438, %swap3A_1439], %gather3A_1434 {strides = array<i32>} : memref<5x2x128xi32, #tpu.memory_space<vmem>>, vector<16xi32>,
        %mul3A_1441 = arith.constant 256 : i32
        %mul3A_1442 = arith.muli %add3A_1176, %mul3A_1441 : i32
        %add3A_1443 = arith.constant 1 : i32
        %add3A_1444 = arith.addi %mul3A_1442, %add3A_1443 : i32
        %add3A_1445 = arith.constant 80 : i32
        %add3A_1446 = vector.broadcast %add3A_1445 : i32 to vector<16xi32>
        %add3A_1447 = arith.addi %iota3A, %add3A_1446 : vector<16xi32>
        %mul3A_1448 = arith.constant 2 : i32
        %mul3A_1449 = vector.broadcast %mul3A_1448 : i32 to vector<16xi32>
        %mul3A_1450 = arith.muli %mul3A_1449, %add3A_1447 : vector<16xi32>
        %add3A_1451 = vector.broadcast %add3A_1444 : i32 to vector<16xi32>
        %add3A_1452 = arith.addi %add3A_1451, %mul3A_1450 : vector<16xi32>
        %gather3A_1453 = tpu.vector_load_idx %arg5[%add3A_1452] : memref<25600xi32, #tpu.memory_space<vmem>>[vector<16xi32>], vector<16xi32>,
        %swap3A_1454 = arith.constant 4 : i32
        %swap3A_1455 = arith.constant 1 : i32
        %swap3A_1456 = arith.index_cast %swap3A_1454 : i32 to index
        %swap3A_1457 = arith.index_cast %swap3A_1455 : i32 to index
        %swap3A_1458 = arith.constant 80 : index
        %swap3A_1459 = tpu.vector_load %arg6[%swap3A_1456, %swap3A_1457, %swap3A_1458] {strides = array<i32>} : memref<5x2x128xi32, #tpu.memory_space<vmem>>, vector<16xi32>,
        tpu.vector_store %arg6[%swap3A_1456, %swap3A_1457, %swap3A_1458], %gather3A_1453 {strides = array<i32>} : memref<5x2x128xi32, #tpu.memory_space<vmem>>, vector<16xi32>,
        %mul3A_1460 = arith.constant 256 : i32
        %mul3A_1461 = arith.muli %add3A_1176, %mul3A_1460 : i32
        %add3A_1462 = arith.constant 1 : i32
        %add3A_1463 = arith.addi %mul3A_1461, %add3A_1462 : i32
        %add3A_1464 = arith.constant 96 : i32
        %add3A_1465 = vector.broadcast %add3A_1464 : i32 to vector<16xi32>
        %add3A_1466 = arith.addi %iota3A, %add3A_1465 : vector<16xi32>
        %mul3A_1467 = arith.constant 2 : i32
        %mul3A_1468 = vector.broadcast %mul3A_1467 : i32 to vector<16xi32>
        %mul3A_1469 = arith.muli %mul3A_1468, %add3A_1466 : vector<16xi32>
        %add3A_1470 = vector.broadcast %add3A_1463 : i32 to vector<16xi32>
        %add3A_1471 = arith.addi %add3A_1470, %mul3A_1469 : vector<16xi32>
        %gather3A_1472 = tpu.vector_load_idx %arg5[%add3A_1471] : memref<25600xi32, #tpu.memory_space<vmem>>[vector<16xi32>], vector<16xi32>,
        %swap3A_1473 = arith.constant 4 : i32
        %swap3A_1474 = arith.constant 1 : i32
        %swap3A_1475 = arith.index_cast %swap3A_1473 : i32 to index
        %swap3A_1476 = arith.index_cast %swap3A_1474 : i32 to index
        %swap3A_1477 = arith.constant 96 : index
        %swap3A_1478 = tpu.vector_load %arg6[%swap3A_1475, %swap3A_1476, %swap3A_1477] {strides = array<i32>} : memref<5x2x128xi32, #tpu.memory_space<vmem>>, vector<16xi32>,
        tpu.vector_store %arg6[%swap3A_1475, %swap3A_1476, %swap3A_1477], %gather3A_1472 {strides = array<i32>} : memref<5x2x128xi32, #tpu.memory_space<vmem>>, vector<16xi32>,
        %mul3A_1479 = arith.constant 256 : i32
        %mul3A_1480 = arith.muli %add3A_1176, %mul3A_1479 : i32
        %add3A_1481 = arith.constant 1 : i32
        %add3A_1482 = arith.addi %mul3A_1480, %add3A_1481 : i32
        %add3A_1483 = arith.constant 112 : i32
        %add3A_1484 = vector.broadcast %add3A_1483 : i32 to vector<16xi32>
        %add3A_1485 = arith.addi %iota3A, %add3A_1484 : vector<16xi32>
        %mul3A_1486 = arith.constant 2 : i32
        %mul3A_1487 = vector.broadcast %mul3A_1486 : i32 to vector<16xi32>
        %mul3A_1488 = arith.muli %mul3A_1487, %add3A_1485 : vector<16xi32>
        %add3A_1489 = vector.broadcast %add3A_1482 : i32 to vector<16xi32>
        %add3A_1490 = arith.addi %add3A_1489, %mul3A_1488 : vector<16xi32>
        %gather3A_1491 = tpu.vector_load_idx %arg5[%add3A_1490] : memref<25600xi32, #tpu.memory_space<vmem>>[vector<16xi32>], vector<16xi32>,
        %swap3A_1492 = arith.constant 4 : i32
        %swap3A_1493 = arith.constant 1 : i32
        %swap3A_1494 = arith.index_cast %swap3A_1492 : i32 to index
        %swap3A_1495 = arith.index_cast %swap3A_1493 : i32 to index
        %swap3A_1496 = arith.constant 112 : index
        %swap3A_1497 = tpu.vector_load %arg6[%swap3A_1494, %swap3A_1495, %swap3A_1496] {strides = array<i32>} : memref<5x2x128xi32, #tpu.memory_space<vmem>>, vector<16xi32>,
        tpu.vector_store %arg6[%swap3A_1494, %swap3A_1495, %swap3A_1496], %gather3A_1491 {strides = array<i32>} : memref<5x2x128xi32, #tpu.memory_space<vmem>>, vector<16xi32>,
        %dma_start3A_1498 = arith.constant 4 : i32
        %dma_start3A_1499 = arith.constant 0 : i32
        %dma_start3A_1500 = arith.constant 4 : i32
        %dma_start3A_1501 = arith.constant 0 : i32
        %dma_start3A_1502 = arith.constant 4 : i32
        %dma_start3A_1503 = arith.constant 0 : i32
        %dma_start3A_1504 = arith.constant 0 : i32
        %dma_start3A_1505 = tpu.memref_slice %arg7[%dma_start3A_1500, %dma_start3A_1501, %dma_start3A_1503, %dma_start3A_1504] : memref<5x2x128x64xf32, #tpu.memory_space<vmem>> -> memref<1x1x128x64xf32, #tpu.memory_space<vmem>>
        %dma_start3A_1506 = tpu.memref_squeeze %dma_start3A_1505 : memref<1x1x128x64xf32, #tpu.memory_space<vmem>> -> memref<128x64xf32, #tpu.memory_space<vmem>>
        %dma_start3A_1507 = arith.constant 0 : i32
        %dma_start3A_1508 = tpu.memref_slice %arg6[%dma_start3A_1498, %dma_start3A_1499, %dma_start3A_1507] : memref<5x2x128xi32, #tpu.memory_space<vmem>> -> memref<1x1x128xi32, #tpu.memory_space<vmem>>
        %dma_start3A_1509 = tpu.memref_squeeze %dma_start3A_1508 : memref<1x1x128xi32, #tpu.memory_space<vmem>> -> memref<128xi32, #tpu.memory_space<vmem>>
        %dma_start3A_1510 = arith.constant 0 : i32
        %dma_start3A_1511 = arith.constant 0 : i32
        %dma_start3A_1512 = tpu.memref_slice %arg3[%dma_start3A_1510, %dma_start3A_1511] : memref<1000000x64xf32, #tpu.memory_space<hbm>> -> memref<1000000x64xf32, #tpu.memory_space<hbm>>
        %dma_start3A_1513 = tpu.memref_slice %arg8[%dma_start3A_1502] : memref<5x!tpu.dma_semaphore, #tpu.memory_space<semaphore_mem>> -> memref<1x!tpu.dma_semaphore, #tpu.memory_space<semaphore_mem>>
        %dma_start3A_1514 = tpu.memref_squeeze %dma_start3A_1513 : memref<1x!tpu.dma_semaphore, #tpu.memory_space<semaphore_mem>> -> memref<!tpu.dma_semaphore, #tpu.memory_space<semaphore_mem>>
        tpu.enqueue_indirect_dma source(%dma_start3A_1512 : memref<1000000x64xf32, #tpu.memory_space<hbm>>) target(%dma_start3A_1506 : memref<128x64xf32, #tpu.memory_space<vmem>>) offsets(%dma_start3A_1509 : memref<128xi32, #tpu.memory_space<vmem>>) semaphore(%dma_start3A_1514 : memref<!tpu.dma_semaphore, #tpu.memory_space<semaphore_mem>>)
        %dma_start3A_1515 = arith.constant 4 : i32
        %dma_start3A_1516 = arith.constant 1 : i32
        %dma_start3A_1517 = arith.constant 4 : i32
        %dma_start3A_1518 = arith.constant 1 : i32
        %dma_start3A_1519 = arith.constant 4 : i32
        %dma_start3A_1520 = arith.constant 0 : i32
        %dma_start3A_1521 = arith.constant 0 : i32
        %dma_start3A_1522 = tpu.memref_slice %arg7[%dma_start3A_1517, %dma_start3A_1518, %dma_start3A_1520, %dma_start3A_1521] : memref<5x2x128x64xf32, #tpu.memory_space<vmem>> -> memref<1x1x128x64xf32, #tpu.memory_space<vmem>>
        %dma_start3A_1523 = tpu.memref_squeeze %dma_start3A_1522 : memref<1x1x128x64xf32, #tpu.memory_space<vmem>> -> memref<128x64xf32, #tpu.memory_space<vmem>>
        %dma_start3A_1524 = arith.constant 0 : i32
        %dma_start3A_1525 = tpu.memref_slice %arg6[%dma_start3A_1515, %dma_start3A_1516, %dma_start3A_1524] : memref<5x2x128xi32, #tpu.memory_space<vmem>> -> memref<1x1x128xi32, #tpu.memory_space<vmem>>
        %dma_start3A_1526 = tpu.memref_squeeze %dma_start3A_1525 : memref<1x1x128xi32, #tpu.memory_space<vmem>> -> memref<128xi32, #tpu.memory_space<vmem>>
        %dma_start3A_1527 = arith.constant 0 : i32
        %dma_start3A_1528 = arith.constant 0 : i32
        %dma_start3A_1529 = tpu.memref_slice %arg3[%dma_start3A_1527, %dma_start3A_1528] : memref<1000000x64xf32, #tpu.memory_space<hbm>> -> memref<1000000x64xf32, #tpu.memory_space<hbm>>
        %dma_start3A_1530 = tpu.memref_slice %arg8[%dma_start3A_1519] : memref<5x!tpu.dma_semaphore, #tpu.memory_space<semaphore_mem>> -> memref<1x!tpu.dma_semaphore, #tpu.memory_space<semaphore_mem>>
        %dma_start3A_1531 = tpu.memref_squeeze %dma_start3A_1530 : memref<1x!tpu.dma_semaphore, #tpu.memory_space<semaphore_mem>> -> memref<!tpu.dma_semaphore, #tpu.memory_space<semaphore_mem>>
        tpu.enqueue_indirect_dma source(%dma_start3A_1529 : memref<1000000x64xf32, #tpu.memory_space<hbm>>) target(%dma_start3A_1523 : memref<128x64xf32, #tpu.memory_space<vmem>>) offsets(%dma_start3A_1526 : memref<128xi32, #tpu.memory_space<vmem>>) semaphore(%dma_start3A_1531 : memref<!tpu.dma_semaphore, #tpu.memory_space<semaphore_mem>>)
      } else {
      }
      %sub3A_1187 = arith.constant 3 : i32
      %sub3A_1188 = arith.subi %add3A_1176, %sub3A_1187 : i32
      %ge3A_1189 = arith.constant 3 : i32
      %ge3A_1190 = arith.cmpi sge, %add3A_1176, %ge3A_1189 : i32
      %convert_element_type3A_1191 = arith.extui %ge3A_1190 : i1 to i32
      %cond3A_1192 = arith.constant 0 : i32
      %cond3A_1193 = arith.cmpi ne, %convert_element_type3A_1191, %cond3A_1192 : i32
      scf.if %cond3A_1193 {
        %dma_wait3A_1194 = arith.constant 1 : i32
        %dma_wait3A_1195 = arith.constant 0 : i32
        %dma_wait3A_1196 = arith.constant 1 : i32
        %dma_wait3A_1197 = arith.constant 0 : i32
        %dma_wait3A_1198 = arith.constant 1 : i32
        %dma_wait3A_1199 = arith.constant 0 : i32
        %dma_wait3A_1200 = arith.constant 0 : i32
        %dma_wait3A_1201 = tpu.memref_slice %arg7[%dma_wait3A_1196, %dma_wait3A_1197, %dma_wait3A_1199, %dma_wait3A_1200] : memref<5x2x128x64xf32, #tpu.memory_space<vmem>> -> memref<1x1x128x64xf32, #tpu.memory_space<vmem>>
        %dma_wait3A_1202 = tpu.memref_squeeze %dma_wait3A_1201 : memref<1x1x128x64xf32, #tpu.memory_space<vmem>> -> memref<128x64xf32, #tpu.memory_space<vmem>>
        %dma_wait3A_1203 = arith.constant 0 : i32
        %dma_wait3A_1204 = tpu.memref_slice %arg6[%dma_wait3A_1194, %dma_wait3A_1195, %dma_wait3A_1203] : memref<5x2x128xi32, #tpu.memory_space<vmem>> -> memref<1x1x128xi32, #tpu.memory_space<vmem>>
        %dma_wait3A_1205 = tpu.memref_squeeze %dma_wait3A_1204 : memref<1x1x128xi32, #tpu.memory_space<vmem>> -> memref<128xi32, #tpu.memory_space<vmem>>
        %dma_wait3A_1206 = arith.constant 0 : i32
        %dma_wait3A_1207 = arith.constant 0 : i32
        %dma_wait3A_1208 = tpu.memref_slice %arg3[%dma_wait3A_1206, %dma_wait3A_1207] : memref<1000000x64xf32, #tpu.memory_space<hbm>> -> memref<1000000x64xf32, #tpu.memory_space<hbm>>
        %dma_wait3A_1209 = tpu.memref_slice %arg8[%dma_wait3A_1198] : memref<5x!tpu.dma_semaphore, #tpu.memory_space<semaphore_mem>> -> memref<1x!tpu.dma_semaphore, #tpu.memory_space<semaphore_mem>>
        %dma_wait3A_1210 = tpu.memref_squeeze %dma_wait3A_1209 : memref<1x!tpu.dma_semaphore, #tpu.memory_space<semaphore_mem>> -> memref<!tpu.dma_semaphore, #tpu.memory_space<semaphore_mem>>
        tpu.wait_indirect_dma semaphore(%dma_wait3A_1210 : memref<!tpu.dma_semaphore, #tpu.memory_space<semaphore_mem>>) src(%dma_wait3A_1208 : memref<1000000x64xf32, #tpu.memory_space<hbm>>) dst(%dma_wait3A_1202 : memref<128x64xf32, #tpu.memory_space<vmem>>)
        %dma_wait3A_1211 = arith.constant 1 : i32
        %dma_wait3A_1212 = arith.constant 1 : i32
        %dma_wait3A_1213 = arith.constant 1 : i32
        %dma_wait3A_1214 = arith.constant 1 : i32
        %dma_wait3A_1215 = arith.constant 1 : i32
        %dma_wait3A_1216 = arith.constant 0 : i32
        %dma_wait3A_1217 = arith.constant 0 : i32
        %dma_wait3A_1218 = tpu.memref_slice %arg7[%dma_wait3A_1213, %dma_wait3A_1214, %dma_wait3A_1216, %dma_wait3A_1217] : memref<5x2x128x64xf32, #tpu.memory_space<vmem>> -> memref<1x1x128x64xf32, #tpu.memory_space<vmem>>
        %dma_wait3A_1219 = tpu.memref_squeeze %dma_wait3A_1218 : memref<1x1x128x64xf32, #tpu.memory_space<vmem>> -> memref<128x64xf32, #tpu.memory_space<vmem>>
        %dma_wait3A_1220 = arith.constant 0 : i32
        %dma_wait3A_1221 = tpu.memref_slice %arg6[%dma_wait3A_1211, %dma_wait3A_1212, %dma_wait3A_1220] : memref<5x2x128xi32, #tpu.memory_space<vmem>> -> memref<1x1x128xi32, #tpu.memory_space<vmem>>
        %dma_wait3A_1222 = tpu.memref_squeeze %dma_wait3A_1221 : memref<1x1x128xi32, #tpu.memory_space<vmem>> -> memref<128xi32, #tpu.memory_space<vmem>>
        %dma_wait3A_1223 = arith.constant 0 : i32
        %dma_wait3A_1224 = arith.constant 0 : i32
        %dma_wait3A_1225 = tpu.memref_slice %arg3[%dma_wait3A_1223, %dma_wait3A_1224] : memref<1000000x64xf32, #tpu.memory_space<hbm>> -> memref<1000000x64xf32, #tpu.memory_space<hbm>>
        %dma_wait3A_1226 = tpu.memref_slice %arg8[%dma_wait3A_1215] : memref<5x!tpu.dma_semaphore, #tpu.memory_space<semaphore_mem>> -> memref<1x!tpu.dma_semaphore, #tpu.memory_space<semaphore_mem>>
        %dma_wait3A_1227 = tpu.memref_squeeze %dma_wait3A_1226 : memref<1x!tpu.dma_semaphore, #tpu.memory_space<semaphore_mem>> -> memref<!tpu.dma_semaphore, #tpu.memory_space<semaphore_mem>>
        tpu.wait_indirect_dma semaphore(%dma_wait3A_1227 : memref<!tpu.dma_semaphore, #tpu.memory_space<semaphore_mem>>) src(%dma_wait3A_1225 : memref<1000000x64xf32, #tpu.memory_space<hbm>>) dst(%dma_wait3A_1219 : memref<128x64xf32, #tpu.memory_space<vmem>>)
        %mul3A_1228 = arith.constant 256 : i32
        %mul3A_1229 = arith.muli %sub3A_1188, %mul3A_1228 : i32
        %add3A_1230 = arith.addi %mul3A_2, %mul3A_1229 : i32
        %jit3A_1231 = arith.constant 2 : i32
        %div3A_1232 = arith.divsi %add3A_1230, %jit3A_1231 : i32
        %sign3A_1233 = arith.constant 0 : i32
        %sign3A_1234 = arith.cmpi sgt, %add3A_1230, %sign3A_1233 : i32
        %sign3A_1235 = arith.extui %sign3A_1234 : i1 to i32
        %sign3A_1236 = arith.constant 0 : i32
        %sign3A_1237 = arith.cmpi slt, %add3A_1230, %sign3A_1236 : i32
        %sign3A_1238 = arith.extui %sign3A_1237 : i1 to i32
        %sign3A_1239 = arith.subi %sign3A_1235, %sign3A_1238 : i32
        %sign3A_1240 = arith.constant 0 : i32
        %sign3A_1241 = arith.cmpi sgt, %jit3A_1231, %sign3A_1240 : i32
        %sign3A_1242 = arith.extui %sign3A_1241 : i1 to i32
        %sign3A_1243 = arith.constant 0 : i32
        %sign3A_1244 = arith.cmpi slt, %jit3A_1231, %sign3A_1243 : i32
        %sign3A_1245 = arith.extui %sign3A_1244 : i1 to i32
        %sign3A_1246 = arith.subi %sign3A_1242, %sign3A_1245 : i32
        %ne3A_1247 = arith.cmpi ne, %sign3A_1239, %sign3A_1246 : i32
        %rem3A_1248 = arith.remsi %add3A_1230, %jit3A_1231 : i32
        %ne3A_1249 = arith.constant 0 : i32
        %ne3A_1250 = arith.cmpi ne, %rem3A_1248, %ne3A_1249 : i32
        %and3A_1251 = arith.andi %ne3A_1247, %ne3A_1250 : i1
        %sub3A_1252 = arith.constant 1 : i32
        %sub3A_1253 = arith.subi %div3A_1232, %sub3A_1252 : i32
        %select_n3A_1254 = arith.select %and3A_1251, %sub3A_1253, %div3A_1232 : i32
        %multiple_of3A_1255 = tpu.assume_multiple %select_n3A_1254, 128 : i32
        %dma_start3A_1256 = arith.constant 1 : i32
        %dma_start3A_1257 = arith.constant 0 : i32
        %dma_start3A_1258 = arith.constant 1 : i32
        %dma_start3A_1259 = arith.constant 0 : i32
        %dma_start3A_1260 = arith.constant 0 : i32
        %dma_start3A_1261 = tpu.memref_slice %arg7[%dma_start3A_1256, %dma_start3A_1257, %dma_start3A_1259, %dma_start3A_1260] : memref<5x2x128x64xf32, #tpu.memory_space<vmem>> -> memref<1x1x128x64xf32, #tpu.memory_space<vmem>>
        %dma_start3A_1262 = tpu.memref_squeeze %dma_start3A_1261 : memref<1x1x128x64xf32, #tpu.memory_space<vmem>> -> memref<128x64xf32, #tpu.memory_space<vmem>>
        %dma_start3A_1263 = arith.constant 0 : i32
        %dma_start3A_1264 = tpu.memref_slice %arg4[%multiple_of3A_1255, %dma_start3A_1263] : memref<409600x128xf32, #tpu.memory_space<hbm>> -> memref<128x64xf32, #tpu.memory_space<hbm>>
        %dma_start3A_1265 = tpu.memref_slice %arg9[%dma_start3A_1258] : memref<5x!tpu.dma_semaphore, #tpu.memory_space<semaphore_mem>> -> memref<1x!tpu.dma_semaphore, #tpu.memory_space<semaphore_mem>>
        %dma_start3A_1266 = tpu.memref_squeeze %dma_start3A_1265 : memref<1x!tpu.dma_semaphore, #tpu.memory_space<semaphore_mem>> -> memref<!tpu.dma_semaphore, #tpu.memory_space<semaphore_mem>>
        %dma_start3A_1267 = arith.constant 0 : i32
        %dma_start3A_1268 = tpu.memref_slice %arg4[%multiple_of3A_1255, %dma_start3A_1267] : memref<409600x128xf32, #tpu.memory_space<hbm>> -> memref<128x64xf32, #tpu.memory_space<hbm>>
        %dma_start3A_1269 = arith.constant 0 : i32
        %dma_start3A_1270 = arith.constant 0 : i32
        %dma_start3A_1271 = tpu.memref_slice %arg7[%dma_start3A_1256, %dma_start3A_1257, %dma_start3A_1269, %dma_start3A_1270] : memref<5x2x128x64xf32, #tpu.memory_space<vmem>> -> memref<1x1x128x64xf32, #tpu.memory_space<vmem>>
        %dma_start3A_1272 = tpu.memref_squeeze %dma_start3A_1271 : memref<1x1x128x64xf32, #tpu.memory_space<vmem>> -> memref<128x64xf32, #tpu.memory_space<vmem>>
        tpu.enqueue_dma source(%dma_start3A_1272 : memref<128x64xf32, #tpu.memory_space<vmem>>) target(%dma_start3A_1268 : memref<128x64xf32, #tpu.memory_space<hbm>>) target_semaphore(%dma_start3A_1266 : memref<!tpu.dma_semaphore, #tpu.memory_space<semaphore_mem>>)
        %mul3A_1273 = arith.constant 256 : i32
        %mul3A_1274 = arith.muli %sub3A_1188, %mul3A_1273 : i32
        %add3A_1275 = arith.addi %mul3A_2, %mul3A_1274 : i32
        %jit3A_1276 = arith.constant 2 : i32
        %div3A_1277 = arith.divsi %add3A_1275, %jit3A_1276 : i32
        %sign3A_1278 = arith.constant 0 : i32
        %sign3A_1279 = arith.cmpi sgt, %add3A_1275, %sign3A_1278 : i32
        %sign3A_1280 = arith.extui %sign3A_1279 : i1 to i32
        %sign3A_1281 = arith.constant 0 : i32
        %sign3A_1282 = arith.cmpi slt, %add3A_1275, %sign3A_1281 : i32
        %sign3A_1283 = arith.extui %sign3A_1282 : i1 to i32
        %sign3A_1284 = arith.subi %sign3A_1280, %sign3A_1283 : i32
        %sign3A_1285 = arith.constant 0 : i32
        %sign3A_1286 = arith.cmpi sgt, %jit3A_1276, %sign3A_1285 : i32
        %sign3A_1287 = arith.extui %sign3A_1286 : i1 to i32
        %sign3A_1288 = arith.constant 0 : i32
        %sign3A_1289 = arith.cmpi slt, %jit3A_1276, %sign3A_1288 : i32
        %sign3A_1290 = arith.extui %sign3A_1289 : i1 to i32
        %sign3A_1291 = arith.subi %sign3A_1287, %sign3A_1290 : i32
        %ne3A_1292 = arith.cmpi ne, %sign3A_1284, %sign3A_1291 : i32
        %rem3A_1293 = arith.remsi %add3A_1275, %jit3A_1276 : i32
        %ne3A_1294 = arith.constant 0 : i32
        %ne3A_1295 = arith.cmpi ne, %rem3A_1293, %ne3A_1294 : i32
        %and3A_1296 = arith.andi %ne3A_1292, %ne3A_1295 : i1
        %sub3A_1297 = arith.constant 1 : i32
        %sub3A_1298 = arith.subi %div3A_1277, %sub3A_1297 : i32
        %select_n3A_1299 = arith.select %and3A_1296, %sub3A_1298, %div3A_1277 : i32
        %multiple_of3A_1300 = tpu.assume_multiple %select_n3A_1299, 128 : i32
        %dma_start3A_1301 = arith.constant 1 : i32
        %dma_start3A_1302 = arith.constant 1 : i32
        %dma_start3A_1303 = arith.constant 1 : i32
        %dma_start3A_1304 = arith.constant 0 : i32
        %dma_start3A_1305 = arith.constant 0 : i32
        %dma_start3A_1306 = tpu.memref_slice %arg7[%dma_start3A_1301, %dma_start3A_1302, %dma_start3A_1304, %dma_start3A_1305] : memref<5x2x128x64xf32, #tpu.memory_space<vmem>> -> memref<1x1x128x64xf32, #tpu.memory_space<vmem>>
        %dma_start3A_1307 = tpu.memref_squeeze %dma_start3A_1306 : memref<1x1x128x64xf32, #tpu.memory_space<vmem>> -> memref<128x64xf32, #tpu.memory_space<vmem>>
        %dma_start3A_1308 = arith.constant 64 : i32
        %dma_start3A_1309 = tpu.memref_slice %arg4[%multiple_of3A_1300, %dma_start3A_1308] : memref<409600x128xf32, #tpu.memory_space<hbm>> -> memref<128x64xf32, #tpu.memory_space<hbm>>
        %dma_start3A_1310 = tpu.memref_slice %arg9[%dma_start3A_1303] : memref<5x!tpu.dma_semaphore, #tpu.memory_space<semaphore_mem>> -> memref<1x!tpu.dma_semaphore, #tpu.memory_space<semaphore_mem>>
        %dma_start3A_1311 = tpu.memref_squeeze %dma_start3A_1310 : memref<1x!tpu.dma_semaphore, #tpu.memory_space<semaphore_mem>> -> memref<!tpu.dma_semaphore, #tpu.memory_space<semaphore_mem>>
        %dma_start3A_1312 = arith.constant 64 : i32
        %dma_start3A_1313 = tpu.memref_slice %arg4[%multiple_of3A_1300, %dma_start3A_1312] : memref<409600x128xf32, #tpu.memory_space<hbm>> -> memref<128x64xf32, #tpu.memory_space<hbm>>
        %dma_start3A_1314 = arith.constant 0 : i32
        %dma_start3A_1315 = arith.constant 0 : i32
        %dma_start3A_1316 = tpu.memref_slice %arg7[%dma_start3A_1301, %dma_start3A_1302, %dma_start3A_1314, %dma_start3A_1315] : memref<5x2x128x64xf32, #tpu.memory_space<vmem>> -> memref<1x1x128x64xf32, #tpu.memory_space<vmem>>
        %dma_start3A_1317 = tpu.memref_squeeze %dma_start3A_1316 : memref<1x1x128x64xf32, #tpu.memory_space<vmem>> -> memref<128x64xf32, #tpu.memory_space<vmem>>
        tpu.enqueue_dma source(%dma_start3A_1317 : memref<128x64xf32, #tpu.memory_space<vmem>>) target(%dma_start3A_1313 : memref<128x64xf32, #tpu.memory_space<hbm>>) target_semaphore(%dma_start3A_1311 : memref<!tpu.dma_semaphore, #tpu.memory_space<semaphore_mem>>)
      } else {
      }
    }
    %scan3A_294 = arith.constant 20 : i32
    %dma_wait3A = arith.constant 2 : i32
    %dma_wait3A_295 = arith.constant 0 : i32
    %dma_wait3A_296 = arith.constant 2 : i32
    %dma_wait3A_297 = arith.constant 0 : i32
    %dma_wait3A_298 = arith.constant 2 : i32
    %dma_wait3A_299 = arith.constant 0 : i32
    %dma_wait3A_300 = arith.constant 0 : i32
    %dma_wait3A_301 = tpu.memref_slice %arg7[%dma_wait3A_296, %dma_wait3A_297, %dma_wait3A_299, %dma_wait3A_300] : memref<5x2x128x64xf32, #tpu.memory_space<vmem>> -> memref<1x1x128x64xf32, #tpu.memory_space<vmem>>
    %dma_wait3A_302 = tpu.memref_squeeze %dma_wait3A_301 : memref<1x1x128x64xf32, #tpu.memory_space<vmem>> -> memref<128x64xf32, #tpu.memory_space<vmem>>
    %dma_wait3A_303 = arith.constant 0 : i32
    %dma_wait3A_304 = tpu.memref_slice %arg6[%dma_wait3A, %dma_wait3A_295, %dma_wait3A_303] : memref<5x2x128xi32, #tpu.memory_space<vmem>> -> memref<1x1x128xi32, #tpu.memory_space<vmem>>
    %dma_wait3A_305 = tpu.memref_squeeze %dma_wait3A_304 : memref<1x1x128xi32, #tpu.memory_space<vmem>> -> memref<128xi32, #tpu.memory_space<vmem>>
    %dma_wait3A_306 = arith.constant 0 : i32
    %dma_wait3A_307 = arith.constant 0 : i32
    %dma_wait3A_308 = tpu.memref_slice %arg3[%dma_wait3A_306, %dma_wait3A_307] : memref<1000000x64xf32, #tpu.memory_space<hbm>> -> memref<1000000x64xf32, #tpu.memory_space<hbm>>
    %dma_wait3A_309 = tpu.memref_slice %arg8[%dma_wait3A_298] : memref<5x!tpu.dma_semaphore, #tpu.memory_space<semaphore_mem>> -> memref<1x!tpu.dma_semaphore, #tpu.memory_space<semaphore_mem>>
    %dma_wait3A_310 = tpu.memref_squeeze %dma_wait3A_309 : memref<1x!tpu.dma_semaphore, #tpu.memory_space<semaphore_mem>> -> memref<!tpu.dma_semaphore, #tpu.memory_space<semaphore_mem>>
    tpu.wait_indirect_dma semaphore(%dma_wait3A_310 : memref<!tpu.dma_semaphore, #tpu.memory_space<semaphore_mem>>) src(%dma_wait3A_308 : memref<1000000x64xf32, #tpu.memory_space<hbm>>) dst(%dma_wait3A_302 : memref<128x64xf32, #tpu.memory_space<vmem>>)
    %dma_wait3A_311 = arith.constant 2 : i32
    %dma_wait3A_312 = arith.constant 1 : i32
    %dma_wait3A_313 = arith.constant 2 : i32
    %dma_wait3A_314 = arith.constant 1 : i32
    %dma_wait3A_315 = arith.constant 2 : i32
    %dma_wait3A_316 = arith.constant 0 : i32
    %dma_wait3A_317 = arith.constant 0 : i32
    %dma_wait3A_318 = tpu.memref_slice %arg7[%dma_wait3A_313, %dma_wait3A_314, %dma_wait3A_316, %dma_wait3A_317] : memref<5x2x128x64xf32, #tpu.memory_space<vmem>> -> memref<1x1x128x64xf32, #tpu.memory_space<vmem>>
    %dma_wait3A_319 = tpu.memref_squeeze %dma_wait3A_318 : memref<1x1x128x64xf32, #tpu.memory_space<vmem>> -> memref<128x64xf32, #tpu.memory_space<vmem>>
    %dma_wait3A_320 = arith.constant 0 : i32
    %dma_wait3A_321 = tpu.memref_slice %arg6[%dma_wait3A_311, %dma_wait3A_312, %dma_wait3A_320] : memref<5x2x128xi32, #tpu.memory_space<vmem>> -> memref<1x1x128xi32, #tpu.memory_space<vmem>>
    %dma_wait3A_322 = tpu.memref_squeeze %dma_wait3A_321 : memref<1x1x128xi32, #tpu.memory_space<vmem>> -> memref<128xi32, #tpu.memory_space<vmem>>
    %dma_wait3A_323 = arith.constant 0 : i32
    %dma_wait3A_324 = arith.constant 0 : i32
    %dma_wait3A_325 = tpu.memref_slice %arg3[%dma_wait3A_323, %dma_wait3A_324] : memref<1000000x64xf32, #tpu.memory_space<hbm>> -> memref<1000000x64xf32, #tpu.memory_space<hbm>>
    %dma_wait3A_326 = tpu.memref_slice %arg8[%dma_wait3A_315] : memref<5x!tpu.dma_semaphore, #tpu.memory_space<semaphore_mem>> -> memref<1x!tpu.dma_semaphore, #tpu.memory_space<semaphore_mem>>
    %dma_wait3A_327 = tpu.memref_squeeze %dma_wait3A_326 : memref<1x!tpu.dma_semaphore, #tpu.memory_space<semaphore_mem>> -> memref<!tpu.dma_semaphore, #tpu.memory_space<semaphore_mem>>
    tpu.wait_indirect_dma semaphore(%dma_wait3A_327 : memref<!tpu.dma_semaphore, #tpu.memory_space<semaphore_mem>>) src(%dma_wait3A_325 : memref<1000000x64xf32, #tpu.memory_space<hbm>>) dst(%dma_wait3A_319 : memref<128x64xf32, #tpu.memory_space<vmem>>)
    %add3A_328 = arith.constant 24832 : i32
    %add3A_329 = arith.addi %mul3A_2, %add3A_328 : i32
    %jit3A = arith.constant 2 : i32
    %div3A = arith.divsi %add3A_329, %jit3A : i32
    %sign3A = arith.constant 0 : i32
    %sign3A_330 = arith.cmpi sgt, %add3A_329, %sign3A : i32
    %sign3A_331 = arith.extui %sign3A_330 : i1 to i32
    %sign3A_332 = arith.constant 0 : i32
    %sign3A_333 = arith.cmpi slt, %add3A_329, %sign3A_332 : i32
    %sign3A_334 = arith.extui %sign3A_333 : i1 to i32
    %sign3A_335 = arith.subi %sign3A_331, %sign3A_334 : i32
    %sign3A_336 = arith.constant 0 : i32
    %sign3A_337 = arith.cmpi sgt, %jit3A, %sign3A_336 : i32
    %sign3A_338 = arith.extui %sign3A_337 : i1 to i32
    %sign3A_339 = arith.constant 0 : i32
    %sign3A_340 = arith.cmpi slt, %jit3A, %sign3A_339 : i32
    %sign3A_341 = arith.extui %sign3A_340 : i1 to i32
    %sign3A_342 = arith.subi %sign3A_338, %sign3A_341 : i32
    %ne3A = arith.cmpi ne, %sign3A_335, %sign3A_342 : i32
    %rem3A = arith.remsi %add3A_329, %jit3A : i32
    %ne3A_343 = arith.constant 0 : i32
    %ne3A_344 = arith.cmpi ne, %rem3A, %ne3A_343 : i32
    %and3A = arith.andi %ne3A, %ne3A_344 : i1
    %sub3A = arith.constant 1 : i32
    %sub3A_345 = arith.subi %div3A, %sub3A : i32
    %select_n3A = arith.select %and3A, %sub3A_345, %div3A : i32
    %multiple_of3A = tpu.assume_multiple %select_n3A, 128 : i32
    %dma_start3A_346 = arith.constant 2 : i32
    %dma_start3A_347 = arith.constant 0 : i32
    %dma_start3A_348 = arith.constant 2 : i32
    %dma_start3A_349 = arith.constant 0 : i32
    %dma_start3A_350 = arith.constant 0 : i32
    %dma_start3A_351 = tpu.memref_slice %arg7[%dma_start3A_346, %dma_start3A_347, %dma_start3A_349, %dma_start3A_350] : memref<5x2x128x64xf32, #tpu.memory_space<vmem>> -> memref<1x1x128x64xf32, #tpu.memory_space<vmem>>
    %dma_start3A_352 = tpu.memref_squeeze %dma_start3A_351 : memref<1x1x128x64xf32, #tpu.memory_space<vmem>> -> memref<128x64xf32, #tpu.memory_space<vmem>>
    %dma_start3A_353 = arith.constant 0 : i32
    %dma_start3A_354 = tpu.memref_slice %arg4[%multiple_of3A, %dma_start3A_353] : memref<409600x128xf32, #tpu.memory_space<hbm>> -> memref<128x64xf32, #tpu.memory_space<hbm>>
    %dma_start3A_355 = tpu.memref_slice %arg9[%dma_start3A_348] : memref<5x!tpu.dma_semaphore, #tpu.memory_space<semaphore_mem>> -> memref<1x!tpu.dma_semaphore, #tpu.memory_space<semaphore_mem>>
    %dma_start3A_356 = tpu.memref_squeeze %dma_start3A_355 : memref<1x!tpu.dma_semaphore, #tpu.memory_space<semaphore_mem>> -> memref<!tpu.dma_semaphore, #tpu.memory_space<semaphore_mem>>
    %dma_start3A_357 = arith.constant 0 : i32
    %dma_start3A_358 = tpu.memref_slice %arg4[%multiple_of3A, %dma_start3A_357] : memref<409600x128xf32, #tpu.memory_space<hbm>> -> memref<128x64xf32, #tpu.memory_space<hbm>>
    %dma_start3A_359 = arith.constant 0 : i32
    %dma_start3A_360 = arith.constant 0 : i32
    %dma_start3A_361 = tpu.memref_slice %arg7[%dma_start3A_346, %dma_start3A_347, %dma_start3A_359, %dma_start3A_360] : memref<5x2x128x64xf32, #tpu.memory_space<vmem>> -> memref<1x1x128x64xf32, #tpu.memory_space<vmem>>
    %dma_start3A_362 = tpu.memref_squeeze %dma_start3A_361 : memref<1x1x128x64xf32, #tpu.memory_space<vmem>> -> memref<128x64xf32, #tpu.memory_space<vmem>>
    tpu.enqueue_dma source(%dma_start3A_362 : memref<128x64xf32, #tpu.memory_space<vmem>>) target(%dma_start3A_358 : memref<128x64xf32, #tpu.memory_space<hbm>>) target_semaphore(%dma_start3A_356 : memref<!tpu.dma_semaphore, #tpu.memory_space<semaphore_mem>>)
    %add3A_363 = arith.constant 24832 : i32
    %add3A_364 = arith.addi %mul3A_2, %add3A_363 : i32
    %jit3A_365 = arith.constant 2 : i32
    %div3A_366 = arith.divsi %add3A_364, %jit3A_365 : i32
    %sign3A_367 = arith.constant 0 : i32
    %sign3A_368 = arith.cmpi sgt, %add3A_364, %sign3A_367 : i32
    %sign3A_369 = arith.extui %sign3A_368 : i1 to i32
    %sign3A_370 = arith.constant 0 : i32
    %sign3A_371 = arith.cmpi slt, %add3A_364, %sign3A_370 : i32
    %sign3A_372 = arith.extui %sign3A_371 : i1 to i32
    %sign3A_373 = arith.subi %sign3A_369, %sign3A_372 : i32
    %sign3A_374 = arith.constant 0 : i32
    %sign3A_375 = arith.cmpi sgt, %jit3A_365, %sign3A_374 : i32
    %sign3A_376 = arith.extui %sign3A_375 : i1 to i32
    %sign3A_377 = arith.constant 0 : i32
    %sign3A_378 = arith.cmpi slt, %jit3A_365, %sign3A_377 : i32
    %sign3A_379 = arith.extui %sign3A_378 : i1 to i32
    %sign3A_380 = arith.subi %sign3A_376, %sign3A_379 : i32
    %ne3A_381 = arith.cmpi ne, %sign3A_373, %sign3A_380 : i32
    %rem3A_382 = arith.remsi %add3A_364, %jit3A_365 : i32
    %ne3A_383 = arith.constant 0 : i32
    %ne3A_384 = arith.cmpi ne, %rem3A_382, %ne3A_383 : i32
    %and3A_385 = arith.andi %ne3A_381, %ne3A_384 : i1
    %sub3A_386 = arith.constant 1 : i32
    %sub3A_387 = arith.subi %div3A_366, %sub3A_386 : i32
    %select_n3A_388 = arith.select %and3A_385, %sub3A_387, %div3A_366 : i32
    %multiple_of3A_389 = tpu.assume_multiple %select_n3A_388, 128 : i32
    %dma_start3A_390 = arith.constant 2 : i32
    %dma_start3A_391 = arith.constant 1 : i32
    %dma_start3A_392 = arith.constant 2 : i32
    %dma_start3A_393 = arith.constant 0 : i32
    %dma_start3A_394 = arith.constant 0 : i32
    %dma_start3A_395 = tpu.memref_slice %arg7[%dma_start3A_390, %dma_start3A_391, %dma_start3A_393, %dma_start3A_394] : memref<5x2x128x64xf32, #tpu.memory_space<vmem>> -> memref<1x1x128x64xf32, #tpu.memory_space<vmem>>
    %dma_start3A_396 = tpu.memref_squeeze %dma_start3A_395 : memref<1x1x128x64xf32, #tpu.memory_space<vmem>> -> memref<128x64xf32, #tpu.memory_space<vmem>>
    %dma_start3A_397 = arith.constant 64 : i32
    %dma_start3A_398 = tpu.memref_slice %arg4[%multiple_of3A_389, %dma_start3A_397] : memref<409600x128xf32, #tpu.memory_space<hbm>> -> memref<128x64xf32, #tpu.memory_space<hbm>>
    %dma_start3A_399 = tpu.memref_slice %arg9[%dma_start3A_392] : memref<5x!tpu.dma_semaphore, #tpu.memory_space<semaphore_mem>> -> memref<1x!tpu.dma_semaphore, #tpu.memory_space<semaphore_mem>>
    %dma_start3A_400 = tpu.memref_squeeze %dma_start3A_399 : memref<1x!tpu.dma_semaphore, #tpu.memory_space<semaphore_mem>> -> memref<!tpu.dma_semaphore, #tpu.memory_space<semaphore_mem>>
    %dma_start3A_401 = arith.constant 64 : i32
    %dma_start3A_402 = tpu.memref_slice %arg4[%multiple_of3A_389, %dma_start3A_401] : memref<409600x128xf32, #tpu.memory_space<hbm>> -> memref<128x64xf32, #tpu.memory_space<hbm>>
    %dma_start3A_403 = arith.constant 0 : i32
    %dma_start3A_404 = arith.constant 0 : i32
    %dma_start3A_405 = tpu.memref_slice %arg7[%dma_start3A_390, %dma_start3A_391, %dma_start3A_403, %dma_start3A_404] : memref<5x2x128x64xf32, #tpu.memory_space<vmem>> -> memref<1x1x128x64xf32, #tpu.memory_space<vmem>>
    %dma_start3A_406 = tpu.memref_squeeze %dma_start3A_405 : memref<1x1x128x64xf32, #tpu.memory_space<vmem>> -> memref<128x64xf32, #tpu.memory_space<vmem>>
    tpu.enqueue_dma source(%dma_start3A_406 : memref<128x64xf32, #tpu.memory_space<vmem>>) target(%dma_start3A_402 : memref<128x64xf32, #tpu.memory_space<hbm>>) target_semaphore(%dma_start3A_400 : memref<!tpu.dma_semaphore, #tpu.memory_space<semaphore_mem>>)
    %dma_wait3A_407 = arith.constant 3 : i32
    %dma_wait3A_408 = arith.constant 0 : i32
    %dma_wait3A_409 = arith.constant 3 : i32
    %dma_wait3A_410 = arith.constant 0 : i32
    %dma_wait3A_411 = arith.constant 3 : i32
    %dma_wait3A_412 = arith.constant 0 : i32
    %dma_wait3A_413 = arith.constant 0 : i32
    %dma_wait3A_414 = tpu.memref_slice %arg7[%dma_wait3A_409, %dma_wait3A_410, %dma_wait3A_412, %dma_wait3A_413] : memref<5x2x128x64xf32, #tpu.memory_space<vmem>> -> memref<1x1x128x64xf32, #tpu.memory_space<vmem>>
    %dma_wait3A_415 = tpu.memref_squeeze %dma_wait3A_414 : memref<1x1x128x64xf32, #tpu.memory_space<vmem>> -> memref<128x64xf32, #tpu.memory_space<vmem>>
    %dma_wait3A_416 = arith.constant 0 : i32
    %dma_wait3A_417 = tpu.memref_slice %arg6[%dma_wait3A_407, %dma_wait3A_408, %dma_wait3A_416] : memref<5x2x128xi32, #tpu.memory_space<vmem>> -> memref<1x1x128xi32, #tpu.memory_space<vmem>>
    %dma_wait3A_418 = tpu.memref_squeeze %dma_wait3A_417 : memref<1x1x128xi32, #tpu.memory_space<vmem>> -> memref<128xi32, #tpu.memory_space<vmem>>
    %dma_wait3A_419 = arith.constant 0 : i32
    %dma_wait3A_420 = arith.constant 0 : i32
    %dma_wait3A_421 = tpu.memref_slice %arg3[%dma_wait3A_419, %dma_wait3A_420] : memref<1000000x64xf32, #tpu.memory_space<hbm>> -> memref<1000000x64xf32, #tpu.memory_space<hbm>>
    %dma_wait3A_422 = tpu.memref_slice %arg8[%dma_wait3A_411] : memref<5x!tpu.dma_semaphore, #tpu.memory_space<semaphore_mem>> -> memref<1x!tpu.dma_semaphore, #tpu.memory_space<semaphore_mem>>
    %dma_wait3A_423 = tpu.memref_squeeze %dma_wait3A_422 : memref<1x!tpu.dma_semaphore, #tpu.memory_space<semaphore_mem>> -> memref<!tpu.dma_semaphore, #tpu.memory_space<semaphore_mem>>
    tpu.wait_indirect_dma semaphore(%dma_wait3A_423 : memref<!tpu.dma_semaphore, #tpu.memory_space<semaphore_mem>>) src(%dma_wait3A_421 : memref<1000000x64xf32, #tpu.memory_space<hbm>>) dst(%dma_wait3A_415 : memref<128x64xf32, #tpu.memory_space<vmem>>)
    %dma_wait3A_424 = arith.constant 3 : i32
    %dma_wait3A_425 = arith.constant 1 : i32
    %dma_wait3A_426 = arith.constant 3 : i32
    %dma_wait3A_427 = arith.constant 1 : i32
    %dma_wait3A_428 = arith.constant 3 : i32
    %dma_wait3A_429 = arith.constant 0 : i32
    %dma_wait3A_430 = arith.constant 0 : i32
    %dma_wait3A_431 = tpu.memref_slice %arg7[%dma_wait3A_426, %dma_wait3A_427, %dma_wait3A_429, %dma_wait3A_430] : memref<5x2x128x64xf32, #tpu.memory_space<vmem>> -> memref<1x1x128x64xf32, #tpu.memory_space<vmem>>
    %dma_wait3A_432 = tpu.memref_squeeze %dma_wait3A_431 : memref<1x1x128x64xf32, #tpu.memory_space<vmem>> -> memref<128x64xf32, #tpu.memory_space<vmem>>
    %dma_wait3A_433 = arith.constant 0 : i32
    %dma_wait3A_434 = tpu.memref_slice %arg6[%dma_wait3A_424, %dma_wait3A_425, %dma_wait3A_433] : memref<5x2x128xi32, #tpu.memory_space<vmem>> -> memref<1x1x128xi32, #tpu.memory_space<vmem>>
    %dma_wait3A_435 = tpu.memref_squeeze %dma_wait3A_434 : memref<1x1x128xi32, #tpu.memory_space<vmem>> -> memref<128xi32, #tpu.memory_space<vmem>>
    %dma_wait3A_436 = arith.constant 0 : i32
    %dma_wait3A_437 = arith.constant 0 : i32
    %dma_wait3A_438 = tpu.memref_slice %arg3[%dma_wait3A_436, %dma_wait3A_437] : memref<1000000x64xf32, #tpu.memory_space<hbm>> -> memref<1000000x64xf32, #tpu.memory_space<hbm>>
    %dma_wait3A_439 = tpu.memref_slice %arg8[%dma_wait3A_428] : memref<5x!tpu.dma_semaphore, #tpu.memory_space<semaphore_mem>> -> memref<1x!tpu.dma_semaphore, #tpu.memory_space<semaphore_mem>>
    %dma_wait3A_440 = tpu.memref_squeeze %dma_wait3A_439 : memref<1x!tpu.dma_semaphore, #tpu.memory_space<semaphore_mem>> -> memref<!tpu.dma_semaphore, #tpu.memory_space<semaphore_mem>>
    tpu.wait_indirect_dma semaphore(%dma_wait3A_440 : memref<!tpu.dma_semaphore, #tpu.memory_space<semaphore_mem>>) src(%dma_wait3A_438 : memref<1000000x64xf32, #tpu.memory_space<hbm>>) dst(%dma_wait3A_432 : memref<128x64xf32, #tpu.memory_space<vmem>>)
    %add3A_441 = arith.constant 25088 : i32
    %add3A_442 = arith.addi %mul3A_2, %add3A_441 : i32
    %jit3A_443 = arith.constant 2 : i32
    %div3A_444 = arith.divsi %add3A_442, %jit3A_443 : i32
    %sign3A_445 = arith.constant 0 : i32
    %sign3A_446 = arith.cmpi sgt, %add3A_442, %sign3A_445 : i32
    %sign3A_447 = arith.extui %sign3A_446 : i1 to i32
    %sign3A_448 = arith.constant 0 : i32
    %sign3A_449 = arith.cmpi slt, %add3A_442, %sign3A_448 : i32
    %sign3A_450 = arith.extui %sign3A_449 : i1 to i32
    %sign3A_451 = arith.subi %sign3A_447, %sign3A_450 : i32
    %sign3A_452 = arith.constant 0 : i32
    %sign3A_453 = arith.cmpi sgt, %jit3A_443, %sign3A_452 : i32
    %sign3A_454 = arith.extui %sign3A_453 : i1 to i32
    %sign3A_455 = arith.constant 0 : i32
    %sign3A_456 = arith.cmpi slt, %jit3A_443, %sign3A_455 : i32
    %sign3A_457 = arith.extui %sign3A_456 : i1 to i32
    %sign3A_458 = arith.subi %sign3A_454, %sign3A_457 : i32
    %ne3A_459 = arith.cmpi ne, %sign3A_451, %sign3A_458 : i32
    %rem3A_460 = arith.remsi %add3A_442, %jit3A_443 : i32
    %ne3A_461 = arith.constant 0 : i32
    %ne3A_462 = arith.cmpi ne, %rem3A_460, %ne3A_461 : i32
    %and3A_463 = arith.andi %ne3A_459, %ne3A_462 : i1
    %sub3A_464 = arith.constant 1 : i32
    %sub3A_465 = arith.subi %div3A_444, %sub3A_464 : i32
    %select_n3A_466 = arith.select %and3A_463, %sub3A_465, %div3A_444 : i32
    %multiple_of3A_467 = tpu.assume_multiple %select_n3A_466, 128 : i32
    %dma_start3A_468 = arith.constant 3 : i32
    %dma_start3A_469 = arith.constant 0 : i32
    %dma_start3A_470 = arith.constant 3 : i32
    %dma_start3A_471 = arith.constant 0 : i32
    %dma_start3A_472 = arith.constant 0 : i32
    %dma_start3A_473 = tpu.memref_slice %arg7[%dma_start3A_468, %dma_start3A_469, %dma_start3A_471, %dma_start3A_472] : memref<5x2x128x64xf32, #tpu.memory_space<vmem>> -> memref<1x1x128x64xf32, #tpu.memory_space<vmem>>
    %dma_start3A_474 = tpu.memref_squeeze %dma_start3A_473 : memref<1x1x128x64xf32, #tpu.memory_space<vmem>> -> memref<128x64xf32, #tpu.memory_space<vmem>>
    %dma_start3A_475 = arith.constant 0 : i32
    %dma_start3A_476 = tpu.memref_slice %arg4[%multiple_of3A_467, %dma_start3A_475] : memref<409600x128xf32, #tpu.memory_space<hbm>> -> memref<128x64xf32, #tpu.memory_space<hbm>>
    %dma_start3A_477 = tpu.memref_slice %arg9[%dma_start3A_470] : memref<5x!tpu.dma_semaphore, #tpu.memory_space<semaphore_mem>> -> memref<1x!tpu.dma_semaphore, #tpu.memory_space<semaphore_mem>>
    %dma_start3A_478 = tpu.memref_squeeze %dma_start3A_477 : memref<1x!tpu.dma_semaphore, #tpu.memory_space<semaphore_mem>> -> memref<!tpu.dma_semaphore, #tpu.memory_space<semaphore_mem>>
    %dma_start3A_479 = arith.constant 0 : i32
    %dma_start3A_480 = tpu.memref_slice %arg4[%multiple_of3A_467, %dma_start3A_479] : memref<409600x128xf32, #tpu.memory_space<hbm>> -> memref<128x64xf32, #tpu.memory_space<hbm>>
    %dma_start3A_481 = arith.constant 0 : i32
    %dma_start3A_482 = arith.constant 0 : i32
    %dma_start3A_483 = tpu.memref_slice %arg7[%dma_start3A_468, %dma_start3A_469, %dma_start3A_481, %dma_start3A_482] : memref<5x2x128x64xf32, #tpu.memory_space<vmem>> -> memref<1x1x128x64xf32, #tpu.memory_space<vmem>>
    %dma_start3A_484 = tpu.memref_squeeze %dma_start3A_483 : memref<1x1x128x64xf32, #tpu.memory_space<vmem>> -> memref<128x64xf32, #tpu.memory_space<vmem>>
    tpu.enqueue_dma source(%dma_start3A_484 : memref<128x64xf32, #tpu.memory_space<vmem>>) target(%dma_start3A_480 : memref<128x64xf32, #tpu.memory_space<hbm>>) target_semaphore(%dma_start3A_478 : memref<!tpu.dma_semaphore, #tpu.memory_space<semaphore_mem>>)
    %add3A_485 = arith.constant 25088 : i32
    %add3A_486 = arith.addi %mul3A_2, %add3A_485 : i32
    %jit3A_487 = arith.constant 2 : i32
    %div3A_488 = arith.divsi %add3A_486, %jit3A_487 : i32
    %sign3A_489 = arith.constant 0 : i32
    %sign3A_490 = arith.cmpi sgt, %add3A_486, %sign3A_489 : i32
    %sign3A_491 = arith.extui %sign3A_490 : i1 to i32
    %sign3A_492 = arith.constant 0 : i32
    %sign3A_493 = arith.cmpi slt, %add3A_486, %sign3A_492 : i32
    %sign3A_494 = arith.extui %sign3A_493 : i1 to i32
    %sign3A_495 = arith.subi %sign3A_491, %sign3A_494 : i32
    %sign3A_496 = arith.constant 0 : i32
    %sign3A_497 = arith.cmpi sgt, %jit3A_487, %sign3A_496 : i32
    %sign3A_498 = arith.extui %sign3A_497 : i1 to i32
    %sign3A_499 = arith.constant 0 : i32
    %sign3A_500 = arith.cmpi slt, %jit3A_487, %sign3A_499 : i32
    %sign3A_501 = arith.extui %sign3A_500 : i1 to i32
    %sign3A_502 = arith.subi %sign3A_498, %sign3A_501 : i32
    %ne3A_503 = arith.cmpi ne, %sign3A_495, %sign3A_502 : i32
    %rem3A_504 = arith.remsi %add3A_486, %jit3A_487 : i32
    %ne3A_505 = arith.constant 0 : i32
    %ne3A_506 = arith.cmpi ne, %rem3A_504, %ne3A_505 : i32
    %and3A_507 = arith.andi %ne3A_503, %ne3A_506 : i1
    %sub3A_508 = arith.constant 1 : i32
    %sub3A_509 = arith.subi %div3A_488, %sub3A_508 : i32
    %select_n3A_510 = arith.select %and3A_507, %sub3A_509, %div3A_488 : i32
    %multiple_of3A_511 = tpu.assume_multiple %select_n3A_510, 128 : i32
    %dma_start3A_512 = arith.constant 3 : i32
    %dma_start3A_513 = arith.constant 1 : i32
    %dma_start3A_514 = arith.constant 3 : i32
    %dma_start3A_515 = arith.constant 0 : i32
    %dma_start3A_516 = arith.constant 0 : i32
    %dma_start3A_517 = tpu.memref_slice %arg7[%dma_start3A_512, %dma_start3A_513, %dma_start3A_515, %dma_start3A_516] : memref<5x2x128x64xf32, #tpu.memory_space<vmem>> -> memref<1x1x128x64xf32, #tpu.memory_space<vmem>>
    %dma_start3A_518 = tpu.memref_squeeze %dma_start3A_517 : memref<1x1x128x64xf32, #tpu.memory_space<vmem>> -> memref<128x64xf32, #tpu.memory_space<vmem>>
    %dma_start3A_519 = arith.constant 64 : i32
    %dma_start3A_520 = tpu.memref_slice %arg4[%multiple_of3A_511, %dma_start3A_519] : memref<409600x128xf32, #tpu.memory_space<hbm>> -> memref<128x64xf32, #tpu.memory_space<hbm>>
    %dma_start3A_521 = tpu.memref_slice %arg9[%dma_start3A_514] : memref<5x!tpu.dma_semaphore, #tpu.memory_space<semaphore_mem>> -> memref<1x!tpu.dma_semaphore, #tpu.memory_space<semaphore_mem>>
    %dma_start3A_522 = tpu.memref_squeeze %dma_start3A_521 : memref<1x!tpu.dma_semaphore, #tpu.memory_space<semaphore_mem>> -> memref<!tpu.dma_semaphore, #tpu.memory_space<semaphore_mem>>
    %dma_start3A_523 = arith.constant 64 : i32
    %dma_start3A_524 = tpu.memref_slice %arg4[%multiple_of3A_511, %dma_start3A_523] : memref<409600x128xf32, #tpu.memory_space<hbm>> -> memref<128x64xf32, #tpu.memory_space<hbm>>
    %dma_start3A_525 = arith.constant 0 : i32
    %dma_start3A_526 = arith.constant 0 : i32
    %dma_start3A_527 = tpu.memref_slice %arg7[%dma_start3A_512, %dma_start3A_513, %dma_start3A_525, %dma_start3A_526] : memref<5x2x128x64xf32, #tpu.memory_space<vmem>> -> memref<1x1x128x64xf32, #tpu.memory_space<vmem>>
    %dma_start3A_528 = tpu.memref_squeeze %dma_start3A_527 : memref<1x1x128x64xf32, #tpu.memory_space<vmem>> -> memref<128x64xf32, #tpu.memory_space<vmem>>
    tpu.enqueue_dma source(%dma_start3A_528 : memref<128x64xf32, #tpu.memory_space<vmem>>) target(%dma_start3A_524 : memref<128x64xf32, #tpu.memory_space<hbm>>) target_semaphore(%dma_start3A_522 : memref<!tpu.dma_semaphore, #tpu.memory_space<semaphore_mem>>)
    %dma_wait3A_529 = arith.constant 4 : i32
    %dma_wait3A_530 = arith.constant 0 : i32
    %dma_wait3A_531 = arith.constant 4 : i32
    %dma_wait3A_532 = arith.constant 0 : i32
    %dma_wait3A_533 = arith.constant 4 : i32
    %dma_wait3A_534 = arith.constant 0 : i32
    %dma_wait3A_535 = arith.constant 0 : i32
    %dma_wait3A_536 = tpu.memref_slice %arg7[%dma_wait3A_531, %dma_wait3A_532, %dma_wait3A_534, %dma_wait3A_535] : memref<5x2x128x64xf32, #tpu.memory_space<vmem>> -> memref<1x1x128x64xf32, #tpu.memory_space<vmem>>
    %dma_wait3A_537 = tpu.memref_squeeze %dma_wait3A_536 : memref<1x1x128x64xf32, #tpu.memory_space<vmem>> -> memref<128x64xf32, #tpu.memory_space<vmem>>
    %dma_wait3A_538 = arith.constant 0 : i32
    %dma_wait3A_539 = tpu.memref_slice %arg6[%dma_wait3A_529, %dma_wait3A_530, %dma_wait3A_538] : memref<5x2x128xi32, #tpu.memory_space<vmem>> -> memref<1x1x128xi32, #tpu.memory_space<vmem>>
    %dma_wait3A_540 = tpu.memref_squeeze %dma_wait3A_539 : memref<1x1x128xi32, #tpu.memory_space<vmem>> -> memref<128xi32, #tpu.memory_space<vmem>>
    %dma_wait3A_541 = arith.constant 0 : i32
    %dma_wait3A_542 = arith.constant 0 : i32
    %dma_wait3A_543 = tpu.memref_slice %arg3[%dma_wait3A_541, %dma_wait3A_542] : memref<1000000x64xf32, #tpu.memory_space<hbm>> -> memref<1000000x64xf32, #tpu.memory_space<hbm>>
    %dma_wait3A_544 = tpu.memref_slice %arg8[%dma_wait3A_533] : memref<5x!tpu.dma_semaphore, #tpu.memory_space<semaphore_mem>> -> memref<1x!tpu.dma_semaphore, #tpu.memory_space<semaphore_mem>>
    %dma_wait3A_545 = tpu.memref_squeeze %dma_wait3A_544 : memref<1x!tpu.dma_semaphore, #tpu.memory_space<semaphore_mem>> -> memref<!tpu.dma_semaphore, #tpu.memory_space<semaphore_mem>>
    tpu.wait_indirect_dma semaphore(%dma_wait3A_545 : memref<!tpu.dma_semaphore, #tpu.memory_space<semaphore_mem>>) src(%dma_wait3A_543 : memref<1000000x64xf32, #tpu.memory_space<hbm>>) dst(%dma_wait3A_537 : memref<128x64xf32, #tpu.memory_space<vmem>>)
    %dma_wait3A_546 = arith.constant 4 : i32
    %dma_wait3A_547 = arith.constant 1 : i32
    %dma_wait3A_548 = arith.constant 4 : i32
    %dma_wait3A_549 = arith.constant 1 : i32
    %dma_wait3A_550 = arith.constant 4 : i32
    %dma_wait3A_551 = arith.constant 0 : i32
    %dma_wait3A_552 = arith.constant 0 : i32
    %dma_wait3A_553 = tpu.memref_slice %arg7[%dma_wait3A_548, %dma_wait3A_549, %dma_wait3A_551, %dma_wait3A_552] : memref<5x2x128x64xf32, #tpu.memory_space<vmem>> -> memref<1x1x128x64xf32, #tpu.memory_space<vmem>>
    %dma_wait3A_554 = tpu.memref_squeeze %dma_wait3A_553 : memref<1x1x128x64xf32, #tpu.memory_space<vmem>> -> memref<128x64xf32, #tpu.memory_space<vmem>>
    %dma_wait3A_555 = arith.constant 0 : i32
    %dma_wait3A_556 = tpu.memref_slice %arg6[%dma_wait3A_546, %dma_wait3A_547, %dma_wait3A_555] : memref<5x2x128xi32, #tpu.memory_space<vmem>> -> memref<1x1x128xi32, #tpu.memory_space<vmem>>
    %dma_wait3A_557 = tpu.memref_squeeze %dma_wait3A_556 : memref<1x1x128xi32, #tpu.memory_space<vmem>> -> memref<128xi32, #tpu.memory_space<vmem>>
    %dma_wait3A_558 = arith.constant 0 : i32
    %dma_wait3A_559 = arith.constant 0 : i32
    %dma_wait3A_560 = tpu.memref_slice %arg3[%dma_wait3A_558, %dma_wait3A_559] : memref<1000000x64xf32, #tpu.memory_space<hbm>> -> memref<1000000x64xf32, #tpu.memory_space<hbm>>
    %dma_wait3A_561 = tpu.memref_slice %arg8[%dma_wait3A_550] : memref<5x!tpu.dma_semaphore, #tpu.memory_space<semaphore_mem>> -> memref<1x!tpu.dma_semaphore, #tpu.memory_space<semaphore_mem>>
    %dma_wait3A_562 = tpu.memref_squeeze %dma_wait3A_561 : memref<1x!tpu.dma_semaphore, #tpu.memory_space<semaphore_mem>> -> memref<!tpu.dma_semaphore, #tpu.memory_space<semaphore_mem>>
    tpu.wait_indirect_dma semaphore(%dma_wait3A_562 : memref<!tpu.dma_semaphore, #tpu.memory_space<semaphore_mem>>) src(%dma_wait3A_560 : memref<1000000x64xf32, #tpu.memory_space<hbm>>) dst(%dma_wait3A_554 : memref<128x64xf32, #tpu.memory_space<vmem>>)
    %add3A_563 = arith.constant 25344 : i32
    %add3A_564 = arith.addi %mul3A_2, %add3A_563 : i32
    %jit3A_565 = arith.constant 2 : i32
    %div3A_566 = arith.divsi %add3A_564, %jit3A_565 : i32
    %sign3A_567 = arith.constant 0 : i32
    %sign3A_568 = arith.cmpi sgt, %add3A_564, %sign3A_567 : i32
    %sign3A_569 = arith.extui %sign3A_568 : i1 to i32
    %sign3A_570 = arith.constant 0 : i32
    %sign3A_571 = arith.cmpi slt, %add3A_564, %sign3A_570 : i32
    %sign3A_572 = arith.extui %sign3A_571 : i1 to i32
    %sign3A_573 = arith.subi %sign3A_569, %sign3A_572 : i32
    %sign3A_574 = arith.constant 0 : i32
    %sign3A_575 = arith.cmpi sgt, %jit3A_565, %sign3A_574 : i32
    %sign3A_576 = arith.extui %sign3A_575 : i1 to i32
    %sign3A_577 = arith.constant 0 : i32
    %sign3A_578 = arith.cmpi slt, %jit3A_565, %sign3A_577 : i32
    %sign3A_579 = arith.extui %sign3A_578 : i1 to i32
    %sign3A_580 = arith.subi %sign3A_576, %sign3A_579 : i32
    %ne3A_581 = arith.cmpi ne, %sign3A_573, %sign3A_580 : i32
    %rem3A_582 = arith.remsi %add3A_564, %jit3A_565 : i32
    %ne3A_583 = arith.constant 0 : i32
    %ne3A_584 = arith.cmpi ne, %rem3A_582, %ne3A_583 : i32
    %and3A_585 = arith.andi %ne3A_581, %ne3A_584 : i1
    %sub3A_586 = arith.constant 1 : i32
    %sub3A_587 = arith.subi %div3A_566, %sub3A_586 : i32
    %select_n3A_588 = arith.select %and3A_585, %sub3A_587, %div3A_566 : i32
    %multiple_of3A_589 = tpu.assume_multiple %select_n3A_588, 128 : i32
    %dma_start3A_590 = arith.constant 4 : i32
    %dma_start3A_591 = arith.constant 0 : i32
    %dma_start3A_592 = arith.constant 4 : i32
    %dma_start3A_593 = arith.constant 0 : i32
    %dma_start3A_594 = arith.constant 0 : i32
    %dma_start3A_595 = tpu.memref_slice %arg7[%dma_start3A_590, %dma_start3A_591, %dma_start3A_593, %dma_start3A_594] : memref<5x2x128x64xf32, #tpu.memory_space<vmem>> -> memref<1x1x128x64xf32, #tpu.memory_space<vmem>>
    %dma_start3A_596 = tpu.memref_squeeze %dma_start3A_595 : memref<1x1x128x64xf32, #tpu.memory_space<vmem>> -> memref<128x64xf32, #tpu.memory_space<vmem>>
    %dma_start3A_597 = arith.constant 0 : i32
    %dma_start3A_598 = tpu.memref_slice %arg4[%multiple_of3A_589, %dma_start3A_597] : memref<409600x128xf32, #tpu.memory_space<hbm>> -> memref<128x64xf32, #tpu.memory_space<hbm>>
    %dma_start3A_599 = tpu.memref_slice %arg9[%dma_start3A_592] : memref<5x!tpu.dma_semaphore, #tpu.memory_space<semaphore_mem>> -> memref<1x!tpu.dma_semaphore, #tpu.memory_space<semaphore_mem>>
    %dma_start3A_600 = tpu.memref_squeeze %dma_start3A_599 : memref<1x!tpu.dma_semaphore, #tpu.memory_space<semaphore_mem>> -> memref<!tpu.dma_semaphore, #tpu.memory_space<semaphore_mem>>
    %dma_start3A_601 = arith.constant 0 : i32
    %dma_start3A_602 = tpu.memref_slice %arg4[%multiple_of3A_589, %dma_start3A_601] : memref<409600x128xf32, #tpu.memory_space<hbm>> -> memref<128x64xf32, #tpu.memory_space<hbm>>
    %dma_start3A_603 = arith.constant 0 : i32
    %dma_start3A_604 = arith.constant 0 : i32
    %dma_start3A_605 = tpu.memref_slice %arg7[%dma_start3A_590, %dma_start3A_591, %dma_start3A_603, %dma_start3A_604] : memref<5x2x128x64xf32, #tpu.memory_space<vmem>> -> memref<1x1x128x64xf32, #tpu.memory_space<vmem>>
    %dma_start3A_606 = tpu.memref_squeeze %dma_start3A_605 : memref<1x1x128x64xf32, #tpu.memory_space<vmem>> -> memref<128x64xf32, #tpu.memory_space<vmem>>
    tpu.enqueue_dma source(%dma_start3A_606 : memref<128x64xf32, #tpu.memory_space<vmem>>) target(%dma_start3A_602 : memref<128x64xf32, #tpu.memory_space<hbm>>) target_semaphore(%dma_start3A_600 : memref<!tpu.dma_semaphore, #tpu.memory_space<semaphore_mem>>)
    %add3A_607 = arith.constant 25344 : i32
    %add3A_608 = arith.addi %mul3A_2, %add3A_607 : i32
    %jit3A_609 = arith.constant 2 : i32
    %div3A_610 = arith.divsi %add3A_608, %jit3A_609 : i32
    %sign3A_611 = arith.constant 0 : i32
    %sign3A_612 = arith.cmpi sgt, %add3A_608, %sign3A_611 : i32
    %sign3A_613 = arith.extui %sign3A_612 : i1 to i32
    %sign3A_614 = arith.constant 0 : i32
    %sign3A_615 = arith.cmpi slt, %add3A_608, %sign3A_614 : i32
    %sign3A_616 = arith.extui %sign3A_615 : i1 to i32
    %sign3A_617 = arith.subi %sign3A_613, %sign3A_616 : i32
    %sign3A_618 = arith.constant 0 : i32
    %sign3A_619 = arith.cmpi sgt, %jit3A_609, %sign3A_618 : i32
    %sign3A_620 = arith.extui %sign3A_619 : i1 to i32
    %sign3A_621 = arith.constant 0 : i32
    %sign3A_622 = arith.cmpi slt, %jit3A_609, %sign3A_621 : i32
    %sign3A_623 = arith.extui %sign3A_622 : i1 to i32
    %sign3A_624 = arith.subi %sign3A_620, %sign3A_623 : i32
    %ne3A_625 = arith.cmpi ne, %sign3A_617, %sign3A_624 : i32
    %rem3A_626 = arith.remsi %add3A_608, %jit3A_609 : i32
    %ne3A_627 = arith.constant 0 : i32
    %ne3A_628 = arith.cmpi ne, %rem3A_626, %ne3A_627 : i32
    %and3A_629 = arith.andi %ne3A_625, %ne3A_628 : i1
    %sub3A_630 = arith.constant 1 : i32
    %sub3A_631 = arith.subi %div3A_610, %sub3A_630 : i32
    %select_n3A_632 = arith.select %and3A_629, %sub3A_631, %div3A_610 : i32
    %multiple_of3A_633 = tpu.assume_multiple %select_n3A_632, 128 : i32
    %dma_start3A_634 = arith.constant 4 : i32
    %dma_start3A_635 = arith.constant 1 : i32
    %dma_start3A_636 = arith.constant 4 : i32
    %dma_start3A_637 = arith.constant 0 : i32
    %dma_start3A_638 = arith.constant 0 : i32
    %dma_start3A_639 = tpu.memref_slice %arg7[%dma_start3A_634, %dma_start3A_635, %dma_start3A_637, %dma_start3A_638] : memref<5x2x128x64xf32, #tpu.memory_space<vmem>> -> memref<1x1x128x64xf32, #tpu.memory_space<vmem>>
    %dma_start3A_640 = tpu.memref_squeeze %dma_start3A_639 : memref<1x1x128x64xf32, #tpu.memory_space<vmem>> -> memref<128x64xf32, #tpu.memory_space<vmem>>
    %dma_start3A_641 = arith.constant 64 : i32
    %dma_start3A_642 = tpu.memref_slice %arg4[%multiple_of3A_633, %dma_start3A_641] : memref<409600x128xf32, #tpu.memory_space<hbm>> -> memref<128x64xf32, #tpu.memory_space<hbm>>
    %dma_start3A_643 = tpu.memref_slice %arg9[%dma_start3A_636] : memref<5x!tpu.dma_semaphore, #tpu.memory_space<semaphore_mem>> -> memref<1x!tpu.dma_semaphore, #tpu.memory_space<semaphore_mem>>
    %dma_start3A_644 = tpu.memref_squeeze %dma_start3A_643 : memref<1x!tpu.dma_semaphore, #tpu.memory_space<semaphore_mem>> -> memref<!tpu.dma_semaphore, #tpu.memory_space<semaphore_mem>>
    %dma_start3A_645 = arith.constant 64 : i32
    %dma_start3A_646 = tpu.memref_slice %arg4[%multiple_of3A_633, %dma_start3A_645] : memref<409600x128xf32, #tpu.memory_space<hbm>> -> memref<128x64xf32, #tpu.memory_space<hbm>>
    %dma_start3A_647 = arith.constant 0 : i32
    %dma_start3A_648 = arith.constant 0 : i32
    %dma_start3A_649 = tpu.memref_slice %arg7[%dma_start3A_634, %dma_start3A_635, %dma_start3A_647, %dma_start3A_648] : memref<5x2x128x64xf32, #tpu.memory_space<vmem>> -> memref<1x1x128x64xf32, #tpu.memory_space<vmem>>
    %dma_start3A_650 = tpu.memref_squeeze %dma_start3A_649 : memref<1x1x128x64xf32, #tpu.memory_space<vmem>> -> memref<128x64xf32, #tpu.memory_space<vmem>>
    tpu.enqueue_dma source(%dma_start3A_650 : memref<128x64xf32, #tpu.memory_space<vmem>>) target(%dma_start3A_646 : memref<128x64xf32, #tpu.memory_space<hbm>>) target_semaphore(%dma_start3A_644 : memref<!tpu.dma_semaphore, #tpu.memory_space<semaphore_mem>>)
    %add3A_651 = arith.constant 24320 : i32
    %add3A_652 = arith.addi %mul3A_2, %add3A_651 : i32
    %jit3A_653 = arith.constant 2 : i32
    %div3A_654 = arith.divsi %add3A_652, %jit3A_653 : i32
    %sign3A_655 = arith.constant 0 : i32
    %sign3A_656 = arith.cmpi sgt, %add3A_652, %sign3A_655 : i32
    %sign3A_657 = arith.extui %sign3A_656 : i1 to i32
    %sign3A_658 = arith.constant 0 : i32
    %sign3A_659 = arith.cmpi slt, %add3A_652, %sign3A_658 : i32
    %sign3A_660 = arith.extui %sign3A_659 : i1 to i32
    %sign3A_661 = arith.subi %sign3A_657, %sign3A_660 : i32
    %sign3A_662 = arith.constant 0 : i32
    %sign3A_663 = arith.cmpi sgt, %jit3A_653, %sign3A_662 : i32
    %sign3A_664 = arith.extui %sign3A_663 : i1 to i32
    %sign3A_665 = arith.constant 0 : i32
    %sign3A_666 = arith.cmpi slt, %jit3A_653, %sign3A_665 : i32
    %sign3A_667 = arith.extui %sign3A_666 : i1 to i32
    %sign3A_668 = arith.subi %sign3A_664, %sign3A_667 : i32
    %ne3A_669 = arith.cmpi ne, %sign3A_661, %sign3A_668 : i32
    %rem3A_670 = arith.remsi %add3A_652, %jit3A_653 : i32
    %ne3A_671 = arith.constant 0 : i32
    %ne3A_672 = arith.cmpi ne, %rem3A_670, %ne3A_671 : i32
    %and3A_673 = arith.andi %ne3A_669, %ne3A_672 : i1
    %sub3A_674 = arith.constant 1 : i32
    %sub3A_675 = arith.subi %div3A_654, %sub3A_674 : i32
    %select_n3A_676 = arith.select %and3A_673, %sub3A_675, %div3A_654 : i32
    %multiple_of3A_677 = tpu.assume_multiple %select_n3A_676, 128 : i32
    %dma_wait3A_678 = arith.constant 0 : i32
    %dma_wait3A_679 = arith.constant 0 : i32
    %dma_wait3A_680 = arith.constant 0 : i32
    %dma_wait3A_681 = arith.constant 0 : i32
    %dma_wait3A_682 = arith.constant 0 : i32
    %dma_wait3A_683 = tpu.memref_slice %arg7[%dma_wait3A_678, %dma_wait3A_679, %dma_wait3A_681, %dma_wait3A_682] : memref<5x2x128x64xf32, #tpu.memory_space<vmem>> -> memref<1x1x128x64xf32, #tpu.memory_space<vmem>>
    %dma_wait3A_684 = tpu.memref_squeeze %dma_wait3A_683 : memref<1x1x128x64xf32, #tpu.memory_space<vmem>> -> memref<128x64xf32, #tpu.memory_space<vmem>>
    %dma_wait3A_685 = arith.constant 0 : i32
    %dma_wait3A_686 = tpu.memref_slice %arg4[%multiple_of3A_677, %dma_wait3A_685] : memref<409600x128xf32, #tpu.memory_space<hbm>> -> memref<128x64xf32, #tpu.memory_space<hbm>>
    %dma_wait3A_687 = tpu.memref_slice %arg9[%dma_wait3A_680] : memref<5x!tpu.dma_semaphore, #tpu.memory_space<semaphore_mem>> -> memref<1x!tpu.dma_semaphore, #tpu.memory_space<semaphore_mem>>
    %dma_wait3A_688 = tpu.memref_squeeze %dma_wait3A_687 : memref<1x!tpu.dma_semaphore, #tpu.memory_space<semaphore_mem>> -> memref<!tpu.dma_semaphore, #tpu.memory_space<semaphore_mem>>
    %dma_wait3A_689 = arith.constant 0 : i32
    %dma_wait3A_690 = tpu.memref_slice %arg4[%multiple_of3A_677, %dma_wait3A_689] : memref<409600x128xf32, #tpu.memory_space<hbm>> -> memref<128x64xf32, #tpu.memory_space<hbm>>
    %dma_wait3A_691 = arith.constant 0 : i32
    %dma_wait3A_692 = arith.constant 0 : i32
    %dma_wait3A_693 = tpu.memref_slice %arg7[%dma_wait3A_678, %dma_wait3A_679, %dma_wait3A_691, %dma_wait3A_692] : memref<5x2x128x64xf32, #tpu.memory_space<vmem>> -> memref<1x1x128x64xf32, #tpu.memory_space<vmem>>
    %dma_wait3A_694 = tpu.memref_squeeze %dma_wait3A_693 : memref<1x1x128x64xf32, #tpu.memory_space<vmem>> -> memref<128x64xf32, #tpu.memory_space<vmem>>
    tpu.wait_dma2 semaphore(%dma_wait3A_688 : memref<!tpu.dma_semaphore, #tpu.memory_space<semaphore_mem>>) src(%dma_wait3A_694 : memref<128x64xf32, #tpu.memory_space<vmem>>) dst(%dma_wait3A_690 : memref<128x64xf32, #tpu.memory_space<hbm>>)
    %add3A_695 = arith.constant 24320 : i32
    %add3A_696 = arith.addi %mul3A_2, %add3A_695 : i32
    %jit3A_697 = arith.constant 2 : i32
    %div3A_698 = arith.divsi %add3A_696, %jit3A_697 : i32
    %sign3A_699 = arith.constant 0 : i32
    %sign3A_700 = arith.cmpi sgt, %add3A_696, %sign3A_699 : i32
    %sign3A_701 = arith.extui %sign3A_700 : i1 to i32
    %sign3A_702 = arith.constant 0 : i32
    %sign3A_703 = arith.cmpi slt, %add3A_696, %sign3A_702 : i32
    %sign3A_704 = arith.extui %sign3A_703 : i1 to i32
    %sign3A_705 = arith.subi %sign3A_701, %sign3A_704 : i32
    %sign3A_706 = arith.constant 0 : i32
    %sign3A_707 = arith.cmpi sgt, %jit3A_697, %sign3A_706 : i32
    %sign3A_708 = arith.extui %sign3A_707 : i1 to i32
    %sign3A_709 = arith.constant 0 : i32
    %sign3A_710 = arith.cmpi slt, %jit3A_697, %sign3A_709 : i32
    %sign3A_711 = arith.extui %sign3A_710 : i1 to i32
    %sign3A_712 = arith.subi %sign3A_708, %sign3A_711 : i32
    %ne3A_713 = arith.cmpi ne, %sign3A_705, %sign3A_712 : i32
    %rem3A_714 = arith.remsi %add3A_696, %jit3A_697 : i32
    %ne3A_715 = arith.constant 0 : i32
    %ne3A_716 = arith.cmpi ne, %rem3A_714, %ne3A_715 : i32
    %and3A_717 = arith.andi %ne3A_713, %ne3A_716 : i1
    %sub3A_718 = arith.constant 1 : i32
    %sub3A_719 = arith.subi %div3A_698, %sub3A_718 : i32
    %select_n3A_720 = arith.select %and3A_717, %sub3A_719, %div3A_698 : i32
    %multiple_of3A_721 = tpu.assume_multiple %select_n3A_720, 128 : i32
    %dma_wait3A_722 = arith.constant 0 : i32
    %dma_wait3A_723 = arith.constant 1 : i32
    %dma_wait3A_724 = arith.constant 0 : i32
    %dma_wait3A_725 = arith.constant 0 : i32
    %dma_wait3A_726 = arith.constant 0 : i32
    %dma_wait3A_727 = tpu.memref_slice %arg7[%dma_wait3A_722, %dma_wait3A_723, %dma_wait3A_725, %dma_wait3A_726] : memref<5x2x128x64xf32, #tpu.memory_space<vmem>> -> memref<1x1x128x64xf32, #tpu.memory_space<vmem>>
    %dma_wait3A_728 = tpu.memref_squeeze %dma_wait3A_727 : memref<1x1x128x64xf32, #tpu.memory_space<vmem>> -> memref<128x64xf32, #tpu.memory_space<vmem>>
    %dma_wait3A_729 = arith.constant 64 : i32
    %dma_wait3A_730 = tpu.memref_slice %arg4[%multiple_of3A_721, %dma_wait3A_729] : memref<409600x128xf32, #tpu.memory_space<hbm>> -> memref<128x64xf32, #tpu.memory_space<hbm>>
    %dma_wait3A_731 = tpu.memref_slice %arg9[%dma_wait3A_724] : memref<5x!tpu.dma_semaphore, #tpu.memory_space<semaphore_mem>> -> memref<1x!tpu.dma_semaphore, #tpu.memory_space<semaphore_mem>>
    %dma_wait3A_732 = tpu.memref_squeeze %dma_wait3A_731 : memref<1x!tpu.dma_semaphore, #tpu.memory_space<semaphore_mem>> -> memref<!tpu.dma_semaphore, #tpu.memory_space<semaphore_mem>>
    %dma_wait3A_733 = arith.constant 64 : i32
    %dma_wait3A_734 = tpu.memref_slice %arg4[%multiple_of3A_721, %dma_wait3A_733] : memref<409600x128xf32, #tpu.memory_space<hbm>> -> memref<128x64xf32, #tpu.memory_space<hbm>>
    %dma_wait3A_735 = arith.constant 0 : i32
    %dma_wait3A_736 = arith.constant 0 : i32
    %dma_wait3A_737 = tpu.memref_slice %arg7[%dma_wait3A_722, %dma_wait3A_723, %dma_wait3A_735, %dma_wait3A_736] : memref<5x2x128x64xf32, #tpu.memory_space<vmem>> -> memref<1x1x128x64xf32, #tpu.memory_space<vmem>>
    %dma_wait3A_738 = tpu.memref_squeeze %dma_wait3A_737 : memref<1x1x128x64xf32, #tpu.memory_space<vmem>> -> memref<128x64xf32, #tpu.memory_space<vmem>>
    tpu.wait_dma2 semaphore(%dma_wait3A_732 : memref<!tpu.dma_semaphore, #tpu.memory_space<semaphore_mem>>) src(%dma_wait3A_738 : memref<128x64xf32, #tpu.memory_space<vmem>>) dst(%dma_wait3A_734 : memref<128x64xf32, #tpu.memory_space<hbm>>)
    %add3A_739 = arith.constant 24576 : i32
    %add3A_740 = arith.addi %mul3A_2, %add3A_739 : i32
    %jit3A_741 = arith.constant 2 : i32
    %div3A_742 = arith.divsi %add3A_740, %jit3A_741 : i32
    %sign3A_743 = arith.constant 0 : i32
    %sign3A_744 = arith.cmpi sgt, %add3A_740, %sign3A_743 : i32
    %sign3A_745 = arith.extui %sign3A_744 : i1 to i32
    %sign3A_746 = arith.constant 0 : i32
    %sign3A_747 = arith.cmpi slt, %add3A_740, %sign3A_746 : i32
    %sign3A_748 = arith.extui %sign3A_747 : i1 to i32
    %sign3A_749 = arith.subi %sign3A_745, %sign3A_748 : i32
    %sign3A_750 = arith.constant 0 : i32
    %sign3A_751 = arith.cmpi sgt, %jit3A_741, %sign3A_750 : i32
    %sign3A_752 = arith.extui %sign3A_751 : i1 to i32
    %sign3A_753 = arith.constant 0 : i32
    %sign3A_754 = arith.cmpi slt, %jit3A_741, %sign3A_753 : i32
    %sign3A_755 = arith.extui %sign3A_754 : i1 to i32
    %sign3A_756 = arith.subi %sign3A_752, %sign3A_755 : i32
    %ne3A_757 = arith.cmpi ne, %sign3A_749, %sign3A_756 : i32
    %rem3A_758 = arith.remsi %add3A_740, %jit3A_741 : i32
    %ne3A_759 = arith.constant 0 : i32
    %ne3A_760 = arith.cmpi ne, %rem3A_758, %ne3A_759 : i32
    %and3A_761 = arith.andi %ne3A_757, %ne3A_760 : i1
    %sub3A_762 = arith.constant 1 : i32
    %sub3A_763 = arith.subi %div3A_742, %sub3A_762 : i32
    %select_n3A_764 = arith.select %and3A_761, %sub3A_763, %div3A_742 : i32
    %multiple_of3A_765 = tpu.assume_multiple %select_n3A_764, 128 : i32
    %dma_wait3A_766 = arith.constant 1 : i32
    %dma_wait3A_767 = arith.constant 0 : i32
    %dma_wait3A_768 = arith.constant 1 : i32
    %dma_wait3A_769 = arith.constant 0 : i32
    %dma_wait3A_770 = arith.constant 0 : i32
    %dma_wait3A_771 = tpu.memref_slice %arg7[%dma_wait3A_766, %dma_wait3A_767, %dma_wait3A_769, %dma_wait3A_770] : memref<5x2x128x64xf32, #tpu.memory_space<vmem>> -> memref<1x1x128x64xf32, #tpu.memory_space<vmem>>
    %dma_wait3A_772 = tpu.memref_squeeze %dma_wait3A_771 : memref<1x1x128x64xf32, #tpu.memory_space<vmem>> -> memref<128x64xf32, #tpu.memory_space<vmem>>
    %dma_wait3A_773 = arith.constant 0 : i32
    %dma_wait3A_774 = tpu.memref_slice %arg4[%multiple_of3A_765, %dma_wait3A_773] : memref<409600x128xf32, #tpu.memory_space<hbm>> -> memref<128x64xf32, #tpu.memory_space<hbm>>
    %dma_wait3A_775 = tpu.memref_slice %arg9[%dma_wait3A_768] : memref<5x!tpu.dma_semaphore, #tpu.memory_space<semaphore_mem>> -> memref<1x!tpu.dma_semaphore, #tpu.memory_space<semaphore_mem>>
    %dma_wait3A_776 = tpu.memref_squeeze %dma_wait3A_775 : memref<1x!tpu.dma_semaphore, #tpu.memory_space<semaphore_mem>> -> memref<!tpu.dma_semaphore, #tpu.memory_space<semaphore_mem>>
    %dma_wait3A_777 = arith.constant 0 : i32
    %dma_wait3A_778 = tpu.memref_slice %arg4[%multiple_of3A_765, %dma_wait3A_777] : memref<409600x128xf32, #tpu.memory_space<hbm>> -> memref<128x64xf32, #tpu.memory_space<hbm>>
    %dma_wait3A_779 = arith.constant 0 : i32
    %dma_wait3A_780 = arith.constant 0 : i32
    %dma_wait3A_781 = tpu.memref_slice %arg7[%dma_wait3A_766, %dma_wait3A_767, %dma_wait3A_779, %dma_wait3A_780] : memref<5x2x128x64xf32, #tpu.memory_space<vmem>> -> memref<1x1x128x64xf32, #tpu.memory_space<vmem>>
    %dma_wait3A_782 = tpu.memref_squeeze %dma_wait3A_781 : memref<1x1x128x64xf32, #tpu.memory_space<vmem>> -> memref<128x64xf32, #tpu.memory_space<vmem>>
    tpu.wait_dma2 semaphore(%dma_wait3A_776 : memref<!tpu.dma_semaphore, #tpu.memory_space<semaphore_mem>>) src(%dma_wait3A_782 : memref<128x64xf32, #tpu.memory_space<vmem>>) dst(%dma_wait3A_778 : memref<128x64xf32, #tpu.memory_space<hbm>>)
    %add3A_783 = arith.constant 24576 : i32
    %add3A_784 = arith.addi %mul3A_2, %add3A_783 : i32
    %jit3A_785 = arith.constant 2 : i32
    %div3A_786 = arith.divsi %add3A_784, %jit3A_785 : i32
    %sign3A_787 = arith.constant 0 : i32
    %sign3A_788 = arith.cmpi sgt, %add3A_784, %sign3A_787 : i32
    %sign3A_789 = arith.extui %sign3A_788 : i1 to i32
    %sign3A_790 = arith.constant 0 : i32
    %sign3A_791 = arith.cmpi slt, %add3A_784, %sign3A_790 : i32
    %sign3A_792 = arith.extui %sign3A_791 : i1 to i32
    %sign3A_793 = arith.subi %sign3A_789, %sign3A_792 : i32
    %sign3A_794 = arith.constant 0 : i32
    %sign3A_795 = arith.cmpi sgt, %jit3A_785, %sign3A_794 : i32
    %sign3A_796 = arith.extui %sign3A_795 : i1 to i32
    %sign3A_797 = arith.constant 0 : i32
    %sign3A_798 = arith.cmpi slt, %jit3A_785, %sign3A_797 : i32
    %sign3A_799 = arith.extui %sign3A_798 : i1 to i32
    %sign3A_800 = arith.subi %sign3A_796, %sign3A_799 : i32
    %ne3A_801 = arith.cmpi ne, %sign3A_793, %sign3A_800 : i32
    %rem3A_802 = arith.remsi %add3A_784, %jit3A_785 : i32
    %ne3A_803 = arith.constant 0 : i32
    %ne3A_804 = arith.cmpi ne, %rem3A_802, %ne3A_803 : i32
    %and3A_805 = arith.andi %ne3A_801, %ne3A_804 : i1
    %sub3A_806 = arith.constant 1 : i32
    %sub3A_807 = arith.subi %div3A_786, %sub3A_806 : i32
    %select_n3A_808 = arith.select %and3A_805, %sub3A_807, %div3A_786 : i32
    %multiple_of3A_809 = tpu.assume_multiple %select_n3A_808, 128 : i32
    %dma_wait3A_810 = arith.constant 1 : i32
    %dma_wait3A_811 = arith.constant 1 : i32
    %dma_wait3A_812 = arith.constant 1 : i32
    %dma_wait3A_813 = arith.constant 0 : i32
    %dma_wait3A_814 = arith.constant 0 : i32
    %dma_wait3A_815 = tpu.memref_slice %arg7[%dma_wait3A_810, %dma_wait3A_811, %dma_wait3A_813, %dma_wait3A_814] : memref<5x2x128x64xf32, #tpu.memory_space<vmem>> -> memref<1x1x128x64xf32, #tpu.memory_space<vmem>>
    %dma_wait3A_816 = tpu.memref_squeeze %dma_wait3A_815 : memref<1x1x128x64xf32, #tpu.memory_space<vmem>> -> memref<128x64xf32, #tpu.memory_space<vmem>>
    %dma_wait3A_817 = arith.constant 64 : i32
    %dma_wait3A_818 = tpu.memref_slice %arg4[%multiple_of3A_809, %dma_wait3A_817] : memref<409600x128xf32, #tpu.memory_space<hbm>> -> memref<128x64xf32, #tpu.memory_space<hbm>>
    %dma_wait3A_819 = tpu.memref_slice %arg9[%dma_wait3A_812] : memref<5x!tpu.dma_semaphore, #tpu.memory_space<semaphore_mem>> -> memref<1x!tpu.dma_semaphore, #tpu.memory_space<semaphore_mem>>
    %dma_wait3A_820 = tpu.memref_squeeze %dma_wait3A_819 : memref<1x!tpu.dma_semaphore, #tpu.memory_space<semaphore_mem>> -> memref<!tpu.dma_semaphore, #tpu.memory_space<semaphore_mem>>
    %dma_wait3A_821 = arith.constant 64 : i32
    %dma_wait3A_822 = tpu.memref_slice %arg4[%multiple_of3A_809, %dma_wait3A_821] : memref<409600x128xf32, #tpu.memory_space<hbm>> -> memref<128x64xf32, #tpu.memory_space<hbm>>
    %dma_wait3A_823 = arith.constant 0 : i32
    %dma_wait3A_824 = arith.constant 0 : i32
    %dma_wait3A_825 = tpu.memref_slice %arg7[%dma_wait3A_810, %dma_wait3A_811, %dma_wait3A_823, %dma_wait3A_824] : memref<5x2x128x64xf32, #tpu.memory_space<vmem>> -> memref<1x1x128x64xf32, #tpu.memory_space<vmem>>
    %dma_wait3A_826 = tpu.memref_squeeze %dma_wait3A_825 : memref<1x1x128x64xf32, #tpu.memory_space<vmem>> -> memref<128x64xf32, #tpu.memory_space<vmem>>
    tpu.wait_dma2 semaphore(%dma_wait3A_820 : memref<!tpu.dma_semaphore, #tpu.memory_space<semaphore_mem>>) src(%dma_wait3A_826 : memref<128x64xf32, #tpu.memory_space<vmem>>) dst(%dma_wait3A_822 : memref<128x64xf32, #tpu.memory_space<hbm>>)
    %add3A_827 = arith.constant 24832 : i32
    %add3A_828 = arith.addi %mul3A_2, %add3A_827 : i32
    %jit3A_829 = arith.constant 2 : i32
    %div3A_830 = arith.divsi %add3A_828, %jit3A_829 : i32
    %sign3A_831 = arith.constant 0 : i32
    %sign3A_832 = arith.cmpi sgt, %add3A_828, %sign3A_831 : i32
    %sign3A_833 = arith.extui %sign3A_832 : i1 to i32
    %sign3A_834 = arith.constant 0 : i32
    %sign3A_835 = arith.cmpi slt, %add3A_828, %sign3A_834 : i32
    %sign3A_836 = arith.extui %sign3A_835 : i1 to i32
    %sign3A_837 = arith.subi %sign3A_833, %sign3A_836 : i32
    %sign3A_838 = arith.constant 0 : i32
    %sign3A_839 = arith.cmpi sgt, %jit3A_829, %sign3A_838 : i32
    %sign3A_840 = arith.extui %sign3A_839 : i1 to i32
    %sign3A_841 = arith.constant 0 : i32
    %sign3A_842 = arith.cmpi slt, %jit3A_829, %sign3A_841 : i32
    %sign3A_843 = arith.extui %sign3A_842 : i1 to i32
    %sign3A_844 = arith.subi %sign3A_840, %sign3A_843 : i32
    %ne3A_845 = arith.cmpi ne, %sign3A_837, %sign3A_844 : i32
    %rem3A_846 = arith.remsi %add3A_828, %jit3A_829 : i32
    %ne3A_847 = arith.constant 0 : i32
    %ne3A_848 = arith.cmpi ne, %rem3A_846, %ne3A_847 : i32
    %and3A_849 = arith.andi %ne3A_845, %ne3A_848 : i1
    %sub3A_850 = arith.constant 1 : i32
    %sub3A_851 = arith.subi %div3A_830, %sub3A_850 : i32
    %select_n3A_852 = arith.select %and3A_849, %sub3A_851, %div3A_830 : i32
    %multiple_of3A_853 = tpu.assume_multiple %select_n3A_852, 128 : i32
    %dma_wait3A_854 = arith.constant 2 : i32
    %dma_wait3A_855 = arith.constant 0 : i32
    %dma_wait3A_856 = arith.constant 2 : i32
    %dma_wait3A_857 = arith.constant 0 : i32
    %dma_wait3A_858 = arith.constant 0 : i32
    %dma_wait3A_859 = tpu.memref_slice %arg7[%dma_wait3A_854, %dma_wait3A_855, %dma_wait3A_857, %dma_wait3A_858] : memref<5x2x128x64xf32, #tpu.memory_space<vmem>> -> memref<1x1x128x64xf32, #tpu.memory_space<vmem>>
    %dma_wait3A_860 = tpu.memref_squeeze %dma_wait3A_859 : memref<1x1x128x64xf32, #tpu.memory_space<vmem>> -> memref<128x64xf32, #tpu.memory_space<vmem>>
    %dma_wait3A_861 = arith.constant 0 : i32
    %dma_wait3A_862 = tpu.memref_slice %arg4[%multiple_of3A_853, %dma_wait3A_861] : memref<409600x128xf32, #tpu.memory_space<hbm>> -> memref<128x64xf32, #tpu.memory_space<hbm>>
    %dma_wait3A_863 = tpu.memref_slice %arg9[%dma_wait3A_856] : memref<5x!tpu.dma_semaphore, #tpu.memory_space<semaphore_mem>> -> memref<1x!tpu.dma_semaphore, #tpu.memory_space<semaphore_mem>>
    %dma_wait3A_864 = tpu.memref_squeeze %dma_wait3A_863 : memref<1x!tpu.dma_semaphore, #tpu.memory_space<semaphore_mem>> -> memref<!tpu.dma_semaphore, #tpu.memory_space<semaphore_mem>>
    %dma_wait3A_865 = arith.constant 0 : i32
    %dma_wait3A_866 = tpu.memref_slice %arg4[%multiple_of3A_853, %dma_wait3A_865] : memref<409600x128xf32, #tpu.memory_space<hbm>> -> memref<128x64xf32, #tpu.memory_space<hbm>>
    %dma_wait3A_867 = arith.constant 0 : i32
    %dma_wait3A_868 = arith.constant 0 : i32
    %dma_wait3A_869 = tpu.memref_slice %arg7[%dma_wait3A_854, %dma_wait3A_855, %dma_wait3A_867, %dma_wait3A_868] : memref<5x2x128x64xf32, #tpu.memory_space<vmem>> -> memref<1x1x128x64xf32, #tpu.memory_space<vmem>>
    %dma_wait3A_870 = tpu.memref_squeeze %dma_wait3A_869 : memref<1x1x128x64xf32, #tpu.memory_space<vmem>> -> memref<128x64xf32, #tpu.memory_space<vmem>>
    tpu.wait_dma2 semaphore(%dma_wait3A_864 : memref<!tpu.dma_semaphore, #tpu.memory_space<semaphore_mem>>) src(%dma_wait3A_870 : memref<128x64xf32, #tpu.memory_space<vmem>>) dst(%dma_wait3A_866 : memref<128x64xf32, #tpu.memory_space<hbm>>)
    %add3A_871 = arith.constant 24832 : i32
    %add3A_872 = arith.addi %mul3A_2, %add3A_871 : i32
    %jit3A_873 = arith.constant 2 : i32
    %div3A_874 = arith.divsi %add3A_872, %jit3A_873 : i32
    %sign3A_875 = arith.constant 0 : i32
    %sign3A_876 = arith.cmpi sgt, %add3A_872, %sign3A_875 : i32
    %sign3A_877 = arith.extui %sign3A_876 : i1 to i32
    %sign3A_878 = arith.constant 0 : i32
    %sign3A_879 = arith.cmpi slt, %add3A_872, %sign3A_878 : i32
    %sign3A_880 = arith.extui %sign3A_879 : i1 to i32
    %sign3A_881 = arith.subi %sign3A_877, %sign3A_880 : i32
    %sign3A_882 = arith.constant 0 : i32
    %sign3A_883 = arith.cmpi sgt, %jit3A_873, %sign3A_882 : i32
    %sign3A_884 = arith.extui %sign3A_883 : i1 to i32
    %sign3A_885 = arith.constant 0 : i32
    %sign3A_886 = arith.cmpi slt, %jit3A_873, %sign3A_885 : i32
    %sign3A_887 = arith.extui %sign3A_886 : i1 to i32
    %sign3A_888 = arith.subi %sign3A_884, %sign3A_887 : i32
    %ne3A_889 = arith.cmpi ne, %sign3A_881, %sign3A_888 : i32
    %rem3A_890 = arith.remsi %add3A_872, %jit3A_873 : i32
    %ne3A_891 = arith.constant 0 : i32
    %ne3A_892 = arith.cmpi ne, %rem3A_890, %ne3A_891 : i32
    %and3A_893 = arith.andi %ne3A_889, %ne3A_892 : i1
    %sub3A_894 = arith.constant 1 : i32
    %sub3A_895 = arith.subi %div3A_874, %sub3A_894 : i32
    %select_n3A_896 = arith.select %and3A_893, %sub3A_895, %div3A_874 : i32
    %multiple_of3A_897 = tpu.assume_multiple %select_n3A_896, 128 : i32
    %dma_wait3A_898 = arith.constant 2 : i32
    %dma_wait3A_899 = arith.constant 1 : i32
    %dma_wait3A_900 = arith.constant 2 : i32
    %dma_wait3A_901 = arith.constant 0 : i32
    %dma_wait3A_902 = arith.constant 0 : i32
    %dma_wait3A_903 = tpu.memref_slice %arg7[%dma_wait3A_898, %dma_wait3A_899, %dma_wait3A_901, %dma_wait3A_902] : memref<5x2x128x64xf32, #tpu.memory_space<vmem>> -> memref<1x1x128x64xf32, #tpu.memory_space<vmem>>
    %dma_wait3A_904 = tpu.memref_squeeze %dma_wait3A_903 : memref<1x1x128x64xf32, #tpu.memory_space<vmem>> -> memref<128x64xf32, #tpu.memory_space<vmem>>
    %dma_wait3A_905 = arith.constant 64 : i32
    %dma_wait3A_906 = tpu.memref_slice %arg4[%multiple_of3A_897, %dma_wait3A_905] : memref<409600x128xf32, #tpu.memory_space<hbm>> -> memref<128x64xf32, #tpu.memory_space<hbm>>
    %dma_wait3A_907 = tpu.memref_slice %arg9[%dma_wait3A_900] : memref<5x!tpu.dma_semaphore, #tpu.memory_space<semaphore_mem>> -> memref<1x!tpu.dma_semaphore, #tpu.memory_space<semaphore_mem>>
    %dma_wait3A_908 = tpu.memref_squeeze %dma_wait3A_907 : memref<1x!tpu.dma_semaphore, #tpu.memory_space<semaphore_mem>> -> memref<!tpu.dma_semaphore, #tpu.memory_space<semaphore_mem>>
    %dma_wait3A_909 = arith.constant 64 : i32
    %dma_wait3A_910 = tpu.memref_slice %arg4[%multiple_of3A_897, %dma_wait3A_909] : memref<409600x128xf32, #tpu.memory_space<hbm>> -> memref<128x64xf32, #tpu.memory_space<hbm>>
    %dma_wait3A_911 = arith.constant 0 : i32
    %dma_wait3A_912 = arith.constant 0 : i32
    %dma_wait3A_913 = tpu.memref_slice %arg7[%dma_wait3A_898, %dma_wait3A_899, %dma_wait3A_911, %dma_wait3A_912] : memref<5x2x128x64xf32, #tpu.memory_space<vmem>> -> memref<1x1x128x64xf32, #tpu.memory_space<vmem>>
    %dma_wait3A_914 = tpu.memref_squeeze %dma_wait3A_913 : memref<1x1x128x64xf32, #tpu.memory_space<vmem>> -> memref<128x64xf32, #tpu.memory_space<vmem>>
    tpu.wait_dma2 semaphore(%dma_wait3A_908 : memref<!tpu.dma_semaphore, #tpu.memory_space<semaphore_mem>>) src(%dma_wait3A_914 : memref<128x64xf32, #tpu.memory_space<vmem>>) dst(%dma_wait3A_910 : memref<128x64xf32, #tpu.memory_space<hbm>>)
    %add3A_915 = arith.constant 25088 : i32
    %add3A_916 = arith.addi %mul3A_2, %add3A_915 : i32
    %jit3A_917 = arith.constant 2 : i32
    %div3A_918 = arith.divsi %add3A_916, %jit3A_917 : i32
    %sign3A_919 = arith.constant 0 : i32
    %sign3A_920 = arith.cmpi sgt, %add3A_916, %sign3A_919 : i32
    %sign3A_921 = arith.extui %sign3A_920 : i1 to i32
    %sign3A_922 = arith.constant 0 : i32
    %sign3A_923 = arith.cmpi slt, %add3A_916, %sign3A_922 : i32
    %sign3A_924 = arith.extui %sign3A_923 : i1 to i32
    %sign3A_925 = arith.subi %sign3A_921, %sign3A_924 : i32
    %sign3A_926 = arith.constant 0 : i32
    %sign3A_927 = arith.cmpi sgt, %jit3A_917, %sign3A_926 : i32
    %sign3A_928 = arith.extui %sign3A_927 : i1 to i32
    %sign3A_929 = arith.constant 0 : i32
    %sign3A_930 = arith.cmpi slt, %jit3A_917, %sign3A_929 : i32
    %sign3A_931 = arith.extui %sign3A_930 : i1 to i32
    %sign3A_932 = arith.subi %sign3A_928, %sign3A_931 : i32
    %ne3A_933 = arith.cmpi ne, %sign3A_925, %sign3A_932 : i32
    %rem3A_934 = arith.remsi %add3A_916, %jit3A_917 : i32
    %ne3A_935 = arith.constant 0 : i32
    %ne3A_936 = arith.cmpi ne, %rem3A_934, %ne3A_935 : i32
    %and3A_937 = arith.andi %ne3A_933, %ne3A_936 : i1
    %sub3A_938 = arith.constant 1 : i32
    %sub3A_939 = arith.subi %div3A_918, %sub3A_938 : i32
    %select_n3A_940 = arith.select %and3A_937, %sub3A_939, %div3A_918 : i32
    %multiple_of3A_941 = tpu.assume_multiple %select_n3A_940, 128 : i32
    %dma_wait3A_942 = arith.constant 3 : i32
    %dma_wait3A_943 = arith.constant 0 : i32
    %dma_wait3A_944 = arith.constant 3 : i32
    %dma_wait3A_945 = arith.constant 0 : i32
    %dma_wait3A_946 = arith.constant 0 : i32
    %dma_wait3A_947 = tpu.memref_slice %arg7[%dma_wait3A_942, %dma_wait3A_943, %dma_wait3A_945, %dma_wait3A_946] : memref<5x2x128x64xf32, #tpu.memory_space<vmem>> -> memref<1x1x128x64xf32, #tpu.memory_space<vmem>>
    %dma_wait3A_948 = tpu.memref_squeeze %dma_wait3A_947 : memref<1x1x128x64xf32, #tpu.memory_space<vmem>> -> memref<128x64xf32, #tpu.memory_space<vmem>>
    %dma_wait3A_949 = arith.constant 0 : i32
    %dma_wait3A_950 = tpu.memref_slice %arg4[%multiple_of3A_941, %dma_wait3A_949] : memref<409600x128xf32, #tpu.memory_space<hbm>> -> memref<128x64xf32, #tpu.memory_space<hbm>>
    %dma_wait3A_951 = tpu.memref_slice %arg9[%dma_wait3A_944] : memref<5x!tpu.dma_semaphore, #tpu.memory_space<semaphore_mem>> -> memref<1x!tpu.dma_semaphore, #tpu.memory_space<semaphore_mem>>
    %dma_wait3A_952 = tpu.memref_squeeze %dma_wait3A_951 : memref<1x!tpu.dma_semaphore, #tpu.memory_space<semaphore_mem>> -> memref<!tpu.dma_semaphore, #tpu.memory_space<semaphore_mem>>
    %dma_wait3A_953 = arith.constant 0 : i32
    %dma_wait3A_954 = tpu.memref_slice %arg4[%multiple_of3A_941, %dma_wait3A_953] : memref<409600x128xf32, #tpu.memory_space<hbm>> -> memref<128x64xf32, #tpu.memory_space<hbm>>
    %dma_wait3A_955 = arith.constant 0 : i32
    %dma_wait3A_956 = arith.constant 0 : i32
    %dma_wait3A_957 = tpu.memref_slice %arg7[%dma_wait3A_942, %dma_wait3A_943, %dma_wait3A_955, %dma_wait3A_956] : memref<5x2x128x64xf32, #tpu.memory_space<vmem>> -> memref<1x1x128x64xf32, #tpu.memory_space<vmem>>
    %dma_wait3A_958 = tpu.memref_squeeze %dma_wait3A_957 : memref<1x1x128x64xf32, #tpu.memory_space<vmem>> -> memref<128x64xf32, #tpu.memory_space<vmem>>
    tpu.wait_dma2 semaphore(%dma_wait3A_952 : memref<!tpu.dma_semaphore, #tpu.memory_space<semaphore_mem>>) src(%dma_wait3A_958 : memref<128x64xf32, #tpu.memory_space<vmem>>) dst(%dma_wait3A_954 : memref<128x64xf32, #tpu.memory_space<hbm>>)
    %add3A_959 = arith.constant 25088 : i32
    %add3A_960 = arith.addi %mul3A_2, %add3A_959 : i32
    %jit3A_961 = arith.constant 2 : i32
    %div3A_962 = arith.divsi %add3A_960, %jit3A_961 : i32
    %sign3A_963 = arith.constant 0 : i32
    %sign3A_964 = arith.cmpi sgt, %add3A_960, %sign3A_963 : i32
    %sign3A_965 = arith.extui %sign3A_964 : i1 to i32
    %sign3A_966 = arith.constant 0 : i32
    %sign3A_967 = arith.cmpi slt, %add3A_960, %sign3A_966 : i32
    %sign3A_968 = arith.extui %sign3A_967 : i1 to i32
    %sign3A_969 = arith.subi %sign3A_965, %sign3A_968 : i32
    %sign3A_970 = arith.constant 0 : i32
    %sign3A_971 = arith.cmpi sgt, %jit3A_961, %sign3A_970 : i32
    %sign3A_972 = arith.extui %sign3A_971 : i1 to i32
    %sign3A_973 = arith.constant 0 : i32
    %sign3A_974 = arith.cmpi slt, %jit3A_961, %sign3A_973 : i32
    %sign3A_975 = arith.extui %sign3A_974 : i1 to i32
    %sign3A_976 = arith.subi %sign3A_972, %sign3A_975 : i32
    %ne3A_977 = arith.cmpi ne, %sign3A_969, %sign3A_976 : i32
    %rem3A_978 = arith.remsi %add3A_960, %jit3A_961 : i32
    %ne3A_979 = arith.constant 0 : i32
    %ne3A_980 = arith.cmpi ne, %rem3A_978, %ne3A_979 : i32
    %and3A_981 = arith.andi %ne3A_977, %ne3A_980 : i1
    %sub3A_982 = arith.constant 1 : i32
    %sub3A_983 = arith.subi %div3A_962, %sub3A_982 : i32
    %select_n3A_984 = arith.select %and3A_981, %sub3A_983, %div3A_962 : i32
    %multiple_of3A_985 = tpu.assume_multiple %select_n3A_984, 128 : i32
    %dma_wait3A_986 = arith.constant 3 : i32
    %dma_wait3A_987 = arith.constant 1 : i32
    %dma_wait3A_988 = arith.constant 3 : i32
    %dma_wait3A_989 = arith.constant 0 : i32
    %dma_wait3A_990 = arith.constant 0 : i32
    %dma_wait3A_991 = tpu.memref_slice %arg7[%dma_wait3A_986, %dma_wait3A_987, %dma_wait3A_989, %dma_wait3A_990] : memref<5x2x128x64xf32, #tpu.memory_space<vmem>> -> memref<1x1x128x64xf32, #tpu.memory_space<vmem>>
    %dma_wait3A_992 = tpu.memref_squeeze %dma_wait3A_991 : memref<1x1x128x64xf32, #tpu.memory_space<vmem>> -> memref<128x64xf32, #tpu.memory_space<vmem>>
    %dma_wait3A_993 = arith.constant 64 : i32
    %dma_wait3A_994 = tpu.memref_slice %arg4[%multiple_of3A_985, %dma_wait3A_993] : memref<409600x128xf32, #tpu.memory_space<hbm>> -> memref<128x64xf32, #tpu.memory_space<hbm>>
    %dma_wait3A_995 = tpu.memref_slice %arg9[%dma_wait3A_988] : memref<5x!tpu.dma_semaphore, #tpu.memory_space<semaphore_mem>> -> memref<1x!tpu.dma_semaphore, #tpu.memory_space<semaphore_mem>>
    %dma_wait3A_996 = tpu.memref_squeeze %dma_wait3A_995 : memref<1x!tpu.dma_semaphore, #tpu.memory_space<semaphore_mem>> -> memref<!tpu.dma_semaphore, #tpu.memory_space<semaphore_mem>>
    %dma_wait3A_997 = arith.constant 64 : i32
    %dma_wait3A_998 = tpu.memref_slice %arg4[%multiple_of3A_985, %dma_wait3A_997] : memref<409600x128xf32, #tpu.memory_space<hbm>> -> memref<128x64xf32, #tpu.memory_space<hbm>>
    %dma_wait3A_999 = arith.constant 0 : i32
    %dma_wait3A_1000 = arith.constant 0 : i32
    %dma_wait3A_1001 = tpu.memref_slice %arg7[%dma_wait3A_986, %dma_wait3A_987, %dma_wait3A_999, %dma_wait3A_1000] : memref<5x2x128x64xf32, #tpu.memory_space<vmem>> -> memref<1x1x128x64xf32, #tpu.memory_space<vmem>>
    %dma_wait3A_1002 = tpu.memref_squeeze %dma_wait3A_1001 : memref<1x1x128x64xf32, #tpu.memory_space<vmem>> -> memref<128x64xf32, #tpu.memory_space<vmem>>
    tpu.wait_dma2 semaphore(%dma_wait3A_996 : memref<!tpu.dma_semaphore, #tpu.memory_space<semaphore_mem>>) src(%dma_wait3A_1002 : memref<128x64xf32, #tpu.memory_space<vmem>>) dst(%dma_wait3A_998 : memref<128x64xf32, #tpu.memory_space<hbm>>)
    %add3A_1003 = arith.constant 25344 : i32
    %add3A_1004 = arith.addi %mul3A_2, %add3A_1003 : i32
    %jit3A_1005 = arith.constant 2 : i32
    %div3A_1006 = arith.divsi %add3A_1004, %jit3A_1005 : i32
    %sign3A_1007 = arith.constant 0 : i32
    %sign3A_1008 = arith.cmpi sgt, %add3A_1004, %sign3A_1007 : i32
    %sign3A_1009 = arith.extui %sign3A_1008 : i1 to i32
    %sign3A_1010 = arith.constant 0 : i32
    %sign3A_1011 = arith.cmpi slt, %add3A_1004, %sign3A_1010 : i32
    %sign3A_1012 = arith.extui %sign3A_1011 : i1 to i32
    %sign3A_1013 = arith.subi %sign3A_1009, %sign3A_1012 : i32
    %sign3A_1014 = arith.constant 0 : i32
    %sign3A_1015 = arith.cmpi sgt, %jit3A_1005, %sign3A_1014 : i32
    %sign3A_1016 = arith.extui %sign3A_1015 : i1 to i32
    %sign3A_1017 = arith.constant 0 : i32
    %sign3A_1018 = arith.cmpi slt, %jit3A_1005, %sign3A_1017 : i32
    %sign3A_1019 = arith.extui %sign3A_1018 : i1 to i32
    %sign3A_1020 = arith.subi %sign3A_1016, %sign3A_1019 : i32
    %ne3A_1021 = arith.cmpi ne, %sign3A_1013, %sign3A_1020 : i32
    %rem3A_1022 = arith.remsi %add3A_1004, %jit3A_1005 : i32
    %ne3A_1023 = arith.constant 0 : i32
    %ne3A_1024 = arith.cmpi ne, %rem3A_1022, %ne3A_1023 : i32
    %and3A_1025 = arith.andi %ne3A_1021, %ne3A_1024 : i1
    %sub3A_1026 = arith.constant 1 : i32
    %sub3A_1027 = arith.subi %div3A_1006, %sub3A_1026 : i32
    %select_n3A_1028 = arith.select %and3A_1025, %sub3A_1027, %div3A_1006 : i32
    %multiple_of3A_1029 = tpu.assume_multiple %select_n3A_1028, 128 : i32
    %dma_wait3A_1030 = arith.constant 4 : i32
    %dma_wait3A_1031 = arith.constant 0 : i32
    %dma_wait3A_1032 = arith.constant 4 : i32
    %dma_wait3A_1033 = arith.constant 0 : i32
    %dma_wait3A_1034 = arith.constant 0 : i32
    %dma_wait3A_1035 = tpu.memref_slice %arg7[%dma_wait3A_1030, %dma_wait3A_1031, %dma_wait3A_1033, %dma_wait3A_1034] : memref<5x2x128x64xf32, #tpu.memory_space<vmem>> -> memref<1x1x128x64xf32, #tpu.memory_space<vmem>>
    %dma_wait3A_1036 = tpu.memref_squeeze %dma_wait3A_1035 : memref<1x1x128x64xf32, #tpu.memory_space<vmem>> -> memref<128x64xf32, #tpu.memory_space<vmem>>
    %dma_wait3A_1037 = arith.constant 0 : i32
    %dma_wait3A_1038 = tpu.memref_slice %arg4[%multiple_of3A_1029, %dma_wait3A_1037] : memref<409600x128xf32, #tpu.memory_space<hbm>> -> memref<128x64xf32, #tpu.memory_space<hbm>>
    %dma_wait3A_1039 = tpu.memref_slice %arg9[%dma_wait3A_1032] : memref<5x!tpu.dma_semaphore, #tpu.memory_space<semaphore_mem>> -> memref<1x!tpu.dma_semaphore, #tpu.memory_space<semaphore_mem>>
    %dma_wait3A_1040 = tpu.memref_squeeze %dma_wait3A_1039 : memref<1x!tpu.dma_semaphore, #tpu.memory_space<semaphore_mem>> -> memref<!tpu.dma_semaphore, #tpu.memory_space<semaphore_mem>>
    %dma_wait3A_1041 = arith.constant 0 : i32
    %dma_wait3A_1042 = tpu.memref_slice %arg4[%multiple_of3A_1029, %dma_wait3A_1041] : memref<409600x128xf32, #tpu.memory_space<hbm>> -> memref<128x64xf32, #tpu.memory_space<hbm>>
    %dma_wait3A_1043 = arith.constant 0 : i32
    %dma_wait3A_1044 = arith.constant 0 : i32
    %dma_wait3A_1045 = tpu.memref_slice %arg7[%dma_wait3A_1030, %dma_wait3A_1031, %dma_wait3A_1043, %dma_wait3A_1044] : memref<5x2x128x64xf32, #tpu.memory_space<vmem>> -> memref<1x1x128x64xf32, #tpu.memory_space<vmem>>
    %dma_wait3A_1046 = tpu.memref_squeeze %dma_wait3A_1045 : memref<1x1x128x64xf32, #tpu.memory_space<vmem>> -> memref<128x64xf32, #tpu.memory_space<vmem>>
    tpu.wait_dma2 semaphore(%dma_wait3A_1040 : memref<!tpu.dma_semaphore, #tpu.memory_space<semaphore_mem>>) src(%dma_wait3A_1046 : memref<128x64xf32, #tpu.memory_space<vmem>>) dst(%dma_wait3A_1042 : memref<128x64xf32, #tpu.memory_space<hbm>>)
    %add3A_1047 = arith.constant 25344 : i32
    %add3A_1048 = arith.addi %mul3A_2, %add3A_1047 : i32
    %jit3A_1049 = arith.constant 2 : i32
    %div3A_1050 = arith.divsi %add3A_1048, %jit3A_1049 : i32
    %sign3A_1051 = arith.constant 0 : i32
    %sign3A_1052 = arith.cmpi sgt, %add3A_1048, %sign3A_1051 : i32
    %sign3A_1053 = arith.extui %sign3A_1052 : i1 to i32
    %sign3A_1054 = arith.constant 0 : i32
    %sign3A_1055 = arith.cmpi slt, %add3A_1048, %sign3A_1054 : i32
    %sign3A_1056 = arith.extui %sign3A_1055 : i1 to i32
    %sign3A_1057 = arith.subi %sign3A_1053, %sign3A_1056 : i32
    %sign3A_1058 = arith.constant 0 : i32
    %sign3A_1059 = arith.cmpi sgt, %jit3A_1049, %sign3A_1058 : i32
    %sign3A_1060 = arith.extui %sign3A_1059 : i1 to i32
    %sign3A_1061 = arith.constant 0 : i32
    %sign3A_1062 = arith.cmpi slt, %jit3A_1049, %sign3A_1061 : i32
    %sign3A_1063 = arith.extui %sign3A_1062 : i1 to i32
    %sign3A_1064 = arith.subi %sign3A_1060, %sign3A_1063 : i32
    %ne3A_1065 = arith.cmpi ne, %sign3A_1057, %sign3A_1064 : i32
    %rem3A_1066 = arith.remsi %add3A_1048, %jit3A_1049 : i32
    %ne3A_1067 = arith.constant 0 : i32
    %ne3A_1068 = arith.cmpi ne, %rem3A_1066, %ne3A_1067 : i32
    %and3A_1069 = arith.andi %ne3A_1065, %ne3A_1068 : i1
    %sub3A_1070 = arith.constant 1 : i32
    %sub3A_1071 = arith.subi %div3A_1050, %sub3A_1070 : i32
    %select_n3A_1072 = arith.select %and3A_1069, %sub3A_1071, %div3A_1050 : i32
    %multiple_of3A_1073 = tpu.assume_multiple %select_n3A_1072, 128 : i32
    %dma_wait3A_1074 = arith.constant 4 : i32
    %dma_wait3A_1075 = arith.constant 1 : i32
    %dma_wait3A_1076 = arith.constant 4 : i32
    %dma_wait3A_1077 = arith.constant 0 : i32
    %dma_wait3A_1078 = arith.constant 0 : i32
    %dma_wait3A_1079 = tpu.memref_slice %arg7[%dma_wait3A_1074, %dma_wait3A_1075, %dma_wait3A_1077, %dma_wait3A_1078] : memref<5x2x128x64xf32, #tpu.memory_space<vmem>> -> memref<1x1x128x64xf32, #tpu.memory_space<vmem>>
    %dma_wait3A_1080 = tpu.memref_squeeze %dma_wait3A_1079 : memref<1x1x128x64xf32, #tpu.memory_space<vmem>> -> memref<128x64xf32, #tpu.memory_space<vmem>>
    %dma_wait3A_1081 = arith.constant 64 : i32
    %dma_wait3A_1082 = tpu.memref_slice %arg4[%multiple_of3A_1073, %dma_wait3A_1081] : memref<409600x128xf32, #tpu.memory_space<hbm>> -> memref<128x64xf32, #tpu.memory_space<hbm>>
    %dma_wait3A_1083 = tpu.memref_slice %arg9[%dma_wait3A_1076] : memref<5x!tpu.dma_semaphore, #tpu.memory_space<semaphore_mem>> -> memref<1x!tpu.dma_semaphore, #tpu.memory_space<semaphore_mem>>
    %dma_wait3A_1084 = tpu.memref_squeeze %dma_wait3A_1083 : memref<1x!tpu.dma_semaphore, #tpu.memory_space<semaphore_mem>> -> memref<!tpu.dma_semaphore, #tpu.memory_space<semaphore_mem>>
    %dma_wait3A_1085 = arith.constant 64 : i32
    %dma_wait3A_1086 = tpu.memref_slice %arg4[%multiple_of3A_1073, %dma_wait3A_1085] : memref<409600x128xf32, #tpu.memory_space<hbm>> -> memref<128x64xf32, #tpu.memory_space<hbm>>
    %dma_wait3A_1087 = arith.constant 0 : i32
    %dma_wait3A_1088 = arith.constant 0 : i32
    %dma_wait3A_1089 = tpu.memref_slice %arg7[%dma_wait3A_1074, %dma_wait3A_1075, %dma_wait3A_1087, %dma_wait3A_1088] : memref<5x2x128x64xf32, #tpu.memory_space<vmem>> -> memref<1x1x128x64xf32, #tpu.memory_space<vmem>>
    %dma_wait3A_1090 = tpu.memref_squeeze %dma_wait3A_1089 : memref<1x1x128x64xf32, #tpu.memory_space<vmem>> -> memref<128x64xf32, #tpu.memory_space<vmem>>
    tpu.wait_dma2 semaphore(%dma_wait3A_1084 : memref<!tpu.dma_semaphore, #tpu.memory_space<semaphore_mem>>) src(%dma_wait3A_1090 : memref<128x64xf32, #tpu.memory_space<vmem>>) dst(%dma_wait3A_1086 : memref<128x64xf32, #tpu.memory_space<hbm>>)
    return
  }
}

</mosaic_0001>

<sc_bundles>
// kernel: kernel.3.cloned.1.call-start
scs
__scs_entry_jumppad:
0x0: {  	(pc) =	sbr.rel $0x88, $3  }
0x1: {  	(tag) =	ssettag $0x0;
	lr =	simm.s32 $0x1  }
0x2: {  	[smem:$0x3F9F] =	sst lr;
	_ =	strace $0xD0000000  }
0x3: {  	_ = 	snop  }
0x4: {  	_ = 	snop  }
0x5: {  	_ = 	snop  }
0x6: {  	_ = 	snop  }
0x7: {  	_ = 	snop  }
__scs_overlays_trampoline_lowered:
0x8: {  	[smem:$0x3FAE] =	sst s0  }
0x9: {  	[smem:$0x3FAF] =	sst s1  }
0xa: {  	[smem:$0x3FB0] =	sst s2  }
0xb: {  	[smem:$0x3FB1] =	sst s3  }
0xc: {  	[smem:$0x3FB2] =	sst s4  }
0xd: {  	[smem:$0x3FB3] =	sst s5  }
0xe: {  	[smem:$0x3FB4] =	sst s6  }
0xf: {  	[smem:$0x3FB5] =	sst s7  }
0x10: {  	[smem:$0x3FB6] =	sst s8  }
0x11: {  	[smem:$0x3FB7] =	sst s9;
	s0 =	simm.s32 @!p0 $0x0  }
0x12: {  	s1 =	sld [smem:$0x3F9D];
	s0 =	simm.s32 @p0 $0x1  }
0x13: {  	[smem:$0x3FB8] =	sst s0;
	s0 =	simm.s32 @!p1 $0x0  }
0x14: {  	s2 =	sld [smem:$0x3F9C];
	s0 =	simm.s32 @p1 $0x1  }
0x15: {  	[smem:$0x3FB9] =	sst s0;
	s0 =	simm.s32 @!p2 $0x0  }
0x16: {  	s3 =	sld [smem:$0x3FDB];
	s0 =	simm.s32 @p2 $0x1  }
0x17: {  	s4 =	simm.s32 $0x1BF5;
	[smem:$0x3FBB] =	sst s0  }
0x18: {  	s0 =	sld [smem:$0x3F9E];
	_ =	swait.ge [sflag:s4], $0x0  }
0x19: {  	s7 =	sld [smem:$0x3F9F]  }
0x1a: {  	s8 =	sadd.s32 $0xFFFFE003, lr  }
0x1b: {  	s9 =	sadd.s32 $0xFFFFFEF7, lr;
	s5 =	simm.s32 $0xFFFFFFFF;
	p2 =	slt.u32 s8, $0xFFFFF086  }
0x1c: {  	p1 =	slt.u32 s9, $0xF7A;
	s5 =	simm.s32 @!p2 $0x0  }
0x1d: {  	s5 =	simm.s32 @p1 $0x1;
	p0 =	seq.s32 s7, s2  }
0x1e: {  	s7 =	smul.u32 @!p0 $0xF7A, s2;
	p2 =	seq.s32 @!p0 s5, $0x0  }
0x1f: {  	s9 =	smul.u32 $0xF7A, s1;
	s8 =	simm.s32 @!p0 $0x1BF5;
	p2 =	por !p2, p0  }
0x20: {  	[sflag:s8] =	ssyncset.s32 @!p0 $0xFFFFF086;
	s6 =	sadd.s32 @!p0 s3, s7;
	s7 =	simm.s32 @!p0 $0x108  }
0x21: {  	s3 =	sadd.s32 s3, s9;
	s6 =	sadd.s32 @!p0 $0x88, s6;
	s7 =	simm.s32 @p2 $0x1082  }
0x22: {  	[simem:s7], [sflag:s8] =	dma.local @!p0 [hbm:s6], $0xF7A  }
0x23: {  	s9 =	sor.u32 $0xD0000000, s2;
	s6 =	simm.s32 $0x108;
	_ =	swait.ge @!p0 [sflag:s8], $0x0  }
0x24: {  	s3 =	sadd.s32 $0x88, s3;
	s6 =	simm.s32 @!p1 $0x1082;
	[sflag:s4] =	ssyncset.s32 $0xFFFFF086  }
0x25: {  	[simem:s6], [sflag:s4] =	dma.local [hbm:s3], $0xF7A  }
0x26: {  	[smem:$0x3F9F] =	sst s1;
	(tag) =	ssettag s2;
	_ =	strace s9  }
0x27: {  	s1 =	sld [smem:$0x3FAF]  }
0x28: {  	s2 =	sld [smem:$0x3FB0]  }
0x29: {  	s4 =	sld [smem:$0x3FB2]  }
0x2a: {  	p0 =	seq.s32 s5, $0x0;
	s5 =	sld [smem:$0x3FB3]  }
0x2b: {  	s6 =	sld [smem:$0x3FB4]  }
0x2c: {  	s7 =	sld [smem:$0x3FB5]  }
0x2d: {  	s3 =	simm.s32 $0x108;
	s8 =	sld [smem:$0x3FB6]  }
0x2e: {  	s3 =	simm.s32 @!p0 $0x1082;
	s9 =	sld [smem:$0x3FB7]  }
0x2f: {  	lr =	sadd.s32 s0, s3;
	s0 =	sld [smem:$0x3FAE]  }
0x30: {  	s3 =	sld [smem:$0x3FB1]  }
0x31: {  	[smem:$0x3FBA] =	sst s10  }
0x32: {  	s10 =	sld [smem:$0x3FB8];
	_ =	sdelay $0x3  }
0x33: {  	p0 =	seq.s32 s10, $0x1;
	s10 =	sld [smem:$0x3FBA];
	_ =	sdelay $0x3  }
0x34: {  	[smem:$0x3FBA] =	sst s10  }
0x35: {  	s10 =	sld [smem:$0x3FB9];
	_ =	sdelay $0x3  }
0x36: {  	p1 =	seq.s32 s10, $0x1;
	s10 =	sld [smem:$0x3FBA];
	_ =	sdelay $0x3  }
0x37: {  	[smem:$0x3FBA] =	sst s10  }
0x38: {  	s10 =	sld [smem:$0x3FBB]  }
0x39: {  	_ = 	snop;
	(pc) =	sbr.ind lr, $3  }
0x3a: {  	_ = 	snop  }
0x3b: {  	_ = 	snop  }
0x3c: {  	p2 =	seq.s32 s10, $0x1;
	s10 =	sld [smem:$0x3FBA]  }
0x3d: {  	_ =	shalt  }
0x3e: {  	_ =	shalt  }
0x3f: {  	_ =	shalt  }
0x40: {  	_ =	shalt  }
0x41: {  	_ =	shalt  }
0x42: {  	_ =	shalt  }
0x43: {  	_ =	shalt  }
0x44: {  	_ =	shalt  }
0x45: {  	_ =	shalt  }
0x46: {  	_ =	shalt  }
0x47: {  	_ =	shalt  }
0x48: {  	_ =	shalt  }
0x49: {  	_ =	shalt  }
0x4a: {  	_ =	shalt  }
0x4b: {  	_ =	shalt  }
0x4c: {  	_ =	shalt  }
0x4d: {  	_ =	shalt  }
0x4e: {  	_ =	shalt  }
0x4f: {  	_ =	shalt  }
0x50: {  	_ =	shalt  }
0x51: {  	_ =	shalt  }
0x52: {  	_ =	shalt  }
0x53: {  	_ =	shalt  }
0x54: {  	_ =	shalt  }
0x55: {  	_ =	shalt  }
0x56: {  	_ =	shalt  }
0x57: {  	_ =	shalt  }
0x58: {  	_ =	shalt  }
0x59: {  	_ =	shalt  }
0x5a: {  	_ =	shalt  }
0x5b: {  	_ =	shalt  }
0x5c: {  	_ =	shalt  }
0x5d: {  	_ =	shalt  }
0x5e: {  	_ =	shalt  }
0x5f: {  	_ =	shalt  }
0x60: {  	_ =	shalt  }
0x61: {  	_ =	shalt  }
0x62: {  	_ =	shalt  }
0x63: {  	_ =	shalt  }
0x64: {  	_ =	shalt  }
0x65: {  	_ =	shalt  }
0x66: {  	_ =	shalt  }
0x67: {  	_ =	shalt  }
0x68: {  	_ =	shalt  }
0x69: {  	_ =	shalt  }
0x6a: {  	_ =	shalt  }
0x6b: {  	_ =	shalt  }
0x6c: {  	_ =	shalt  }
0x6d: {  	_ =	shalt  }
0x6e: {  	_ =	shalt  }
0x6f: {  	_ =	shalt  }
0x70: {  	_ =	shalt  }
0x71: {  	_ =	shalt  }
0x72: {  	_ =	shalt  }
0x73: {  	_ =	shalt  }
0x74: {  	_ =	shalt  }
0x75: {  	_ =	shalt  }
0x76: {  	_ =	shalt  }
0x77: {  	_ =	shalt  }
0x78: {  	_ =	shalt  }
0x79: {  	_ =	shalt  }
0x7a: {  	_ =	shalt  }
0x7b: {  	_ =	shalt  }
0x7c: {  	_ =	shalt  }
0x7d: {  	_ =	shalt  }
0x7e: {  	_ =	shalt  }
0x7f: {  	_ =	shalt  }
0x80: {  	_ =	shalt  }
0x81: {  	_ =	shalt  }
0x82: {  	_ =	shalt  }
0x83: {  	_ =	shalt  }
0x84: {  	_ =	shalt  }
0x85: {  	_ =	shalt  }
0x86: {  	_ =	shalt  }
0x87: {  	_ =	shalt  }
.Lfunc_end0:
.L_simem_size_0:
called_computation.1_lowered:
.L_overlay_start_0:
0x88: {  	s2 =	sld [smem:$0x3FD9]  }
0x89: {  	s3 =	sld [smem:$0x3FFE];
	_ =	sdelay $0x1  }
0x8a: {  	s1 =	srdreg.scid  }
0x8b: {  	s0 =	sand.u32 $0x1, s1  }
0x8c: {  	s17 =	sshll.u32 s0, $0xA;
	s2 =	sadd.s32 s3, s2  }
0x8d: {  	s2 =	sadd.s32 s2, s17  }
0x8e: {  	[smem:$0x3FC6] =	sst s2  }
0x8f: {  	_ = 	snop  }
0x90: {  	s2 =	sld [smem:$0x3FD0];
	(tm) =	ssettm $0x1  }
0x91: {  	s18 =	sld [smem:$0x3FFB];
	_ =	sdelay $0x3  }
0x92: {  	_ =	strace s18  }
0x93: {  	s3 =	sld [smem:$0x3FFC];
	_ =	sdelay $0x3  }
0x94: {  	_ =	strace s3  }
0x95: {  	s3 =	sld [smem:$0x3FFD];
	_ =	sdelay $0x3  }
0x96: {  	_ =	strace s3  }
0x97: {  	_ =	strace $0x8FFFFFFF  }
0x98: {  	s19 =	sld [smem:$0x3FDB];
	_ =	sdelay $0x1  }
0x99: {  	s4 =	simm.s32 $_scs_section_size  }
0x9a: {  	s5 =	simm.s32 $_size__tile_overlayer_lowered;
	s6 =	simm.s32 $_tile_overlayer_lowered  }
0x9b: {  	s22 =	simm.s32 $0x1BFF;
	s21 =	sshll.u32 s6, $0x1;
	s3 =	sadd.s32 s4, s19  }
0x9c: {  	s7 =	simm.s32 $0x0;
	s20 =	sshll.u32 s5, $0x1;
	s5 =	sadd.s32 s21, s3  }
0x9d: {  	[timem:s7], [sflag:s22] =	dma.local [hbm:s5], s20  }
0x9e: {  	_ =	swait.ge [sflag:s22], s20  }
0x9f: {  	s4 =	ssub.s32 $0x0, s20;
	[sflag:s22] =	ssyncset.done $0x0  }
0xa0: {  	[sflag:s22] =	ssyncadd.s32 s4;
	_ =	sdelay $0x1  }
0xa1: {  	s23 =	simm.s32 $0x1B8B  }
0xa2: {  	_ =	swait.ge [sflag:s23], $0x1  }
0xa3: {  	[sflag:s23] =	ssyncset.done $0x0  }
0xa4: {  	s25 =	simm.s32 $0x1B8E;
	s24 =	sld [smem:$0x3FFE];
	[sflag:s23] =	ssyncadd.s32 $0xFFFFFFFF  }
0xa5: {  	s26 =	simm.s32 $execute0_lowered;
	[smem:$0x3FD2] =	sst s25  }
0xa6: {  	s5 =	sshll.u32 s26, $0x1;
	_ =	strace $0x80000046;
	[dreg:$0x1] =	wrdreg $0xFFFFFFFF  }
0xa7: {  	s28 =	simm.s32 $_size_execute0_lowered;
	s3 =	sadd.s32 s3, s5;
	[dreg:$0x0] =	wrdreg $0x0  }
0xa8: {  	s5 =	sshll.u32 s28, $0x1;
	[dreg:$0x2] =	wrdreg s3  }
0xa9: {  	[dreg:$0x3] =	wrdreg s5  }
0xaa: {  	[dreg:$0x4] =	wrdreg $0xC0  }
0xab: {  	_ =	task [dreg:s7], $0x5FFFF  }
0xac: {  	[dreg:$0x1] =	wrdreg $0xFFFFFFFF  }
0xad: {  	[dreg:$0x0] =	wrdreg $0x60  }
0xae: {  	[dreg:$0x2] =	wrdreg s24  }
0xaf: {  	[dreg:$0x3] =	wrdreg s2  }
0xb0: {  	[dreg:$0x4] =	wrdreg $0x9  }
0xb1: {  	_ =	task.clear_ibuf [dreg:s7], $0x5FFFF;
	_ =	strace $0x90000046  }
0xb2: {  	s29 =	simm.s32 $0x9;
	_ =	strace $0x80000048  }
0xb3: {  	_ =	swait.ge [sflag:s29], $0x1  }
0xb4: {  	[sflag:s29] =	ssyncadd.s32 $0xFFFFFFFF  }
0xb5: {  	_ =	strace $0x90000048  }
0xb6: {  	_ =	sfence  }
0xb7: {  	s30 =	sld [smem:$0x0];
	_ =	sdelay $0x2  }
0xb8: {  	s31 =	sshll.u32 s1, $0xD;
	s1 =	sshrl.u32 s1, $0x2  }
0xb9: {  	s3 =	sand.u32 $0x4000, s31;
	s1 =	sadd.s32 s1, s30  }
0xba: {  	s0 =	sor.u32 s3, s0;
	s1 =	sshll.u32 s1, $0x11  }
0xbb: {  	s0 =	sor.u32 s1, s0  }
0xbc: {  	s0 =	sadd.s32 $0x8F2B, s0  }
0xbd: {  	[sflag:s0] =	ssyncadd.remote.s32 $0x1  }
0xbe: {  	_ =	sfence.sel $0xFFFF  }
0xbf: {  	[dreg:$0x0] =	wrdreg $0xFFFFFFFF;
	(pc) =	sbr.abs _section_cstart, $3  }
0xc0: {  	[dreg:$0x1] =	wrdreg $0xFFFFFFFF  }
0xc1: {  	_ =	task.clear_ibuf [dreg:s7], $0x2FFFF;
	_ =	strace $0x9FFFFFFF  }
0xc2: {  	(tm) =	ssettm $0x7FFFFFFF  }
0xc3: {  	_ =	shalt  }
tec
execute0_lowered:
.L_overlay_start_1:
0x0: {  	(tag) =	ssettag $0x1  }
0x1: {  	s0 =	srdreg.scid;
	s1 =	rddreg [dreg:$0x0]  }
0x2: {  	s10 =	stileid.u32;
	s2 =	rddreg [dreg:$0x1]  }
0x3: {  	s19 =	simm.s32 $0x80;
	s21 =	simm.s32 $0x6900;
	s28 =	simm.s32 $0xC900  }
0x4: {  	s30 =	simm.s32 $0xE900;
	s12 =	simm.s32 $0x1;
	s13 =	simm.s32 $0x40  }
0x5: {  	s17 =	simm.s32 $0x18900;
	s18 =	simm.s32 $0x2;
	s20 =	simm.s32 $0x3  }
0x6: {  	s0 =	sand.u32 $0x1, s0;
	s3 =	sshll.u32 s10, $0x1;
	s10 =	smul.u32 $0x64000, s10  }
0x7: {  	s5 =	sor.u32 s0, s3;
	s7 =	ssub.s32 $0x2, s0;
	s0 =	smul.u32 $0x32000, s0  }
0x8: {  	s22 =	simm.s32 $0x6;
	s3 =	simm.s32 $0x0;
	s4 =	smul.u32 $0x6400, s5  }
0x9: {  	[smem:$0x7FF] =	sst s3;
	s5 =	smul.u32 $0x190000, s5;
	s9 =	sshrl.u32 s7, $0x1  }
0xa: {  	_ =	strace $0x80000047;
	s23 =	ssub.s32 s7, s9;
	s0 =	sadd.s32 s0, s10  }
0xb: {  	s6 =	sshrl.u32 s4, $0x3;
	s24 =	sshrl.u32 s5, $0x3;
	[dreg:$0xb] =	wrdreg s0  }
0xc: {  	s8 =	sadd.s32 s6, s1;
	s6 =	sadd.s32 $0xF42E00, s1;
	s1 =	smax.u32 s23, $0x1  }
0xd: {  	v0 =	vlaneseq.u32;
	s7 =	sadd.s32 s2, s24;
	s8 =	sadd.s32 $0xA00, s8;
	[dreg:$0xa] =	wrdreg s1  }
0xe: {  	v0 =	vmul.u32 $0x2, v0;
	s10 =	simm.s32 $0x0;
	s11 =	sadd.s32 $0x30800, s7;
	[dreg:$0x3] =	wrdreg s8  }
0xf: {  	s9 =	sadd.s32 $0x3FFFF00, s4;
	s25 =	sadd.s32 $0x30808, s7;
	[dreg:$0x4] =	wrdreg s11  }
.Ltmp0:
0x10: {  	v1 =	vor.u32 $0x20, v0;
	v2 =	vor.u32 $0x40, v0;
	v3 =	vor.u32 $0x60, v0;
	s26 =	sadd.s32 $0x31000, s7;
	[dreg:$0x5] =	wrdreg s25;
	(pc) =	sbr.rel .LBB2_1-.Ltmp0, $4  }
0x11: {  	v4 =	vor.u32 $0x80, v0;
	v5 =	vor.u32 $0xA0, v0;
	v6 =	vor.u32 $0xC0, v0;
	s23 =	simm.s32 $0x8900;
	s29 =	sadd.s32 $0x31008, s7;
	[dreg:$0x6] =	wrdreg s26  }
0x12: {  	v7 =	vor.u32 $0xE0, v0;
	v8 =	vor.u32 $0x1, v0;
	v9 =	vor.u32 $0x21, v0;
	s24 =	simm.s32 $0x7;
	s31 =	sadd.s32 $0x31800, s7;
	[dreg:$0x7] =	wrdreg s29  }
0x13: {  	v10 =	vor.u32 $0x41, v0;
	v11 =	vor.u32 $0x61, v0;
	v12 =	vor.u32 $0x81, v0;
	s7 =	sadd.s32 $0x31808, s7;
	s1 =	simm.s32 $0x10900;
	[dreg:$0x8] =	wrdreg s31  }
0x14: {  	v13 =	vor.u32 $0xA1, v0;
	v14 =	vor.u32 $0xC1, v0;
	v15 =	vor.u32 $0xE1, v0;
	s8 =	sadd.s32 $0x8, s2;
	[dreg:$0x9] =	wrdreg s7;
	s25 =	simm.s32 $0xA900  }
.LBB2_6:
0x15: {  	_ =	swait.ge [sflag:s20], $0x2000  }
0x16: {  	[sflag:s20] =	ssyncset.done $0x0  }
0x17: {  	[sflag:s20] =	ssyncadd.s32 $0xFFFFE000  }
0x18: {  	_ =	swait.ge [sflag:s20], $0x2000  }
0x19: {  	[sflag:s20] =	ssyncset.done $0x0  }
0x1a: {  	s0 =	rddreg [dreg:$0x4];
	[sflag:s20] =	ssyncadd.s32 $0xFFFFE000  }
0x1b: {  	[hbm4b:s0+s13] =	stream.strided.scatter [tilespmem:s30], [sflag:$0x8], $0x2000, s19, s13, $0x38;
	[tilespmem:$0x1A900] =	vst v63  }
0x1c: {  	s16 =	simm.s32 $0x4;
	s15 =	rddreg [dreg:$0x5]  }
0x1d: {  	[hbm4b:s15+s13] =	stream.strided.scatter [tilespmem:s1], [sflag:$0x8], $0x2000, s19, s13, $0x38;
	[tilespmem:$0x1A900] =	vst v63  }
0x1e: {  	_ =	swait.ge [sflag:s16], $0x2000  }
0x1f: {  	[sflag:s16] =	ssyncset.done $0x0  }
0x20: {  	[sflag:s16] =	ssyncadd.s32 $0xFFFFE000  }
0x21: {  	_ =	swait.ge [sflag:s16], $0x2000  }
0x22: {  	[sflag:s16] =	ssyncset.done $0x0  }
0x23: {  	s7 =	simm.s32 $0x12900;
	s26 =	rddreg [dreg:$0x6];
	[sflag:s16] =	ssyncadd.s32 $0xFFFFE000  }
0x24: {  	[hbm4b:s26+s13] =	stream.strided.scatter [tilespmem:s7], [sflag:$0x9], $0x2000, s19, s13, $0x38;
	[tilespmem:$0x1A900] =	vst v63  }
0x25: {  	s31 =	simm.s32 $0x14900;
	s10 =	simm.s32 $0x5;
	s29 =	rddreg [dreg:$0x7]  }
0x26: {  	[hbm4b:s29+s13] =	stream.strided.scatter [tilespmem:s31], [sflag:$0x9], $0x2000, s19, s13, $0x38;
	[tilespmem:$0x1A900] =	vst v63  }
0x27: {  	_ =	swait.ge [sflag:s10], $0x2000  }
0x28: {  	[sflag:s10] =	ssyncset.done $0x0  }
0x29: {  	[sflag:s10] =	ssyncadd.s32 $0xFFFFE000  }
0x2a: {  	_ =	swait.ge [sflag:s10], $0x2000  }
0x2b: {  	[sflag:s10] =	ssyncset.done $0x0  }
0x2c: {  	s14 =	simm.s32 $0x16900;
	s11 =	rddreg [dreg:$0x8];
	[sflag:s10] =	ssyncadd.s32 $0xFFFFE000  }
0x2d: {  	[hbm4b:s11+s13] =	stream.strided.scatter [tilespmem:s14], [sflag:$0xA], $0x2000, s19, s13, $0x38;
	[tilespmem:$0x1A900] =	vst v63  }
0x2e: {  	s15 =	rddreg [dreg:$0x9]  }
0x2f: {  	[hbm4b:s15+s13] =	stream.strided.scatter [tilespmem:s17], [sflag:$0xA], $0x2000, s19, s13, $0x38;
	[tilespmem:$0x1A900] =	vst v63  }
0x30: {  	_ =	swait.ge [sflag:s22], $0x2000  }
0x31: {  	[sflag:s22] =	ssyncset.done $0x0  }
0x32: {  	[sflag:s22] =	ssyncadd.s32 $0xFFFFE000  }
0x33: {  	_ =	swait.ge [sflag:s22], $0x2000  }
0x34: {  	[sflag:s22] =	ssyncset.done $0x0  }
0x35: {  	[sflag:s22] =	ssyncadd.s32 $0xFFFFE000  }
0x36: {  	_ =	swait.ge [sflag:s24], $0x2000  }
0x37: {  	[sflag:s24] =	ssyncset.done $0x0  }
0x38: {  	[sflag:s24] =	ssyncadd.s32 $0xFFFFE000  }
0x39: {  	_ =	swait.ge [sflag:s24], $0x2000  }
0x3a: {  	[sflag:s24] =	ssyncset.done $0x0  }
0x3b: {  	s16 =	simm.s32 $0x8;
	[sflag:s24] =	ssyncadd.s32 $0xFFFFE000  }
0x3c: {  	_ =	swait.ge [sflag:s16], $0x2000  }
0x3d: {  	[sflag:s16] =	ssyncset.done $0x0  }
0x3e: {  	[sflag:s16] =	ssyncadd.s32 $0xFFFFE000  }
0x3f: {  	_ =	swait.ge [sflag:s16], $0x2000  }
0x40: {  	[sflag:s16] =	ssyncset.done $0x0  }
0x41: {  	s26 =	simm.s32 $0x9;
	[sflag:s16] =	ssyncadd.s32 $0xFFFFE000  }
0x42: {  	_ =	swait.ge [sflag:s26], $0x2000  }
0x43: {  	[sflag:s26] =	ssyncset.done $0x0  }
0x44: {  	[sflag:s26] =	ssyncadd.s32 $0xFFFFE000  }
0x45: {  	_ =	swait.ge [sflag:s26], $0x2000  }
0x46: {  	[sflag:s26] =	ssyncset.done $0x0  }
0x47: {  	s29 =	simm.s32 $0xA;
	[sflag:s26] =	ssyncadd.s32 $0xFFFFE000  }
0x48: {  	_ =	swait.ge [sflag:s29], $0x2000  }
0x49: {  	[sflag:s29] =	ssyncset.done $0x0  }
0x4a: {  	[sflag:s29] =	ssyncadd.s32 $0xFFFFE000  }
0x4b: {  	_ =	swait.ge [sflag:s29], $0x2000  }
0x4c: {  	s10 =	rddreg [dreg:$0xc]  }
0x4d: {  	s31 =	rddreg [dreg:$0xa];
	s10 =	sadd.s32 $0x1, s10  }
0x4e: {  	p0 =	sne.s32 s10, s31  }
.Ltmp1:
0x4f: {  	_ = 	snop;
	(pc) =	sbr.rel @!p0 .LBB2_7-.Ltmp1, $3  }
0x50: {  	_ =	sdelay $0x1  }
0x51: {  	[sflag:s29] =	ssyncset.done $0x0  }
0x52: {  	[sflag:s29] =	ssyncadd.s32 $0xFFFFE000  }
.LBB2_1:
0x53: {  	[dreg:$0xc] =	wrdreg s10  }
0x54: {  	s0 =	rddreg [dreg:$0x3];
	s16 =	simm.s32 $0xB  }
0x55: {  	[tilespmem:s3], [sflag:$0xB] =	stream.linear.gather [hbm4b:s0+s3], $0x6400, $0x38;
	[tilespmem:$0x1A900] =	vst v63  }
0x56: {  	_ =	swait.ge [sflag:s16], $0x6400  }
0x57: {  	[sflag:s16] =	ssyncset.done $0x0  }
0x58: {  	[sflag:s16] =	ssyncadd.s32 $0xFFFF9C00  }
0x59: {  	v16 =	vld.idx.msk [tilespmem:v0+s3+$0x0], $0xffff;
	_ =	sdelay $0x4  }
0x5a: {  	[tilespmem:$0x6400] =	vst v16  }
0x5b: {  	v16 =	vld.idx.msk [tilespmem:v1+s3+$0x0], $0xffff;
	_ =	sdelay $0x4  }
0x5c: {  	[tilespmem:$0x6410] =	vst v16  }
0x5d: {  	v16 =	vld.idx.msk [tilespmem:v2+s3+$0x0], $0xffff;
	_ =	sdelay $0x4  }
0x5e: {  	[tilespmem:$0x6420] =	vst v16  }
0x5f: {  	v16 =	vld.idx.msk [tilespmem:v3+s3+$0x0], $0xffff;
	_ =	sdelay $0x4  }
0x60: {  	[tilespmem:$0x6430] =	vst v16  }
0x61: {  	v16 =	vld.idx.msk [tilespmem:v4+s3+$0x0], $0xffff;
	_ =	sdelay $0x4  }
0x62: {  	[tilespmem:$0x6440] =	vst v16  }
0x63: {  	v16 =	vld.idx.msk [tilespmem:v5+s3+$0x0], $0xffff;
	_ =	sdelay $0x4  }
0x64: {  	[tilespmem:$0x6450] =	vst v16  }
0x65: {  	v16 =	vld.idx.msk [tilespmem:v6+s3+$0x0], $0xffff;
	_ =	sdelay $0x4  }
0x66: {  	[tilespmem:$0x6460] =	vst v16  }
0x67: {  	v16 =	vld.idx.msk [tilespmem:v7+s3+$0x0], $0xffff;
	_ =	sdelay $0x4  }
0x68: {  	[tilespmem:$0x6470] =	vst v16  }
0x69: {  	v16 =	vld.idx.msk [tilespmem:v8+s3+$0x0], $0xffff;
	_ =	sdelay $0x4  }
0x6a: {  	[tilespmem:$0x6480] =	vst v16  }
0x6b: {  	v16 =	vld.idx.msk [tilespmem:v9+s3+$0x0], $0xffff;
	_ =	sdelay $0x4  }
0x6c: {  	[tilespmem:$0x6490] =	vst v16  }
0x6d: {  	v16 =	vld.idx.msk [tilespmem:v10+s3+$0x0], $0xffff;
	_ =	sdelay $0x4  }
0x6e: {  	[tilespmem:$0x64A0] =	vst v16  }
0x6f: {  	v16 =	vld.idx.msk [tilespmem:v11+s3+$0x0], $0xffff;
	_ =	sdelay $0x4  }
0x70: {  	[tilespmem:$0x64B0] =	vst v16  }
0x71: {  	v16 =	vld.idx.msk [tilespmem:v12+s3+$0x0], $0xffff;
	_ =	sdelay $0x4  }
0x72: {  	[tilespmem:$0x64C0] =	vst v16  }
0x73: {  	v16 =	vld.idx.msk [tilespmem:v13+s3+$0x0], $0xffff;
	_ =	sdelay $0x4  }
0x74: {  	[tilespmem:$0x64D0] =	vst v16  }
0x75: {  	v16 =	vld.idx.msk [tilespmem:v14+s3+$0x0], $0xffff;
	_ =	sdelay $0x4  }
0x76: {  	[tilespmem:$0x64E0] =	vst v16  }
0x77: {  	v16 =	vld.idx.msk [tilespmem:v15+s3+$0x0], $0xffff;
	_ =	sdelay $0x3  }
.Ltmp2:
0x78: {  	_ = 	snop;
	(pc) =	sbr.rel .LBB2_2-.Ltmp2, $4  }
0x79: {  	s26 =	simm.s32 $0x6400;
	s31 =	simm.s32 $0x6480;
	[tilespmem:$0x64F0] =	vst v16  }
0x7a: {  	[tilespmem:s21], [sflag:$0x1] =	stream.indirect.gather [hbm4b:s6+s19], $0x40, s26, s19, $0xb8;
	[tilespmem:$0x1A900] =	vst v63  }
0x7b: {  	s10 =	simm.s32 $0x0;
	s29 =	rddreg [dreg:$0xb];
	s26 =	simm.s32 $0x1  }
0x7c: {  	[tilespmem:s23], [sflag:$0x1] =	stream.indirect.gather [hbm4b:s6+s19], $0x40, s31, s19, $0xb8;
	[tilespmem:$0x1A900] =	vst v63  }
.LBB2_4:
0x7d: {  	_ =	swait.ge [sflag:s22], $0x2000  }
0x7e: {  	v16 =	vor.u32 s10, v0;
	[sflag:s22] =	ssyncset.done $0x0  }
0x7f: {  	[sflag:s22] =	ssyncadd.s32 $0xFFFFE000  }
0x80: {  	_ =	swait.ge [sflag:s22], $0x2000  }
0x81: {  	[sflag:s22] =	ssyncset.done $0x0  }
0x82: {  	[sflag:s22] =	ssyncadd.s32 $0xFFFFE000  }
0x83: {  	v16 =	vld.idx.msk [tilespmem:v16+s3+$0x0], $0xffff  }
0x84: {  	v17 =	vor.u32 s10, v1;
	_ =	sdelay $0x3  }
0x85: {  	[tilespmem:$0x6400] =	vst v16  }
0x86: {  	v16 =	vld.idx.msk [tilespmem:v17+s3+$0x0], $0xffff  }
0x87: {  	v17 =	vor.u32 s10, v2;
	_ =	sdelay $0x3  }
0x88: {  	[tilespmem:$0x6410] =	vst v16  }
0x89: {  	v16 =	vld.idx.msk [tilespmem:v17+s3+$0x0], $0xffff  }
0x8a: {  	v17 =	vor.u32 s10, v3;
	_ =	sdelay $0x3  }
0x8b: {  	[tilespmem:$0x6420] =	vst v16  }
0x8c: {  	v16 =	vld.idx.msk [tilespmem:v17+s3+$0x0], $0xffff  }
0x8d: {  	v17 =	vor.u32 s10, v4;
	_ =	sdelay $0x3  }
0x8e: {  	[tilespmem:$0x6430] =	vst v16  }
0x8f: {  	v16 =	vld.idx.msk [tilespmem:v17+s3+$0x0], $0xffff  }
0x90: {  	v17 =	vor.u32 s10, v5;
	_ =	sdelay $0x3  }
0x91: {  	[tilespmem:$0x6440] =	vst v16  }
0x92: {  	v16 =	vld.idx.msk [tilespmem:v17+s3+$0x0], $0xffff  }
0x93: {  	v17 =	vor.u32 s10, v6;
	_ =	sdelay $0x3  }
0x94: {  	[tilespmem:$0x6450] =	vst v16  }
0x95: {  	v16 =	vld.idx.msk [tilespmem:v17+s3+$0x0], $0xffff  }
0x96: {  	v17 =	vor.u32 s10, v7;
	_ =	sdelay $0x3  }
0x97: {  	[tilespmem:$0x6460] =	vst v16  }
0x98: {  	s0 =	sadd.s32 $0x1, s10;
	v16 =	vld.idx.msk [tilespmem:v17+s3+$0x0], $0xffff  }
0x99: {  	v17 =	vor.u32 s0, v0;
	_ =	sdelay $0x3  }
0x9a: {  	[tilespmem:$0x6470] =	vst v16  }
0x9b: {  	v16 =	vld.idx.msk [tilespmem:v17+s3+$0x0], $0xffff  }
0x9c: {  	v17 =	vor.u32 s0, v1;
	_ =	sdelay $0x3  }
0x9d: {  	[tilespmem:$0x6480] =	vst v16  }
0x9e: {  	v16 =	vld.idx.msk [tilespmem:v17+s3+$0x0], $0xffff  }
0x9f: {  	v17 =	vor.u32 s0, v2;
	_ =	sdelay $0x3  }
0xa0: {  	[tilespmem:$0x6490] =	vst v16  }
0xa1: {  	v16 =	vld.idx.msk [tilespmem:v17+s3+$0x0], $0xffff  }
0xa2: {  	v17 =	vor.u32 s0, v3;
	_ =	sdelay $0x3  }
0xa3: {  	[tilespmem:$0x64A0] =	vst v16  }
0xa4: {  	v16 =	vld.idx.msk [tilespmem:v17+s3+$0x0], $0xffff  }
0xa5: {  	v17 =	vor.u32 s0, v4;
	_ =	sdelay $0x3  }
0xa6: {  	[tilespmem:$0x64B0] =	vst v16  }
0xa7: {  	v16 =	vld.idx.msk [tilespmem:v17+s3+$0x0], $0xffff  }
0xa8: {  	v17 =	vor.u32 s0, v5;
	_ =	sdelay $0x3  }
0xa9: {  	[tilespmem:$0x64C0] =	vst v16  }
0xaa: {  	v16 =	vld.idx.msk [tilespmem:v17+s3+$0x0], $0xffff  }
0xab: {  	v17 =	vor.u32 s0, v6;
	_ =	sdelay $0x3  }
0xac: {  	[tilespmem:$0x64D0] =	vst v16  }
0xad: {  	v16 =	vld.idx.msk [tilespmem:v17+s3+$0x0], $0xffff  }
0xae: {  	v17 =	vor.u32 s0, v7;
	_ =	sdelay $0x3  }
0xaf: {  	[tilespmem:$0x64E0] =	vst v16  }
0xb0: {  	v16 =	vld.idx.msk [tilespmem:v17+s3+$0x0], $0xffff;
	_ =	sdelay $0x4  }
0xb1: {  	s15 =	simm.s32 $0x6400;
	[tilespmem:$0x64F0] =	vst v16  }
0xb2: {  	[tilespmem:s21], [sflag:$0x1] =	stream.indirect.gather [hbm4b:s6+s19], $0x40, s15, s19, $0xb8;
	[tilespmem:$0x1A900] =	vst v63  }
0xb3: {  	s16 =	simm.s32 $0x6480  }
0xb4: {  	[tilespmem:s23], [sflag:$0x1] =	stream.indirect.gather [hbm4b:s6+s19], $0x40, s16, s19, $0xb8;
	[tilespmem:$0x1A900] =	vst v63  }
0xb5: {  	_ =	swait.ge [sflag:s20], $0x2000  }
0xb6: {  	[sflag:s20] =	ssyncset.done $0x0  }
0xb7: {  	[sflag:s20] =	ssyncadd.s32 $0xFFFFE000  }
0xb8: {  	s31 =	sadd.s32 $0x1FFFE800, s29;
	_ =	swait.ge [sflag:s20], $0x2000  }
0xb9: {  	s0 =	sand.u32 $0x1FFFF800, s31;
	[sflag:s20] =	ssyncset.done $0x0  }
0xba: {  	s14 =	sadd.s32 s2, s0;
	[sflag:s20] =	ssyncadd.s32 $0xFFFFE000  }
0xbb: {  	[hbm4b:s14+s13] =	stream.strided.scatter [tilespmem:s30], [sflag:$0x8], $0x2000, s19, s13, $0x38;
	[tilespmem:$0x1A900] =	vst v63  }
0xbc: {  	s0 =	sadd.s32 s0, s8  }
0xbd: {  	[hbm4b:s0+s13] =	stream.strided.scatter [tilespmem:s1], [sflag:$0x8], $0x2000, s19, s13, $0x38;
	[tilespmem:$0x1A900] =	vst v63  }
0xbe: {  	_ =	swait.ge [sflag:s24], $0x2000  }
0xbf: {  	[sflag:s24] =	ssyncset.done $0x0  }
0xc0: {  	[sflag:s24] =	ssyncadd.s32 $0xFFFFE000  }
0xc1: {  	_ =	swait.ge [sflag:s24], $0x2000  }
0xc2: {  	[sflag:s24] =	ssyncset.done $0x0  }
0xc3: {  	s0 =	smov.u32 s26;
	[sflag:s24] =	ssyncadd.s32 $0xFFFFE000  }
.LBB2_5:
0xc4: {  	s14 =	sshll.u32 s0, $0x8  }
0xc5: {  	v16 =	vor.u32 s14, v0;
	_ =	sdelay $0x4  }
0xc6: {  	v16 =	vld.idx.msk [tilespmem:v16+s3+$0x0], $0xffff  }
0xc7: {  	v17 =	vor.u32 s14, v1;
	_ =	sdelay $0x3  }
0xc8: {  	[tilespmem:$0x6500] =	vst v16  }
0xc9: {  	v16 =	vld.idx.msk [tilespmem:v17+s3+$0x0], $0xffff  }
0xca: {  	v17 =	vor.u32 s14, v2;
	_ =	sdelay $0x3  }
0xcb: {  	[tilespmem:$0x6510] =	vst v16  }
0xcc: {  	v16 =	vld.idx.msk [tilespmem:v17+s3+$0x0], $0xffff  }
0xcd: {  	v17 =	vor.u32 s14, v3;
	_ =	sdelay $0x3  }
0xce: {  	[tilespmem:$0x6520] =	vst v16  }
0xcf: {  	v16 =	vld.idx.msk [tilespmem:v17+s3+$0x0], $0xffff  }
0xd0: {  	v17 =	vor.u32 s14, v4;
	_ =	sdelay $0x3  }
0xd1: {  	[tilespmem:$0x6530] =	vst v16  }
0xd2: {  	v16 =	vld.idx.msk [tilespmem:v17+s3+$0x0], $0xffff  }
0xd3: {  	v17 =	vor.u32 s14, v5;
	_ =	sdelay $0x3  }
0xd4: {  	[tilespmem:$0x6540] =	vst v16  }
0xd5: {  	v16 =	vld.idx.msk [tilespmem:v17+s3+$0x0], $0xffff  }
0xd6: {  	v17 =	vor.u32 s14, v6;
	_ =	sdelay $0x3  }
0xd7: {  	[tilespmem:$0x6550] =	vst v16  }
0xd8: {  	v16 =	vld.idx.msk [tilespmem:v17+s3+$0x0], $0xffff  }
0xd9: {  	v17 =	vor.u32 s14, v7;
	_ =	sdelay $0x3  }
0xda: {  	[tilespmem:$0x6560] =	vst v16  }
0xdb: {  	s14 =	sor.u32 $0x1, s14;
	v16 =	vld.idx.msk [tilespmem:v17+s3+$0x0], $0xffff  }
0xdc: {  	v17 =	vor.u32 s14, v0;
	_ =	sdelay $0x3  }
0xdd: {  	[tilespmem:$0x6570] =	vst v16  }
0xde: {  	v16 =	vld.idx.msk [tilespmem:v17+s3+$0x0], $0xffff  }
0xdf: {  	v17 =	vor.u32 s14, v1;
	_ =	sdelay $0x3  }
0xe0: {  	[tilespmem:$0x6580] =	vst v16  }
0xe1: {  	v16 =	vld.idx.msk [tilespmem:v17+s3+$0x0], $0xffff  }
0xe2: {  	v17 =	vor.u32 s14, v2;
	_ =	sdelay $0x3  }
0xe3: {  	[tilespmem:$0x6590] =	vst v16  }
0xe4: {  	v16 =	vld.idx.msk [tilespmem:v17+s3+$0x0], $0xffff  }
0xe5: {  	v17 =	vor.u32 s14, v3;
	_ =	sdelay $0x3  }
0xe6: {  	[tilespmem:$0x65A0] =	vst v16  }
0xe7: {  	v16 =	vld.idx.msk [tilespmem:v17+s3+$0x0], $0xffff  }
0xe8: {  	v17 =	vor.u32 s14, v4;
	_ =	sdelay $0x3  }
0xe9: {  	[tilespmem:$0x65B0] =	vst v16  }
0xea: {  	v16 =	vld.idx.msk [tilespmem:v17+s3+$0x0], $0xffff  }
0xeb: {  	v17 =	vor.u32 s14, v5;
	_ =	sdelay $0x3  }
0xec: {  	[tilespmem:$0x65C0] =	vst v16  }
0xed: {  	v16 =	vld.idx.msk [tilespmem:v17+s3+$0x0], $0xffff  }
0xee: {  	v17 =	vor.u32 s14, v6;
	_ =	sdelay $0x3  }
0xef: {  	[tilespmem:$0x65D0] =	vst v16  }
0xf0: {  	v16 =	vld.idx.msk [tilespmem:v17+s3+$0x0], $0xffff  }
0xf1: {  	v17 =	vor.u32 s14, v7;
	_ =	sdelay $0x3  }
0xf2: {  	[tilespmem:$0x65E0] =	vst v16  }
0xf3: {  	v16 =	vld.idx.msk [tilespmem:v17+s3+$0x0], $0xffff;
	_ =	sdelay $0x4  }
0xf4: {  	s7 =	simm.s32 $0x6500;
	[tilespmem:$0x65F0] =	vst v16  }
0xf5: {  	[tilespmem:s25], [sflag:$0x2] =	stream.indirect.gather [hbm4b:s6+s19], $0x40, s7, s19, $0xb8;
	[tilespmem:$0x1A900] =	vst v63  }
0xf6: {  	s14 =	simm.s32 $0x6580  }
0xf7: {  	[tilespmem:s28], [sflag:$0x2] =	stream.indirect.gather [hbm4b:s6+s19], $0x40, s14, s19, $0xb8;
	[tilespmem:$0x1A900] =	vst v63  }
0xf8: {  	s14 =	simm.s32 @!p0 $0x4  }
0xf9: {  	_ =	swait.ge @!p0 [sflag:s14], $0x2000  }
0xfa: {  	[sflag:s14] =	ssyncset.done @!p0 $0x0  }
0xfb: {  	[sflag:s14] =	ssyncadd.s32 @!p0 $0xFFFFE000  }
0xfc: {  	s16 =	sadd.s32 @!p0 $0x1FFFF000, s29;
	s11 =	simm.s32 @!p0 $0x12900;
	_ =	swait.ge @!p0 [sflag:s14], $0x2000  }
0xfd: {  	s31 =	sand.u32 @!p0 $0x1FFFF800, s16;
	s16 =	simm.s32 @!p0 $0x80;
	[sflag:s14] =	ssyncset.done @!p0 $0x0  }
0xfe: {  	s7 =	sadd.s32 @!p0 s2, s31;
	[sflag:s14] =	ssyncadd.s32 @!p0 $0xFFFFE000;
	s14 =	simm.s32 @!p0 $0x40  }
0xff: {  	[hbm4b:s7+s14] =	stream.strided.scatter @!p0 [tilespmem:s11], [sflag:$0x9], $0x2000, s16, s14, $0x38;
	[tilespmem:$0x1A900] =	vst v63  }
0x100: {  	s7 =	sadd.s32 @!p0 s31, s8;
	s11 =	simm.s32 @!p0 $0x14900;
	s31 =	smov.u32 s10  }
0x101: {  	[hbm4b:s7+s14] =	stream.strided.scatter @!p0 [tilespmem:s11], [sflag:$0x9], $0x2000, s16, s14, $0x38;
	[tilespmem:$0x1A900] =	vst v63  }
0x102: {  	s31 =	simm.s32 @p0 $0x0;
	s7 =	simm.s32 @!p0 $0x8  }
0x103: {  	s15 =	sadd.s32 $0x200, s31;
	_ =	swait.ge @!p0 [sflag:s7], $0x2000  }
0x104: {  	v16 =	vor.u32 s15, v0;
	[sflag:s7] =	ssyncset.done @!p0 $0x0  }
0x105: {  	[sflag:s7] =	ssyncadd.s32 @!p0 $0xFFFFE000  }
0x106: {  	_ =	swait.ge @!p0 [sflag:s7], $0x2000  }
0x107: {  	[sflag:s7] =	ssyncset.done @!p0 $0x0  }
0x108: {  	[sflag:s7] =	ssyncadd.s32 @!p0 $0xFFFFE000  }
0x109: {  	v16 =	vld.idx.msk [tilespmem:v16+s3+$0x0], $0xffff  }
0x10a: {  	v17 =	vor.u32 s15, v1;
	_ =	sdelay $0x3  }
0x10b: {  	[tilespmem:$0x6600] =	vst v16  }
0x10c: {  	v16 =	vld.idx.msk [tilespmem:v17+s3+$0x0], $0xffff  }
0x10d: {  	v17 =	vor.u32 s15, v2;
	_ =	sdelay $0x3  }
0x10e: {  	[tilespmem:$0x6610] =	vst v16  }
0x10f: {  	v16 =	vld.idx.msk [tilespmem:v17+s3+$0x0], $0xffff  }
0x110: {  	v17 =	vor.u32 s15, v3;
	_ =	sdelay $0x3  }
0x111: {  	[tilespmem:$0x6620] =	vst v16  }
0x112: {  	v16 =	vld.idx.msk [tilespmem:v17+s3+$0x0], $0xffff  }
0x113: {  	v17 =	vor.u32 s15, v4;
	_ =	sdelay $0x3  }
0x114: {  	[tilespmem:$0x6630] =	vst v16  }
0x115: {  	v16 =	vld.idx.msk [tilespmem:v17+s3+$0x0], $0xffff  }
0x116: {  	v17 =	vor.u32 s15, v5;
	_ =	sdelay $0x3  }
0x117: {  	[tilespmem:$0x6640] =	vst v16  }
0x118: {  	v16 =	vld.idx.msk [tilespmem:v17+s3+$0x0], $0xffff  }
0x119: {  	v17 =	vor.u32 s15, v6;
	_ =	sdelay $0x3  }
0x11a: {  	[tilespmem:$0x6650] =	vst v16  }
0x11b: {  	v16 =	vld.idx.msk [tilespmem:v17+s3+$0x0], $0xffff  }
0x11c: {  	v17 =	vor.u32 s15, v7;
	_ =	sdelay $0x3  }
0x11d: {  	[tilespmem:$0x6660] =	vst v16  }
0x11e: {  	s11 =	sadd.s32 $0x201, s31;
	v16 =	vld.idx.msk [tilespmem:v17+s3+$0x0], $0xffff  }
0x11f: {  	v17 =	vor.u32 s11, v0;
	_ =	sdelay $0x3  }
0x120: {  	[tilespmem:$0x6670] =	vst v16  }
0x121: {  	v16 =	vld.idx.msk [tilespmem:v17+s3+$0x0], $0xffff  }
0x122: {  	v17 =	vor.u32 s11, v1;
	_ =	sdelay $0x3  }
0x123: {  	[tilespmem:$0x6680] =	vst v16  }
0x124: {  	v16 =	vld.idx.msk [tilespmem:v17+s3+$0x0], $0xffff  }
0x125: {  	v17 =	vor.u32 s11, v2;
	_ =	sdelay $0x3  }
0x126: {  	[tilespmem:$0x6690] =	vst v16  }
0x127: {  	v16 =	vld.idx.msk [tilespmem:v17+s3+$0x0], $0xffff  }
0x128: {  	v17 =	vor.u32 s11, v3;
	_ =	sdelay $0x3  }
0x129: {  	[tilespmem:$0x66A0] =	vst v16  }
0x12a: {  	v16 =	vld.idx.msk [tilespmem:v17+s3+$0x0], $0xffff  }
0x12b: {  	v17 =	vor.u32 s11, v4;
	_ =	sdelay $0x3  }
0x12c: {  	[tilespmem:$0x66B0] =	vst v16  }
0x12d: {  	v16 =	vld.idx.msk [tilespmem:v17+s3+$0x0], $0xffff  }
0x12e: {  	v17 =	vor.u32 s11, v5;
	_ =	sdelay $0x3  }
0x12f: {  	[tilespmem:$0x66C0] =	vst v16  }
0x130: {  	v16 =	vld.idx.msk [tilespmem:v17+s3+$0x0], $0xffff  }
0x131: {  	v17 =	vor.u32 s11, v6;
	_ =	sdelay $0x3  }
0x132: {  	[tilespmem:$0x66D0] =	vst v16  }
0x133: {  	v16 =	vld.idx.msk [tilespmem:v17+s3+$0x0], $0xffff  }
0x134: {  	v17 =	vor.u32 s11, v7;
	_ =	sdelay $0x3  }
0x135: {  	[tilespmem:$0x66E0] =	vst v16  }
0x136: {  	v16 =	vld.idx.msk [tilespmem:v17+s3+$0x0], $0xffff;
	_ =	sdelay $0x4  }
0x137: {  	s15 =	simm.s32 $0x6600;
	[tilespmem:$0x66F0] =	vst v16  }
0x138: {  	[tilespmem:s30], [sflag:$0x3] =	stream.indirect.gather [hbm4b:s6+s19], $0x40, s15, s19, $0xb8;
	[tilespmem:$0x1A900] =	vst v63  }
0x139: {  	s7 =	simm.s32 @!p0 $0x5;
	s11 =	simm.s32 $0x6680  }
0x13a: {  	[tilespmem:s1], [sflag:$0x3] =	stream.indirect.gather [hbm4b:s6+s19], $0x40, s11, s19, $0xb8;
	[tilespmem:$0x1A900] =	vst v63  }
0x13b: {  	_ =	swait.ge @!p0 [sflag:s7], $0x2000  }
0x13c: {  	[sflag:s7] =	ssyncset.done @!p0 $0x0  }
0x13d: {  	s11 =	sadd.s32 @!p0 s31, s9;
	[sflag:s7] =	ssyncadd.s32 @!p0 $0xFFFFE000  }
0x13e: {  	s11 =	sshll.u32 @!p0 s11, $0x3;
	_ =	swait.ge @!p0 [sflag:s7], $0x2000  }
0x13f: {  	s11 =	sand.u32 @!p0 $0x1FFFF800, s11;
	[sflag:s7] =	ssyncset.done @!p0 $0x0  }
0x140: {  	s15 =	simm.s32 @!p0 $0x16900;
	[sflag:s7] =	ssyncadd.s32 @!p0 $0xFFFFE000;
	s7 =	sadd.s32 @!p0 s2, s11  }
0x141: {  	[hbm4b:s7+s14] =	stream.strided.scatter @!p0 [tilespmem:s15], [sflag:$0xA], $0x2000, s16, s14, $0x38;
	[tilespmem:$0x1A900] =	vst v63  }
0x142: {  	s7 =	sadd.s32 @!p0 s11, s8;
	s11 =	simm.s32 @!p0 $0x18900  }
0x143: {  	[hbm4b:s7+s14] =	stream.strided.scatter @!p0 [tilespmem:s11], [sflag:$0xA], $0x2000, s16, s14, $0x38;
	[tilespmem:$0x1A900] =	vst v63  }
0x144: {  	s7 =	simm.s32 @!p0 $0x9  }
0x145: {  	s15 =	sadd.s32 $0x300, s31;
	_ =	swait.ge @!p0 [sflag:s7], $0x2000  }
0x146: {  	v16 =	vor.u32 s15, v0;
	[sflag:s7] =	ssyncset.done @!p0 $0x0  }
0x147: {  	[sflag:s7] =	ssyncadd.s32 @!p0 $0xFFFFE000  }
0x148: {  	_ =	swait.ge @!p0 [sflag:s7], $0x2000  }
0x149: {  	[sflag:s7] =	ssyncset.done @!p0 $0x0  }
0x14a: {  	[sflag:s7] =	ssyncadd.s32 @!p0 $0xFFFFE000  }
0x14b: {  	v16 =	vld.idx.msk [tilespmem:v16+s3+$0x0], $0xffff  }
0x14c: {  	v17 =	vor.u32 s15, v1;
	_ =	sdelay $0x3  }
0x14d: {  	[tilespmem:$0x6700] =	vst v16  }
0x14e: {  	v16 =	vld.idx.msk [tilespmem:v17+s3+$0x0], $0xffff  }
0x14f: {  	v17 =	vor.u32 s15, v2;
	_ =	sdelay $0x3  }
0x150: {  	[tilespmem:$0x6710] =	vst v16  }
0x151: {  	v16 =	vld.idx.msk [tilespmem:v17+s3+$0x0], $0xffff  }
0x152: {  	v17 =	vor.u32 s15, v3;
	_ =	sdelay $0x3  }
0x153: {  	[tilespmem:$0x6720] =	vst v16  }
0x154: {  	v16 =	vld.idx.msk [tilespmem:v17+s3+$0x0], $0xffff  }
0x155: {  	v17 =	vor.u32 s15, v4;
	_ =	sdelay $0x3  }
0x156: {  	[tilespmem:$0x6730] =	vst v16  }
0x157: {  	v16 =	vld.idx.msk [tilespmem:v17+s3+$0x0], $0xffff  }
0x158: {  	v17 =	vor.u32 s15, v5;
	_ =	sdelay $0x3  }
0x159: {  	[tilespmem:$0x6740] =	vst v16  }
0x15a: {  	v16 =	vld.idx.msk [tilespmem:v17+s3+$0x0], $0xffff  }
0x15b: {  	v17 =	vor.u32 s15, v6;
	_ =	sdelay $0x3  }
0x15c: {  	[tilespmem:$0x6750] =	vst v16  }
0x15d: {  	v16 =	vld.idx.msk [tilespmem:v17+s3+$0x0], $0xffff  }
0x15e: {  	v17 =	vor.u32 s15, v7;
	_ =	sdelay $0x3  }
0x15f: {  	[tilespmem:$0x6760] =	vst v16  }
0x160: {  	s16 =	sadd.s32 $0x301, s31;
	v16 =	vld.idx.msk [tilespmem:v17+s3+$0x0], $0xffff  }
0x161: {  	v17 =	vor.u32 s16, v0;
	_ =	sdelay $0x3  }
0x162: {  	[tilespmem:$0x6770] =	vst v16  }
0x163: {  	v16 =	vld.idx.msk [tilespmem:v17+s3+$0x0], $0xffff  }
0x164: {  	v17 =	vor.u32 s16, v1;
	_ =	sdelay $0x3  }
0x165: {  	[tilespmem:$0x6780] =	vst v16  }
0x166: {  	v16 =	vld.idx.msk [tilespmem:v17+s3+$0x0], $0xffff  }
0x167: {  	v17 =	vor.u32 s16, v2;
	_ =	sdelay $0x3  }
0x168: {  	[tilespmem:$0x6790] =	vst v16  }
0x169: {  	v16 =	vld.idx.msk [tilespmem:v17+s3+$0x0], $0xffff  }
0x16a: {  	v17 =	vor.u32 s16, v3;
	_ =	sdelay $0x3  }
0x16b: {  	[tilespmem:$0x67A0] =	vst v16  }
0x16c: {  	v16 =	vld.idx.msk [tilespmem:v17+s3+$0x0], $0xffff  }
0x16d: {  	v17 =	vor.u32 s16, v4;
	_ =	sdelay $0x3  }
0x16e: {  	[tilespmem:$0x67B0] =	vst v16  }
0x16f: {  	v16 =	vld.idx.msk [tilespmem:v17+s3+$0x0], $0xffff  }
0x170: {  	v17 =	vor.u32 s16, v5;
	_ =	sdelay $0x3  }
0x171: {  	[tilespmem:$0x67C0] =	vst v16  }
0x172: {  	v16 =	vld.idx.msk [tilespmem:v17+s3+$0x0], $0xffff  }
0x173: {  	v17 =	vor.u32 s16, v6;
	_ =	sdelay $0x3  }
0x174: {  	[tilespmem:$0x67D0] =	vst v16  }
0x175: {  	v16 =	vld.idx.msk [tilespmem:v17+s3+$0x0], $0xffff  }
0x176: {  	v17 =	vor.u32 s16, v7;
	_ =	sdelay $0x3  }
0x177: {  	[tilespmem:$0x67E0] =	vst v16  }
0x178: {  	v16 =	vld.idx.msk [tilespmem:v17+s3+$0x0], $0xffff;
	_ =	sdelay $0x4  }
0x179: {  	s11 =	simm.s32 $0x6700;
	s14 =	simm.s32 $0x12900;
	[tilespmem:$0x67F0] =	vst v16  }
0x17a: {  	[tilespmem:s14], [sflag:$0x4] =	stream.indirect.gather [hbm4b:s6+s19], $0x40, s11, s19, $0xb8;
	[tilespmem:$0x1A900] =	vst v63  }
0x17b: {  	s15 =	simm.s32 $0x6780;
	s16 =	simm.s32 $0x14900  }
0x17c: {  	[tilespmem:s16], [sflag:$0x4] =	stream.indirect.gather [hbm4b:s6+s19], $0x40, s15, s19, $0xb8;
	[tilespmem:$0x1A900] =	vst v63  }
0x17d: {  	_ =	swait.ge [sflag:s12], $0x2000  }
0x17e: {  	[sflag:s12] =	ssyncset.done $0x0  }
0x17f: {  	[sflag:s12] =	ssyncadd.s32 $0xFFFFE000  }
0x180: {  	s14 =	sadd.s32 s4, s31;
	_ =	swait.ge [sflag:s12], $0x2000  }
0x181: {  	s7 =	sshll.u32 s14, $0x3;
	[sflag:s12] =	ssyncset.done $0x0  }
0x182: {  	s15 =	sadd.s32 s2, s7;
	[sflag:s12] =	ssyncadd.s32 $0xFFFFE000  }
0x183: {  	[hbm4b:s15+s13] =	stream.strided.scatter [tilespmem:s21], [sflag:$0x6], $0x2000, s19, s13, $0x38;
	[tilespmem:$0x1A900] =	vst v63  }
0x184: {  	s7 =	sadd.s32 s7, s8  }
0x185: {  	[hbm4b:s7+s13] =	stream.strided.scatter [tilespmem:s23], [sflag:$0x6], $0x2000, s19, s13, $0x38;
	[tilespmem:$0x1A900] =	vst v63  }
0x186: {  	s7 =	simm.s32 @!p0 $0xA  }
0x187: {  	s16 =	sadd.s32 $0x400, s31;
	_ =	swait.ge @!p0 [sflag:s7], $0x2000  }
0x188: {  	v16 =	vor.u32 s16, v0;
	[sflag:s7] =	ssyncset.done @!p0 $0x0  }
0x189: {  	[sflag:s7] =	ssyncadd.s32 @!p0 $0xFFFFE000  }
0x18a: {  	_ =	swait.ge @!p0 [sflag:s7], $0x2000  }
0x18b: {  	[sflag:s7] =	ssyncset.done @!p0 $0x0  }
0x18c: {  	[sflag:s7] =	ssyncadd.s32 @!p0 $0xFFFFE000  }
0x18d: {  	v16 =	vld.idx.msk [tilespmem:v16+s3+$0x0], $0xffff  }
0x18e: {  	v17 =	vor.u32 s16, v1;
	_ =	sdelay $0x3  }
0x18f: {  	[tilespmem:$0x6800] =	vst v16  }
0x190: {  	v16 =	vld.idx.msk [tilespmem:v17+s3+$0x0], $0xffff  }
0x191: {  	v17 =	vor.u32 s16, v2;
	_ =	sdelay $0x3  }
0x192: {  	[tilespmem:$0x6810] =	vst v16  }
0x193: {  	v16 =	vld.idx.msk [tilespmem:v17+s3+$0x0], $0xffff  }
0x194: {  	v17 =	vor.u32 s16, v3;
	_ =	sdelay $0x3  }
0x195: {  	[tilespmem:$0x6820] =	vst v16  }
0x196: {  	v16 =	vld.idx.msk [tilespmem:v17+s3+$0x0], $0xffff  }
0x197: {  	v17 =	vor.u32 s16, v4;
	_ =	sdelay $0x3  }
0x198: {  	[tilespmem:$0x6830] =	vst v16  }
0x199: {  	v16 =	vld.idx.msk [tilespmem:v17+s3+$0x0], $0xffff  }
0x19a: {  	v17 =	vor.u32 s16, v5;
	_ =	sdelay $0x3  }
0x19b: {  	[tilespmem:$0x6840] =	vst v16  }
0x19c: {  	v16 =	vld.idx.msk [tilespmem:v17+s3+$0x0], $0xffff  }
0x19d: {  	v17 =	vor.u32 s16, v6;
	_ =	sdelay $0x3  }
0x19e: {  	[tilespmem:$0x6850] =	vst v16  }
0x19f: {  	v16 =	vld.idx.msk [tilespmem:v17+s3+$0x0], $0xffff  }
0x1a0: {  	v17 =	vor.u32 s16, v7;
	_ =	sdelay $0x3  }
0x1a1: {  	[tilespmem:$0x6860] =	vst v16  }
0x1a2: {  	s31 =	sadd.s32 $0x401, s31;
	v16 =	vld.idx.msk [tilespmem:v17+s3+$0x0], $0xffff  }
0x1a3: {  	v17 =	vor.u32 s31, v0;
	_ =	sdelay $0x3  }
0x1a4: {  	[tilespmem:$0x6870] =	vst v16  }
0x1a5: {  	v16 =	vld.idx.msk [tilespmem:v17+s3+$0x0], $0xffff  }
0x1a6: {  	v17 =	vor.u32 s31, v1;
	_ =	sdelay $0x3  }
0x1a7: {  	[tilespmem:$0x6880] =	vst v16  }
0x1a8: {  	v16 =	vld.idx.msk [tilespmem:v17+s3+$0x0], $0xffff  }
0x1a9: {  	v17 =	vor.u32 s31, v2;
	_ =	sdelay $0x3  }
0x1aa: {  	[tilespmem:$0x6890] =	vst v16  }
0x1ab: {  	v16 =	vld.idx.msk [tilespmem:v17+s3+$0x0], $0xffff  }
0x1ac: {  	v17 =	vor.u32 s31, v3;
	_ =	sdelay $0x3  }
0x1ad: {  	[tilespmem:$0x68A0] =	vst v16  }
0x1ae: {  	v16 =	vld.idx.msk [tilespmem:v17+s3+$0x0], $0xffff  }
0x1af: {  	v17 =	vor.u32 s31, v4;
	_ =	sdelay $0x3  }
0x1b0: {  	[tilespmem:$0x68B0] =	vst v16  }
0x1b1: {  	v16 =	vld.idx.msk [tilespmem:v17+s3+$0x0], $0xffff  }
0x1b2: {  	v17 =	vor.u32 s31, v5;
	_ =	sdelay $0x3  }
0x1b3: {  	[tilespmem:$0x68C0] =	vst v16  }
0x1b4: {  	v16 =	vld.idx.msk [tilespmem:v17+s3+$0x0], $0xffff  }
0x1b5: {  	v17 =	vor.u32 s31, v6;
	_ =	sdelay $0x3  }
0x1b6: {  	[tilespmem:$0x68D0] =	vst v16  }
0x1b7: {  	v16 =	vld.idx.msk [tilespmem:v17+s3+$0x0], $0xffff  }
0x1b8: {  	v17 =	vor.u32 s31, v7;
	_ =	sdelay $0x3  }
0x1b9: {  	[tilespmem:$0x68E0] =	vst v16  }
0x1ba: {  	v16 =	vld.idx.msk [tilespmem:v17+s3+$0x0], $0xffff;
	_ =	sdelay $0x4  }
0x1bb: {  	s11 =	simm.s32 $0x6800;
	s14 =	simm.s32 $0x16900;
	[tilespmem:$0x68F0] =	vst v16  }
0x1bc: {  	[tilespmem:s14], [sflag:$0x5] =	stream.indirect.gather [hbm4b:s6+s19], $0x40, s11, s19, $0xb8;
	[tilespmem:$0x1A900] =	vst v63  }
0x1bd: {  	s15 =	simm.s32 $0x6880  }
0x1be: {  	[tilespmem:s17], [sflag:$0x5] =	stream.indirect.gather [hbm4b:s6+s19], $0x40, s15, s19, $0xb8;
	[tilespmem:$0x1A900] =	vst v63  }
0x1bf: {  	_ =	swait.ge [sflag:s18], $0x2000  }
0x1c0: {  	[sflag:s18] =	ssyncset.done $0x0  }
0x1c1: {  	s10 =	sadd.s32 $0x500, s10;
	s16 =	sshll.u32 s0, $0xE;
	[sflag:s18] =	ssyncadd.s32 $0xFFFFE000  }
0x1c2: {  	p0 =	sne.s32 s10, $0x6400;
	s0 =	sadd.s32 s5, s16;
	_ =	swait.ge [sflag:s18], $0x2000  }
.Ltmp3:
0x1c3: {  	s0 =	sshrl.u32 s0, $0x3;
	[sflag:s18] =	ssyncset.done $0x0;
	(pc) =	sbr.rel @!p0 .LBB2_6-.Ltmp3, $4  }
0x1c4: {  	s31 =	sadd.s32 s2, s0;
	[sflag:s18] =	ssyncadd.s32 $0xFFFFE000  }
0x1c5: {  	[hbm4b:s31+s13] =	stream.strided.scatter [tilespmem:s25], [sflag:$0x7], $0x2000, s19, s13, $0x38;
	[tilespmem:$0x1A900] =	vst v63  }
0x1c6: {  	s29 =	sadd.s32 $0x2800, s29;
	s26 =	sadd.s32 $0x5, s26;
	s0 =	sadd.s32 s0, s8  }
0x1c7: {  	[hbm4b:s0+s13] =	stream.strided.scatter [tilespmem:s28], [sflag:$0x7], $0x2000, s19, s13, $0x38;
	[tilespmem:$0x1A900] =	vst v63  }
.LBB2_2:
0x1c8: {  	p0 =	seq.s32 s10, $0x0  }
.Ltmp4:
0x1c9: {  	_ = 	snop;
	(pc) =	sbr.rel @!p0 .LBB2_4-.Ltmp4, $1  }
0x1ca: {  	_ =	sdelay $0x3  }
.Ltmp5:
0x1cb: {  	(pc) =	sbr.rel .LBB2_5-.Ltmp5, $2  }
0x1cc: {  	_ =	sdelay $0x2  }
0x1cd: {  	s0 =	simm.s32 $0x1  }
.LBB2_7:
0x1ce: {  	_ =	sfence.sel $0x180000  }
0x1cf: {  	[bflag:$0x0] =	sbarrier.arrive $0xFFFF  }
0x1d0: {  	_ =	strace $0x90000047  }
0x1d1: {  	s0 =	stileid.u32;
	[bflag:$0x2] =	sbarrier.arrive $0xFFFF  }
0x1d2: {  	p0 =	sne.s32 s0, $0x0;
	s0 =	rddreg [dreg:$0x2]  }
0x1d3: {  	s0 =	sadd.s32 @!p0 $0x100000, s0  }
0x1d4: {  	[sflag:s0] =	ssyncadd.tile.s32 @!p0 $0x1;
	_ =	shalt  }
.Lfunc_end2:
_tile_overlayer_lowered:
.L_overlay_start_2:
0x1d5: {  	(tag) =	ssettag $0x2  }
0x1d6: {  	s0 =	rddreg [dreg:$0x0];
	s2 =	stileid.u32  }
0x1d7: {  	s1 =	rddreg [dreg:$0x1];
	p0 =	sne.s32 s2, $0x0  }
0x1d8: {  	s3 =	rddreg [dreg:$0x2];
	[bflag:$0x3] =	sbarrier.arrive $0xFFFF;
	s2 =	simm.s32 @!p0 $0x1C0B  }
0x1d9: {  	[timem:s3], [sflag:s2] =	dma.local @!p0 [hbm:s0], s1  }
0x1da: {  	s0 =	simm.s32 @!p0 $0xB  }
0x1db: {  	_ =	swait.ge @!p0 [sflag:s0], s1  }
0x1dc: {  	s1 =	ssub.s32 @!p0 $0x0, s1;
	[sflag:s0] =	ssyncset.done @!p0 $0x0  }
0x1dd: {  	[sflag:s0] =	ssyncadd.s32 @!p0 s1  }
0x1de: {  	[bflag:$0x3] =	sbarrier.arrive $0xFFFF  }
0x1df: {  	_ =	shalt  }

// kernel: sparse-core-data-format-call.cloned.1.call-start
scs
called_computation_lowered:
.L_overlay_start_0:
0x0: {  	s2 =	sld [smem:$0x3FD9]  }
0x1: {  	s3 =	sld [smem:$0x3FFE];
	_ =	sdelay $0x1  }
0x2: {  	s1 =	srdreg.scid  }
0x3: {  	s0 =	sand.u32 $0x1, s1  }
0x4: {  	s18 =	sshll.u32 s0, $0xA;
	s2 =	sadd.s32 s3, s2  }
0x5: {  	s2 =	sadd.s32 s2, s18  }
0x6: {  	[smem:$0x3FC6] =	sst s2  }
0x7: {  	_ = 	snop  }
0x8: {  	s2 =	sld [smem:$0x3FD0];
	(tm) =	ssettm $0x1  }
0x9: {  	s19 =	sld [smem:$0x3FFB];
	_ =	sdelay $0x3  }
0xa: {  	_ =	strace s19  }
0xb: {  	s3 =	sld [smem:$0x3FFC];
	_ =	sdelay $0x3  }
0xc: {  	_ =	strace s3  }
0xd: {  	s3 =	sld [smem:$0x3FFD];
	_ =	sdelay $0x3  }
0xe: {  	_ =	strace s3  }
0xf: {  	_ =	strace $0x8FFFFFFF  }
0x10: {  	s20 =	sld [smem:$0x3FDB];
	_ =	sdelay $0x1  }
0x11: {  	s4 =	simm.s32 $_scs_section_size  }
0x12: {  	s5 =	simm.s32 $_size__tile_overlayer_lowered;
	s6 =	simm.s32 $_tile_overlayer_lowered  }
0x13: {  	s23 =	simm.s32 $0x1BFF;
	s22 =	sshll.u32 s6, $0x1;
	s3 =	sadd.s32 s4, s20  }
0x14: {  	s7 =	simm.s32 $0x0;
	s21 =	sshll.u32 s5, $0x1;
	s5 =	sadd.s32 s22, s3  }
0x15: {  	[timem:s7], [sflag:s23] =	dma.local [hbm:s5], s21  }
0x16: {  	_ =	swait.ge [sflag:s23], s21  }
0x17: {  	s4 =	ssub.s32 $0x0, s21;
	[sflag:s23] =	ssyncset.done $0x0  }
0x18: {  	[sflag:s23] =	ssyncadd.s32 s4;
	_ =	sdelay $0x1  }
0x19: {  	s24 =	simm.s32 $0x1B8B  }
0x1a: {  	_ =	swait.ge [sflag:s24], $0x1  }
0x1b: {  	[sflag:s24] =	ssyncset.done $0x0  }
0x1c: {  	s26 =	simm.s32 $0x1B8E;
	s25 =	sld [smem:$0x3FFE];
	[sflag:s24] =	ssyncadd.s32 $0xFFFFFFFF  }
0x1d: {  	s27 =	simm.s32 $execute0_lowered;
	[smem:$0x3FD2] =	sst s26  }
0x1e: {  	s5 =	sshll.u32 s27, $0x1;
	_ =	strace $0x80000049;
	[dreg:$0x1] =	wrdreg $0xFFFFFFFF  }
0x1f: {  	s28 =	simm.s32 $_size_execute0_lowered;
	s3 =	sadd.s32 s3, s5;
	[dreg:$0x0] =	wrdreg $0x0  }
0x20: {  	s5 =	sshll.u32 s28, $0x1;
	[dreg:$0x2] =	wrdreg s3  }
0x21: {  	[dreg:$0x3] =	wrdreg s5  }
0x22: {  	[dreg:$0x4] =	wrdreg $0xC0  }
0x23: {  	_ =	task [dreg:s7], $0x5FFFF  }
0x24: {  	[dreg:$0x1] =	wrdreg $0xFFFFFFFF  }
0x25: {  	[dreg:$0x0] =	wrdreg $0x60  }
0x26: {  	[dreg:$0x2] =	wrdreg s25  }
0x27: {  	[dreg:$0x3] =	wrdreg s2  }
0x28: {  	[dreg:$0x4] =	wrdreg $0x9  }
0x29: {  	_ =	task.clear_ibuf [dreg:s7], $0x5FFFF;
	_ =	strace $0x90000049  }
0x2a: {  	s29 =	simm.s32 $0x9;
	_ =	strace $0x8000004B  }
0x2b: {  	_ =	swait.ge [sflag:s29], $0x1  }
0x2c: {  	[sflag:s29] =	ssyncadd.s32 $0xFFFFFFFF  }
0x2d: {  	_ =	strace $0x9000004B  }
0x2e: {  	_ =	sfence  }
0x2f: {  	s30 =	sld [smem:$0x0];
	_ =	sdelay $0x2  }
0x30: {  	s31 =	sshll.u32 s1, $0xD;
	s1 =	sshrl.u32 s1, $0x2  }
0x31: {  	s3 =	sand.u32 $0x4000, s31;
	s1 =	sadd.s32 s1, s30  }
0x32: {  	s0 =	sor.u32 s3, s0;
	s1 =	sshll.u32 s1, $0x11  }
0x33: {  	s0 =	sor.u32 s1, s0  }
0x34: {  	s0 =	sadd.s32 $0x8F2B, s0  }
0x35: {  	[sflag:s0] =	ssyncadd.remote.s32 $0x1  }
0x36: {  	_ =	sfence.sel $0xFFFF  }
0x37: {  	[dreg:$0x0] =	wrdreg $0xFFFFFFFF;
	(pc) =	sbr.abs _section_cstart, $3  }
0x38: {  	[dreg:$0x1] =	wrdreg $0xFFFFFFFF  }
0x39: {  	_ =	task.clear_ibuf [dreg:s7], $0x2FFFF;
	_ =	strace $0x9FFFFFFF  }
0x3a: {  	(tm) =	ssettm $0x7FFFFFFF  }
0x3b: {  	_ =	shalt  }
tec
execute0_lowered:
.L_overlay_start_1:
0x0: {  	(tag) =	ssettag $0x1  }
0x1: {  	s0 =	srdreg.scid  }
0x2: {  	s1 =	sshll.u32 s0, $0x4  }
0x3: {  	s0 =	stileid.u32;
	s1 =	sand.u32 $0x10, s1  }
0x4: {  	s1 =	sor.u32 s0, s1  }
0x5: {  	s6 =	rddreg [dreg:$0x0];
	s4 =	simm.s32 $0x1;
	s2 =	sshll.u32 s1, $0x7  }
0x6: {  	s7 =	simm.s32 $0x2;
	s12 =	simm.s32 $0x0;
	s1 =	ssub.s32 $0x4000, s2  }
0x7: {  	s8 =	simm.s32 $0x20000;
	s13 =	simm.s32 $0x0;
	s3 =	sand.u32 $0xF80, s1  }
0x8: {  	s9 =	simm.s32 $0x0;
	s5 =	sshrl.u32 s1, $0xC;
	p0 =	sne.s32 s3, $0x0  }
.Ltmp0:
0x9: {  	s1 =	rddreg [dreg:$0x2];
	s4 =	simm.s32 @!p0 $0x0;
	(pc) =	sbr.rel .LBB1_1-.Ltmp0, $4  }
0xa: {  	s11 =	simm.s32 $0x0;
	s3 =	rddreg [dreg:$0x1];
	s5 =	sadd.s32 s4, s5  }
0xb: {  	_ =	strace $0x8000004A;
	s4 =	simm.s32 $0x1;
	s5 =	smul.u32 $0x32, s5  }
0xc: {  	s6 =	sadd.s32 $0xA00, s6;
	s10 =	smov.u32 s2;
	[sflag:s4] =	ssyncpa.u1 $0x0  }
0xd: {  	p0 =	por $0x0, $0x0;
	[sflag:s7] =	ssyncpa.u1 $0x0;
	s7 =	sor.u32 $0x1, s5  }
.LBB1_4:
0xe: {  	s16 =	sshll.u32 s13, $0x3;
	s17 =	sand.u32 $0x78, s13  }
0xf: {  	s30 =	sand.u32 $0x1F800, s13;
	s12 =	sshll.u32 s12, $0x11;
	s16 =	sand.u32 $0x3C00, s16  }
0x10: {  	[tilespmem:s15+$0x810 ss:$0x81] =	vst.msk $0xffff, v2;
	s31 =	sand.u32 $0x7, s13;
	s16 =	sor.u32 s17, s16;
	s17 =	sadd.s32 s3, s30  }
0x11: {  	[tilespmem:s15+$0x1020 ss:$0x81] =	vst.msk $0xffff, v0;
	s13 =	sshll.u32 s31, $0x12;
	s12 =	sadd.s32 s12, s17;
	s16 =	sshrl.u32 s16, $0x3  }
0x12: {  	[tilespmem:s15+$0x0 ss:$0x81] =	vst.msk $0xffff, v1;
	s13 =	sor.u32 $0x400, s13;
	s12 =	sadd.s32 s16, s12  }
0x13: {  	[hbm4b:s12+s13] =	stream.strided.scatter [tilespmem:s14], [sflag:$0x2], $0x2000, s8, s13, $0x20;
	[tilespmem:$0x8080] =	vst v63  }
.LBB1_5:
0x14: {  	s14 =	sadd.s32 $0x1, s9  }
0x15: {  	s12 =	sadd.s32 $0x1000, s10;
	s16 =	smov.u32 s10;
	p2 =	sgt.s32 s14, $0x31  }
0x16: {  	s16 =	smov.u32 @p2 s12  }
0x17: {  	s14 =	simm.s32 @p2 $0x0;
	p2 =	sgt.s32 s16, $0x3FFF  }
0x18: {  	s16 =	smov.u32 @p2 s2;
	p2 =	sne.s32 s11, s7  }
.Ltmp1:
0x19: {  	p1 =	slt.u32 s11, $0x2;
	(pc) =	sbr.rel @!p2 .LBB1_6-.Ltmp1, $4  }
0x1a: {  	s15 =	simm.s32 @!p1 $0x2  }
0x1b: {  	s13 =	smov.u32 s10;
	p0 =	por !p0, !p0;
	_ =	swait.ge @!p1 [sflag:s15], $0x2000  }
0x1c: {  	s12 =	smov.u32 s9;
	[sflag:s15] =	ssyncset.done @!p1 $0x0;
	s9 =	smov.u32 s14  }
0x1d: {  	s11 =	sadd.s32 $0x1, s11;
	[sflag:s15] =	ssyncadd.s32 @!p1 $0xFFFFE000;
	s10 =	smov.u32 s16  }
.LBB1_1:
0x1e: {  	p1 =	sge.u32 s11, s5  }
0x1f: {  	s14 =	sand.u32 @!p1 $0x1FFFFFF, s9  }
0x20: {  	s15 =	smulhi.u32 @!p1 $0x4924925, s14;
	_ =	sdelay $0x1  }
0x21: {  	s15 =	smul.u32 @!p1 $0x38, s15  }
0x22: {  	s16 =	sxor.u32 @!p1 $0xFFFFFFFF, s11;
	s17 =	smul.u32 @!p1 $0x380, s10  }
0x23: {  	s31 =	sadd.s32 $0xFFFFFFFF, s11;
	s16 =	sshll.u32 @!p1 s16, $0xD;
	s14 =	ssub.s32 @!p1 s14, s15  }
0x24: {  	s15 =	sand.u32 @!p1 $0x2000, s16;
	s16 =	sadd.s32 @!p1 s6, s17;
	s14 =	sshll.u32 @!p1 s14, $0x4  }
0x25: {  	s17 =	simm.s32 @!p1 $0x1C00;
	s14 =	sadd.s32 @!p1 s14, s16;
	s16 =	simm.s32 @!p1 $0x40  }
0x26: {  	[tilespmem:s15], [sflag:$0x1] =	stream.strided.gather @!p1 [hbm4b:s14+s16], $0x2000, s17, s16, $0x38;
	[tilespmem:$0x8080] =	vst v63  }
0x27: {  	p1 =	sge.u32 s31, s5  }
.Ltmp2:
0x28: {  	_ = 	snop;
	(pc) =	sbr.rel @p1 .LBB1_5-.Ltmp2, $1  }
0x29: {  	_ =	sdelay $0x3  }
0x2a: {  	s14 =	simm.s32 $0x1  }
0x2b: {  	_ =	swait.ge [sflag:s4], $0x2000;
	s14 =	simm.s32 @!p0 $0x0  }
0x2c: {  	[sflag:s4] =	ssyncset.done $0x0;
	s15 =	sshll.u32 s14, $0xD  }
0x2d: {  	[sflag:s4] =	ssyncadd.s32 $0xFFFFE000;
	s18 =	sor.u32 $0x20, s15  }
0x2e: {  	s14 =	smul.u32 $0x8100, s14;
	v3 =	vld [tilespmem:s18+$0x10]  }
0x2f: {  	s30 =	sand.u32 $0x1, s11;
	v2 =	vld [tilespmem:s18+$0xFFFFFFF0]  }
0x30: {  	s15 =	smul.u32 $0x8100, s30;
	s14 =	sshrl.u32 s14, $0x2;
	v0 =	vld [tilespmem:s18+$0x0]  }
0x31: {  	v1 =	vld [tilespmem:s18+$0xFFFFFFE0];
	s16 =	sor.u32 $0x4000, s14  }
0x32: {  	s31 =	sshrl.u32 s15, $0x2;
	s15 =	sadd.s32 $0x0, s16  }
0x33: {  	s17 =	simm.s32 $0x4;
	s18 =	sadd.s32 $0x40, s18;
	s14 =	sor.u32 $0x4000, s31;
	[tilespmem:s15+$0x1830 ss:$0x81] =	vst.msk $0xffff, v3  }
.LBB1_3:
0x34: {  	v3 =	vld [tilespmem:s18+$0x10];
	p1 =	sne.s32 s17, $0x1FC;
	[tilespmem:s15+$0x810 ss:$0x81] =	vst.msk $0xffff, v2;
	s19 =	smov.u32 s17;
	s17 =	sadd.s32 $0x4, s17  }
.Ltmp3:
0x35: {  	v2 =	vld [tilespmem:s18+$0xFFFFFFF0];
	[tilespmem:s15+$0x1020 ss:$0x81] =	vst.msk $0xffff, v0;
	(pc) =	sbr.rel @p1 .LBB1_3-.Ltmp3, $4  }
0x36: {  	v0 =	vld [tilespmem:s18+$0x0];
	[tilespmem:s15+$0x0 ss:$0x81] =	vst.msk $0xffff, v1  }
0x37: {  	s15 =	sshra.s32 s19, $0x2;
	v1 =	vld [tilespmem:s18+$0xFFFFFFE0]  }
0x38: {  	s15 =	sadd.s32 s15, s16  }
0x39: {  	s18 =	sadd.s32 $0x40, s18;
	[tilespmem:s15+$0x1830 ss:$0x81] =	vst.msk $0xffff, v3  }
.Ltmp4:
0x3a: {  	_ = 	snop;
	(pc) =	sbr.rel .LBB1_4-.Ltmp4, $1  }
0x3b: {  	_ =	sdelay $0x3  }
.LBB1_6:
0x3c: {  	_ =	sfence.sel $0x180000  }
0x3d: {  	s2 =	simm.s32 $0x1;
	[bflag:$0x0] =	sbarrier.arrive $0xFFFF  }
0x3e: {  	s31 =	simm.s32 $0x2;
	[sflag:s2] =	ssyncpa.u1 $0x1  }
0x3f: {  	[sflag:s31] =	ssyncpa.u1 $0x1  }
0x40: {  	p0 =	sne.s32 s0, $0x0;
	_ =	strace $0x9000004A  }
0x41: {  	s0 =	sadd.s32 @!p0 $0x100000, s1;
	[bflag:$0x2] =	sbarrier.arrive $0xFFFF  }
0x42: {  	[sflag:s0] =	ssyncadd.tile.s32 @!p0 $0x1;
	_ =	shalt  }
.Lfunc_end1:
_tile_overlayer_lowered:
.L_overlay_start_2:
0x43: {  	(tag) =	ssettag $0x2  }
0x44: {  	s0 =	rddreg [dreg:$0x0];
	s2 =	stileid.u32  }
0x45: {  	s1 =	rddreg [dreg:$0x1];
	p0 =	sne.s32 s2, $0x0  }
0x46: {  	s3 =	rddreg [dreg:$0x2];
	[bflag:$0x3] =	sbarrier.arrive $0xFFFF;
	s2 =	simm.s32 @!p0 $0x1C01  }
0x47: {  	[timem:s3], [sflag:s2] =	dma.local @!p0 [hbm:s0], s1  }
0x48: {  	s0 =	simm.s32 @!p0 $0x1  }
0x49: {  	_ =	swait.ge @!p0 [sflag:s0], s1  }
0x4a: {  	s1 =	ssub.s32 @!p0 $0x0, s1;
	[sflag:s0] =	ssyncset.done @!p0 $0x0  }
0x4b: {  	[sflag:s0] =	ssyncadd.s32 @!p0 s1  }
0x4c: {  	[bflag:$0x3] =	sbarrier.arrive $0xFFFF  }
0x4d: {  	_ =	shalt  }

</sc_bundles>
